<compile_context>
chip_gen: v7x
topology: tpu7x:2x2x1
jax: 0.10.2.dev20260603
libtpu: 0.0.44.dev20260713+nightly
codegen_flags: <defaults>
</compile_context>

<pallas_src>
import functools

import jax
import jax.numpy as jnp
from jax import lax
from jax.experimental import pallas as pl
from jax.experimental.pallas import tpu as pltpu
from jax.experimental.pallas import tpu_sc as plsc

_B = 8
_N = 8
_M = 256
_V = 1024
_T = 16
_C = 9

_ZPAD = 8
_R = _B * _T * _M + _ZPAD
_ZROW = _B * _T * _M


def _start_fetch(x_ref, xbuf_ref, sem_ref, spans_ref, idx, slot):
    s = spans_ref[idx]
    for n in range(_N):

        @pl.when(n < s)
        def _(n=n):
            pltpu.make_async_copy(
                x_ref.at[idx, n], xbuf_ref.at[slot, n], sem_ref.at[slot, n]
            ).start()

        @pl.when(n >= s)
        def _(n=n):
            xbuf_ref[slot, n] = jnp.zeros((_M, _V), dtype=jnp.float32)


def _wait_fetch(x_ref, xbuf_ref, sem_ref, spans_ref, idx, slot):
    s = spans_ref[idx]
    for n in range(_N):

        @pl.when(n < s)
        def _(n=n):
            pltpu.make_async_copy(
                x_ref.at[idx, n], xbuf_ref.at[slot, n], sem_ref.at[slot, n]
            ).wait()


def _combos_kernel(
    w_ref,
    spans_ref,
    x_ref,
    table_ref,
    gidx_ref,
    xbuf_ref,
    obuf_ref,
    start_ref,
    pend_ref,
    sem_ref,
    semw_ref,
):
    i = pl.program_id(0)
    slot = lax.rem(i, 2)
    m_iota = lax.broadcasted_iota(jnp.int32, (_M, 1), 0)
    m_lane = lax.broadcasted_iota(jnp.int32, (1, _M), 1)
    lane0 = lax.broadcasted_iota(jnp.int32, (1, _V), 1) == 0
    neg_inf = jnp.float32(-jnp.inf)

    @pl.when(i == 0)
    def _():
        _start_fetch(x_ref, xbuf_ref, sem_ref, spans_ref, 0, 0)
        obuf_ref[0] = jnp.zeros((_M, _V), dtype=jnp.float32)
        pltpu.sync_copy(
            obuf_ref.at[0, pl.ds(0, _ZPAD)], table_ref.at[pl.ds(_ZROW, _ZPAD)]
        )
        pend_ref[0] = jnp.int32(0)
        pend_ref[1] = jnp.int32(0)
        pend_ref[2] = jnp.int32(0)

    @pl.when(i + 1 < _B)
    def _():
        _start_fetch(x_ref, xbuf_ref, sem_ref, spans_ref, i + 1, 1 - slot)

    _wait_fetch(x_ref, xbuf_ref, sem_ref, spans_ref, i, slot)

    start_ref[0] = jnp.int32(0)
    gidx_ref[0] = jnp.full((1, _M), _ZROW, dtype=jnp.int32)

    for t in range(_T):

        @pl.when(start_ref[0] < _M)
        def _(t=t):
            start = start_ref[0]
            w0 = w_ref[i, t, 0]

            out_t = w_ref[i, t, 1] * xbuf_ref[slot, 0]
            for n in range(1, _N):
                out_t = out_t + w_ref[i, t, n + 1] * xbuf_ref[slot, n]

            rowmax = jnp.max(out_t, axis=1, keepdims=True)
            is_zero = out_t[:, 0:1] >= rowmax
            row0 = out_t[0:1, :]
            c00 = jnp.max(jnp.where(lane0, row0, neg_inf))
            rm_rest = jnp.max(jnp.where(lane0, neg_inf, row0))

            fz_rest = jnp.min(jnp.where(is_zero & (m_iota > 0), m_iota, _M))
            first_zero = jnp.where((c00 + w0) >= rm_rest, 0, fz_rest)
            out_len = jnp.minimum(first_zero, _M - start)

            start_ref[0] = start + out_len

            @pl.when(out_len > 0)
            def _():
                p = lax.rem(pend_ref[2], 2)

                @pl.when(pend_ref[p] == 1)
                def _():
                    pltpu.make_async_copy(
                        obuf_ref.at[p],
                        table_ref.at[pl.ds(0, _M)],
                        semw_ref.at[p],
                    ).wait()

                obuf_ref[p] = out_t
                obuf_ref[p, 0:1, :] = row0 + jnp.where(lane0, w0, 0.0)
                base = (i * _T + t) * _M
                pltpu.make_async_copy(
                    obuf_ref.at[p], table_ref.at[pl.ds(base, _M)],
                    semw_ref.at[p],
                ).start()
                pend_ref[p] = jnp.int32(1)
                pend_ref[2] = pend_ref[2] + 1

                valid = (m_lane >= start) & (m_lane < start + out_len)
                gidx_ref[0] = jnp.where(
                    valid, base + m_lane - start, gidx_ref[0]
                )

    @pl.when(i == _B - 1)
    def _():
        for p in range(2):

            @pl.when(pend_ref[p] == 1)
            def _(p=p):
                pltpu.make_async_copy(
                    obuf_ref.at[p], table_ref.at[pl.ds(0, _M)],
                    semw_ref.at[p],
                ).wait()


def _tc_combos(w, spans, x):
    return pl.pallas_call(
        _combos_kernel,
        grid=(_B,),
        in_specs=[
            pl.BlockSpec(memory_space=pltpu.SMEM),
            pl.BlockSpec(memory_space=pltpu.SMEM),
            pl.BlockSpec(memory_space=pltpu.MemorySpace.HBM),
        ],
        out_specs=[
            pl.BlockSpec(memory_space=pltpu.MemorySpace.HBM),
            pl.BlockSpec((1, 1, _M), lambda i: (i, 0, 0)),
        ],
        out_shape=[
            jax.ShapeDtypeStruct((_R, _V), jnp.float32),
            jax.ShapeDtypeStruct((_B, 1, _M), jnp.int32),
        ],
        scratch_shapes=[
            pltpu.VMEM((2, _N, _M, _V), jnp.float32),
            pltpu.VMEM((2, _M, _V), jnp.float32),
            pltpu.SMEM((1,), jnp.int32),
            pltpu.SMEM((3,), jnp.int32),
            pltpu.SemaphoreType.DMA((2, _N)),
            pltpu.SemaphoreType.DMA((2,)),
        ],
        compiler_params=pltpu.CompilerParams(
            dimension_semantics=("arbitrary",),
        ),
    )(w, spans, x)


_SC_CORES = 2
_SC_SUBCORES = 16
_NW = _SC_CORES * _SC_SUBCORES
_ROWS_PER_W = (_B * _M) // _NW


@functools.lru_cache(maxsize=1)
def _sc_gather_fn():
    @functools.partial(
        pl.kernel,
        mesh=plsc.VectorSubcoreMesh(
            core_axis_name="c", subcore_axis_name="s"
        ),
        out_type=jax.ShapeDtypeStruct((_B * _M, _V), jnp.float32),
        scratch_types=[
            pltpu.VMEM((_ROWS_PER_W,), jnp.int32),
            pltpu.VMEM((_ROWS_PER_W, _V), jnp.float32),
            pltpu.SemaphoreType.DMA,
        ],
    )
    def _sc_gather(table_hbm, idx_hbm, out_hbm, idx_v, rows_v, sem):
        wid = lax.axis_index("s") * _SC_CORES + lax.axis_index("c")
        base = wid * _ROWS_PER_W
        pltpu.sync_copy(idx_hbm.at[pl.ds(base, _ROWS_PER_W)], idx_v)
        pltpu.async_copy(table_hbm.at[idx_v], rows_v, sem).wait()
        pltpu.sync_copy(rows_v, out_hbm.at[pl.ds(base, _ROWS_PER_W)])

    return _sc_gather


@jax.jit
def kernel(input_decodings, spans, template):
    coef_mask = (jnp.arange(_C)[None, None, :] <= spans[:, None, None])
    w = template * coef_mask.astype(template.dtype)
    spans_i32 = spans.astype(jnp.int32)

    table, gidx = _tc_combos(w, spans_i32, input_decodings)
    gathered = _sc_gather_fn()(table, gidx.reshape(_B * _M))
    return gathered.reshape(_B, _M, _V)

# --- scband reference (transcript-rebuilt; emitter-appended) ---
"""Pipeline reference for scband-copy-template-87230785782203 (READ-ONLY COPY).

The authoritative reference and input builder live on the scoring server;
editing this copy changes nothing except your own understanding.
"""

import jax, jax.numpy as jnp
import numpy as np

B = 8
N = 8
M = 256
V = 1024
T = 16
MAX_SPAN = 8
PAD_IDX = 0


def setup_inputs(seed: int = 0) -> dict:
    key = jax.random.key(seed)
    k1, k2, k3 = jax.random.split(key, 3)
    input_decodings = jax.random.normal(k1, (B, N, M, V), dtype=jnp.float32)
    spans = jax.random.randint(k2, (B,), 0, 9)
    template = jax.random.uniform(k3, (B, T, MAX_SPAN + 1), dtype=jnp.float32)
    return {"input_decodings": input_decodings, "spans": spans, "template": template}


def _apply_template(input_decodings, spans, template):
    # Faithful translation of CopyTemplate.apply_template.
    # spans is a concrete int array (not differentiated); per-example span
    # controls how many candidate decodings participate (ragged structure).
    Bx, Nx, Mx, Vx = input_decodings.shape
    Tx = template.shape[1]
    Cx = template.shape[2]  # MAX_SPAN + 1 == Nx + 1 (static)
    pad_vec = jnp.zeros((Mx * Vx,), dtype=jnp.float32).at[PAD_IDX].set(1.0)
    results = []
    j = jnp.arange(Mx)
    for i in range(Bx):
        s = spans[i]
        # choices: pad vector first, then all candidate decodings, flattened;
        # coefficients beyond position s are masked to zero so only the first
        # s candidates participate, matching the ragged original exactly.
        cand = input_decodings[i].reshape(Nx, Mx * Vx)
        choices = jnp.concatenate([pad_vec[None, :], cand], axis=0)  # (Nx+1, M*V)
        coef_mask = (jnp.arange(Cx) < s + 1).astype(jnp.float32)  # (Cx,)
        res_i = jnp.zeros((Mx, Vx), dtype=jnp.float32)
        idx = jnp.array(0, dtype=jnp.int32)
        for t in range(Tx):
            template_code = (template[i, t] * coef_mask)[None, :]  # (1, Cx)
            output = (template_code @ choices).reshape(Mx, Vx)
            output_idx = jnp.argmax(output, axis=-1)
            is_zero = output_idx == 0
            has_zero = jnp.any(is_zero)
            first_zero = jnp.argmax(is_zero).astype(jnp.int32)
            out_len = jnp.where(has_zero, first_zero, jnp.int32(Mx))
            out_len = jnp.minimum(out_len, jnp.int32(Mx) - idx)
            # result[i][idx: idx+out_len] = output[:out_len]  (ranges never overlap)
            src = jnp.clip(j - idx, 0, Mx - 1)
            valid = (j >= idx) & (j < idx + out_len)
            gathered = jnp.take(output, src, axis=0)
            res_i = jnp.where(valid[:, None], gathered, res_i)
            idx = idx + out_len
        results.append(res_i)
    return jnp.stack(results, axis=0)


def reference(input_decodings, spans, template):
    return _apply_template(input_decodings, spans, template)

if __name__ == "__main__":
    import jax
    _d = setup_inputs()
    print(jax.jit(kernel)(*tuple(_d.values())))

</pallas_src>

<mosaic_0001>
#map = affine_map<(d0, d1) -> (0, 0)>
#map1 = affine_map<(d0, d1) -> (0)>
module attributes {stable_mosaic.version = 14 : i64} {
  func.func @_sc_gather(%arg0: i32, %arg1: i32, %arg2: memref<32776x1024xf32, #tpu.memory_space<hbm>>, %arg3: memref<2048xi32, #tpu.memory_space<hbm>>, %arg4: memref<2048x1024xf32, #tpu.memory_space<hbm>>, %arg5: memref<64xi32, #tpu.memory_space<vmem>>, %arg6: memref<64x1024xf32, #tpu.memory_space<vmem>>, %arg7: memref<!tpu.dma_semaphore, #tpu.memory_space<semaphore_mem>>) attributes {dimension_semantics = [#tpu.dimension_semantics<core_parallel>, #tpu.dimension_semantics<subcore_parallel>], iteration_bounds = array<i64: 2, 16>, scalar_prefetch = 0 : i64, scratch_operands = 3 : i64, tpu.core_type = #tpu.core_type<sc_vector_subcore>, window_params = [{transform_indices = #map}, {transform_indices = #map1}, {transform_indices = #map}]} {
    %mul3A = arith.constant 2 : i32
    %mul3A_0 = arith.muli %arg1, %mul3A : i32
    %add3A = arith.addi %mul3A_0, %arg0 : i32
    %mul3A_1 = arith.constant 64 : i32
    %mul3A_2 = arith.muli %add3A, %mul3A_1 : i32
    "tpu.region"() ({
      %run_scoped3A = tpu.sem_alloc : memref<!tpu.dma_semaphore, #tpu.memory_space<semaphore_mem>>
      %dma_start3A_7 = tpu.memref_slice %arg3[%mul3A_2] : memref<2048xi32, #tpu.memory_space<hbm>> -> memref<64xi32, #tpu.memory_space<hbm>>
      %dma_start3A_8 = tpu.memref_slice %arg3[%mul3A_2] : memref<2048xi32, #tpu.memory_space<hbm>> -> memref<64xi32, #tpu.memory_space<hbm>>
      tpu.enqueue_dma source(%dma_start3A_8 : memref<64xi32, #tpu.memory_space<hbm>>) target(%arg5 : memref<64xi32, #tpu.memory_space<vmem>>) target_semaphore(%run_scoped3A : memref<!tpu.dma_semaphore, #tpu.memory_space<semaphore_mem>>)
      %dma_wait3A_9 = tpu.memref_slice %arg3[%mul3A_2] : memref<2048xi32, #tpu.memory_space<hbm>> -> memref<64xi32, #tpu.memory_space<hbm>>
      %dma_wait3A_10 = tpu.memref_slice %arg3[%mul3A_2] : memref<2048xi32, #tpu.memory_space<hbm>> -> memref<64xi32, #tpu.memory_space<hbm>>
      tpu.wait_dma2 semaphore(%run_scoped3A : memref<!tpu.dma_semaphore, #tpu.memory_space<semaphore_mem>>) src(%dma_wait3A_10 : memref<64xi32, #tpu.memory_space<hbm>>) dst(%arg5 : memref<64xi32, #tpu.memory_space<vmem>>)
      tpu.yield
    }) : () -> ()
    %dma_start3A = arith.constant 0 : i32
    %dma_start3A_3 = arith.constant 0 : i32
    %dma_start3A_4 = tpu.memref_slice %arg2[%dma_start3A, %dma_start3A_3] : memref<32776x1024xf32, #tpu.memory_space<hbm>> -> memref<32776x1024xf32, #tpu.memory_space<hbm>>
    tpu.enqueue_indirect_dma source(%dma_start3A_4 : memref<32776x1024xf32, #tpu.memory_space<hbm>>) target(%arg6 : memref<64x1024xf32, #tpu.memory_space<vmem>>) offsets(%arg5 : memref<64xi32, #tpu.memory_space<vmem>>) semaphore(%arg7 : memref<!tpu.dma_semaphore, #tpu.memory_space<semaphore_mem>>)
    %dma_wait3A = arith.constant 0 : i32
    %dma_wait3A_5 = arith.constant 0 : i32
    %dma_wait3A_6 = tpu.memref_slice %arg2[%dma_wait3A, %dma_wait3A_5] : memref<32776x1024xf32, #tpu.memory_space<hbm>> -> memref<32776x1024xf32, #tpu.memory_space<hbm>>
    tpu.wait_indirect_dma semaphore(%arg7 : memref<!tpu.dma_semaphore, #tpu.memory_space<semaphore_mem>>) src(%dma_wait3A_6 : memref<32776x1024xf32, #tpu.memory_space<hbm>>) dst(%arg6 : memref<64x1024xf32, #tpu.memory_space<vmem>>)
    "tpu.region"() ({
      %run_scoped3A = tpu.sem_alloc : memref<!tpu.dma_semaphore, #tpu.memory_space<semaphore_mem>>
      %dma_start3A_7 = arith.constant 0 : i32
      %dma_start3A_8 = tpu.memref_slice %arg4[%mul3A_2, %dma_start3A_7] : memref<2048x1024xf32, #tpu.memory_space<hbm>> -> memref<64x1024xf32, #tpu.memory_space<hbm>>
      %dma_start3A_9 = arith.constant 0 : i32
      %dma_start3A_10 = tpu.memref_slice %arg4[%mul3A_2, %dma_start3A_9] : memref<2048x1024xf32, #tpu.memory_space<hbm>> -> memref<64x1024xf32, #tpu.memory_space<hbm>>
      tpu.enqueue_dma source(%arg6 : memref<64x1024xf32, #tpu.memory_space<vmem>>) target(%dma_start3A_10 : memref<64x1024xf32, #tpu.memory_space<hbm>>) target_semaphore(%run_scoped3A : memref<!tpu.dma_semaphore, #tpu.memory_space<semaphore_mem>>)
      %dma_wait3A_11 = arith.constant 0 : i32
      %dma_wait3A_12 = tpu.memref_slice %arg4[%mul3A_2, %dma_wait3A_11] : memref<2048x1024xf32, #tpu.memory_space<hbm>> -> memref<64x1024xf32, #tpu.memory_space<hbm>>
      %dma_wait3A_13 = arith.constant 0 : i32
      %dma_wait3A_14 = tpu.memref_slice %arg4[%mul3A_2, %dma_wait3A_13] : memref<2048x1024xf32, #tpu.memory_space<hbm>> -> memref<64x1024xf32, #tpu.memory_space<hbm>>
      tpu.wait_dma2 semaphore(%run_scoped3A : memref<!tpu.dma_semaphore, #tpu.memory_space<semaphore_mem>>) src(%arg6 : memref<64x1024xf32, #tpu.memory_space<vmem>>) dst(%dma_wait3A_14 : memref<64x1024xf32, #tpu.memory_space<hbm>>)
      tpu.yield
    }) : () -> ()
    return
  }
}

module attributes {stable_mosaic.version = 14 : i64} {
  func.func @_combos_kernel(%arg0: i32, %arg1: memref<8x16x9xf32, #tpu.memory_space<smem>>, %arg2: memref<8xi32, #tpu.memory_space<smem>>, %arg3: memref<8x8x256x1024xf32, #tpu.memory_space<hbm>>, %arg4: memref<32776x1024xf32, #tpu.memory_space<hbm>>, %arg5: memref<1x1x256xi32, #tpu.memory_space<vmem>>, %arg6: memref<2x8x256x1024xf32, #tpu.memory_space<vmem>>, %arg7: memref<2x256x1024xf32, #tpu.memory_space<vmem>>, %arg8: memref<1xi32, #tpu.memory_space<smem>>, %arg9: memref<3xi32, #tpu.memory_space<smem>>, %arg10: memref<2x8x!tpu.dma_semaphore, #tpu.memory_space<semaphore_mem>>, %arg11: memref<2x!tpu.dma_semaphore, #tpu.memory_space<semaphore_mem>>) attributes {dimension_semantics = [#tpu.dimension_semantics<arbitrary>], iteration_bounds = array<i64: 8>, scalar_prefetch = 0 : i64, scratch_operands = 6 : i64, tpu.core_type = #tpu.core_type<tc>, window_params = [{transform_indices = @transform_0, window_bounds = array<i64: 8, 16, 9>}, {transform_indices = @transform_1, window_bounds = array<i64: 8>}, {}, {}, {transform_indices = @transform_4, window_bounds = array<i64: 1, 1, 256>}]} {
    %rem3A = arith.constant 2 : i32
    %rem3A_0 = arith.remsi %arg0, %rem3A : i32
    %iota3A = tpu.iota {dimensions = array<i32: 0>} : vector<256x1xi32>
    %iota3A_1 = tpu.iota {dimensions = array<i32: 1>} : vector<1x256xi32>
    %iota3A_2 = tpu.iota {dimensions = array<i32: 1>} : vector<1x1024xi32>
    %eq3A = arith.constant 0 : i32
    %eq3A_3 = vector.broadcast %eq3A : i32 to vector<1x1024xi32>
    %eq3A_4 = arith.cmpi eq, %iota3A_2, %eq3A_3 : vector<1x1024xi32>
    %eq3A_5 = arith.constant 0 : i32
    %eq3A_6 = arith.cmpi eq, %arg0, %eq3A_5 : i32
    %convert_element_type3A = arith.extui %eq3A_6 : i1 to i32
    %cond3A = arith.constant 0 : i32
    %cond3A_7 = arith.cmpi ne, %convert_element_type3A, %cond3A : i32
    scf.if %cond3A_7 {
      %get3A_195 = arith.constant 0 : index
      %get3A_196 = memref.load %arg2[%get3A_195] : memref<8xi32, #tpu.memory_space<smem>>
      %gt3A_197 = arith.constant 0 : i32
      %gt3A_198 = arith.cmpi sgt, %get3A_196, %gt3A_197 : i32
      %convert_element_type3A_199 = arith.extui %gt3A_198 : i1 to i32
      %cond3A_200 = arith.constant 0 : i32
      %cond3A_201 = arith.cmpi ne, %convert_element_type3A_199, %cond3A_200 : i32
      scf.if %cond3A_201 {
        %dma_start3A = arith.constant 0 : i32
        %dma_start3A_293 = arith.constant 0 : i32
        %dma_start3A_294 = arith.constant 0 : i32
        %dma_start3A_295 = arith.constant 0 : i32
        %dma_start3A_296 = arith.constant 0 : i32
        %dma_start3A_297 = arith.constant 0 : i32
        %dma_start3A_298 = tpu.memref_slice %arg10[%dma_start3A_296, %dma_start3A_297] : memref<2x8x!tpu.dma_semaphore, #tpu.memory_space<semaphore_mem>> -> memref<1x1x!tpu.dma_semaphore, #tpu.memory_space<semaphore_mem>>
        %dma_start3A_299 = tpu.memref_squeeze %dma_start3A_298 : memref<1x1x!tpu.dma_semaphore, #tpu.memory_space<semaphore_mem>> -> memref<!tpu.dma_semaphore, #tpu.memory_space<semaphore_mem>>
        %dma_start3A_300 = arith.constant 0 : i32
        %dma_start3A_301 = arith.constant 0 : i32
        %dma_start3A_302 = tpu.memref_slice %arg6[%dma_start3A_294, %dma_start3A_295, %dma_start3A_300, %dma_start3A_301] : memref<2x8x256x1024xf32, #tpu.memory_space<vmem>> -> memref<1x1x256x1024xf32, #tpu.memory_space<vmem>>
        %dma_start3A_303 = tpu.memref_squeeze %dma_start3A_302 : memref<1x1x256x1024xf32, #tpu.memory_space<vmem>> -> memref<256x1024xf32, #tpu.memory_space<vmem>>
        %dma_start3A_304 = arith.constant 0 : i32
        %dma_start3A_305 = arith.constant 0 : i32
        %dma_start3A_306 = tpu.memref_slice %arg3[%dma_start3A, %dma_start3A_293, %dma_start3A_304, %dma_start3A_305] : memref<8x8x256x1024xf32, #tpu.memory_space<hbm>> -> memref<1x1x256x1024xf32, #tpu.memory_space<hbm>>
        %dma_start3A_307 = tpu.memref_squeeze %dma_start3A_306 : memref<1x1x256x1024xf32, #tpu.memory_space<hbm>> -> memref<256x1024xf32, #tpu.memory_space<hbm>>
        tpu.enqueue_dma source(%dma_start3A_307 : memref<256x1024xf32, #tpu.memory_space<hbm>>) target(%dma_start3A_303 : memref<256x1024xf32, #tpu.memory_space<vmem>>) target_semaphore(%dma_start3A_299 : memref<!tpu.dma_semaphore, #tpu.memory_space<semaphore_mem>>)
      } else {
      }
      %le3A = arith.constant 0 : i32
      %le3A_202 = arith.cmpi sle, %get3A_196, %le3A : i32
      %convert_element_type3A_203 = arith.extui %le3A_202 : i1 to i32
      %cond3A_204 = arith.constant 0 : i32
      %cond3A_205 = arith.cmpi ne, %convert_element_type3A_203, %cond3A_204 : i32
      scf.if %cond3A_205 {
        %broadcast_in_dim3A_293 = arith.constant 0.000000e+00 : f32
        %broadcast_in_dim3A_294 = vector.broadcast %broadcast_in_dim3A_293 : f32 to vector<256x1024xf32>
        %swap3A_295 = arith.constant 0 : index
        %swap3A_296 = arith.constant 0 : index
        %swap3A_297 = arith.constant 0 : index
        %swap3A_298 = arith.constant 0 : index
        %swap3A_299 = vector.load %arg6[%swap3A_295, %swap3A_296, %swap3A_297, %swap3A_298] : memref<2x8x256x1024xf32, #tpu.memory_space<vmem>>, vector<1x1x256x1024xf32>
        %swap3A_300 = vector.shape_cast %swap3A_299 : vector<1x1x256x1024xf32> to vector<256x1024xf32>
        %swap3A_301 = vector.shape_cast %broadcast_in_dim3A_294 : vector<256x1024xf32> to vector<1x1x256x1024xf32>
        tpu.vector_store %arg6[%swap3A_295, %swap3A_296, %swap3A_297, %swap3A_298], %swap3A_301 {strides = array<i32>} : memref<2x8x256x1024xf32, #tpu.memory_space<vmem>>, vector<1x1x256x1024xf32>,
      } else {
      }
      %gt3A_206 = arith.constant 1 : i32
      %gt3A_207 = arith.cmpi sgt, %get3A_196, %gt3A_206 : i32
      %convert_element_type3A_208 = arith.extui %gt3A_207 : i1 to i32
      %cond3A_209 = arith.constant 0 : i32
      %cond3A_210 = arith.cmpi ne, %convert_element_type3A_208, %cond3A_209 : i32
      scf.if %cond3A_210 {
        %dma_start3A = arith.constant 0 : i32
        %dma_start3A_293 = arith.constant 1 : i32
        %dma_start3A_294 = arith.constant 0 : i32
        %dma_start3A_295 = arith.constant 1 : i32
        %dma_start3A_296 = arith.constant 0 : i32
        %dma_start3A_297 = arith.constant 1 : i32
        %dma_start3A_298 = tpu.memref_slice %arg10[%dma_start3A_296, %dma_start3A_297] : memref<2x8x!tpu.dma_semaphore, #tpu.memory_space<semaphore_mem>> -> memref<1x1x!tpu.dma_semaphore, #tpu.memory_space<semaphore_mem>>
        %dma_start3A_299 = tpu.memref_squeeze %dma_start3A_298 : memref<1x1x!tpu.dma_semaphore, #tpu.memory_space<semaphore_mem>> -> memref<!tpu.dma_semaphore, #tpu.memory_space<semaphore_mem>>
        %dma_start3A_300 = arith.constant 0 : i32
        %dma_start3A_301 = arith.constant 0 : i32
        %dma_start3A_302 = tpu.memref_slice %arg6[%dma_start3A_294, %dma_start3A_295, %dma_start3A_300, %dma_start3A_301] : memref<2x8x256x1024xf32, #tpu.memory_space<vmem>> -> memref<1x1x256x1024xf32, #tpu.memory_space<vmem>>
        %dma_start3A_303 = tpu.memref_squeeze %dma_start3A_302 : memref<1x1x256x1024xf32, #tpu.memory_space<vmem>> -> memref<256x1024xf32, #tpu.memory_space<vmem>>
        %dma_start3A_304 = arith.constant 0 : i32
        %dma_start3A_305 = arith.constant 0 : i32
        %dma_start3A_306 = tpu.memref_slice %arg3[%dma_start3A, %dma_start3A_293, %dma_start3A_304, %dma_start3A_305] : memref<8x8x256x1024xf32, #tpu.memory_space<hbm>> -> memref<1x1x256x1024xf32, #tpu.memory_space<hbm>>
        %dma_start3A_307 = tpu.memref_squeeze %dma_start3A_306 : memref<1x1x256x1024xf32, #tpu.memory_space<hbm>> -> memref<256x1024xf32, #tpu.memory_space<hbm>>
        tpu.enqueue_dma source(%dma_start3A_307 : memref<256x1024xf32, #tpu.memory_space<hbm>>) target(%dma_start3A_303 : memref<256x1024xf32, #tpu.memory_space<vmem>>) target_semaphore(%dma_start3A_299 : memref<!tpu.dma_semaphore, #tpu.memory_space<semaphore_mem>>)
      } else {
      }
      %le3A_211 = arith.constant 1 : i32
      %le3A_212 = arith.cmpi sle, %get3A_196, %le3A_211 : i32
      %convert_element_type3A_213 = arith.extui %le3A_212 : i1 to i32
      %cond3A_214 = arith.constant 0 : i32
      %cond3A_215 = arith.cmpi ne, %convert_element_type3A_213, %cond3A_214 : i32
      scf.if %cond3A_215 {
        %broadcast_in_dim3A_293 = arith.constant 0.000000e+00 : f32
        %broadcast_in_dim3A_294 = vector.broadcast %broadcast_in_dim3A_293 : f32 to vector<256x1024xf32>
        %swap3A_295 = arith.constant 0 : index
        %swap3A_296 = arith.constant 1 : index
        %swap3A_297 = arith.constant 0 : index
        %swap3A_298 = arith.constant 0 : index
        %swap3A_299 = vector.load %arg6[%swap3A_295, %swap3A_296, %swap3A_297, %swap3A_298] : memref<2x8x256x1024xf32, #tpu.memory_space<vmem>>, vector<1x1x256x1024xf32>
        %swap3A_300 = vector.shape_cast %swap3A_299 : vector<1x1x256x1024xf32> to vector<256x1024xf32>
        %swap3A_301 = vector.shape_cast %broadcast_in_dim3A_294 : vector<256x1024xf32> to vector<1x1x256x1024xf32>
        tpu.vector_store %arg6[%swap3A_295, %swap3A_296, %swap3A_297, %swap3A_298], %swap3A_301 {strides = array<i32>} : memref<2x8x256x1024xf32, #tpu.memory_space<vmem>>, vector<1x1x256x1024xf32>,
      } else {
      }
      %gt3A_216 = arith.constant 2 : i32
      %gt3A_217 = arith.cmpi sgt, %get3A_196, %gt3A_216 : i32
      %convert_element_type3A_218 = arith.extui %gt3A_217 : i1 to i32
      %cond3A_219 = arith.constant 0 : i32
      %cond3A_220 = arith.cmpi ne, %convert_element_type3A_218, %cond3A_219 : i32
      scf.if %cond3A_220 {
        %dma_start3A = arith.constant 0 : i32
        %dma_start3A_293 = arith.constant 2 : i32
        %dma_start3A_294 = arith.constant 0 : i32
        %dma_start3A_295 = arith.constant 2 : i32
        %dma_start3A_296 = arith.constant 0 : i32
        %dma_start3A_297 = arith.constant 2 : i32
        %dma_start3A_298 = tpu.memref_slice %arg10[%dma_start3A_296, %dma_start3A_297] : memref<2x8x!tpu.dma_semaphore, #tpu.memory_space<semaphore_mem>> -> memref<1x1x!tpu.dma_semaphore, #tpu.memory_space<semaphore_mem>>
        %dma_start3A_299 = tpu.memref_squeeze %dma_start3A_298 : memref<1x1x!tpu.dma_semaphore, #tpu.memory_space<semaphore_mem>> -> memref<!tpu.dma_semaphore, #tpu.memory_space<semaphore_mem>>
        %dma_start3A_300 = arith.constant 0 : i32
        %dma_start3A_301 = arith.constant 0 : i32
        %dma_start3A_302 = tpu.memref_slice %arg6[%dma_start3A_294, %dma_start3A_295, %dma_start3A_300, %dma_start3A_301] : memref<2x8x256x1024xf32, #tpu.memory_space<vmem>> -> memref<1x1x256x1024xf32, #tpu.memory_space<vmem>>
        %dma_start3A_303 = tpu.memref_squeeze %dma_start3A_302 : memref<1x1x256x1024xf32, #tpu.memory_space<vmem>> -> memref<256x1024xf32, #tpu.memory_space<vmem>>
        %dma_start3A_304 = arith.constant 0 : i32
        %dma_start3A_305 = arith.constant 0 : i32
        %dma_start3A_306 = tpu.memref_slice %arg3[%dma_start3A, %dma_start3A_293, %dma_start3A_304, %dma_start3A_305] : memref<8x8x256x1024xf32, #tpu.memory_space<hbm>> -> memref<1x1x256x1024xf32, #tpu.memory_space<hbm>>
        %dma_start3A_307 = tpu.memref_squeeze %dma_start3A_306 : memref<1x1x256x1024xf32, #tpu.memory_space<hbm>> -> memref<256x1024xf32, #tpu.memory_space<hbm>>
        tpu.enqueue_dma source(%dma_start3A_307 : memref<256x1024xf32, #tpu.memory_space<hbm>>) target(%dma_start3A_303 : memref<256x1024xf32, #tpu.memory_space<vmem>>) target_semaphore(%dma_start3A_299 : memref<!tpu.dma_semaphore, #tpu.memory_space<semaphore_mem>>)
      } else {
      }
      %le3A_221 = arith.constant 2 : i32
      %le3A_222 = arith.cmpi sle, %get3A_196, %le3A_221 : i32
      %convert_element_type3A_223 = arith.extui %le3A_222 : i1 to i32
      %cond3A_224 = arith.constant 0 : i32
      %cond3A_225 = arith.cmpi ne, %convert_element_type3A_223, %cond3A_224 : i32
      scf.if %cond3A_225 {
        %broadcast_in_dim3A_293 = arith.constant 0.000000e+00 : f32
        %broadcast_in_dim3A_294 = vector.broadcast %broadcast_in_dim3A_293 : f32 to vector<256x1024xf32>
        %swap3A_295 = arith.constant 0 : index
        %swap3A_296 = arith.constant 2 : index
        %swap3A_297 = arith.constant 0 : index
        %swap3A_298 = arith.constant 0 : index
        %swap3A_299 = vector.load %arg6[%swap3A_295, %swap3A_296, %swap3A_297, %swap3A_298] : memref<2x8x256x1024xf32, #tpu.memory_space<vmem>>, vector<1x1x256x1024xf32>
        %swap3A_300 = vector.shape_cast %swap3A_299 : vector<1x1x256x1024xf32> to vector<256x1024xf32>
        %swap3A_301 = vector.shape_cast %broadcast_in_dim3A_294 : vector<256x1024xf32> to vector<1x1x256x1024xf32>
        tpu.vector_store %arg6[%swap3A_295, %swap3A_296, %swap3A_297, %swap3A_298], %swap3A_301 {strides = array<i32>} : memref<2x8x256x1024xf32, #tpu.memory_space<vmem>>, vector<1x1x256x1024xf32>,
      } else {
      }
      %gt3A_226 = arith.constant 3 : i32
      %gt3A_227 = arith.cmpi sgt, %get3A_196, %gt3A_226 : i32
      %convert_element_type3A_228 = arith.extui %gt3A_227 : i1 to i32
      %cond3A_229 = arith.constant 0 : i32
      %cond3A_230 = arith.cmpi ne, %convert_element_type3A_228, %cond3A_229 : i32
      scf.if %cond3A_230 {
        %dma_start3A = arith.constant 0 : i32
        %dma_start3A_293 = arith.constant 3 : i32
        %dma_start3A_294 = arith.constant 0 : i32
        %dma_start3A_295 = arith.constant 3 : i32
        %dma_start3A_296 = arith.constant 0 : i32
        %dma_start3A_297 = arith.constant 3 : i32
        %dma_start3A_298 = tpu.memref_slice %arg10[%dma_start3A_296, %dma_start3A_297] : memref<2x8x!tpu.dma_semaphore, #tpu.memory_space<semaphore_mem>> -> memref<1x1x!tpu.dma_semaphore, #tpu.memory_space<semaphore_mem>>
        %dma_start3A_299 = tpu.memref_squeeze %dma_start3A_298 : memref<1x1x!tpu.dma_semaphore, #tpu.memory_space<semaphore_mem>> -> memref<!tpu.dma_semaphore, #tpu.memory_space<semaphore_mem>>
        %dma_start3A_300 = arith.constant 0 : i32
        %dma_start3A_301 = arith.constant 0 : i32
        %dma_start3A_302 = tpu.memref_slice %arg6[%dma_start3A_294, %dma_start3A_295, %dma_start3A_300, %dma_start3A_301] : memref<2x8x256x1024xf32, #tpu.memory_space<vmem>> -> memref<1x1x256x1024xf32, #tpu.memory_space<vmem>>
        %dma_start3A_303 = tpu.memref_squeeze %dma_start3A_302 : memref<1x1x256x1024xf32, #tpu.memory_space<vmem>> -> memref<256x1024xf32, #tpu.memory_space<vmem>>
        %dma_start3A_304 = arith.constant 0 : i32
        %dma_start3A_305 = arith.constant 0 : i32
        %dma_start3A_306 = tpu.memref_slice %arg3[%dma_start3A, %dma_start3A_293, %dma_start3A_304, %dma_start3A_305] : memref<8x8x256x1024xf32, #tpu.memory_space<hbm>> -> memref<1x1x256x1024xf32, #tpu.memory_space<hbm>>
        %dma_start3A_307 = tpu.memref_squeeze %dma_start3A_306 : memref<1x1x256x1024xf32, #tpu.memory_space<hbm>> -> memref<256x1024xf32, #tpu.memory_space<hbm>>
        tpu.enqueue_dma source(%dma_start3A_307 : memref<256x1024xf32, #tpu.memory_space<hbm>>) target(%dma_start3A_303 : memref<256x1024xf32, #tpu.memory_space<vmem>>) target_semaphore(%dma_start3A_299 : memref<!tpu.dma_semaphore, #tpu.memory_space<semaphore_mem>>)
      } else {
      }
      %le3A_231 = arith.constant 3 : i32
      %le3A_232 = arith.cmpi sle, %get3A_196, %le3A_231 : i32
      %convert_element_type3A_233 = arith.extui %le3A_232 : i1 to i32
      %cond3A_234 = arith.constant 0 : i32
      %cond3A_235 = arith.cmpi ne, %convert_element_type3A_233, %cond3A_234 : i32
      scf.if %cond3A_235 {
        %broadcast_in_dim3A_293 = arith.constant 0.000000e+00 : f32
        %broadcast_in_dim3A_294 = vector.broadcast %broadcast_in_dim3A_293 : f32 to vector<256x1024xf32>
        %swap3A_295 = arith.constant 0 : index
        %swap3A_296 = arith.constant 3 : index
        %swap3A_297 = arith.constant 0 : index
        %swap3A_298 = arith.constant 0 : index
        %swap3A_299 = vector.load %arg6[%swap3A_295, %swap3A_296, %swap3A_297, %swap3A_298] : memref<2x8x256x1024xf32, #tpu.memory_space<vmem>>, vector<1x1x256x1024xf32>
        %swap3A_300 = vector.shape_cast %swap3A_299 : vector<1x1x256x1024xf32> to vector<256x1024xf32>
        %swap3A_301 = vector.shape_cast %broadcast_in_dim3A_294 : vector<256x1024xf32> to vector<1x1x256x1024xf32>
        tpu.vector_store %arg6[%swap3A_295, %swap3A_296, %swap3A_297, %swap3A_298], %swap3A_301 {strides = array<i32>} : memref<2x8x256x1024xf32, #tpu.memory_space<vmem>>, vector<1x1x256x1024xf32>,
      } else {
      }
      %gt3A_236 = arith.constant 4 : i32
      %gt3A_237 = arith.cmpi sgt, %get3A_196, %gt3A_236 : i32
      %convert_element_type3A_238 = arith.extui %gt3A_237 : i1 to i32
      %cond3A_239 = arith.constant 0 : i32
      %cond3A_240 = arith.cmpi ne, %convert_element_type3A_238, %cond3A_239 : i32
      scf.if %cond3A_240 {
        %dma_start3A = arith.constant 0 : i32
        %dma_start3A_293 = arith.constant 4 : i32
        %dma_start3A_294 = arith.constant 0 : i32
        %dma_start3A_295 = arith.constant 4 : i32
        %dma_start3A_296 = arith.constant 0 : i32
        %dma_start3A_297 = arith.constant 4 : i32
        %dma_start3A_298 = tpu.memref_slice %arg10[%dma_start3A_296, %dma_start3A_297] : memref<2x8x!tpu.dma_semaphore, #tpu.memory_space<semaphore_mem>> -> memref<1x1x!tpu.dma_semaphore, #tpu.memory_space<semaphore_mem>>
        %dma_start3A_299 = tpu.memref_squeeze %dma_start3A_298 : memref<1x1x!tpu.dma_semaphore, #tpu.memory_space<semaphore_mem>> -> memref<!tpu.dma_semaphore, #tpu.memory_space<semaphore_mem>>
        %dma_start3A_300 = arith.constant 0 : i32
        %dma_start3A_301 = arith.constant 0 : i32
        %dma_start3A_302 = tpu.memref_slice %arg6[%dma_start3A_294, %dma_start3A_295, %dma_start3A_300, %dma_start3A_301] : memref<2x8x256x1024xf32, #tpu.memory_space<vmem>> -> memref<1x1x256x1024xf32, #tpu.memory_space<vmem>>
        %dma_start3A_303 = tpu.memref_squeeze %dma_start3A_302 : memref<1x1x256x1024xf32, #tpu.memory_space<vmem>> -> memref<256x1024xf32, #tpu.memory_space<vmem>>
        %dma_start3A_304 = arith.constant 0 : i32
        %dma_start3A_305 = arith.constant 0 : i32
        %dma_start3A_306 = tpu.memref_slice %arg3[%dma_start3A, %dma_start3A_293, %dma_start3A_304, %dma_start3A_305] : memref<8x8x256x1024xf32, #tpu.memory_space<hbm>> -> memref<1x1x256x1024xf32, #tpu.memory_space<hbm>>
        %dma_start3A_307 = tpu.memref_squeeze %dma_start3A_306 : memref<1x1x256x1024xf32, #tpu.memory_space<hbm>> -> memref<256x1024xf32, #tpu.memory_space<hbm>>
        tpu.enqueue_dma source(%dma_start3A_307 : memref<256x1024xf32, #tpu.memory_space<hbm>>) target(%dma_start3A_303 : memref<256x1024xf32, #tpu.memory_space<vmem>>) target_semaphore(%dma_start3A_299 : memref<!tpu.dma_semaphore, #tpu.memory_space<semaphore_mem>>)
      } else {
      }
      %le3A_241 = arith.constant 4 : i32
      %le3A_242 = arith.cmpi sle, %get3A_196, %le3A_241 : i32
      %convert_element_type3A_243 = arith.extui %le3A_242 : i1 to i32
      %cond3A_244 = arith.constant 0 : i32
      %cond3A_245 = arith.cmpi ne, %convert_element_type3A_243, %cond3A_244 : i32
      scf.if %cond3A_245 {
        %broadcast_in_dim3A_293 = arith.constant 0.000000e+00 : f32
        %broadcast_in_dim3A_294 = vector.broadcast %broadcast_in_dim3A_293 : f32 to vector<256x1024xf32>
        %swap3A_295 = arith.constant 0 : index
        %swap3A_296 = arith.constant 4 : index
        %swap3A_297 = arith.constant 0 : index
        %swap3A_298 = arith.constant 0 : index
        %swap3A_299 = vector.load %arg6[%swap3A_295, %swap3A_296, %swap3A_297, %swap3A_298] : memref<2x8x256x1024xf32, #tpu.memory_space<vmem>>, vector<1x1x256x1024xf32>
        %swap3A_300 = vector.shape_cast %swap3A_299 : vector<1x1x256x1024xf32> to vector<256x1024xf32>
        %swap3A_301 = vector.shape_cast %broadcast_in_dim3A_294 : vector<256x1024xf32> to vector<1x1x256x1024xf32>
        tpu.vector_store %arg6[%swap3A_295, %swap3A_296, %swap3A_297, %swap3A_298], %swap3A_301 {strides = array<i32>} : memref<2x8x256x1024xf32, #tpu.memory_space<vmem>>, vector<1x1x256x1024xf32>,
      } else {
      }
      %gt3A_246 = arith.constant 5 : i32
      %gt3A_247 = arith.cmpi sgt, %get3A_196, %gt3A_246 : i32
      %convert_element_type3A_248 = arith.extui %gt3A_247 : i1 to i32
      %cond3A_249 = arith.constant 0 : i32
      %cond3A_250 = arith.cmpi ne, %convert_element_type3A_248, %cond3A_249 : i32
      scf.if %cond3A_250 {
        %dma_start3A = arith.constant 0 : i32
        %dma_start3A_293 = arith.constant 5 : i32
        %dma_start3A_294 = arith.constant 0 : i32
        %dma_start3A_295 = arith.constant 5 : i32
        %dma_start3A_296 = arith.constant 0 : i32
        %dma_start3A_297 = arith.constant 5 : i32
        %dma_start3A_298 = tpu.memref_slice %arg10[%dma_start3A_296, %dma_start3A_297] : memref<2x8x!tpu.dma_semaphore, #tpu.memory_space<semaphore_mem>> -> memref<1x1x!tpu.dma_semaphore, #tpu.memory_space<semaphore_mem>>
        %dma_start3A_299 = tpu.memref_squeeze %dma_start3A_298 : memref<1x1x!tpu.dma_semaphore, #tpu.memory_space<semaphore_mem>> -> memref<!tpu.dma_semaphore, #tpu.memory_space<semaphore_mem>>
        %dma_start3A_300 = arith.constant 0 : i32
        %dma_start3A_301 = arith.constant 0 : i32
        %dma_start3A_302 = tpu.memref_slice %arg6[%dma_start3A_294, %dma_start3A_295, %dma_start3A_300, %dma_start3A_301] : memref<2x8x256x1024xf32, #tpu.memory_space<vmem>> -> memref<1x1x256x1024xf32, #tpu.memory_space<vmem>>
        %dma_start3A_303 = tpu.memref_squeeze %dma_start3A_302 : memref<1x1x256x1024xf32, #tpu.memory_space<vmem>> -> memref<256x1024xf32, #tpu.memory_space<vmem>>
        %dma_start3A_304 = arith.constant 0 : i32
        %dma_start3A_305 = arith.constant 0 : i32
        %dma_start3A_306 = tpu.memref_slice %arg3[%dma_start3A, %dma_start3A_293, %dma_start3A_304, %dma_start3A_305] : memref<8x8x256x1024xf32, #tpu.memory_space<hbm>> -> memref<1x1x256x1024xf32, #tpu.memory_space<hbm>>
        %dma_start3A_307 = tpu.memref_squeeze %dma_start3A_306 : memref<1x1x256x1024xf32, #tpu.memory_space<hbm>> -> memref<256x1024xf32, #tpu.memory_space<hbm>>
        tpu.enqueue_dma source(%dma_start3A_307 : memref<256x1024xf32, #tpu.memory_space<hbm>>) target(%dma_start3A_303 : memref<256x1024xf32, #tpu.memory_space<vmem>>) target_semaphore(%dma_start3A_299 : memref<!tpu.dma_semaphore, #tpu.memory_space<semaphore_mem>>)
      } else {
      }
      %le3A_251 = arith.constant 5 : i32
      %le3A_252 = arith.cmpi sle, %get3A_196, %le3A_251 : i32
      %convert_element_type3A_253 = arith.extui %le3A_252 : i1 to i32
      %cond3A_254 = arith.constant 0 : i32
      %cond3A_255 = arith.cmpi ne, %convert_element_type3A_253, %cond3A_254 : i32
      scf.if %cond3A_255 {
        %broadcast_in_dim3A_293 = arith.constant 0.000000e+00 : f32
        %broadcast_in_dim3A_294 = vector.broadcast %broadcast_in_dim3A_293 : f32 to vector<256x1024xf32>
        %swap3A_295 = arith.constant 0 : index
        %swap3A_296 = arith.constant 5 : index
        %swap3A_297 = arith.constant 0 : index
        %swap3A_298 = arith.constant 0 : index
        %swap3A_299 = vector.load %arg6[%swap3A_295, %swap3A_296, %swap3A_297, %swap3A_298] : memref<2x8x256x1024xf32, #tpu.memory_space<vmem>>, vector<1x1x256x1024xf32>
        %swap3A_300 = vector.shape_cast %swap3A_299 : vector<1x1x256x1024xf32> to vector<256x1024xf32>
        %swap3A_301 = vector.shape_cast %broadcast_in_dim3A_294 : vector<256x1024xf32> to vector<1x1x256x1024xf32>
        tpu.vector_store %arg6[%swap3A_295, %swap3A_296, %swap3A_297, %swap3A_298], %swap3A_301 {strides = array<i32>} : memref<2x8x256x1024xf32, #tpu.memory_space<vmem>>, vector<1x1x256x1024xf32>,
      } else {
      }
      %gt3A_256 = arith.constant 6 : i32
      %gt3A_257 = arith.cmpi sgt, %get3A_196, %gt3A_256 : i32
      %convert_element_type3A_258 = arith.extui %gt3A_257 : i1 to i32
      %cond3A_259 = arith.constant 0 : i32
      %cond3A_260 = arith.cmpi ne, %convert_element_type3A_258, %cond3A_259 : i32
      scf.if %cond3A_260 {
        %dma_start3A = arith.constant 0 : i32
        %dma_start3A_293 = arith.constant 6 : i32
        %dma_start3A_294 = arith.constant 0 : i32
        %dma_start3A_295 = arith.constant 6 : i32
        %dma_start3A_296 = arith.constant 0 : i32
        %dma_start3A_297 = arith.constant 6 : i32
        %dma_start3A_298 = tpu.memref_slice %arg10[%dma_start3A_296, %dma_start3A_297] : memref<2x8x!tpu.dma_semaphore, #tpu.memory_space<semaphore_mem>> -> memref<1x1x!tpu.dma_semaphore, #tpu.memory_space<semaphore_mem>>
        %dma_start3A_299 = tpu.memref_squeeze %dma_start3A_298 : memref<1x1x!tpu.dma_semaphore, #tpu.memory_space<semaphore_mem>> -> memref<!tpu.dma_semaphore, #tpu.memory_space<semaphore_mem>>
        %dma_start3A_300 = arith.constant 0 : i32
        %dma_start3A_301 = arith.constant 0 : i32
        %dma_start3A_302 = tpu.memref_slice %arg6[%dma_start3A_294, %dma_start3A_295, %dma_start3A_300, %dma_start3A_301] : memref<2x8x256x1024xf32, #tpu.memory_space<vmem>> -> memref<1x1x256x1024xf32, #tpu.memory_space<vmem>>
        %dma_start3A_303 = tpu.memref_squeeze %dma_start3A_302 : memref<1x1x256x1024xf32, #tpu.memory_space<vmem>> -> memref<256x1024xf32, #tpu.memory_space<vmem>>
        %dma_start3A_304 = arith.constant 0 : i32
        %dma_start3A_305 = arith.constant 0 : i32
        %dma_start3A_306 = tpu.memref_slice %arg3[%dma_start3A, %dma_start3A_293, %dma_start3A_304, %dma_start3A_305] : memref<8x8x256x1024xf32, #tpu.memory_space<hbm>> -> memref<1x1x256x1024xf32, #tpu.memory_space<hbm>>
        %dma_start3A_307 = tpu.memref_squeeze %dma_start3A_306 : memref<1x1x256x1024xf32, #tpu.memory_space<hbm>> -> memref<256x1024xf32, #tpu.memory_space<hbm>>
        tpu.enqueue_dma source(%dma_start3A_307 : memref<256x1024xf32, #tpu.memory_space<hbm>>) target(%dma_start3A_303 : memref<256x1024xf32, #tpu.memory_space<vmem>>) target_semaphore(%dma_start3A_299 : memref<!tpu.dma_semaphore, #tpu.memory_space<semaphore_mem>>)
      } else {
      }
      %le3A_261 = arith.constant 6 : i32
      %le3A_262 = arith.cmpi sle, %get3A_196, %le3A_261 : i32
      %convert_element_type3A_263 = arith.extui %le3A_262 : i1 to i32
      %cond3A_264 = arith.constant 0 : i32
      %cond3A_265 = arith.cmpi ne, %convert_element_type3A_263, %cond3A_264 : i32
      scf.if %cond3A_265 {
        %broadcast_in_dim3A_293 = arith.constant 0.000000e+00 : f32
        %broadcast_in_dim3A_294 = vector.broadcast %broadcast_in_dim3A_293 : f32 to vector<256x1024xf32>
        %swap3A_295 = arith.constant 0 : index
        %swap3A_296 = arith.constant 6 : index
        %swap3A_297 = arith.constant 0 : index
        %swap3A_298 = arith.constant 0 : index
        %swap3A_299 = vector.load %arg6[%swap3A_295, %swap3A_296, %swap3A_297, %swap3A_298] : memref<2x8x256x1024xf32, #tpu.memory_space<vmem>>, vector<1x1x256x1024xf32>
        %swap3A_300 = vector.shape_cast %swap3A_299 : vector<1x1x256x1024xf32> to vector<256x1024xf32>
        %swap3A_301 = vector.shape_cast %broadcast_in_dim3A_294 : vector<256x1024xf32> to vector<1x1x256x1024xf32>
        tpu.vector_store %arg6[%swap3A_295, %swap3A_296, %swap3A_297, %swap3A_298], %swap3A_301 {strides = array<i32>} : memref<2x8x256x1024xf32, #tpu.memory_space<vmem>>, vector<1x1x256x1024xf32>,
      } else {
      }
      %gt3A_266 = arith.constant 7 : i32
      %gt3A_267 = arith.cmpi sgt, %get3A_196, %gt3A_266 : i32
      %convert_element_type3A_268 = arith.extui %gt3A_267 : i1 to i32
      %cond3A_269 = arith.constant 0 : i32
      %cond3A_270 = arith.cmpi ne, %convert_element_type3A_268, %cond3A_269 : i32
      scf.if %cond3A_270 {
        %dma_start3A = arith.constant 0 : i32
        %dma_start3A_293 = arith.constant 7 : i32
        %dma_start3A_294 = arith.constant 0 : i32
        %dma_start3A_295 = arith.constant 7 : i32
        %dma_start3A_296 = arith.constant 0 : i32
        %dma_start3A_297 = arith.constant 7 : i32
        %dma_start3A_298 = tpu.memref_slice %arg10[%dma_start3A_296, %dma_start3A_297] : memref<2x8x!tpu.dma_semaphore, #tpu.memory_space<semaphore_mem>> -> memref<1x1x!tpu.dma_semaphore, #tpu.memory_space<semaphore_mem>>
        %dma_start3A_299 = tpu.memref_squeeze %dma_start3A_298 : memref<1x1x!tpu.dma_semaphore, #tpu.memory_space<semaphore_mem>> -> memref<!tpu.dma_semaphore, #tpu.memory_space<semaphore_mem>>
        %dma_start3A_300 = arith.constant 0 : i32
        %dma_start3A_301 = arith.constant 0 : i32
        %dma_start3A_302 = tpu.memref_slice %arg6[%dma_start3A_294, %dma_start3A_295, %dma_start3A_300, %dma_start3A_301] : memref<2x8x256x1024xf32, #tpu.memory_space<vmem>> -> memref<1x1x256x1024xf32, #tpu.memory_space<vmem>>
        %dma_start3A_303 = tpu.memref_squeeze %dma_start3A_302 : memref<1x1x256x1024xf32, #tpu.memory_space<vmem>> -> memref<256x1024xf32, #tpu.memory_space<vmem>>
        %dma_start3A_304 = arith.constant 0 : i32
        %dma_start3A_305 = arith.constant 0 : i32
        %dma_start3A_306 = tpu.memref_slice %arg3[%dma_start3A, %dma_start3A_293, %dma_start3A_304, %dma_start3A_305] : memref<8x8x256x1024xf32, #tpu.memory_space<hbm>> -> memref<1x1x256x1024xf32, #tpu.memory_space<hbm>>
        %dma_start3A_307 = tpu.memref_squeeze %dma_start3A_306 : memref<1x1x256x1024xf32, #tpu.memory_space<hbm>> -> memref<256x1024xf32, #tpu.memory_space<hbm>>
        tpu.enqueue_dma source(%dma_start3A_307 : memref<256x1024xf32, #tpu.memory_space<hbm>>) target(%dma_start3A_303 : memref<256x1024xf32, #tpu.memory_space<vmem>>) target_semaphore(%dma_start3A_299 : memref<!tpu.dma_semaphore, #tpu.memory_space<semaphore_mem>>)
      } else {
      }
      %le3A_271 = arith.constant 7 : i32
      %le3A_272 = arith.cmpi sle, %get3A_196, %le3A_271 : i32
      %convert_element_type3A_273 = arith.extui %le3A_272 : i1 to i32
      %cond3A_274 = arith.constant 0 : i32
      %cond3A_275 = arith.cmpi ne, %convert_element_type3A_273, %cond3A_274 : i32
      scf.if %cond3A_275 {
        %broadcast_in_dim3A_293 = arith.constant 0.000000e+00 : f32
        %broadcast_in_dim3A_294 = vector.broadcast %broadcast_in_dim3A_293 : f32 to vector<256x1024xf32>
        %swap3A_295 = arith.constant 0 : index
        %swap3A_296 = arith.constant 7 : index
        %swap3A_297 = arith.constant 0 : index
        %swap3A_298 = arith.constant 0 : index
        %swap3A_299 = vector.load %arg6[%swap3A_295, %swap3A_296, %swap3A_297, %swap3A_298] : memref<2x8x256x1024xf32, #tpu.memory_space<vmem>>, vector<1x1x256x1024xf32>
        %swap3A_300 = vector.shape_cast %swap3A_299 : vector<1x1x256x1024xf32> to vector<256x1024xf32>
        %swap3A_301 = vector.shape_cast %broadcast_in_dim3A_294 : vector<256x1024xf32> to vector<1x1x256x1024xf32>
        tpu.vector_store %arg6[%swap3A_295, %swap3A_296, %swap3A_297, %swap3A_298], %swap3A_301 {strides = array<i32>} : memref<2x8x256x1024xf32, #tpu.memory_space<vmem>>, vector<1x1x256x1024xf32>,
      } else {
      }
      %broadcast_in_dim3A_276 = arith.constant 0.000000e+00 : f32
      %broadcast_in_dim3A_277 = vector.broadcast %broadcast_in_dim3A_276 : f32 to vector<256x1024xf32>
      %swap3A_278 = arith.constant 0 : index
      %swap3A_279 = arith.constant 0 : index
      %swap3A_280 = arith.constant 0 : index
      %swap3A_281 = vector.load %arg7[%swap3A_278, %swap3A_279, %swap3A_280] : memref<2x256x1024xf32, #tpu.memory_space<vmem>>, vector<1x256x1024xf32>
      %swap3A_282 = vector.shape_cast %swap3A_281 : vector<1x256x1024xf32> to vector<256x1024xf32>
      %swap3A_283 = vector.shape_cast %broadcast_in_dim3A_277 : vector<256x1024xf32> to vector<1x256x1024xf32>
      tpu.vector_store %arg7[%swap3A_278, %swap3A_279, %swap3A_280], %swap3A_283 {strides = array<i32>} : memref<2x256x1024xf32, #tpu.memory_space<vmem>>, vector<1x256x1024xf32>,
      %run_scoped3A = arith.constant 0 : i32
      "tpu.region"() ({
        %run_scoped3A_293 = tpu.sem_alloc : memref<!tpu.dma_semaphore, #tpu.memory_space<semaphore_mem>>
        %dma_start3A = arith.constant 32768 : i32
        %dma_start3A_294 = arith.constant 0 : i32
        %dma_start3A_295 = tpu.memref_slice %arg4[%dma_start3A, %dma_start3A_294] : memref<32776x1024xf32, #tpu.memory_space<hbm>> -> memref<8x1024xf32, #tpu.memory_space<hbm>>
        %dma_start3A_296 = arith.constant 0 : i32
        %dma_start3A_297 = arith.constant 0 : i32
        %dma_start3A_298 = tpu.memref_slice %arg7[%run_scoped3A, %dma_start3A_296, %dma_start3A_297] : memref<2x256x1024xf32, #tpu.memory_space<vmem>> -> memref<1x8x1024xf32, #tpu.memory_space<vmem>>
        %dma_start3A_299 = tpu.memref_squeeze %dma_start3A_298 : memref<1x8x1024xf32, #tpu.memory_space<vmem>> -> memref<8x1024xf32, #tpu.memory_space<vmem>>
        tpu.enqueue_dma source(%dma_start3A_299 : memref<8x1024xf32, #tpu.memory_space<vmem>>) target(%dma_start3A_295 : memref<8x1024xf32, #tpu.memory_space<hbm>>) target_semaphore(%run_scoped3A_293 : memref<!tpu.dma_semaphore, #tpu.memory_space<semaphore_mem>>)
        %dma_wait3A = arith.constant 32768 : i32
        %dma_wait3A_300 = arith.constant 0 : i32
        %dma_wait3A_301 = tpu.memref_slice %arg4[%dma_wait3A, %dma_wait3A_300] : memref<32776x1024xf32, #tpu.memory_space<hbm>> -> memref<8x1024xf32, #tpu.memory_space<hbm>>
        %dma_wait3A_302 = arith.constant 0 : i32
        %dma_wait3A_303 = arith.constant 0 : i32
        %dma_wait3A_304 = tpu.memref_slice %arg7[%run_scoped3A, %dma_wait3A_302, %dma_wait3A_303] : memref<2x256x1024xf32, #tpu.memory_space<vmem>> -> memref<1x8x1024xf32, #tpu.memory_space<vmem>>
        %dma_wait3A_305 = tpu.memref_squeeze %dma_wait3A_304 : memref<1x8x1024xf32, #tpu.memory_space<vmem>> -> memref<8x1024xf32, #tpu.memory_space<vmem>>
        tpu.wait_dma2 semaphore(%run_scoped3A_293 : memref<!tpu.dma_semaphore, #tpu.memory_space<semaphore_mem>>) src(%dma_wait3A_305 : memref<8x1024xf32, #tpu.memory_space<vmem>>) dst(%dma_wait3A_301 : memref<8x1024xf32, #tpu.memory_space<hbm>>)
        tpu.yield
      }) : () -> ()
      %swap3A_284 = arith.constant 0 : i32
      %swap3A_285 = arith.constant 0 : index
      %swap3A_286 = memref.load %arg9[%swap3A_285] : memref<3xi32, #tpu.memory_space<smem>>
      memref.store %swap3A_284, %arg9[%swap3A_285] : memref<3xi32, #tpu.memory_space<smem>>
      %swap3A_287 = arith.constant 0 : i32
      %swap3A_288 = arith.constant 1 : index
      %swap3A_289 = memref.load %arg9[%swap3A_288] : memref<3xi32, #tpu.memory_space<smem>>
      memref.store %swap3A_287, %arg9[%swap3A_288] : memref<3xi32, #tpu.memory_space<smem>>
      %swap3A_290 = arith.constant 0 : i32
      %swap3A_291 = arith.constant 2 : index
      %swap3A_292 = memref.load %arg9[%swap3A_291] : memref<3xi32, #tpu.memory_space<smem>>
      memref.store %swap3A_290, %arg9[%swap3A_291] : memref<3xi32, #tpu.memory_space<smem>>
    } else {
    }
    %add3A = arith.constant 1 : i32
    %add3A_8 = arith.addi %arg0, %add3A : i32
    %lt3A = arith.constant 8 : i32
    %lt3A_9 = arith.cmpi slt, %add3A_8, %lt3A : i32
    %convert_element_type3A_10 = arith.extui %lt3A_9 : i1 to i32
    %cond3A_11 = arith.constant 0 : i32
    %cond3A_12 = arith.cmpi ne, %convert_element_type3A_10, %cond3A_11 : i32
    scf.if %cond3A_12 {
      %add3A_195 = arith.constant 1 : i32
      %add3A_196 = arith.addi %arg0, %add3A_195 : i32
      %sub3A = arith.constant 1 : i32
      %sub3A_197 = arith.subi %sub3A, %rem3A_0 : i32
      %get3A_198 = arith.index_cast %add3A_196 : i32 to index
      %get3A_199 = memref.load %arg2[%get3A_198] : memref<8xi32, #tpu.memory_space<smem>>
      %gt3A_200 = arith.constant 0 : i32
      %gt3A_201 = arith.cmpi sgt, %get3A_199, %gt3A_200 : i32
      %convert_element_type3A_202 = arith.extui %gt3A_201 : i1 to i32
      %cond3A_203 = arith.constant 0 : i32
      %cond3A_204 = arith.cmpi ne, %convert_element_type3A_202, %cond3A_203 : i32
      scf.if %cond3A_204 {
        %dma_start3A = arith.constant 0 : i32
        %dma_start3A_279 = arith.constant 0 : i32
        %dma_start3A_280 = arith.constant 0 : i32
        %dma_start3A_281 = tpu.memref_slice %arg10[%sub3A_197, %dma_start3A_280] : memref<2x8x!tpu.dma_semaphore, #tpu.memory_space<semaphore_mem>> -> memref<1x1x!tpu.dma_semaphore, #tpu.memory_space<semaphore_mem>>
        %dma_start3A_282 = tpu.memref_squeeze %dma_start3A_281 : memref<1x1x!tpu.dma_semaphore, #tpu.memory_space<semaphore_mem>> -> memref<!tpu.dma_semaphore, #tpu.memory_space<semaphore_mem>>
        %dma_start3A_283 = arith.constant 0 : i32
        %dma_start3A_284 = arith.constant 0 : i32
        %dma_start3A_285 = tpu.memref_slice %arg6[%sub3A_197, %dma_start3A_279, %dma_start3A_283, %dma_start3A_284] : memref<2x8x256x1024xf32, #tpu.memory_space<vmem>> -> memref<1x1x256x1024xf32, #tpu.memory_space<vmem>>
        %dma_start3A_286 = tpu.memref_squeeze %dma_start3A_285 : memref<1x1x256x1024xf32, #tpu.memory_space<vmem>> -> memref<256x1024xf32, #tpu.memory_space<vmem>>
        %dma_start3A_287 = arith.constant 0 : i32
        %dma_start3A_288 = arith.constant 0 : i32
        %dma_start3A_289 = tpu.memref_slice %arg3[%add3A_196, %dma_start3A, %dma_start3A_287, %dma_start3A_288] : memref<8x8x256x1024xf32, #tpu.memory_space<hbm>> -> memref<1x1x256x1024xf32, #tpu.memory_space<hbm>>
        %dma_start3A_290 = tpu.memref_squeeze %dma_start3A_289 : memref<1x1x256x1024xf32, #tpu.memory_space<hbm>> -> memref<256x1024xf32, #tpu.memory_space<hbm>>
        tpu.enqueue_dma source(%dma_start3A_290 : memref<256x1024xf32, #tpu.memory_space<hbm>>) target(%dma_start3A_286 : memref<256x1024xf32, #tpu.memory_space<vmem>>) target_semaphore(%dma_start3A_282 : memref<!tpu.dma_semaphore, #tpu.memory_space<semaphore_mem>>)
      } else {
      }
      %le3A = arith.constant 0 : i32
      %le3A_205 = arith.cmpi sle, %get3A_199, %le3A : i32
      %convert_element_type3A_206 = arith.extui %le3A_205 : i1 to i32
      %cond3A_207 = arith.constant 0 : i32
      %cond3A_208 = arith.cmpi ne, %convert_element_type3A_206, %cond3A_207 : i32
      scf.if %cond3A_208 {
        %broadcast_in_dim3A_279 = arith.constant 0.000000e+00 : f32
        %broadcast_in_dim3A_280 = vector.broadcast %broadcast_in_dim3A_279 : f32 to vector<256x1024xf32>
        %swap3A_281 = arith.index_cast %sub3A_197 : i32 to index
        %swap3A_282 = arith.constant 0 : index
        %swap3A_283 = arith.constant 0 : index
        %swap3A_284 = arith.constant 0 : index
        %swap3A_285 = vector.load %arg6[%swap3A_281, %swap3A_282, %swap3A_283, %swap3A_284] : memref<2x8x256x1024xf32, #tpu.memory_space<vmem>>, vector<1x1x256x1024xf32>
        %swap3A_286 = vector.shape_cast %swap3A_285 : vector<1x1x256x1024xf32> to vector<256x1024xf32>
        %swap3A_287 = vector.shape_cast %broadcast_in_dim3A_280 : vector<256x1024xf32> to vector<1x1x256x1024xf32>
        tpu.vector_store %arg6[%swap3A_281, %swap3A_282, %swap3A_283, %swap3A_284], %swap3A_287 {strides = array<i32>} : memref<2x8x256x1024xf32, #tpu.memory_space<vmem>>, vector<1x1x256x1024xf32>,
      } else {
      }
      %gt3A_209 = arith.constant 1 : i32
      %gt3A_210 = arith.cmpi sgt, %get3A_199, %gt3A_209 : i32
      %convert_element_type3A_211 = arith.extui %gt3A_210 : i1 to i32
      %cond3A_212 = arith.constant 0 : i32
      %cond3A_213 = arith.cmpi ne, %convert_element_type3A_211, %cond3A_212 : i32
      scf.if %cond3A_213 {
        %dma_start3A = arith.constant 1 : i32
        %dma_start3A_279 = arith.constant 1 : i32
        %dma_start3A_280 = arith.constant 1 : i32
        %dma_start3A_281 = tpu.memref_slice %arg10[%sub3A_197, %dma_start3A_280] : memref<2x8x!tpu.dma_semaphore, #tpu.memory_space<semaphore_mem>> -> memref<1x1x!tpu.dma_semaphore, #tpu.memory_space<semaphore_mem>>
        %dma_start3A_282 = tpu.memref_squeeze %dma_start3A_281 : memref<1x1x!tpu.dma_semaphore, #tpu.memory_space<semaphore_mem>> -> memref<!tpu.dma_semaphore, #tpu.memory_space<semaphore_mem>>
        %dma_start3A_283 = arith.constant 0 : i32
        %dma_start3A_284 = arith.constant 0 : i32
        %dma_start3A_285 = tpu.memref_slice %arg6[%sub3A_197, %dma_start3A_279, %dma_start3A_283, %dma_start3A_284] : memref<2x8x256x1024xf32, #tpu.memory_space<vmem>> -> memref<1x1x256x1024xf32, #tpu.memory_space<vmem>>
        %dma_start3A_286 = tpu.memref_squeeze %dma_start3A_285 : memref<1x1x256x1024xf32, #tpu.memory_space<vmem>> -> memref<256x1024xf32, #tpu.memory_space<vmem>>
        %dma_start3A_287 = arith.constant 0 : i32
        %dma_start3A_288 = arith.constant 0 : i32
        %dma_start3A_289 = tpu.memref_slice %arg3[%add3A_196, %dma_start3A, %dma_start3A_287, %dma_start3A_288] : memref<8x8x256x1024xf32, #tpu.memory_space<hbm>> -> memref<1x1x256x1024xf32, #tpu.memory_space<hbm>>
        %dma_start3A_290 = tpu.memref_squeeze %dma_start3A_289 : memref<1x1x256x1024xf32, #tpu.memory_space<hbm>> -> memref<256x1024xf32, #tpu.memory_space<hbm>>
        tpu.enqueue_dma source(%dma_start3A_290 : memref<256x1024xf32, #tpu.memory_space<hbm>>) target(%dma_start3A_286 : memref<256x1024xf32, #tpu.memory_space<vmem>>) target_semaphore(%dma_start3A_282 : memref<!tpu.dma_semaphore, #tpu.memory_space<semaphore_mem>>)
      } else {
      }
      %le3A_214 = arith.constant 1 : i32
      %le3A_215 = arith.cmpi sle, %get3A_199, %le3A_214 : i32
      %convert_element_type3A_216 = arith.extui %le3A_215 : i1 to i32
      %cond3A_217 = arith.constant 0 : i32
      %cond3A_218 = arith.cmpi ne, %convert_element_type3A_216, %cond3A_217 : i32
      scf.if %cond3A_218 {
        %broadcast_in_dim3A_279 = arith.constant 0.000000e+00 : f32
        %broadcast_in_dim3A_280 = vector.broadcast %broadcast_in_dim3A_279 : f32 to vector<256x1024xf32>
        %swap3A_281 = arith.index_cast %sub3A_197 : i32 to index
        %swap3A_282 = arith.constant 1 : index
        %swap3A_283 = arith.constant 0 : index
        %swap3A_284 = arith.constant 0 : index
        %swap3A_285 = vector.load %arg6[%swap3A_281, %swap3A_282, %swap3A_283, %swap3A_284] : memref<2x8x256x1024xf32, #tpu.memory_space<vmem>>, vector<1x1x256x1024xf32>
        %swap3A_286 = vector.shape_cast %swap3A_285 : vector<1x1x256x1024xf32> to vector<256x1024xf32>
        %swap3A_287 = vector.shape_cast %broadcast_in_dim3A_280 : vector<256x1024xf32> to vector<1x1x256x1024xf32>
        tpu.vector_store %arg6[%swap3A_281, %swap3A_282, %swap3A_283, %swap3A_284], %swap3A_287 {strides = array<i32>} : memref<2x8x256x1024xf32, #tpu.memory_space<vmem>>, vector<1x1x256x1024xf32>,
      } else {
      }
      %gt3A_219 = arith.constant 2 : i32
      %gt3A_220 = arith.cmpi sgt, %get3A_199, %gt3A_219 : i32
      %convert_element_type3A_221 = arith.extui %gt3A_220 : i1 to i32
      %cond3A_222 = arith.constant 0 : i32
      %cond3A_223 = arith.cmpi ne, %convert_element_type3A_221, %cond3A_222 : i32
      scf.if %cond3A_223 {
        %dma_start3A = arith.constant 2 : i32
        %dma_start3A_279 = arith.constant 2 : i32
        %dma_start3A_280 = arith.constant 2 : i32
        %dma_start3A_281 = tpu.memref_slice %arg10[%sub3A_197, %dma_start3A_280] : memref<2x8x!tpu.dma_semaphore, #tpu.memory_space<semaphore_mem>> -> memref<1x1x!tpu.dma_semaphore, #tpu.memory_space<semaphore_mem>>
        %dma_start3A_282 = tpu.memref_squeeze %dma_start3A_281 : memref<1x1x!tpu.dma_semaphore, #tpu.memory_space<semaphore_mem>> -> memref<!tpu.dma_semaphore, #tpu.memory_space<semaphore_mem>>
        %dma_start3A_283 = arith.constant 0 : i32
        %dma_start3A_284 = arith.constant 0 : i32
        %dma_start3A_285 = tpu.memref_slice %arg6[%sub3A_197, %dma_start3A_279, %dma_start3A_283, %dma_start3A_284] : memref<2x8x256x1024xf32, #tpu.memory_space<vmem>> -> memref<1x1x256x1024xf32, #tpu.memory_space<vmem>>
        %dma_start3A_286 = tpu.memref_squeeze %dma_start3A_285 : memref<1x1x256x1024xf32, #tpu.memory_space<vmem>> -> memref<256x1024xf32, #tpu.memory_space<vmem>>
        %dma_start3A_287 = arith.constant 0 : i32
        %dma_start3A_288 = arith.constant 0 : i32
        %dma_start3A_289 = tpu.memref_slice %arg3[%add3A_196, %dma_start3A, %dma_start3A_287, %dma_start3A_288] : memref<8x8x256x1024xf32, #tpu.memory_space<hbm>> -> memref<1x1x256x1024xf32, #tpu.memory_space<hbm>>
        %dma_start3A_290 = tpu.memref_squeeze %dma_start3A_289 : memref<1x1x256x1024xf32, #tpu.memory_space<hbm>> -> memref<256x1024xf32, #tpu.memory_space<hbm>>
        tpu.enqueue_dma source(%dma_start3A_290 : memref<256x1024xf32, #tpu.memory_space<hbm>>) target(%dma_start3A_286 : memref<256x1024xf32, #tpu.memory_space<vmem>>) target_semaphore(%dma_start3A_282 : memref<!tpu.dma_semaphore, #tpu.memory_space<semaphore_mem>>)
      } else {
      }
      %le3A_224 = arith.constant 2 : i32
      %le3A_225 = arith.cmpi sle, %get3A_199, %le3A_224 : i32
      %convert_element_type3A_226 = arith.extui %le3A_225 : i1 to i32
      %cond3A_227 = arith.constant 0 : i32
      %cond3A_228 = arith.cmpi ne, %convert_element_type3A_226, %cond3A_227 : i32
      scf.if %cond3A_228 {
        %broadcast_in_dim3A_279 = arith.constant 0.000000e+00 : f32
        %broadcast_in_dim3A_280 = vector.broadcast %broadcast_in_dim3A_279 : f32 to vector<256x1024xf32>
        %swap3A_281 = arith.index_cast %sub3A_197 : i32 to index
        %swap3A_282 = arith.constant 2 : index
        %swap3A_283 = arith.constant 0 : index
        %swap3A_284 = arith.constant 0 : index
        %swap3A_285 = vector.load %arg6[%swap3A_281, %swap3A_282, %swap3A_283, %swap3A_284] : memref<2x8x256x1024xf32, #tpu.memory_space<vmem>>, vector<1x1x256x1024xf32>
        %swap3A_286 = vector.shape_cast %swap3A_285 : vector<1x1x256x1024xf32> to vector<256x1024xf32>
        %swap3A_287 = vector.shape_cast %broadcast_in_dim3A_280 : vector<256x1024xf32> to vector<1x1x256x1024xf32>
        tpu.vector_store %arg6[%swap3A_281, %swap3A_282, %swap3A_283, %swap3A_284], %swap3A_287 {strides = array<i32>} : memref<2x8x256x1024xf32, #tpu.memory_space<vmem>>, vector<1x1x256x1024xf32>,
      } else {
      }
      %gt3A_229 = arith.constant 3 : i32
      %gt3A_230 = arith.cmpi sgt, %get3A_199, %gt3A_229 : i32
      %convert_element_type3A_231 = arith.extui %gt3A_230 : i1 to i32
      %cond3A_232 = arith.constant 0 : i32
      %cond3A_233 = arith.cmpi ne, %convert_element_type3A_231, %cond3A_232 : i32
      scf.if %cond3A_233 {
        %dma_start3A = arith.constant 3 : i32
        %dma_start3A_279 = arith.constant 3 : i32
        %dma_start3A_280 = arith.constant 3 : i32
        %dma_start3A_281 = tpu.memref_slice %arg10[%sub3A_197, %dma_start3A_280] : memref<2x8x!tpu.dma_semaphore, #tpu.memory_space<semaphore_mem>> -> memref<1x1x!tpu.dma_semaphore, #tpu.memory_space<semaphore_mem>>
        %dma_start3A_282 = tpu.memref_squeeze %dma_start3A_281 : memref<1x1x!tpu.dma_semaphore, #tpu.memory_space<semaphore_mem>> -> memref<!tpu.dma_semaphore, #tpu.memory_space<semaphore_mem>>
        %dma_start3A_283 = arith.constant 0 : i32
        %dma_start3A_284 = arith.constant 0 : i32
        %dma_start3A_285 = tpu.memref_slice %arg6[%sub3A_197, %dma_start3A_279, %dma_start3A_283, %dma_start3A_284] : memref<2x8x256x1024xf32, #tpu.memory_space<vmem>> -> memref<1x1x256x1024xf32, #tpu.memory_space<vmem>>
        %dma_start3A_286 = tpu.memref_squeeze %dma_start3A_285 : memref<1x1x256x1024xf32, #tpu.memory_space<vmem>> -> memref<256x1024xf32, #tpu.memory_space<vmem>>
        %dma_start3A_287 = arith.constant 0 : i32
        %dma_start3A_288 = arith.constant 0 : i32
        %dma_start3A_289 = tpu.memref_slice %arg3[%add3A_196, %dma_start3A, %dma_start3A_287, %dma_start3A_288] : memref<8x8x256x1024xf32, #tpu.memory_space<hbm>> -> memref<1x1x256x1024xf32, #tpu.memory_space<hbm>>
        %dma_start3A_290 = tpu.memref_squeeze %dma_start3A_289 : memref<1x1x256x1024xf32, #tpu.memory_space<hbm>> -> memref<256x1024xf32, #tpu.memory_space<hbm>>
        tpu.enqueue_dma source(%dma_start3A_290 : memref<256x1024xf32, #tpu.memory_space<hbm>>) target(%dma_start3A_286 : memref<256x1024xf32, #tpu.memory_space<vmem>>) target_semaphore(%dma_start3A_282 : memref<!tpu.dma_semaphore, #tpu.memory_space<semaphore_mem>>)
      } else {
      }
      %le3A_234 = arith.constant 3 : i32
      %le3A_235 = arith.cmpi sle, %get3A_199, %le3A_234 : i32
      %convert_element_type3A_236 = arith.extui %le3A_235 : i1 to i32
      %cond3A_237 = arith.constant 0 : i32
      %cond3A_238 = arith.cmpi ne, %convert_element_type3A_236, %cond3A_237 : i32
      scf.if %cond3A_238 {
        %broadcast_in_dim3A_279 = arith.constant 0.000000e+00 : f32
        %broadcast_in_dim3A_280 = vector.broadcast %broadcast_in_dim3A_279 : f32 to vector<256x1024xf32>
        %swap3A_281 = arith.index_cast %sub3A_197 : i32 to index
        %swap3A_282 = arith.constant 3 : index
        %swap3A_283 = arith.constant 0 : index
        %swap3A_284 = arith.constant 0 : index
        %swap3A_285 = vector.load %arg6[%swap3A_281, %swap3A_282, %swap3A_283, %swap3A_284] : memref<2x8x256x1024xf32, #tpu.memory_space<vmem>>, vector<1x1x256x1024xf32>
        %swap3A_286 = vector.shape_cast %swap3A_285 : vector<1x1x256x1024xf32> to vector<256x1024xf32>
        %swap3A_287 = vector.shape_cast %broadcast_in_dim3A_280 : vector<256x1024xf32> to vector<1x1x256x1024xf32>
        tpu.vector_store %arg6[%swap3A_281, %swap3A_282, %swap3A_283, %swap3A_284], %swap3A_287 {strides = array<i32>} : memref<2x8x256x1024xf32, #tpu.memory_space<vmem>>, vector<1x1x256x1024xf32>,
      } else {
      }
      %gt3A_239 = arith.constant 4 : i32
      %gt3A_240 = arith.cmpi sgt, %get3A_199, %gt3A_239 : i32
      %convert_element_type3A_241 = arith.extui %gt3A_240 : i1 to i32
      %cond3A_242 = arith.constant 0 : i32
      %cond3A_243 = arith.cmpi ne, %convert_element_type3A_241, %cond3A_242 : i32
      scf.if %cond3A_243 {
        %dma_start3A = arith.constant 4 : i32
        %dma_start3A_279 = arith.constant 4 : i32
        %dma_start3A_280 = arith.constant 4 : i32
        %dma_start3A_281 = tpu.memref_slice %arg10[%sub3A_197, %dma_start3A_280] : memref<2x8x!tpu.dma_semaphore, #tpu.memory_space<semaphore_mem>> -> memref<1x1x!tpu.dma_semaphore, #tpu.memory_space<semaphore_mem>>
        %dma_start3A_282 = tpu.memref_squeeze %dma_start3A_281 : memref<1x1x!tpu.dma_semaphore, #tpu.memory_space<semaphore_mem>> -> memref<!tpu.dma_semaphore, #tpu.memory_space<semaphore_mem>>
        %dma_start3A_283 = arith.constant 0 : i32
        %dma_start3A_284 = arith.constant 0 : i32
        %dma_start3A_285 = tpu.memref_slice %arg6[%sub3A_197, %dma_start3A_279, %dma_start3A_283, %dma_start3A_284] : memref<2x8x256x1024xf32, #tpu.memory_space<vmem>> -> memref<1x1x256x1024xf32, #tpu.memory_space<vmem>>
        %dma_start3A_286 = tpu.memref_squeeze %dma_start3A_285 : memref<1x1x256x1024xf32, #tpu.memory_space<vmem>> -> memref<256x1024xf32, #tpu.memory_space<vmem>>
        %dma_start3A_287 = arith.constant 0 : i32
        %dma_start3A_288 = arith.constant 0 : i32
        %dma_start3A_289 = tpu.memref_slice %arg3[%add3A_196, %dma_start3A, %dma_start3A_287, %dma_start3A_288] : memref<8x8x256x1024xf32, #tpu.memory_space<hbm>> -> memref<1x1x256x1024xf32, #tpu.memory_space<hbm>>
        %dma_start3A_290 = tpu.memref_squeeze %dma_start3A_289 : memref<1x1x256x1024xf32, #tpu.memory_space<hbm>> -> memref<256x1024xf32, #tpu.memory_space<hbm>>
        tpu.enqueue_dma source(%dma_start3A_290 : memref<256x1024xf32, #tpu.memory_space<hbm>>) target(%dma_start3A_286 : memref<256x1024xf32, #tpu.memory_space<vmem>>) target_semaphore(%dma_start3A_282 : memref<!tpu.dma_semaphore, #tpu.memory_space<semaphore_mem>>)
      } else {
      }
      %le3A_244 = arith.constant 4 : i32
      %le3A_245 = arith.cmpi sle, %get3A_199, %le3A_244 : i32
      %convert_element_type3A_246 = arith.extui %le3A_245 : i1 to i32
      %cond3A_247 = arith.constant 0 : i32
      %cond3A_248 = arith.cmpi ne, %convert_element_type3A_246, %cond3A_247 : i32
      scf.if %cond3A_248 {
        %broadcast_in_dim3A_279 = arith.constant 0.000000e+00 : f32
        %broadcast_in_dim3A_280 = vector.broadcast %broadcast_in_dim3A_279 : f32 to vector<256x1024xf32>
        %swap3A_281 = arith.index_cast %sub3A_197 : i32 to index
        %swap3A_282 = arith.constant 4 : index
        %swap3A_283 = arith.constant 0 : index
        %swap3A_284 = arith.constant 0 : index
        %swap3A_285 = vector.load %arg6[%swap3A_281, %swap3A_282, %swap3A_283, %swap3A_284] : memref<2x8x256x1024xf32, #tpu.memory_space<vmem>>, vector<1x1x256x1024xf32>
        %swap3A_286 = vector.shape_cast %swap3A_285 : vector<1x1x256x1024xf32> to vector<256x1024xf32>
        %swap3A_287 = vector.shape_cast %broadcast_in_dim3A_280 : vector<256x1024xf32> to vector<1x1x256x1024xf32>
        tpu.vector_store %arg6[%swap3A_281, %swap3A_282, %swap3A_283, %swap3A_284], %swap3A_287 {strides = array<i32>} : memref<2x8x256x1024xf32, #tpu.memory_space<vmem>>, vector<1x1x256x1024xf32>,
      } else {
      }
      %gt3A_249 = arith.constant 5 : i32
      %gt3A_250 = arith.cmpi sgt, %get3A_199, %gt3A_249 : i32
      %convert_element_type3A_251 = arith.extui %gt3A_250 : i1 to i32
      %cond3A_252 = arith.constant 0 : i32
      %cond3A_253 = arith.cmpi ne, %convert_element_type3A_251, %cond3A_252 : i32
      scf.if %cond3A_253 {
        %dma_start3A = arith.constant 5 : i32
        %dma_start3A_279 = arith.constant 5 : i32
        %dma_start3A_280 = arith.constant 5 : i32
        %dma_start3A_281 = tpu.memref_slice %arg10[%sub3A_197, %dma_start3A_280] : memref<2x8x!tpu.dma_semaphore, #tpu.memory_space<semaphore_mem>> -> memref<1x1x!tpu.dma_semaphore, #tpu.memory_space<semaphore_mem>>
        %dma_start3A_282 = tpu.memref_squeeze %dma_start3A_281 : memref<1x1x!tpu.dma_semaphore, #tpu.memory_space<semaphore_mem>> -> memref<!tpu.dma_semaphore, #tpu.memory_space<semaphore_mem>>
        %dma_start3A_283 = arith.constant 0 : i32
        %dma_start3A_284 = arith.constant 0 : i32
        %dma_start3A_285 = tpu.memref_slice %arg6[%sub3A_197, %dma_start3A_279, %dma_start3A_283, %dma_start3A_284] : memref<2x8x256x1024xf32, #tpu.memory_space<vmem>> -> memref<1x1x256x1024xf32, #tpu.memory_space<vmem>>
        %dma_start3A_286 = tpu.memref_squeeze %dma_start3A_285 : memref<1x1x256x1024xf32, #tpu.memory_space<vmem>> -> memref<256x1024xf32, #tpu.memory_space<vmem>>
        %dma_start3A_287 = arith.constant 0 : i32
        %dma_start3A_288 = arith.constant 0 : i32
        %dma_start3A_289 = tpu.memref_slice %arg3[%add3A_196, %dma_start3A, %dma_start3A_287, %dma_start3A_288] : memref<8x8x256x1024xf32, #tpu.memory_space<hbm>> -> memref<1x1x256x1024xf32, #tpu.memory_space<hbm>>
        %dma_start3A_290 = tpu.memref_squeeze %dma_start3A_289 : memref<1x1x256x1024xf32, #tpu.memory_space<hbm>> -> memref<256x1024xf32, #tpu.memory_space<hbm>>
        tpu.enqueue_dma source(%dma_start3A_290 : memref<256x1024xf32, #tpu.memory_space<hbm>>) target(%dma_start3A_286 : memref<256x1024xf32, #tpu.memory_space<vmem>>) target_semaphore(%dma_start3A_282 : memref<!tpu.dma_semaphore, #tpu.memory_space<semaphore_mem>>)
      } else {
      }
      %le3A_254 = arith.constant 5 : i32
      %le3A_255 = arith.cmpi sle, %get3A_199, %le3A_254 : i32
      %convert_element_type3A_256 = arith.extui %le3A_255 : i1 to i32
      %cond3A_257 = arith.constant 0 : i32
      %cond3A_258 = arith.cmpi ne, %convert_element_type3A_256, %cond3A_257 : i32
      scf.if %cond3A_258 {
        %broadcast_in_dim3A_279 = arith.constant 0.000000e+00 : f32
        %broadcast_in_dim3A_280 = vector.broadcast %broadcast_in_dim3A_279 : f32 to vector<256x1024xf32>
        %swap3A_281 = arith.index_cast %sub3A_197 : i32 to index
        %swap3A_282 = arith.constant 5 : index
        %swap3A_283 = arith.constant 0 : index
        %swap3A_284 = arith.constant 0 : index
        %swap3A_285 = vector.load %arg6[%swap3A_281, %swap3A_282, %swap3A_283, %swap3A_284] : memref<2x8x256x1024xf32, #tpu.memory_space<vmem>>, vector<1x1x256x1024xf32>
        %swap3A_286 = vector.shape_cast %swap3A_285 : vector<1x1x256x1024xf32> to vector<256x1024xf32>
        %swap3A_287 = vector.shape_cast %broadcast_in_dim3A_280 : vector<256x1024xf32> to vector<1x1x256x1024xf32>
        tpu.vector_store %arg6[%swap3A_281, %swap3A_282, %swap3A_283, %swap3A_284], %swap3A_287 {strides = array<i32>} : memref<2x8x256x1024xf32, #tpu.memory_space<vmem>>, vector<1x1x256x1024xf32>,
      } else {
      }
      %gt3A_259 = arith.constant 6 : i32
      %gt3A_260 = arith.cmpi sgt, %get3A_199, %gt3A_259 : i32
      %convert_element_type3A_261 = arith.extui %gt3A_260 : i1 to i32
      %cond3A_262 = arith.constant 0 : i32
      %cond3A_263 = arith.cmpi ne, %convert_element_type3A_261, %cond3A_262 : i32
      scf.if %cond3A_263 {
        %dma_start3A = arith.constant 6 : i32
        %dma_start3A_279 = arith.constant 6 : i32
        %dma_start3A_280 = arith.constant 6 : i32
        %dma_start3A_281 = tpu.memref_slice %arg10[%sub3A_197, %dma_start3A_280] : memref<2x8x!tpu.dma_semaphore, #tpu.memory_space<semaphore_mem>> -> memref<1x1x!tpu.dma_semaphore, #tpu.memory_space<semaphore_mem>>
        %dma_start3A_282 = tpu.memref_squeeze %dma_start3A_281 : memref<1x1x!tpu.dma_semaphore, #tpu.memory_space<semaphore_mem>> -> memref<!tpu.dma_semaphore, #tpu.memory_space<semaphore_mem>>
        %dma_start3A_283 = arith.constant 0 : i32
        %dma_start3A_284 = arith.constant 0 : i32
        %dma_start3A_285 = tpu.memref_slice %arg6[%sub3A_197, %dma_start3A_279, %dma_start3A_283, %dma_start3A_284] : memref<2x8x256x1024xf32, #tpu.memory_space<vmem>> -> memref<1x1x256x1024xf32, #tpu.memory_space<vmem>>
        %dma_start3A_286 = tpu.memref_squeeze %dma_start3A_285 : memref<1x1x256x1024xf32, #tpu.memory_space<vmem>> -> memref<256x1024xf32, #tpu.memory_space<vmem>>
        %dma_start3A_287 = arith.constant 0 : i32
        %dma_start3A_288 = arith.constant 0 : i32
        %dma_start3A_289 = tpu.memref_slice %arg3[%add3A_196, %dma_start3A, %dma_start3A_287, %dma_start3A_288] : memref<8x8x256x1024xf32, #tpu.memory_space<hbm>> -> memref<1x1x256x1024xf32, #tpu.memory_space<hbm>>
        %dma_start3A_290 = tpu.memref_squeeze %dma_start3A_289 : memref<1x1x256x1024xf32, #tpu.memory_space<hbm>> -> memref<256x1024xf32, #tpu.memory_space<hbm>>
        tpu.enqueue_dma source(%dma_start3A_290 : memref<256x1024xf32, #tpu.memory_space<hbm>>) target(%dma_start3A_286 : memref<256x1024xf32, #tpu.memory_space<vmem>>) target_semaphore(%dma_start3A_282 : memref<!tpu.dma_semaphore, #tpu.memory_space<semaphore_mem>>)
      } else {
      }
      %le3A_264 = arith.constant 6 : i32
      %le3A_265 = arith.cmpi sle, %get3A_199, %le3A_264 : i32
      %convert_element_type3A_266 = arith.extui %le3A_265 : i1 to i32
      %cond3A_267 = arith.constant 0 : i32
      %cond3A_268 = arith.cmpi ne, %convert_element_type3A_266, %cond3A_267 : i32
      scf.if %cond3A_268 {
        %broadcast_in_dim3A_279 = arith.constant 0.000000e+00 : f32
        %broadcast_in_dim3A_280 = vector.broadcast %broadcast_in_dim3A_279 : f32 to vector<256x1024xf32>
        %swap3A_281 = arith.index_cast %sub3A_197 : i32 to index
        %swap3A_282 = arith.constant 6 : index
        %swap3A_283 = arith.constant 0 : index
        %swap3A_284 = arith.constant 0 : index
        %swap3A_285 = vector.load %arg6[%swap3A_281, %swap3A_282, %swap3A_283, %swap3A_284] : memref<2x8x256x1024xf32, #tpu.memory_space<vmem>>, vector<1x1x256x1024xf32>
        %swap3A_286 = vector.shape_cast %swap3A_285 : vector<1x1x256x1024xf32> to vector<256x1024xf32>
        %swap3A_287 = vector.shape_cast %broadcast_in_dim3A_280 : vector<256x1024xf32> to vector<1x1x256x1024xf32>
        tpu.vector_store %arg6[%swap3A_281, %swap3A_282, %swap3A_283, %swap3A_284], %swap3A_287 {strides = array<i32>} : memref<2x8x256x1024xf32, #tpu.memory_space<vmem>>, vector<1x1x256x1024xf32>,
      } else {
      }
      %gt3A_269 = arith.constant 7 : i32
      %gt3A_270 = arith.cmpi sgt, %get3A_199, %gt3A_269 : i32
      %convert_element_type3A_271 = arith.extui %gt3A_270 : i1 to i32
      %cond3A_272 = arith.constant 0 : i32
      %cond3A_273 = arith.cmpi ne, %convert_element_type3A_271, %cond3A_272 : i32
      scf.if %cond3A_273 {
        %dma_start3A = arith.constant 7 : i32
        %dma_start3A_279 = arith.constant 7 : i32
        %dma_start3A_280 = arith.constant 7 : i32
        %dma_start3A_281 = tpu.memref_slice %arg10[%sub3A_197, %dma_start3A_280] : memref<2x8x!tpu.dma_semaphore, #tpu.memory_space<semaphore_mem>> -> memref<1x1x!tpu.dma_semaphore, #tpu.memory_space<semaphore_mem>>
        %dma_start3A_282 = tpu.memref_squeeze %dma_start3A_281 : memref<1x1x!tpu.dma_semaphore, #tpu.memory_space<semaphore_mem>> -> memref<!tpu.dma_semaphore, #tpu.memory_space<semaphore_mem>>
        %dma_start3A_283 = arith.constant 0 : i32
        %dma_start3A_284 = arith.constant 0 : i32
        %dma_start3A_285 = tpu.memref_slice %arg6[%sub3A_197, %dma_start3A_279, %dma_start3A_283, %dma_start3A_284] : memref<2x8x256x1024xf32, #tpu.memory_space<vmem>> -> memref<1x1x256x1024xf32, #tpu.memory_space<vmem>>
        %dma_start3A_286 = tpu.memref_squeeze %dma_start3A_285 : memref<1x1x256x1024xf32, #tpu.memory_space<vmem>> -> memref<256x1024xf32, #tpu.memory_space<vmem>>
        %dma_start3A_287 = arith.constant 0 : i32
        %dma_start3A_288 = arith.constant 0 : i32
        %dma_start3A_289 = tpu.memref_slice %arg3[%add3A_196, %dma_start3A, %dma_start3A_287, %dma_start3A_288] : memref<8x8x256x1024xf32, #tpu.memory_space<hbm>> -> memref<1x1x256x1024xf32, #tpu.memory_space<hbm>>
        %dma_start3A_290 = tpu.memref_squeeze %dma_start3A_289 : memref<1x1x256x1024xf32, #tpu.memory_space<hbm>> -> memref<256x1024xf32, #tpu.memory_space<hbm>>
        tpu.enqueue_dma source(%dma_start3A_290 : memref<256x1024xf32, #tpu.memory_space<hbm>>) target(%dma_start3A_286 : memref<256x1024xf32, #tpu.memory_space<vmem>>) target_semaphore(%dma_start3A_282 : memref<!tpu.dma_semaphore, #tpu.memory_space<semaphore_mem>>)
      } else {
      }
      %le3A_274 = arith.constant 7 : i32
      %le3A_275 = arith.cmpi sle, %get3A_199, %le3A_274 : i32
      %convert_element_type3A_276 = arith.extui %le3A_275 : i1 to i32
      %cond3A_277 = arith.constant 0 : i32
      %cond3A_278 = arith.cmpi ne, %convert_element_type3A_276, %cond3A_277 : i32
      scf.if %cond3A_278 {
        %broadcast_in_dim3A_279 = arith.constant 0.000000e+00 : f32
        %broadcast_in_dim3A_280 = vector.broadcast %broadcast_in_dim3A_279 : f32 to vector<256x1024xf32>
        %swap3A_281 = arith.index_cast %sub3A_197 : i32 to index
        %swap3A_282 = arith.constant 7 : index
        %swap3A_283 = arith.constant 0 : index
        %swap3A_284 = arith.constant 0 : index
        %swap3A_285 = vector.load %arg6[%swap3A_281, %swap3A_282, %swap3A_283, %swap3A_284] : memref<2x8x256x1024xf32, #tpu.memory_space<vmem>>, vector<1x1x256x1024xf32>
        %swap3A_286 = vector.shape_cast %swap3A_285 : vector<1x1x256x1024xf32> to vector<256x1024xf32>
        %swap3A_287 = vector.shape_cast %broadcast_in_dim3A_280 : vector<256x1024xf32> to vector<1x1x256x1024xf32>
        tpu.vector_store %arg6[%swap3A_281, %swap3A_282, %swap3A_283, %swap3A_284], %swap3A_287 {strides = array<i32>} : memref<2x8x256x1024xf32, #tpu.memory_space<vmem>>, vector<1x1x256x1024xf32>,
      } else {
      }
    } else {
    }
    %get3A = arith.index_cast %arg0 : i32 to index
    %get3A_13 = memref.load %arg2[%get3A] : memref<8xi32, #tpu.memory_space<smem>>
    %gt3A = arith.constant 0 : i32
    %gt3A_14 = arith.cmpi sgt, %get3A_13, %gt3A : i32
    %convert_element_type3A_15 = arith.extui %gt3A_14 : i1 to i32
    %cond3A_16 = arith.constant 0 : i32
    %cond3A_17 = arith.cmpi ne, %convert_element_type3A_15, %cond3A_16 : i32
    scf.if %cond3A_17 {
      %dma_wait3A = arith.constant 0 : i32
      %dma_wait3A_195 = arith.constant 0 : i32
      %dma_wait3A_196 = arith.constant 0 : i32
      %dma_wait3A_197 = tpu.memref_slice %arg10[%rem3A_0, %dma_wait3A_196] : memref<2x8x!tpu.dma_semaphore, #tpu.memory_space<semaphore_mem>> -> memref<1x1x!tpu.dma_semaphore, #tpu.memory_space<semaphore_mem>>
      %dma_wait3A_198 = tpu.memref_squeeze %dma_wait3A_197 : memref<1x1x!tpu.dma_semaphore, #tpu.memory_space<semaphore_mem>> -> memref<!tpu.dma_semaphore, #tpu.memory_space<semaphore_mem>>
      %dma_wait3A_199 = arith.constant 0 : i32
      %dma_wait3A_200 = arith.constant 0 : i32
      %dma_wait3A_201 = tpu.memref_slice %arg6[%rem3A_0, %dma_wait3A_195, %dma_wait3A_199, %dma_wait3A_200] : memref<2x8x256x1024xf32, #tpu.memory_space<vmem>> -> memref<1x1x256x1024xf32, #tpu.memory_space<vmem>>
      %dma_wait3A_202 = tpu.memref_squeeze %dma_wait3A_201 : memref<1x1x256x1024xf32, #tpu.memory_space<vmem>> -> memref<256x1024xf32, #tpu.memory_space<vmem>>
      %dma_wait3A_203 = arith.constant 0 : i32
      %dma_wait3A_204 = arith.constant 0 : i32
      %dma_wait3A_205 = tpu.memref_slice %arg3[%arg0, %dma_wait3A, %dma_wait3A_203, %dma_wait3A_204] : memref<8x8x256x1024xf32, #tpu.memory_space<hbm>> -> memref<1x1x256x1024xf32, #tpu.memory_space<hbm>>
      %dma_wait3A_206 = tpu.memref_squeeze %dma_wait3A_205 : memref<1x1x256x1024xf32, #tpu.memory_space<hbm>> -> memref<256x1024xf32, #tpu.memory_space<hbm>>
      tpu.wait_dma2 semaphore(%dma_wait3A_198 : memref<!tpu.dma_semaphore, #tpu.memory_space<semaphore_mem>>) src(%dma_wait3A_206 : memref<256x1024xf32, #tpu.memory_space<hbm>>) dst(%dma_wait3A_202 : memref<256x1024xf32, #tpu.memory_space<vmem>>)
    } else {
    }
    %gt3A_18 = arith.constant 1 : i32
    %gt3A_19 = arith.cmpi sgt, %get3A_13, %gt3A_18 : i32
    %convert_element_type3A_20 = arith.extui %gt3A_19 : i1 to i32
    %cond3A_21 = arith.constant 0 : i32
    %cond3A_22 = arith.cmpi ne, %convert_element_type3A_20, %cond3A_21 : i32
    scf.if %cond3A_22 {
      %dma_wait3A = arith.constant 1 : i32
      %dma_wait3A_195 = arith.constant 1 : i32
      %dma_wait3A_196 = arith.constant 1 : i32
      %dma_wait3A_197 = tpu.memref_slice %arg10[%rem3A_0, %dma_wait3A_196] : memref<2x8x!tpu.dma_semaphore, #tpu.memory_space<semaphore_mem>> -> memref<1x1x!tpu.dma_semaphore, #tpu.memory_space<semaphore_mem>>
      %dma_wait3A_198 = tpu.memref_squeeze %dma_wait3A_197 : memref<1x1x!tpu.dma_semaphore, #tpu.memory_space<semaphore_mem>> -> memref<!tpu.dma_semaphore, #tpu.memory_space<semaphore_mem>>
      %dma_wait3A_199 = arith.constant 0 : i32
      %dma_wait3A_200 = arith.constant 0 : i32
      %dma_wait3A_201 = tpu.memref_slice %arg6[%rem3A_0, %dma_wait3A_195, %dma_wait3A_199, %dma_wait3A_200] : memref<2x8x256x1024xf32, #tpu.memory_space<vmem>> -> memref<1x1x256x1024xf32, #tpu.memory_space<vmem>>
      %dma_wait3A_202 = tpu.memref_squeeze %dma_wait3A_201 : memref<1x1x256x1024xf32, #tpu.memory_space<vmem>> -> memref<256x1024xf32, #tpu.memory_space<vmem>>
      %dma_wait3A_203 = arith.constant 0 : i32
      %dma_wait3A_204 = arith.constant 0 : i32
      %dma_wait3A_205 = tpu.memref_slice %arg3[%arg0, %dma_wait3A, %dma_wait3A_203, %dma_wait3A_204] : memref<8x8x256x1024xf32, #tpu.memory_space<hbm>> -> memref<1x1x256x1024xf32, #tpu.memory_space<hbm>>
      %dma_wait3A_206 = tpu.memref_squeeze %dma_wait3A_205 : memref<1x1x256x1024xf32, #tpu.memory_space<hbm>> -> memref<256x1024xf32, #tpu.memory_space<hbm>>
      tpu.wait_dma2 semaphore(%dma_wait3A_198 : memref<!tpu.dma_semaphore, #tpu.memory_space<semaphore_mem>>) src(%dma_wait3A_206 : memref<256x1024xf32, #tpu.memory_space<hbm>>) dst(%dma_wait3A_202 : memref<256x1024xf32, #tpu.memory_space<vmem>>)
    } else {
    }
    %gt3A_23 = arith.constant 2 : i32
    %gt3A_24 = arith.cmpi sgt, %get3A_13, %gt3A_23 : i32
    %convert_element_type3A_25 = arith.extui %gt3A_24 : i1 to i32
    %cond3A_26 = arith.constant 0 : i32
    %cond3A_27 = arith.cmpi ne, %convert_element_type3A_25, %cond3A_26 : i32
    scf.if %cond3A_27 {
      %dma_wait3A = arith.constant 2 : i32
      %dma_wait3A_195 = arith.constant 2 : i32
      %dma_wait3A_196 = arith.constant 2 : i32
      %dma_wait3A_197 = tpu.memref_slice %arg10[%rem3A_0, %dma_wait3A_196] : memref<2x8x!tpu.dma_semaphore, #tpu.memory_space<semaphore_mem>> -> memref<1x1x!tpu.dma_semaphore, #tpu.memory_space<semaphore_mem>>
      %dma_wait3A_198 = tpu.memref_squeeze %dma_wait3A_197 : memref<1x1x!tpu.dma_semaphore, #tpu.memory_space<semaphore_mem>> -> memref<!tpu.dma_semaphore, #tpu.memory_space<semaphore_mem>>
      %dma_wait3A_199 = arith.constant 0 : i32
      %dma_wait3A_200 = arith.constant 0 : i32
      %dma_wait3A_201 = tpu.memref_slice %arg6[%rem3A_0, %dma_wait3A_195, %dma_wait3A_199, %dma_wait3A_200] : memref<2x8x256x1024xf32, #tpu.memory_space<vmem>> -> memref<1x1x256x1024xf32, #tpu.memory_space<vmem>>
      %dma_wait3A_202 = tpu.memref_squeeze %dma_wait3A_201 : memref<1x1x256x1024xf32, #tpu.memory_space<vmem>> -> memref<256x1024xf32, #tpu.memory_space<vmem>>
      %dma_wait3A_203 = arith.constant 0 : i32
      %dma_wait3A_204 = arith.constant 0 : i32
      %dma_wait3A_205 = tpu.memref_slice %arg3[%arg0, %dma_wait3A, %dma_wait3A_203, %dma_wait3A_204] : memref<8x8x256x1024xf32, #tpu.memory_space<hbm>> -> memref<1x1x256x1024xf32, #tpu.memory_space<hbm>>
      %dma_wait3A_206 = tpu.memref_squeeze %dma_wait3A_205 : memref<1x1x256x1024xf32, #tpu.memory_space<hbm>> -> memref<256x1024xf32, #tpu.memory_space<hbm>>
      tpu.wait_dma2 semaphore(%dma_wait3A_198 : memref<!tpu.dma_semaphore, #tpu.memory_space<semaphore_mem>>) src(%dma_wait3A_206 : memref<256x1024xf32, #tpu.memory_space<hbm>>) dst(%dma_wait3A_202 : memref<256x1024xf32, #tpu.memory_space<vmem>>)
    } else {
    }
    %gt3A_28 = arith.constant 3 : i32
    %gt3A_29 = arith.cmpi sgt, %get3A_13, %gt3A_28 : i32
    %convert_element_type3A_30 = arith.extui %gt3A_29 : i1 to i32
    %cond3A_31 = arith.constant 0 : i32
    %cond3A_32 = arith.cmpi ne, %convert_element_type3A_30, %cond3A_31 : i32
    scf.if %cond3A_32 {
      %dma_wait3A = arith.constant 3 : i32
      %dma_wait3A_195 = arith.constant 3 : i32
      %dma_wait3A_196 = arith.constant 3 : i32
      %dma_wait3A_197 = tpu.memref_slice %arg10[%rem3A_0, %dma_wait3A_196] : memref<2x8x!tpu.dma_semaphore, #tpu.memory_space<semaphore_mem>> -> memref<1x1x!tpu.dma_semaphore, #tpu.memory_space<semaphore_mem>>
      %dma_wait3A_198 = tpu.memref_squeeze %dma_wait3A_197 : memref<1x1x!tpu.dma_semaphore, #tpu.memory_space<semaphore_mem>> -> memref<!tpu.dma_semaphore, #tpu.memory_space<semaphore_mem>>
      %dma_wait3A_199 = arith.constant 0 : i32
      %dma_wait3A_200 = arith.constant 0 : i32
      %dma_wait3A_201 = tpu.memref_slice %arg6[%rem3A_0, %dma_wait3A_195, %dma_wait3A_199, %dma_wait3A_200] : memref<2x8x256x1024xf32, #tpu.memory_space<vmem>> -> memref<1x1x256x1024xf32, #tpu.memory_space<vmem>>
      %dma_wait3A_202 = tpu.memref_squeeze %dma_wait3A_201 : memref<1x1x256x1024xf32, #tpu.memory_space<vmem>> -> memref<256x1024xf32, #tpu.memory_space<vmem>>
      %dma_wait3A_203 = arith.constant 0 : i32
      %dma_wait3A_204 = arith.constant 0 : i32
      %dma_wait3A_205 = tpu.memref_slice %arg3[%arg0, %dma_wait3A, %dma_wait3A_203, %dma_wait3A_204] : memref<8x8x256x1024xf32, #tpu.memory_space<hbm>> -> memref<1x1x256x1024xf32, #tpu.memory_space<hbm>>
      %dma_wait3A_206 = tpu.memref_squeeze %dma_wait3A_205 : memref<1x1x256x1024xf32, #tpu.memory_space<hbm>> -> memref<256x1024xf32, #tpu.memory_space<hbm>>
      tpu.wait_dma2 semaphore(%dma_wait3A_198 : memref<!tpu.dma_semaphore, #tpu.memory_space<semaphore_mem>>) src(%dma_wait3A_206 : memref<256x1024xf32, #tpu.memory_space<hbm>>) dst(%dma_wait3A_202 : memref<256x1024xf32, #tpu.memory_space<vmem>>)
    } else {
    }
    %gt3A_33 = arith.constant 4 : i32
    %gt3A_34 = arith.cmpi sgt, %get3A_13, %gt3A_33 : i32
    %convert_element_type3A_35 = arith.extui %gt3A_34 : i1 to i32
    %cond3A_36 = arith.constant 0 : i32
    %cond3A_37 = arith.cmpi ne, %convert_element_type3A_35, %cond3A_36 : i32
    scf.if %cond3A_37 {
      %dma_wait3A = arith.constant 4 : i32
      %dma_wait3A_195 = arith.constant 4 : i32
      %dma_wait3A_196 = arith.constant 4 : i32
      %dma_wait3A_197 = tpu.memref_slice %arg10[%rem3A_0, %dma_wait3A_196] : memref<2x8x!tpu.dma_semaphore, #tpu.memory_space<semaphore_mem>> -> memref<1x1x!tpu.dma_semaphore, #tpu.memory_space<semaphore_mem>>
      %dma_wait3A_198 = tpu.memref_squeeze %dma_wait3A_197 : memref<1x1x!tpu.dma_semaphore, #tpu.memory_space<semaphore_mem>> -> memref<!tpu.dma_semaphore, #tpu.memory_space<semaphore_mem>>
      %dma_wait3A_199 = arith.constant 0 : i32
      %dma_wait3A_200 = arith.constant 0 : i32
      %dma_wait3A_201 = tpu.memref_slice %arg6[%rem3A_0, %dma_wait3A_195, %dma_wait3A_199, %dma_wait3A_200] : memref<2x8x256x1024xf32, #tpu.memory_space<vmem>> -> memref<1x1x256x1024xf32, #tpu.memory_space<vmem>>
      %dma_wait3A_202 = tpu.memref_squeeze %dma_wait3A_201 : memref<1x1x256x1024xf32, #tpu.memory_space<vmem>> -> memref<256x1024xf32, #tpu.memory_space<vmem>>
      %dma_wait3A_203 = arith.constant 0 : i32
      %dma_wait3A_204 = arith.constant 0 : i32
      %dma_wait3A_205 = tpu.memref_slice %arg3[%arg0, %dma_wait3A, %dma_wait3A_203, %dma_wait3A_204] : memref<8x8x256x1024xf32, #tpu.memory_space<hbm>> -> memref<1x1x256x1024xf32, #tpu.memory_space<hbm>>
      %dma_wait3A_206 = tpu.memref_squeeze %dma_wait3A_205 : memref<1x1x256x1024xf32, #tpu.memory_space<hbm>> -> memref<256x1024xf32, #tpu.memory_space<hbm>>
      tpu.wait_dma2 semaphore(%dma_wait3A_198 : memref<!tpu.dma_semaphore, #tpu.memory_space<semaphore_mem>>) src(%dma_wait3A_206 : memref<256x1024xf32, #tpu.memory_space<hbm>>) dst(%dma_wait3A_202 : memref<256x1024xf32, #tpu.memory_space<vmem>>)
    } else {
    }
    %gt3A_38 = arith.constant 5 : i32
    %gt3A_39 = arith.cmpi sgt, %get3A_13, %gt3A_38 : i32
    %convert_element_type3A_40 = arith.extui %gt3A_39 : i1 to i32
    %cond3A_41 = arith.constant 0 : i32
    %cond3A_42 = arith.cmpi ne, %convert_element_type3A_40, %cond3A_41 : i32
    scf.if %cond3A_42 {
      %dma_wait3A = arith.constant 5 : i32
      %dma_wait3A_195 = arith.constant 5 : i32
      %dma_wait3A_196 = arith.constant 5 : i32
      %dma_wait3A_197 = tpu.memref_slice %arg10[%rem3A_0, %dma_wait3A_196] : memref<2x8x!tpu.dma_semaphore, #tpu.memory_space<semaphore_mem>> -> memref<1x1x!tpu.dma_semaphore, #tpu.memory_space<semaphore_mem>>
      %dma_wait3A_198 = tpu.memref_squeeze %dma_wait3A_197 : memref<1x1x!tpu.dma_semaphore, #tpu.memory_space<semaphore_mem>> -> memref<!tpu.dma_semaphore, #tpu.memory_space<semaphore_mem>>
      %dma_wait3A_199 = arith.constant 0 : i32
      %dma_wait3A_200 = arith.constant 0 : i32
      %dma_wait3A_201 = tpu.memref_slice %arg6[%rem3A_0, %dma_wait3A_195, %dma_wait3A_199, %dma_wait3A_200] : memref<2x8x256x1024xf32, #tpu.memory_space<vmem>> -> memref<1x1x256x1024xf32, #tpu.memory_space<vmem>>
      %dma_wait3A_202 = tpu.memref_squeeze %dma_wait3A_201 : memref<1x1x256x1024xf32, #tpu.memory_space<vmem>> -> memref<256x1024xf32, #tpu.memory_space<vmem>>
      %dma_wait3A_203 = arith.constant 0 : i32
      %dma_wait3A_204 = arith.constant 0 : i32
      %dma_wait3A_205 = tpu.memref_slice %arg3[%arg0, %dma_wait3A, %dma_wait3A_203, %dma_wait3A_204] : memref<8x8x256x1024xf32, #tpu.memory_space<hbm>> -> memref<1x1x256x1024xf32, #tpu.memory_space<hbm>>
      %dma_wait3A_206 = tpu.memref_squeeze %dma_wait3A_205 : memref<1x1x256x1024xf32, #tpu.memory_space<hbm>> -> memref<256x1024xf32, #tpu.memory_space<hbm>>
      tpu.wait_dma2 semaphore(%dma_wait3A_198 : memref<!tpu.dma_semaphore, #tpu.memory_space<semaphore_mem>>) src(%dma_wait3A_206 : memref<256x1024xf32, #tpu.memory_space<hbm>>) dst(%dma_wait3A_202 : memref<256x1024xf32, #tpu.memory_space<vmem>>)
    } else {
    }
    %gt3A_43 = arith.constant 6 : i32
    %gt3A_44 = arith.cmpi sgt, %get3A_13, %gt3A_43 : i32
    %convert_element_type3A_45 = arith.extui %gt3A_44 : i1 to i32
    %cond3A_46 = arith.constant 0 : i32
    %cond3A_47 = arith.cmpi ne, %convert_element_type3A_45, %cond3A_46 : i32
    scf.if %cond3A_47 {
      %dma_wait3A = arith.constant 6 : i32
      %dma_wait3A_195 = arith.constant 6 : i32
      %dma_wait3A_196 = arith.constant 6 : i32
      %dma_wait3A_197 = tpu.memref_slice %arg10[%rem3A_0, %dma_wait3A_196] : memref<2x8x!tpu.dma_semaphore, #tpu.memory_space<semaphore_mem>> -> memref<1x1x!tpu.dma_semaphore, #tpu.memory_space<semaphore_mem>>
      %dma_wait3A_198 = tpu.memref_squeeze %dma_wait3A_197 : memref<1x1x!tpu.dma_semaphore, #tpu.memory_space<semaphore_mem>> -> memref<!tpu.dma_semaphore, #tpu.memory_space<semaphore_mem>>
      %dma_wait3A_199 = arith.constant 0 : i32
      %dma_wait3A_200 = arith.constant 0 : i32
      %dma_wait3A_201 = tpu.memref_slice %arg6[%rem3A_0, %dma_wait3A_195, %dma_wait3A_199, %dma_wait3A_200] : memref<2x8x256x1024xf32, #tpu.memory_space<vmem>> -> memref<1x1x256x1024xf32, #tpu.memory_space<vmem>>
      %dma_wait3A_202 = tpu.memref_squeeze %dma_wait3A_201 : memref<1x1x256x1024xf32, #tpu.memory_space<vmem>> -> memref<256x1024xf32, #tpu.memory_space<vmem>>
      %dma_wait3A_203 = arith.constant 0 : i32
      %dma_wait3A_204 = arith.constant 0 : i32
      %dma_wait3A_205 = tpu.memref_slice %arg3[%arg0, %dma_wait3A, %dma_wait3A_203, %dma_wait3A_204] : memref<8x8x256x1024xf32, #tpu.memory_space<hbm>> -> memref<1x1x256x1024xf32, #tpu.memory_space<hbm>>
      %dma_wait3A_206 = tpu.memref_squeeze %dma_wait3A_205 : memref<1x1x256x1024xf32, #tpu.memory_space<hbm>> -> memref<256x1024xf32, #tpu.memory_space<hbm>>
      tpu.wait_dma2 semaphore(%dma_wait3A_198 : memref<!tpu.dma_semaphore, #tpu.memory_space<semaphore_mem>>) src(%dma_wait3A_206 : memref<256x1024xf32, #tpu.memory_space<hbm>>) dst(%dma_wait3A_202 : memref<256x1024xf32, #tpu.memory_space<vmem>>)
    } else {
    }
    %gt3A_48 = arith.constant 7 : i32
    %gt3A_49 = arith.cmpi sgt, %get3A_13, %gt3A_48 : i32
    %convert_element_type3A_50 = arith.extui %gt3A_49 : i1 to i32
    %cond3A_51 = arith.constant 0 : i32
    %cond3A_52 = arith.cmpi ne, %convert_element_type3A_50, %cond3A_51 : i32
    scf.if %cond3A_52 {
      %dma_wait3A = arith.constant 7 : i32
      %dma_wait3A_195 = arith.constant 7 : i32
      %dma_wait3A_196 = arith.constant 7 : i32
      %dma_wait3A_197 = tpu.memref_slice %arg10[%rem3A_0, %dma_wait3A_196] : memref<2x8x!tpu.dma_semaphore, #tpu.memory_space<semaphore_mem>> -> memref<1x1x!tpu.dma_semaphore, #tpu.memory_space<semaphore_mem>>
      %dma_wait3A_198 = tpu.memref_squeeze %dma_wait3A_197 : memref<1x1x!tpu.dma_semaphore, #tpu.memory_space<semaphore_mem>> -> memref<!tpu.dma_semaphore, #tpu.memory_space<semaphore_mem>>
      %dma_wait3A_199 = arith.constant 0 : i32
      %dma_wait3A_200 = arith.constant 0 : i32
      %dma_wait3A_201 = tpu.memref_slice %arg6[%rem3A_0, %dma_wait3A_195, %dma_wait3A_199, %dma_wait3A_200] : memref<2x8x256x1024xf32, #tpu.memory_space<vmem>> -> memref<1x1x256x1024xf32, #tpu.memory_space<vmem>>
      %dma_wait3A_202 = tpu.memref_squeeze %dma_wait3A_201 : memref<1x1x256x1024xf32, #tpu.memory_space<vmem>> -> memref<256x1024xf32, #tpu.memory_space<vmem>>
      %dma_wait3A_203 = arith.constant 0 : i32
      %dma_wait3A_204 = arith.constant 0 : i32
      %dma_wait3A_205 = tpu.memref_slice %arg3[%arg0, %dma_wait3A, %dma_wait3A_203, %dma_wait3A_204] : memref<8x8x256x1024xf32, #tpu.memory_space<hbm>> -> memref<1x1x256x1024xf32, #tpu.memory_space<hbm>>
      %dma_wait3A_206 = tpu.memref_squeeze %dma_wait3A_205 : memref<1x1x256x1024xf32, #tpu.memory_space<hbm>> -> memref<256x1024xf32, #tpu.memory_space<hbm>>
      tpu.wait_dma2 semaphore(%dma_wait3A_198 : memref<!tpu.dma_semaphore, #tpu.memory_space<semaphore_mem>>) src(%dma_wait3A_206 : memref<256x1024xf32, #tpu.memory_space<hbm>>) dst(%dma_wait3A_202 : memref<256x1024xf32, #tpu.memory_space<vmem>>)
    } else {
    }
    %swap3A = arith.constant 0 : i32
    %swap3A_53 = arith.constant 0 : index
    %swap3A_54 = memref.load %arg8[%swap3A_53] : memref<1xi32, #tpu.memory_space<smem>>
    memref.store %swap3A, %arg8[%swap3A_53] : memref<1xi32, #tpu.memory_space<smem>>
    %broadcast_in_dim3A = arith.constant 32768 : i32
    %broadcast_in_dim3A_55 = vector.broadcast %broadcast_in_dim3A : i32 to vector<1x256xi32>
    %swap3A_56 = arith.constant 0 : index
    %swap3A_57 = arith.constant 0 : index
    %swap3A_58 = arith.constant 0 : index
    %swap3A_59 = vector.load %arg5[%swap3A_56, %swap3A_57, %swap3A_58] : memref<1x1x256xi32, #tpu.memory_space<vmem>>, vector<1x1x256xi32>
    %swap3A_60 = vector.shape_cast %swap3A_59 : vector<1x1x256xi32> to vector<1x256xi32>
    %swap3A_61 = vector.shape_cast %broadcast_in_dim3A_55 : vector<1x256xi32> to vector<1x1x256xi32>
    tpu.vector_store %arg5[%swap3A_56, %swap3A_57, %swap3A_58], %swap3A_61 {strides = array<i32>} : memref<1x1x256xi32, #tpu.memory_space<vmem>>, vector<1x1x256xi32>,
    %get3A_62 = arith.constant 0 : index
    %get3A_63 = memref.load %arg8[%get3A_62] : memref<1xi32, #tpu.memory_space<smem>>
    %lt3A_64 = arith.constant 256 : i32
    %lt3A_65 = arith.cmpi slt, %get3A_63, %lt3A_64 : i32
    %convert_element_type3A_66 = arith.extui %lt3A_65 : i1 to i32
    %cond3A_67 = arith.constant 0xFF800000 : f32
    %cond3A_68 = arith.constant 0 : i32
    %cond3A_69 = arith.cmpi ne, %convert_element_type3A_66, %cond3A_68 : i32
    scf.if %cond3A_69 {
      %get3A_195 = arith.constant 0 : index
      %get3A_196 = memref.load %arg8[%get3A_195] : memref<1xi32, #tpu.memory_space<smem>>
      %get3A_197 = arith.index_cast %arg0 : i32 to index
      %get3A_198 = arith.constant 0 : index
      %get3A_199 = arith.constant 0 : index
      %get3A_200 = memref.load %arg1[%get3A_197, %get3A_198, %get3A_199] : memref<8x16x9xf32, #tpu.memory_space<smem>>
      %get3A_201 = arith.index_cast %arg0 : i32 to index
      %get3A_202 = arith.constant 0 : index
      %get3A_203 = arith.constant 1 : index
      %get3A_204 = memref.load %arg1[%get3A_201, %get3A_202, %get3A_203] : memref<8x16x9xf32, #tpu.memory_space<smem>>
      %get3A_205 = arith.index_cast %rem3A_0 : i32 to index
      %get3A_206 = arith.constant 0 : index
      %get3A_207 = arith.constant 0 : index
      %get3A_208 = arith.constant 0 : index
      %get3A_209 = vector.load %arg6[%get3A_205, %get3A_206, %get3A_207, %get3A_208] : memref<2x8x256x1024xf32, #tpu.memory_space<vmem>>, vector<1x1x256x1024xf32>
      %get3A_210 = vector.shape_cast %get3A_209 : vector<1x1x256x1024xf32> to vector<256x1024xf32>
      %mul3A = vector.broadcast %get3A_204 : f32 to vector<256x1024xf32>
      %mul3A_211 = arith.mulf %mul3A, %get3A_210 : vector<256x1024xf32>
      %get3A_212 = arith.index_cast %arg0 : i32 to index
      %get3A_213 = arith.constant 0 : index
      %get3A_214 = arith.constant 2 : index
      %get3A_215 = memref.load %arg1[%get3A_212, %get3A_213, %get3A_214] : memref<8x16x9xf32, #tpu.memory_space<smem>>
      %get3A_216 = arith.index_cast %rem3A_0 : i32 to index
      %get3A_217 = arith.constant 1 : index
      %get3A_218 = arith.constant 0 : index
      %get3A_219 = arith.constant 0 : index
      %get3A_220 = vector.load %arg6[%get3A_216, %get3A_217, %get3A_218, %get3A_219] : memref<2x8x256x1024xf32, #tpu.memory_space<vmem>>, vector<1x1x256x1024xf32>
      %get3A_221 = vector.shape_cast %get3A_220 : vector<1x1x256x1024xf32> to vector<256x1024xf32>
      %mul3A_222 = vector.broadcast %get3A_215 : f32 to vector<256x1024xf32>
      %mul3A_223 = arith.mulf %mul3A_222, %get3A_221 : vector<256x1024xf32>
      %add3A_224 = arith.addf %mul3A_211, %mul3A_223 : vector<256x1024xf32>
      %get3A_225 = arith.index_cast %arg0 : i32 to index
      %get3A_226 = arith.constant 0 : index
      %get3A_227 = arith.constant 3 : index
      %get3A_228 = memref.load %arg1[%get3A_225, %get3A_226, %get3A_227] : memref<8x16x9xf32, #tpu.memory_space<smem>>
      %get3A_229 = arith.index_cast %rem3A_0 : i32 to index
      %get3A_230 = arith.constant 2 : index
      %get3A_231 = arith.constant 0 : index
      %get3A_232 = arith.constant 0 : index
      %get3A_233 = vector.load %arg6[%get3A_229, %get3A_230, %get3A_231, %get3A_232] : memref<2x8x256x1024xf32, #tpu.memory_space<vmem>>, vector<1x1x256x1024xf32>
      %get3A_234 = vector.shape_cast %get3A_233 : vector<1x1x256x1024xf32> to vector<256x1024xf32>
      %mul3A_235 = vector.broadcast %get3A_228 : f32 to vector<256x1024xf32>
      %mul3A_236 = arith.mulf %mul3A_235, %get3A_234 : vector<256x1024xf32>
      %add3A_237 = arith.addf %add3A_224, %mul3A_236 : vector<256x1024xf32>
      %get3A_238 = arith.index_cast %arg0 : i32 to index
      %get3A_239 = arith.constant 0 : index
      %get3A_240 = arith.constant 4 : index
      %get3A_241 = memref.load %arg1[%get3A_238, %get3A_239, %get3A_240] : memref<8x16x9xf32, #tpu.memory_space<smem>>
      %get3A_242 = arith.index_cast %rem3A_0 : i32 to index
      %get3A_243 = arith.constant 3 : index
      %get3A_244 = arith.constant 0 : index
      %get3A_245 = arith.constant 0 : index
      %get3A_246 = vector.load %arg6[%get3A_242, %get3A_243, %get3A_244, %get3A_245] : memref<2x8x256x1024xf32, #tpu.memory_space<vmem>>, vector<1x1x256x1024xf32>
      %get3A_247 = vector.shape_cast %get3A_246 : vector<1x1x256x1024xf32> to vector<256x1024xf32>
      %mul3A_248 = vector.broadcast %get3A_241 : f32 to vector<256x1024xf32>
      %mul3A_249 = arith.mulf %mul3A_248, %get3A_247 : vector<256x1024xf32>
      %add3A_250 = arith.addf %add3A_237, %mul3A_249 : vector<256x1024xf32>
      %get3A_251 = arith.index_cast %arg0 : i32 to index
      %get3A_252 = arith.constant 0 : index
      %get3A_253 = arith.constant 5 : index
      %get3A_254 = memref.load %arg1[%get3A_251, %get3A_252, %get3A_253] : memref<8x16x9xf32, #tpu.memory_space<smem>>
      %get3A_255 = arith.index_cast %rem3A_0 : i32 to index
      %get3A_256 = arith.constant 4 : index
      %get3A_257 = arith.constant 0 : index
      %get3A_258 = arith.constant 0 : index
      %get3A_259 = vector.load %arg6[%get3A_255, %get3A_256, %get3A_257, %get3A_258] : memref<2x8x256x1024xf32, #tpu.memory_space<vmem>>, vector<1x1x256x1024xf32>
      %get3A_260 = vector.shape_cast %get3A_259 : vector<1x1x256x1024xf32> to vector<256x1024xf32>
      %mul3A_261 = vector.broadcast %get3A_254 : f32 to vector<256x1024xf32>
      %mul3A_262 = arith.mulf %mul3A_261, %get3A_260 : vector<256x1024xf32>
      %add3A_263 = arith.addf %add3A_250, %mul3A_262 : vector<256x1024xf32>
      %get3A_264 = arith.index_cast %arg0 : i32 to index
      %get3A_265 = arith.constant 0 : index
      %get3A_266 = arith.constant 6 : index
      %get3A_267 = memref.load %arg1[%get3A_264, %get3A_265, %get3A_266] : memref<8x16x9xf32, #tpu.memory_space<smem>>
      %get3A_268 = arith.index_cast %rem3A_0 : i32 to index
      %get3A_269 = arith.constant 5 : index
      %get3A_270 = arith.constant 0 : index
      %get3A_271 = arith.constant 0 : index
      %get3A_272 = vector.load %arg6[%get3A_268, %get3A_269, %get3A_270, %get3A_271] : memref<2x8x256x1024xf32, #tpu.memory_space<vmem>>, vector<1x1x256x1024xf32>
      %get3A_273 = vector.shape_cast %get3A_272 : vector<1x1x256x1024xf32> to vector<256x1024xf32>
      %mul3A_274 = vector.broadcast %get3A_267 : f32 to vector<256x1024xf32>
      %mul3A_275 = arith.mulf %mul3A_274, %get3A_273 : vector<256x1024xf32>
      %add3A_276 = arith.addf %add3A_263, %mul3A_275 : vector<256x1024xf32>
      %get3A_277 = arith.index_cast %arg0 : i32 to index
      %get3A_278 = arith.constant 0 : index
      %get3A_279 = arith.constant 7 : index
      %get3A_280 = memref.load %arg1[%get3A_277, %get3A_278, %get3A_279] : memref<8x16x9xf32, #tpu.memory_space<smem>>
      %get3A_281 = arith.index_cast %rem3A_0 : i32 to index
      %get3A_282 = arith.constant 6 : index
      %get3A_283 = arith.constant 0 : index
      %get3A_284 = arith.constant 0 : index
      %get3A_285 = vector.load %arg6[%get3A_281, %get3A_282, %get3A_283, %get3A_284] : memref<2x8x256x1024xf32, #tpu.memory_space<vmem>>, vector<1x1x256x1024xf32>
      %get3A_286 = vector.shape_cast %get3A_285 : vector<1x1x256x1024xf32> to vector<256x1024xf32>
      %mul3A_287 = vector.broadcast %get3A_280 : f32 to vector<256x1024xf32>
      %mul3A_288 = arith.mulf %mul3A_287, %get3A_286 : vector<256x1024xf32>
      %add3A_289 = arith.addf %add3A_276, %mul3A_288 : vector<256x1024xf32>
      %get3A_290 = arith.index_cast %arg0 : i32 to index
      %get3A_291 = arith.constant 0 : index
      %get3A_292 = arith.constant 8 : index
      %get3A_293 = memref.load %arg1[%get3A_290, %get3A_291, %get3A_292] : memref<8x16x9xf32, #tpu.memory_space<smem>>
      %get3A_294 = arith.index_cast %rem3A_0 : i32 to index
      %get3A_295 = arith.constant 7 : index
      %get3A_296 = arith.constant 0 : index
      %get3A_297 = arith.constant 0 : index
      %get3A_298 = vector.load %arg6[%get3A_294, %get3A_295, %get3A_296, %get3A_297] : memref<2x8x256x1024xf32, #tpu.memory_space<vmem>>, vector<1x1x256x1024xf32>
      %get3A_299 = vector.shape_cast %get3A_298 : vector<1x1x256x1024xf32> to vector<256x1024xf32>
      %mul3A_300 = vector.broadcast %get3A_293 : f32 to vector<256x1024xf32>
      %mul3A_301 = arith.mulf %mul3A_300, %get3A_299 : vector<256x1024xf32>
      %add3A_302 = arith.addf %add3A_289, %mul3A_301 : vector<256x1024xf32>
      %reduce_max3A = arith.constant dense<0xFF800000> : vector<256xf32>
      %reduce_max3A_303 = vector.multi_reduction <maximumf>, %add3A_302, %reduce_max3A [1] : vector<256x1024xf32> to vector<256xf32>
      %broadcast_in_dim3A_304 = vector.shape_cast %reduce_max3A_303 : vector<256xf32> to vector<256x1xf32>
      %slice3A = vector.extract_strided_slice %add3A_302 {offsets = [0, 0], sizes = [256, 1], strides = [1, 1]} : vector<256x1024xf32> to vector<256x1xf32>
      %ge3A = arith.cmpf oge, %slice3A, %broadcast_in_dim3A_304 : vector<256x1xf32>
      %slice3A_305 = vector.extract_strided_slice %add3A_302 {offsets = [0, 0], sizes = [1, 1024], strides = [1, 1]} : vector<256x1024xf32> to vector<1x1024xf32>
      %broadcast_in_dim3A_306 = vector.broadcast %cond3A_67 : f32 to vector<1x1024xf32>
      %select_n3A = arith.select %eq3A_4, %slice3A_305, %broadcast_in_dim3A_306 : vector<1x1024xi1>, vector<1x1024xf32>
      %reduce_max3A_307 = vector.shape_cast %select_n3A : vector<1x1024xf32> to vector<1x1x1024xf32>
      %reduce_max3A_308 = arith.constant dense<0xFF800000> : vector<1xf32>
      %reduce_max3A_309 = vector.multi_reduction <maximumf>, %reduce_max3A_307, %reduce_max3A_308 [1, 2] : vector<1x1x1024xf32> to vector<1xf32>
      %reduce_max3A_310 = vector.shape_cast %reduce_max3A_309 : vector<1xf32> to vector<1x1x1xf32>
      %reduce_max3A_311 = vector.extract %reduce_max3A_310[0, 0, 0] : f32 from vector<1x1x1xf32>
      %broadcast_in_dim3A_312 = vector.broadcast %cond3A_67 : f32 to vector<1x1024xf32>
      %select_n3A_313 = arith.select %eq3A_4, %broadcast_in_dim3A_312, %slice3A_305 : vector<1x1024xi1>, vector<1x1024xf32>
      %reduce_max3A_314 = vector.shape_cast %select_n3A_313 : vector<1x1024xf32> to vector<1x1x1024xf32>
      %reduce_max3A_315 = arith.constant dense<0xFF800000> : vector<1xf32>
      %reduce_max3A_316 = vector.multi_reduction <maximumf>, %reduce_max3A_314, %reduce_max3A_315 [1, 2] : vector<1x1x1024xf32> to vector<1xf32>
      %reduce_max3A_317 = vector.shape_cast %reduce_max3A_316 : vector<1xf32> to vector<1x1x1xf32>
      %reduce_max3A_318 = vector.extract %reduce_max3A_317[0, 0, 0] : f32 from vector<1x1x1xf32>
      %gt3A_319 = arith.constant 0 : i32
      %gt3A_320 = vector.broadcast %gt3A_319 : i32 to vector<256x1xi32>
      %gt3A_321 = arith.cmpi sgt, %iota3A, %gt3A_320 : vector<256x1xi32>
      %and3A = arith.andi %ge3A, %gt3A_321 : vector<256x1xi1>
      %jit3A = arith.constant 256 : i32
      %broadcast_in_dim3A_322 = vector.broadcast %jit3A : i32 to vector<256x1xi32>
      %select_n3A_323 = arith.select %and3A, %iota3A, %broadcast_in_dim3A_322 : vector<256x1xi1>, vector<256x1xi32>
      %reduce_min3A = vector.shape_cast %select_n3A_323 : vector<256x1xi32> to vector<1x256x1xi32>
      %reduce_min3A_324 = arith.constant dense<2147483647> : vector<1xi32>
      %reduce_min3A_325 = vector.multi_reduction <minsi>, %reduce_min3A, %reduce_min3A_324 [1, 2] : vector<1x256x1xi32> to vector<1xi32>
      %reduce_min3A_326 = vector.shape_cast %reduce_min3A_325 : vector<1xi32> to vector<1x1x1xi32>
      %reduce_min3A_327 = vector.extract %reduce_min3A_326[0, 0, 0] : i32 from vector<1x1x1xi32>
      %add3A_328 = arith.addf %reduce_max3A_311, %get3A_200 : f32
      %ge3A_329 = arith.cmpf oge, %add3A_328, %reduce_max3A_318 : f32
      %jit3A_330 = arith.constant 0 : i32
      %select_n3A_331 = arith.select %ge3A_329, %jit3A_330, %reduce_min3A_327 : i32
      %sub3A = arith.constant 256 : i32
      %sub3A_332 = arith.subi %sub3A, %get3A_196 : i32
      %min3A = arith.minsi %select_n3A_331, %sub3A_332 : i32
      %add3A_333 = arith.addi %get3A_196, %min3A : i32
      %swap3A_334 = arith.constant 0 : index
      %swap3A_335 = memref.load %arg8[%swap3A_334] : memref<1xi32, #tpu.memory_space<smem>>
      memref.store %add3A_333, %arg8[%swap3A_334] : memref<1xi32, #tpu.memory_space<smem>>
      %gt3A_336 = arith.constant 0 : i32
      %gt3A_337 = arith.cmpi sgt, %min3A, %gt3A_336 : i32
      %convert_element_type3A_338 = arith.extui %gt3A_337 : i1 to i32
      %cond3A_339 = arith.constant 0 : i32
      %cond3A_340 = arith.cmpi ne, %convert_element_type3A_338, %cond3A_339 : i32
      scf.if %cond3A_340 {
        %get3A_341 = arith.constant 2 : index
        %get3A_342 = memref.load %arg9[%get3A_341] : memref<3xi32, #tpu.memory_space<smem>>
        %rem3A_343 = arith.constant 2 : i32
        %rem3A_344 = arith.remsi %get3A_342, %rem3A_343 : i32
        %get3A_345 = arith.index_cast %rem3A_344 : i32 to index
        %get3A_346 = memref.load %arg9[%get3A_345] : memref<3xi32, #tpu.memory_space<smem>>
        %eq3A_347 = arith.constant 1 : i32
        %eq3A_348 = arith.cmpi eq, %get3A_346, %eq3A_347 : i32
        %convert_element_type3A_349 = arith.extui %eq3A_348 : i1 to i32
        %cond3A_350 = arith.constant 0 : i32
        %cond3A_351 = arith.cmpi ne, %convert_element_type3A_349, %cond3A_350 : i32
        scf.if %cond3A_351 {
          %dma_wait3A = tpu.memref_slice %arg11[%rem3A_344] : memref<2x!tpu.dma_semaphore, #tpu.memory_space<semaphore_mem>> -> memref<1x!tpu.dma_semaphore, #tpu.memory_space<semaphore_mem>>
          %dma_wait3A_413 = tpu.memref_squeeze %dma_wait3A : memref<1x!tpu.dma_semaphore, #tpu.memory_space<semaphore_mem>> -> memref<!tpu.dma_semaphore, #tpu.memory_space<semaphore_mem>>
          %dma_wait3A_414 = arith.constant 0 : i32
          %dma_wait3A_415 = arith.constant 0 : i32
          %dma_wait3A_416 = tpu.memref_slice %arg4[%dma_wait3A_414, %dma_wait3A_415] : memref<32776x1024xf32, #tpu.memory_space<hbm>> -> memref<256x1024xf32, #tpu.memory_space<hbm>>
          %dma_wait3A_417 = arith.constant 0 : i32
          %dma_wait3A_418 = arith.constant 0 : i32
          %dma_wait3A_419 = tpu.memref_slice %arg7[%rem3A_344, %dma_wait3A_417, %dma_wait3A_418] : memref<2x256x1024xf32, #tpu.memory_space<vmem>> -> memref<1x256x1024xf32, #tpu.memory_space<vmem>>
          %dma_wait3A_420 = tpu.memref_squeeze %dma_wait3A_419 : memref<1x256x1024xf32, #tpu.memory_space<vmem>> -> memref<256x1024xf32, #tpu.memory_space<vmem>>
          tpu.wait_dma2 semaphore(%dma_wait3A_413 : memref<!tpu.dma_semaphore, #tpu.memory_space<semaphore_mem>>) src(%dma_wait3A_420 : memref<256x1024xf32, #tpu.memory_space<vmem>>) dst(%dma_wait3A_416 : memref<256x1024xf32, #tpu.memory_space<hbm>>)
        } else {
        }
        %swap3A_352 = arith.index_cast %rem3A_344 : i32 to index
        %swap3A_353 = arith.constant 0 : index
        %swap3A_354 = arith.constant 0 : index
        %swap3A_355 = vector.load %arg7[%swap3A_352, %swap3A_353, %swap3A_354] : memref<2x256x1024xf32, #tpu.memory_space<vmem>>, vector<1x256x1024xf32>
        %swap3A_356 = vector.shape_cast %swap3A_355 : vector<1x256x1024xf32> to vector<256x1024xf32>
        %swap3A_357 = vector.shape_cast %add3A_302 : vector<256x1024xf32> to vector<1x256x1024xf32>
        tpu.vector_store %arg7[%swap3A_352, %swap3A_353, %swap3A_354], %swap3A_357 {strides = array<i32>} : memref<2x256x1024xf32, #tpu.memory_space<vmem>>, vector<1x256x1024xf32>,
        %jit3A_358 = arith.constant 0.000000e+00 : f32
        %broadcast_in_dim3A_359 = vector.broadcast %get3A_200 : f32 to vector<1x1024xf32>
        %broadcast_in_dim3A_360 = vector.broadcast %jit3A_358 : f32 to vector<1x1024xf32>
        %select_n3A_361 = arith.select %eq3A_4, %broadcast_in_dim3A_359, %broadcast_in_dim3A_360 : vector<1x1024xi1>, vector<1x1024xf32>
        %add3A_362 = arith.addf %slice3A_305, %select_n3A_361 : vector<1x1024xf32>
        %swap3A_363 = arith.index_cast %rem3A_344 : i32 to index
        %swap3A_364 = arith.constant 0 : index
        %swap3A_365 = arith.constant 0 : index
        %swap3A_366 = vector.load %arg7[%swap3A_363, %swap3A_364, %swap3A_365] : memref<2x256x1024xf32, #tpu.memory_space<vmem>>, vector<1x1x1024xf32>
        %swap3A_367 = vector.shape_cast %swap3A_366 : vector<1x1x1024xf32> to vector<1x1024xf32>
        %swap3A_368 = vector.shape_cast %add3A_362 : vector<1x1024xf32> to vector<1x1x1024xf32>
        tpu.vector_store %arg7[%swap3A_363, %swap3A_364, %swap3A_365], %swap3A_368 {strides = array<i32>} : memref<2x256x1024xf32, #tpu.memory_space<vmem>>, vector<1x1x1024xf32>,
        %mul3A_369 = arith.constant 16 : i32
        %mul3A_370 = arith.muli %arg0, %mul3A_369 : i32
        %add3A_371 = arith.constant 0 : i32
        %add3A_372 = arith.addi %mul3A_370, %add3A_371 : i32
        %mul3A_373 = arith.constant 256 : i32
        %mul3A_374 = arith.muli %add3A_372, %mul3A_373 : i32
        %dma_start3A = tpu.memref_slice %arg11[%rem3A_344] : memref<2x!tpu.dma_semaphore, #tpu.memory_space<semaphore_mem>> -> memref<1x!tpu.dma_semaphore, #tpu.memory_space<semaphore_mem>>
        %dma_start3A_375 = tpu.memref_squeeze %dma_start3A : memref<1x!tpu.dma_semaphore, #tpu.memory_space<semaphore_mem>> -> memref<!tpu.dma_semaphore, #tpu.memory_space<semaphore_mem>>
        %dma_start3A_376 = arith.constant 0 : i32
        %dma_start3A_377 = tpu.memref_slice %arg4[%mul3A_374, %dma_start3A_376] : memref<32776x1024xf32, #tpu.memory_space<hbm>> -> memref<256x1024xf32, #tpu.memory_space<hbm>>
        %dma_start3A_378 = arith.constant 0 : i32
        %dma_start3A_379 = arith.constant 0 : i32
        %dma_start3A_380 = tpu.memref_slice %arg7[%rem3A_344, %dma_start3A_378, %dma_start3A_379] : memref<2x256x1024xf32, #tpu.memory_space<vmem>> -> memref<1x256x1024xf32, #tpu.memory_space<vmem>>
        %dma_start3A_381 = tpu.memref_squeeze %dma_start3A_380 : memref<1x256x1024xf32, #tpu.memory_space<vmem>> -> memref<256x1024xf32, #tpu.memory_space<vmem>>
        tpu.enqueue_dma source(%dma_start3A_381 : memref<256x1024xf32, #tpu.memory_space<vmem>>) target(%dma_start3A_377 : memref<256x1024xf32, #tpu.memory_space<hbm>>) target_semaphore(%dma_start3A_375 : memref<!tpu.dma_semaphore, #tpu.memory_space<semaphore_mem>>)
        %swap3A_382 = arith.constant 1 : i32
        %swap3A_383 = arith.index_cast %rem3A_344 : i32 to index
        %swap3A_384 = memref.load %arg9[%swap3A_383] : memref<3xi32, #tpu.memory_space<smem>>
        memref.store %swap3A_382, %arg9[%swap3A_383] : memref<3xi32, #tpu.memory_space<smem>>
        %get3A_385 = arith.constant 2 : index
        %get3A_386 = memref.load %arg9[%get3A_385] : memref<3xi32, #tpu.memory_space<smem>>
        %add3A_387 = arith.constant 1 : i32
        %add3A_388 = arith.addi %get3A_386, %add3A_387 : i32
        %swap3A_389 = arith.constant 2 : index
        %swap3A_390 = memref.load %arg9[%swap3A_389] : memref<3xi32, #tpu.memory_space<smem>>
        memref.store %add3A_388, %arg9[%swap3A_389] : memref<3xi32, #tpu.memory_space<smem>>
        %ge3A_391 = vector.broadcast %get3A_196 : i32 to vector<1x256xi32>
        %ge3A_392 = arith.cmpi sge, %iota3A_1, %ge3A_391 : vector<1x256xi32>
        %add3A_393 = arith.addi %get3A_196, %min3A : i32
        %lt3A_394 = vector.broadcast %add3A_393 : i32 to vector<1x256xi32>
        %lt3A_395 = arith.cmpi slt, %iota3A_1, %lt3A_394 : vector<1x256xi32>
        %and3A_396 = arith.andi %ge3A_392, %lt3A_395 : vector<1x256xi1>
        %add3A_397 = vector.broadcast %mul3A_374 : i32 to vector<1x256xi32>
        %add3A_398 = arith.addi %add3A_397, %iota3A_1 : vector<1x256xi32>
        %sub3A_399 = vector.broadcast %get3A_196 : i32 to vector<1x256xi32>
        %sub3A_400 = arith.subi %add3A_398, %sub3A_399 : vector<1x256xi32>
        %get3A_401 = arith.constant 0 : index
        %get3A_402 = arith.constant 0 : index
        %get3A_403 = arith.constant 0 : index
        %get3A_404 = vector.load %arg5[%get3A_401, %get3A_402, %get3A_403] : memref<1x1x256xi32, #tpu.memory_space<vmem>>, vector<1x1x256xi32>
        %get3A_405 = vector.shape_cast %get3A_404 : vector<1x1x256xi32> to vector<1x256xi32>
        %select_n3A_406 = arith.select %and3A_396, %sub3A_400, %get3A_405 : vector<1x256xi1>, vector<1x256xi32>
        %swap3A_407 = arith.constant 0 : index
        %swap3A_408 = arith.constant 0 : index
        %swap3A_409 = arith.constant 0 : index
        %swap3A_410 = vector.load %arg5[%swap3A_407, %swap3A_408, %swap3A_409] : memref<1x1x256xi32, #tpu.memory_space<vmem>>, vector<1x1x256xi32>
        %swap3A_411 = vector.shape_cast %swap3A_410 : vector<1x1x256xi32> to vector<1x256xi32>
        %swap3A_412 = vector.shape_cast %select_n3A_406 : vector<1x256xi32> to vector<1x1x256xi32>
        tpu.vector_store %arg5[%swap3A_407, %swap3A_408, %swap3A_409], %swap3A_412 {strides = array<i32>} : memref<1x1x256xi32, #tpu.memory_space<vmem>>, vector<1x1x256xi32>,
      } else {
      }
    } else {
    }
    %get3A_70 = arith.constant 0 : index
    %get3A_71 = memref.load %arg8[%get3A_70] : memref<1xi32, #tpu.memory_space<smem>>
    %lt3A_72 = arith.constant 256 : i32
    %lt3A_73 = arith.cmpi slt, %get3A_71, %lt3A_72 : i32
    %convert_element_type3A_74 = arith.extui %lt3A_73 : i1 to i32
    %cond3A_75 = arith.constant 0xFF800000 : f32
    %cond3A_76 = arith.constant 0 : i32
    %cond3A_77 = arith.cmpi ne, %convert_element_type3A_74, %cond3A_76 : i32
    scf.if %cond3A_77 {
      %get3A_195 = arith.constant 0 : index
      %get3A_196 = memref.load %arg8[%get3A_195] : memref<1xi32, #tpu.memory_space<smem>>
      %get3A_197 = arith.index_cast %arg0 : i32 to index
      %get3A_198 = arith.constant 1 : index
      %get3A_199 = arith.constant 0 : index
      %get3A_200 = memref.load %arg1[%get3A_197, %get3A_198, %get3A_199] : memref<8x16x9xf32, #tpu.memory_space<smem>>
      %get3A_201 = arith.index_cast %arg0 : i32 to index
      %get3A_202 = arith.constant 1 : index
      %get3A_203 = arith.constant 1 : index
      %get3A_204 = memref.load %arg1[%get3A_201, %get3A_202, %get3A_203] : memref<8x16x9xf32, #tpu.memory_space<smem>>
      %get3A_205 = arith.index_cast %rem3A_0 : i32 to index
      %get3A_206 = arith.constant 0 : index
      %get3A_207 = arith.constant 0 : index
      %get3A_208 = arith.constant 0 : index
      %get3A_209 = vector.load %arg6[%get3A_205, %get3A_206, %get3A_207, %get3A_208] : memref<2x8x256x1024xf32, #tpu.memory_space<vmem>>, vector<1x1x256x1024xf32>
      %get3A_210 = vector.shape_cast %get3A_209 : vector<1x1x256x1024xf32> to vector<256x1024xf32>
      %mul3A = vector.broadcast %get3A_204 : f32 to vector<256x1024xf32>
      %mul3A_211 = arith.mulf %mul3A, %get3A_210 : vector<256x1024xf32>
      %get3A_212 = arith.index_cast %arg0 : i32 to index
      %get3A_213 = arith.constant 1 : index
      %get3A_214 = arith.constant 2 : index
      %get3A_215 = memref.load %arg1[%get3A_212, %get3A_213, %get3A_214] : memref<8x16x9xf32, #tpu.memory_space<smem>>
      %get3A_216 = arith.index_cast %rem3A_0 : i32 to index
      %get3A_217 = arith.constant 1 : index
      %get3A_218 = arith.constant 0 : index
      %get3A_219 = arith.constant 0 : index
      %get3A_220 = vector.load %arg6[%get3A_216, %get3A_217, %get3A_218, %get3A_219] : memref<2x8x256x1024xf32, #tpu.memory_space<vmem>>, vector<1x1x256x1024xf32>
      %get3A_221 = vector.shape_cast %get3A_220 : vector<1x1x256x1024xf32> to vector<256x1024xf32>
      %mul3A_222 = vector.broadcast %get3A_215 : f32 to vector<256x1024xf32>
      %mul3A_223 = arith.mulf %mul3A_222, %get3A_221 : vector<256x1024xf32>
      %add3A_224 = arith.addf %mul3A_211, %mul3A_223 : vector<256x1024xf32>
      %get3A_225 = arith.index_cast %arg0 : i32 to index
      %get3A_226 = arith.constant 1 : index
      %get3A_227 = arith.constant 3 : index
      %get3A_228 = memref.load %arg1[%get3A_225, %get3A_226, %get3A_227] : memref<8x16x9xf32, #tpu.memory_space<smem>>
      %get3A_229 = arith.index_cast %rem3A_0 : i32 to index
      %get3A_230 = arith.constant 2 : index
      %get3A_231 = arith.constant 0 : index
      %get3A_232 = arith.constant 0 : index
      %get3A_233 = vector.load %arg6[%get3A_229, %get3A_230, %get3A_231, %get3A_232] : memref<2x8x256x1024xf32, #tpu.memory_space<vmem>>, vector<1x1x256x1024xf32>
      %get3A_234 = vector.shape_cast %get3A_233 : vector<1x1x256x1024xf32> to vector<256x1024xf32>
      %mul3A_235 = vector.broadcast %get3A_228 : f32 to vector<256x1024xf32>
      %mul3A_236 = arith.mulf %mul3A_235, %get3A_234 : vector<256x1024xf32>
      %add3A_237 = arith.addf %add3A_224, %mul3A_236 : vector<256x1024xf32>
      %get3A_238 = arith.index_cast %arg0 : i32 to index
      %get3A_239 = arith.constant 1 : index
      %get3A_240 = arith.constant 4 : index
      %get3A_241 = memref.load %arg1[%get3A_238, %get3A_239, %get3A_240] : memref<8x16x9xf32, #tpu.memory_space<smem>>
      %get3A_242 = arith.index_cast %rem3A_0 : i32 to index
      %get3A_243 = arith.constant 3 : index
      %get3A_244 = arith.constant 0 : index
      %get3A_245 = arith.constant 0 : index
      %get3A_246 = vector.load %arg6[%get3A_242, %get3A_243, %get3A_244, %get3A_245] : memref<2x8x256x1024xf32, #tpu.memory_space<vmem>>, vector<1x1x256x1024xf32>
      %get3A_247 = vector.shape_cast %get3A_246 : vector<1x1x256x1024xf32> to vector<256x1024xf32>
      %mul3A_248 = vector.broadcast %get3A_241 : f32 to vector<256x1024xf32>
      %mul3A_249 = arith.mulf %mul3A_248, %get3A_247 : vector<256x1024xf32>
      %add3A_250 = arith.addf %add3A_237, %mul3A_249 : vector<256x1024xf32>
      %get3A_251 = arith.index_cast %arg0 : i32 to index
      %get3A_252 = arith.constant 1 : index
      %get3A_253 = arith.constant 5 : index
      %get3A_254 = memref.load %arg1[%get3A_251, %get3A_252, %get3A_253] : memref<8x16x9xf32, #tpu.memory_space<smem>>
      %get3A_255 = arith.index_cast %rem3A_0 : i32 to index
      %get3A_256 = arith.constant 4 : index
      %get3A_257 = arith.constant 0 : index
      %get3A_258 = arith.constant 0 : index
      %get3A_259 = vector.load %arg6[%get3A_255, %get3A_256, %get3A_257, %get3A_258] : memref<2x8x256x1024xf32, #tpu.memory_space<vmem>>, vector<1x1x256x1024xf32>
      %get3A_260 = vector.shape_cast %get3A_259 : vector<1x1x256x1024xf32> to vector<256x1024xf32>
      %mul3A_261 = vector.broadcast %get3A_254 : f32 to vector<256x1024xf32>
      %mul3A_262 = arith.mulf %mul3A_261, %get3A_260 : vector<256x1024xf32>
      %add3A_263 = arith.addf %add3A_250, %mul3A_262 : vector<256x1024xf32>
      %get3A_264 = arith.index_cast %arg0 : i32 to index
      %get3A_265 = arith.constant 1 : index
      %get3A_266 = arith.constant 6 : index
      %get3A_267 = memref.load %arg1[%get3A_264, %get3A_265, %get3A_266] : memref<8x16x9xf32, #tpu.memory_space<smem>>
      %get3A_268 = arith.index_cast %rem3A_0 : i32 to index
      %get3A_269 = arith.constant 5 : index
      %get3A_270 = arith.constant 0 : index
      %get3A_271 = arith.constant 0 : index
      %get3A_272 = vector.load %arg6[%get3A_268, %get3A_269, %get3A_270, %get3A_271] : memref<2x8x256x1024xf32, #tpu.memory_space<vmem>>, vector<1x1x256x1024xf32>
      %get3A_273 = vector.shape_cast %get3A_272 : vector<1x1x256x1024xf32> to vector<256x1024xf32>
      %mul3A_274 = vector.broadcast %get3A_267 : f32 to vector<256x1024xf32>
      %mul3A_275 = arith.mulf %mul3A_274, %get3A_273 : vector<256x1024xf32>
      %add3A_276 = arith.addf %add3A_263, %mul3A_275 : vector<256x1024xf32>
      %get3A_277 = arith.index_cast %arg0 : i32 to index
      %get3A_278 = arith.constant 1 : index
      %get3A_279 = arith.constant 7 : index
      %get3A_280 = memref.load %arg1[%get3A_277, %get3A_278, %get3A_279] : memref<8x16x9xf32, #tpu.memory_space<smem>>
      %get3A_281 = arith.index_cast %rem3A_0 : i32 to index
      %get3A_282 = arith.constant 6 : index
      %get3A_283 = arith.constant 0 : index
      %get3A_284 = arith.constant 0 : index
      %get3A_285 = vector.load %arg6[%get3A_281, %get3A_282, %get3A_283, %get3A_284] : memref<2x8x256x1024xf32, #tpu.memory_space<vmem>>, vector<1x1x256x1024xf32>
      %get3A_286 = vector.shape_cast %get3A_285 : vector<1x1x256x1024xf32> to vector<256x1024xf32>
      %mul3A_287 = vector.broadcast %get3A_280 : f32 to vector<256x1024xf32>
      %mul3A_288 = arith.mulf %mul3A_287, %get3A_286 : vector<256x1024xf32>
      %add3A_289 = arith.addf %add3A_276, %mul3A_288 : vector<256x1024xf32>
      %get3A_290 = arith.index_cast %arg0 : i32 to index
      %get3A_291 = arith.constant 1 : index
      %get3A_292 = arith.constant 8 : index
      %get3A_293 = memref.load %arg1[%get3A_290, %get3A_291, %get3A_292] : memref<8x16x9xf32, #tpu.memory_space<smem>>
      %get3A_294 = arith.index_cast %rem3A_0 : i32 to index
      %get3A_295 = arith.constant 7 : index
      %get3A_296 = arith.constant 0 : index
      %get3A_297 = arith.constant 0 : index
      %get3A_298 = vector.load %arg6[%get3A_294, %get3A_295, %get3A_296, %get3A_297] : memref<2x8x256x1024xf32, #tpu.memory_space<vmem>>, vector<1x1x256x1024xf32>
      %get3A_299 = vector.shape_cast %get3A_298 : vector<1x1x256x1024xf32> to vector<256x1024xf32>
      %mul3A_300 = vector.broadcast %get3A_293 : f32 to vector<256x1024xf32>
      %mul3A_301 = arith.mulf %mul3A_300, %get3A_299 : vector<256x1024xf32>
      %add3A_302 = arith.addf %add3A_289, %mul3A_301 : vector<256x1024xf32>
      %reduce_max3A = arith.constant dense<0xFF800000> : vector<256xf32>
      %reduce_max3A_303 = vector.multi_reduction <maximumf>, %add3A_302, %reduce_max3A [1] : vector<256x1024xf32> to vector<256xf32>
      %broadcast_in_dim3A_304 = vector.shape_cast %reduce_max3A_303 : vector<256xf32> to vector<256x1xf32>
      %slice3A = vector.extract_strided_slice %add3A_302 {offsets = [0, 0], sizes = [256, 1], strides = [1, 1]} : vector<256x1024xf32> to vector<256x1xf32>
      %ge3A = arith.cmpf oge, %slice3A, %broadcast_in_dim3A_304 : vector<256x1xf32>
      %slice3A_305 = vector.extract_strided_slice %add3A_302 {offsets = [0, 0], sizes = [1, 1024], strides = [1, 1]} : vector<256x1024xf32> to vector<1x1024xf32>
      %broadcast_in_dim3A_306 = vector.broadcast %cond3A_75 : f32 to vector<1x1024xf32>
      %select_n3A = arith.select %eq3A_4, %slice3A_305, %broadcast_in_dim3A_306 : vector<1x1024xi1>, vector<1x1024xf32>
      %reduce_max3A_307 = vector.shape_cast %select_n3A : vector<1x1024xf32> to vector<1x1x1024xf32>
      %reduce_max3A_308 = arith.constant dense<0xFF800000> : vector<1xf32>
      %reduce_max3A_309 = vector.multi_reduction <maximumf>, %reduce_max3A_307, %reduce_max3A_308 [1, 2] : vector<1x1x1024xf32> to vector<1xf32>
      %reduce_max3A_310 = vector.shape_cast %reduce_max3A_309 : vector<1xf32> to vector<1x1x1xf32>
      %reduce_max3A_311 = vector.extract %reduce_max3A_310[0, 0, 0] : f32 from vector<1x1x1xf32>
      %broadcast_in_dim3A_312 = vector.broadcast %cond3A_75 : f32 to vector<1x1024xf32>
      %select_n3A_313 = arith.select %eq3A_4, %broadcast_in_dim3A_312, %slice3A_305 : vector<1x1024xi1>, vector<1x1024xf32>
      %reduce_max3A_314 = vector.shape_cast %select_n3A_313 : vector<1x1024xf32> to vector<1x1x1024xf32>
      %reduce_max3A_315 = arith.constant dense<0xFF800000> : vector<1xf32>
      %reduce_max3A_316 = vector.multi_reduction <maximumf>, %reduce_max3A_314, %reduce_max3A_315 [1, 2] : vector<1x1x1024xf32> to vector<1xf32>
      %reduce_max3A_317 = vector.shape_cast %reduce_max3A_316 : vector<1xf32> to vector<1x1x1xf32>
      %reduce_max3A_318 = vector.extract %reduce_max3A_317[0, 0, 0] : f32 from vector<1x1x1xf32>
      %gt3A_319 = arith.constant 0 : i32
      %gt3A_320 = vector.broadcast %gt3A_319 : i32 to vector<256x1xi32>
      %gt3A_321 = arith.cmpi sgt, %iota3A, %gt3A_320 : vector<256x1xi32>
      %and3A = arith.andi %ge3A, %gt3A_321 : vector<256x1xi1>
      %jit3A = arith.constant 256 : i32
      %broadcast_in_dim3A_322 = vector.broadcast %jit3A : i32 to vector<256x1xi32>
      %select_n3A_323 = arith.select %and3A, %iota3A, %broadcast_in_dim3A_322 : vector<256x1xi1>, vector<256x1xi32>
      %reduce_min3A = vector.shape_cast %select_n3A_323 : vector<256x1xi32> to vector<1x256x1xi32>
      %reduce_min3A_324 = arith.constant dense<2147483647> : vector<1xi32>
      %reduce_min3A_325 = vector.multi_reduction <minsi>, %reduce_min3A, %reduce_min3A_324 [1, 2] : vector<1x256x1xi32> to vector<1xi32>
      %reduce_min3A_326 = vector.shape_cast %reduce_min3A_325 : vector<1xi32> to vector<1x1x1xi32>
      %reduce_min3A_327 = vector.extract %reduce_min3A_326[0, 0, 0] : i32 from vector<1x1x1xi32>
      %add3A_328 = arith.addf %reduce_max3A_311, %get3A_200 : f32
      %ge3A_329 = arith.cmpf oge, %add3A_328, %reduce_max3A_318 : f32
      %jit3A_330 = arith.constant 0 : i32
      %select_n3A_331 = arith.select %ge3A_329, %jit3A_330, %reduce_min3A_327 : i32
      %sub3A = arith.constant 256 : i32
      %sub3A_332 = arith.subi %sub3A, %get3A_196 : i32
      %min3A = arith.minsi %select_n3A_331, %sub3A_332 : i32
      %add3A_333 = arith.addi %get3A_196, %min3A : i32
      %swap3A_334 = arith.constant 0 : index
      %swap3A_335 = memref.load %arg8[%swap3A_334] : memref<1xi32, #tpu.memory_space<smem>>
      memref.store %add3A_333, %arg8[%swap3A_334] : memref<1xi32, #tpu.memory_space<smem>>
      %gt3A_336 = arith.constant 0 : i32
      %gt3A_337 = arith.cmpi sgt, %min3A, %gt3A_336 : i32
      %convert_element_type3A_338 = arith.extui %gt3A_337 : i1 to i32
      %cond3A_339 = arith.constant 0 : i32
      %cond3A_340 = arith.cmpi ne, %convert_element_type3A_338, %cond3A_339 : i32
      scf.if %cond3A_340 {
        %get3A_341 = arith.constant 2 : index
        %get3A_342 = memref.load %arg9[%get3A_341] : memref<3xi32, #tpu.memory_space<smem>>
        %rem3A_343 = arith.constant 2 : i32
        %rem3A_344 = arith.remsi %get3A_342, %rem3A_343 : i32
        %get3A_345 = arith.index_cast %rem3A_344 : i32 to index
        %get3A_346 = memref.load %arg9[%get3A_345] : memref<3xi32, #tpu.memory_space<smem>>
        %eq3A_347 = arith.constant 1 : i32
        %eq3A_348 = arith.cmpi eq, %get3A_346, %eq3A_347 : i32
        %convert_element_type3A_349 = arith.extui %eq3A_348 : i1 to i32
        %cond3A_350 = arith.constant 0 : i32
        %cond3A_351 = arith.cmpi ne, %convert_element_type3A_349, %cond3A_350 : i32
        scf.if %cond3A_351 {
          %dma_wait3A = tpu.memref_slice %arg11[%rem3A_344] : memref<2x!tpu.dma_semaphore, #tpu.memory_space<semaphore_mem>> -> memref<1x!tpu.dma_semaphore, #tpu.memory_space<semaphore_mem>>
          %dma_wait3A_413 = tpu.memref_squeeze %dma_wait3A : memref<1x!tpu.dma_semaphore, #tpu.memory_space<semaphore_mem>> -> memref<!tpu.dma_semaphore, #tpu.memory_space<semaphore_mem>>
          %dma_wait3A_414 = arith.constant 0 : i32
          %dma_wait3A_415 = arith.constant 0 : i32
          %dma_wait3A_416 = tpu.memref_slice %arg4[%dma_wait3A_414, %dma_wait3A_415] : memref<32776x1024xf32, #tpu.memory_space<hbm>> -> memref<256x1024xf32, #tpu.memory_space<hbm>>
          %dma_wait3A_417 = arith.constant 0 : i32
          %dma_wait3A_418 = arith.constant 0 : i32
          %dma_wait3A_419 = tpu.memref_slice %arg7[%rem3A_344, %dma_wait3A_417, %dma_wait3A_418] : memref<2x256x1024xf32, #tpu.memory_space<vmem>> -> memref<1x256x1024xf32, #tpu.memory_space<vmem>>
          %dma_wait3A_420 = tpu.memref_squeeze %dma_wait3A_419 : memref<1x256x1024xf32, #tpu.memory_space<vmem>> -> memref<256x1024xf32, #tpu.memory_space<vmem>>
          tpu.wait_dma2 semaphore(%dma_wait3A_413 : memref<!tpu.dma_semaphore, #tpu.memory_space<semaphore_mem>>) src(%dma_wait3A_420 : memref<256x1024xf32, #tpu.memory_space<vmem>>) dst(%dma_wait3A_416 : memref<256x1024xf32, #tpu.memory_space<hbm>>)
        } else {
        }
        %swap3A_352 = arith.index_cast %rem3A_344 : i32 to index
        %swap3A_353 = arith.constant 0 : index
        %swap3A_354 = arith.constant 0 : index
        %swap3A_355 = vector.load %arg7[%swap3A_352, %swap3A_353, %swap3A_354] : memref<2x256x1024xf32, #tpu.memory_space<vmem>>, vector<1x256x1024xf32>
        %swap3A_356 = vector.shape_cast %swap3A_355 : vector<1x256x1024xf32> to vector<256x1024xf32>
        %swap3A_357 = vector.shape_cast %add3A_302 : vector<256x1024xf32> to vector<1x256x1024xf32>
        tpu.vector_store %arg7[%swap3A_352, %swap3A_353, %swap3A_354], %swap3A_357 {strides = array<i32>} : memref<2x256x1024xf32, #tpu.memory_space<vmem>>, vector<1x256x1024xf32>,
        %jit3A_358 = arith.constant 0.000000e+00 : f32
        %broadcast_in_dim3A_359 = vector.broadcast %get3A_200 : f32 to vector<1x1024xf32>
        %broadcast_in_dim3A_360 = vector.broadcast %jit3A_358 : f32 to vector<1x1024xf32>
        %select_n3A_361 = arith.select %eq3A_4, %broadcast_in_dim3A_359, %broadcast_in_dim3A_360 : vector<1x1024xi1>, vector<1x1024xf32>
        %add3A_362 = arith.addf %slice3A_305, %select_n3A_361 : vector<1x1024xf32>
        %swap3A_363 = arith.index_cast %rem3A_344 : i32 to index
        %swap3A_364 = arith.constant 0 : index
        %swap3A_365 = arith.constant 0 : index
        %swap3A_366 = vector.load %arg7[%swap3A_363, %swap3A_364, %swap3A_365] : memref<2x256x1024xf32, #tpu.memory_space<vmem>>, vector<1x1x1024xf32>
        %swap3A_367 = vector.shape_cast %swap3A_366 : vector<1x1x1024xf32> to vector<1x1024xf32>
        %swap3A_368 = vector.shape_cast %add3A_362 : vector<1x1024xf32> to vector<1x1x1024xf32>
        tpu.vector_store %arg7[%swap3A_363, %swap3A_364, %swap3A_365], %swap3A_368 {strides = array<i32>} : memref<2x256x1024xf32, #tpu.memory_space<vmem>>, vector<1x1x1024xf32>,
        %mul3A_369 = arith.constant 16 : i32
        %mul3A_370 = arith.muli %arg0, %mul3A_369 : i32
        %add3A_371 = arith.constant 1 : i32
        %add3A_372 = arith.addi %mul3A_370, %add3A_371 : i32
        %mul3A_373 = arith.constant 256 : i32
        %mul3A_374 = arith.muli %add3A_372, %mul3A_373 : i32
        %dma_start3A = tpu.memref_slice %arg11[%rem3A_344] : memref<2x!tpu.dma_semaphore, #tpu.memory_space<semaphore_mem>> -> memref<1x!tpu.dma_semaphore, #tpu.memory_space<semaphore_mem>>
        %dma_start3A_375 = tpu.memref_squeeze %dma_start3A : memref<1x!tpu.dma_semaphore, #tpu.memory_space<semaphore_mem>> -> memref<!tpu.dma_semaphore, #tpu.memory_space<semaphore_mem>>
        %dma_start3A_376 = arith.constant 0 : i32
        %dma_start3A_377 = tpu.memref_slice %arg4[%mul3A_374, %dma_start3A_376] : memref<32776x1024xf32, #tpu.memory_space<hbm>> -> memref<256x1024xf32, #tpu.memory_space<hbm>>
        %dma_start3A_378 = arith.constant 0 : i32
        %dma_start3A_379 = arith.constant 0 : i32
        %dma_start3A_380 = tpu.memref_slice %arg7[%rem3A_344, %dma_start3A_378, %dma_start3A_379] : memref<2x256x1024xf32, #tpu.memory_space<vmem>> -> memref<1x256x1024xf32, #tpu.memory_space<vmem>>
        %dma_start3A_381 = tpu.memref_squeeze %dma_start3A_380 : memref<1x256x1024xf32, #tpu.memory_space<vmem>> -> memref<256x1024xf32, #tpu.memory_space<vmem>>
        tpu.enqueue_dma source(%dma_start3A_381 : memref<256x1024xf32, #tpu.memory_space<vmem>>) target(%dma_start3A_377 : memref<256x1024xf32, #tpu.memory_space<hbm>>) target_semaphore(%dma_start3A_375 : memref<!tpu.dma_semaphore, #tpu.memory_space<semaphore_mem>>)
        %swap3A_382 = arith.constant 1 : i32
        %swap3A_383 = arith.index_cast %rem3A_344 : i32 to index
        %swap3A_384 = memref.load %arg9[%swap3A_383] : memref<3xi32, #tpu.memory_space<smem>>
        memref.store %swap3A_382, %arg9[%swap3A_383] : memref<3xi32, #tpu.memory_space<smem>>
        %get3A_385 = arith.constant 2 : index
        %get3A_386 = memref.load %arg9[%get3A_385] : memref<3xi32, #tpu.memory_space<smem>>
        %add3A_387 = arith.constant 1 : i32
        %add3A_388 = arith.addi %get3A_386, %add3A_387 : i32
        %swap3A_389 = arith.constant 2 : index
        %swap3A_390 = memref.load %arg9[%swap3A_389] : memref<3xi32, #tpu.memory_space<smem>>
        memref.store %add3A_388, %arg9[%swap3A_389] : memref<3xi32, #tpu.memory_space<smem>>
        %ge3A_391 = vector.broadcast %get3A_196 : i32 to vector<1x256xi32>
        %ge3A_392 = arith.cmpi sge, %iota3A_1, %ge3A_391 : vector<1x256xi32>
        %add3A_393 = arith.addi %get3A_196, %min3A : i32
        %lt3A_394 = vector.broadcast %add3A_393 : i32 to vector<1x256xi32>
        %lt3A_395 = arith.cmpi slt, %iota3A_1, %lt3A_394 : vector<1x256xi32>
        %and3A_396 = arith.andi %ge3A_392, %lt3A_395 : vector<1x256xi1>
        %add3A_397 = vector.broadcast %mul3A_374 : i32 to vector<1x256xi32>
        %add3A_398 = arith.addi %add3A_397, %iota3A_1 : vector<1x256xi32>
        %sub3A_399 = vector.broadcast %get3A_196 : i32 to vector<1x256xi32>
        %sub3A_400 = arith.subi %add3A_398, %sub3A_399 : vector<1x256xi32>
        %get3A_401 = arith.constant 0 : index
        %get3A_402 = arith.constant 0 : index
        %get3A_403 = arith.constant 0 : index
        %get3A_404 = vector.load %arg5[%get3A_401, %get3A_402, %get3A_403] : memref<1x1x256xi32, #tpu.memory_space<vmem>>, vector<1x1x256xi32>
        %get3A_405 = vector.shape_cast %get3A_404 : vector<1x1x256xi32> to vector<1x256xi32>
        %select_n3A_406 = arith.select %and3A_396, %sub3A_400, %get3A_405 : vector<1x256xi1>, vector<1x256xi32>
        %swap3A_407 = arith.constant 0 : index
        %swap3A_408 = arith.constant 0 : index
        %swap3A_409 = arith.constant 0 : index
        %swap3A_410 = vector.load %arg5[%swap3A_407, %swap3A_408, %swap3A_409] : memref<1x1x256xi32, #tpu.memory_space<vmem>>, vector<1x1x256xi32>
        %swap3A_411 = vector.shape_cast %swap3A_410 : vector<1x1x256xi32> to vector<1x256xi32>
        %swap3A_412 = vector.shape_cast %select_n3A_406 : vector<1x256xi32> to vector<1x1x256xi32>
        tpu.vector_store %arg5[%swap3A_407, %swap3A_408, %swap3A_409], %swap3A_412 {strides = array<i32>} : memref<1x1x256xi32, #tpu.memory_space<vmem>>, vector<1x1x256xi32>,
      } else {
      }
    } else {
    }
    %get3A_78 = arith.constant 0 : index
    %get3A_79 = memref.load %arg8[%get3A_78] : memref<1xi32, #tpu.memory_space<smem>>
    %lt3A_80 = arith.constant 256 : i32
    %lt3A_81 = arith.cmpi slt, %get3A_79, %lt3A_80 : i32
    %convert_element_type3A_82 = arith.extui %lt3A_81 : i1 to i32
    %cond3A_83 = arith.constant 0xFF800000 : f32
    %cond3A_84 = arith.constant 0 : i32
    %cond3A_85 = arith.cmpi ne, %convert_element_type3A_82, %cond3A_84 : i32
    scf.if %cond3A_85 {
      %get3A_195 = arith.constant 0 : index
      %get3A_196 = memref.load %arg8[%get3A_195] : memref<1xi32, #tpu.memory_space<smem>>
      %get3A_197 = arith.index_cast %arg0 : i32 to index
      %get3A_198 = arith.constant 2 : index
      %get3A_199 = arith.constant 0 : index
      %get3A_200 = memref.load %arg1[%get3A_197, %get3A_198, %get3A_199] : memref<8x16x9xf32, #tpu.memory_space<smem>>
      %get3A_201 = arith.index_cast %arg0 : i32 to index
      %get3A_202 = arith.constant 2 : index
      %get3A_203 = arith.constant 1 : index
      %get3A_204 = memref.load %arg1[%get3A_201, %get3A_202, %get3A_203] : memref<8x16x9xf32, #tpu.memory_space<smem>>
      %get3A_205 = arith.index_cast %rem3A_0 : i32 to index
      %get3A_206 = arith.constant 0 : index
      %get3A_207 = arith.constant 0 : index
      %get3A_208 = arith.constant 0 : index
      %get3A_209 = vector.load %arg6[%get3A_205, %get3A_206, %get3A_207, %get3A_208] : memref<2x8x256x1024xf32, #tpu.memory_space<vmem>>, vector<1x1x256x1024xf32>
      %get3A_210 = vector.shape_cast %get3A_209 : vector<1x1x256x1024xf32> to vector<256x1024xf32>
      %mul3A = vector.broadcast %get3A_204 : f32 to vector<256x1024xf32>
      %mul3A_211 = arith.mulf %mul3A, %get3A_210 : vector<256x1024xf32>
      %get3A_212 = arith.index_cast %arg0 : i32 to index
      %get3A_213 = arith.constant 2 : index
      %get3A_214 = arith.constant 2 : index
      %get3A_215 = memref.load %arg1[%get3A_212, %get3A_213, %get3A_214] : memref<8x16x9xf32, #tpu.memory_space<smem>>
      %get3A_216 = arith.index_cast %rem3A_0 : i32 to index
      %get3A_217 = arith.constant 1 : index
      %get3A_218 = arith.constant 0 : index
      %get3A_219 = arith.constant 0 : index
      %get3A_220 = vector.load %arg6[%get3A_216, %get3A_217, %get3A_218, %get3A_219] : memref<2x8x256x1024xf32, #tpu.memory_space<vmem>>, vector<1x1x256x1024xf32>
      %get3A_221 = vector.shape_cast %get3A_220 : vector<1x1x256x1024xf32> to vector<256x1024xf32>
      %mul3A_222 = vector.broadcast %get3A_215 : f32 to vector<256x1024xf32>
      %mul3A_223 = arith.mulf %mul3A_222, %get3A_221 : vector<256x1024xf32>
      %add3A_224 = arith.addf %mul3A_211, %mul3A_223 : vector<256x1024xf32>
      %get3A_225 = arith.index_cast %arg0 : i32 to index
      %get3A_226 = arith.constant 2 : index
      %get3A_227 = arith.constant 3 : index
      %get3A_228 = memref.load %arg1[%get3A_225, %get3A_226, %get3A_227] : memref<8x16x9xf32, #tpu.memory_space<smem>>
      %get3A_229 = arith.index_cast %rem3A_0 : i32 to index
      %get3A_230 = arith.constant 2 : index
      %get3A_231 = arith.constant 0 : index
      %get3A_232 = arith.constant 0 : index
      %get3A_233 = vector.load %arg6[%get3A_229, %get3A_230, %get3A_231, %get3A_232] : memref<2x8x256x1024xf32, #tpu.memory_space<vmem>>, vector<1x1x256x1024xf32>
      %get3A_234 = vector.shape_cast %get3A_233 : vector<1x1x256x1024xf32> to vector<256x1024xf32>
      %mul3A_235 = vector.broadcast %get3A_228 : f32 to vector<256x1024xf32>
      %mul3A_236 = arith.mulf %mul3A_235, %get3A_234 : vector<256x1024xf32>
      %add3A_237 = arith.addf %add3A_224, %mul3A_236 : vector<256x1024xf32>
      %get3A_238 = arith.index_cast %arg0 : i32 to index
      %get3A_239 = arith.constant 2 : index
      %get3A_240 = arith.constant 4 : index
      %get3A_241 = memref.load %arg1[%get3A_238, %get3A_239, %get3A_240] : memref<8x16x9xf32, #tpu.memory_space<smem>>
      %get3A_242 = arith.index_cast %rem3A_0 : i32 to index
      %get3A_243 = arith.constant 3 : index
      %get3A_244 = arith.constant 0 : index
      %get3A_245 = arith.constant 0 : index
      %get3A_246 = vector.load %arg6[%get3A_242, %get3A_243, %get3A_244, %get3A_245] : memref<2x8x256x1024xf32, #tpu.memory_space<vmem>>, vector<1x1x256x1024xf32>
      %get3A_247 = vector.shape_cast %get3A_246 : vector<1x1x256x1024xf32> to vector<256x1024xf32>
      %mul3A_248 = vector.broadcast %get3A_241 : f32 to vector<256x1024xf32>
      %mul3A_249 = arith.mulf %mul3A_248, %get3A_247 : vector<256x1024xf32>
      %add3A_250 = arith.addf %add3A_237, %mul3A_249 : vector<256x1024xf32>
      %get3A_251 = arith.index_cast %arg0 : i32 to index
      %get3A_252 = arith.constant 2 : index
      %get3A_253 = arith.constant 5 : index
      %get3A_254 = memref.load %arg1[%get3A_251, %get3A_252, %get3A_253] : memref<8x16x9xf32, #tpu.memory_space<smem>>
      %get3A_255 = arith.index_cast %rem3A_0 : i32 to index
      %get3A_256 = arith.constant 4 : index
      %get3A_257 = arith.constant 0 : index
      %get3A_258 = arith.constant 0 : index
      %get3A_259 = vector.load %arg6[%get3A_255, %get3A_256, %get3A_257, %get3A_258] : memref<2x8x256x1024xf32, #tpu.memory_space<vmem>>, vector<1x1x256x1024xf32>
      %get3A_260 = vector.shape_cast %get3A_259 : vector<1x1x256x1024xf32> to vector<256x1024xf32>
      %mul3A_261 = vector.broadcast %get3A_254 : f32 to vector<256x1024xf32>
      %mul3A_262 = arith.mulf %mul3A_261, %get3A_260 : vector<256x1024xf32>
      %add3A_263 = arith.addf %add3A_250, %mul3A_262 : vector<256x1024xf32>
      %get3A_264 = arith.index_cast %arg0 : i32 to index
      %get3A_265 = arith.constant 2 : index
      %get3A_266 = arith.constant 6 : index
      %get3A_267 = memref.load %arg1[%get3A_264, %get3A_265, %get3A_266] : memref<8x16x9xf32, #tpu.memory_space<smem>>
      %get3A_268 = arith.index_cast %rem3A_0 : i32 to index
      %get3A_269 = arith.constant 5 : index
      %get3A_270 = arith.constant 0 : index
      %get3A_271 = arith.constant 0 : index
      %get3A_272 = vector.load %arg6[%get3A_268, %get3A_269, %get3A_270, %get3A_271] : memref<2x8x256x1024xf32, #tpu.memory_space<vmem>>, vector<1x1x256x1024xf32>
      %get3A_273 = vector.shape_cast %get3A_272 : vector<1x1x256x1024xf32> to vector<256x1024xf32>
      %mul3A_274 = vector.broadcast %get3A_267 : f32 to vector<256x1024xf32>
      %mul3A_275 = arith.mulf %mul3A_274, %get3A_273 : vector<256x1024xf32>
      %add3A_276 = arith.addf %add3A_263, %mul3A_275 : vector<256x1024xf32>
      %get3A_277 = arith.index_cast %arg0 : i32 to index
      %get3A_278 = arith.constant 2 : index
      %get3A_279 = arith.constant 7 : index
      %get3A_280 = memref.load %arg1[%get3A_277, %get3A_278, %get3A_279] : memref<8x16x9xf32, #tpu.memory_space<smem>>
      %get3A_281 = arith.index_cast %rem3A_0 : i32 to index
      %get3A_282 = arith.constant 6 : index
      %get3A_283 = arith.constant 0 : index
      %get3A_284 = arith.constant 0 : index
      %get3A_285 = vector.load %arg6[%get3A_281, %get3A_282, %get3A_283, %get3A_284] : memref<2x8x256x1024xf32, #tpu.memory_space<vmem>>, vector<1x1x256x1024xf32>
      %get3A_286 = vector.shape_cast %get3A_285 : vector<1x1x256x1024xf32> to vector<256x1024xf32>
      %mul3A_287 = vector.broadcast %get3A_280 : f32 to vector<256x1024xf32>
      %mul3A_288 = arith.mulf %mul3A_287, %get3A_286 : vector<256x1024xf32>
      %add3A_289 = arith.addf %add3A_276, %mul3A_288 : vector<256x1024xf32>
      %get3A_290 = arith.index_cast %arg0 : i32 to index
      %get3A_291 = arith.constant 2 : index
      %get3A_292 = arith.constant 8 : index
      %get3A_293 = memref.load %arg1[%get3A_290, %get3A_291, %get3A_292] : memref<8x16x9xf32, #tpu.memory_space<smem>>
      %get3A_294 = arith.index_cast %rem3A_0 : i32 to index
      %get3A_295 = arith.constant 7 : index
      %get3A_296 = arith.constant 0 : index
      %get3A_297 = arith.constant 0 : index
      %get3A_298 = vector.load %arg6[%get3A_294, %get3A_295, %get3A_296, %get3A_297] : memref<2x8x256x1024xf32, #tpu.memory_space<vmem>>, vector<1x1x256x1024xf32>
      %get3A_299 = vector.shape_cast %get3A_298 : vector<1x1x256x1024xf32> to vector<256x1024xf32>
      %mul3A_300 = vector.broadcast %get3A_293 : f32 to vector<256x1024xf32>
      %mul3A_301 = arith.mulf %mul3A_300, %get3A_299 : vector<256x1024xf32>
      %add3A_302 = arith.addf %add3A_289, %mul3A_301 : vector<256x1024xf32>
      %reduce_max3A = arith.constant dense<0xFF800000> : vector<256xf32>
      %reduce_max3A_303 = vector.multi_reduction <maximumf>, %add3A_302, %reduce_max3A [1] : vector<256x1024xf32> to vector<256xf32>
      %broadcast_in_dim3A_304 = vector.shape_cast %reduce_max3A_303 : vector<256xf32> to vector<256x1xf32>
      %slice3A = vector.extract_strided_slice %add3A_302 {offsets = [0, 0], sizes = [256, 1], strides = [1, 1]} : vector<256x1024xf32> to vector<256x1xf32>
      %ge3A = arith.cmpf oge, %slice3A, %broadcast_in_dim3A_304 : vector<256x1xf32>
      %slice3A_305 = vector.extract_strided_slice %add3A_302 {offsets = [0, 0], sizes = [1, 1024], strides = [1, 1]} : vector<256x1024xf32> to vector<1x1024xf32>
      %broadcast_in_dim3A_306 = vector.broadcast %cond3A_83 : f32 to vector<1x1024xf32>
      %select_n3A = arith.select %eq3A_4, %slice3A_305, %broadcast_in_dim3A_306 : vector<1x1024xi1>, vector<1x1024xf32>
      %reduce_max3A_307 = vector.shape_cast %select_n3A : vector<1x1024xf32> to vector<1x1x1024xf32>
      %reduce_max3A_308 = arith.constant dense<0xFF800000> : vector<1xf32>
      %reduce_max3A_309 = vector.multi_reduction <maximumf>, %reduce_max3A_307, %reduce_max3A_308 [1, 2] : vector<1x1x1024xf32> to vector<1xf32>
      %reduce_max3A_310 = vector.shape_cast %reduce_max3A_309 : vector<1xf32> to vector<1x1x1xf32>
      %reduce_max3A_311 = vector.extract %reduce_max3A_310[0, 0, 0] : f32 from vector<1x1x1xf32>
      %broadcast_in_dim3A_312 = vector.broadcast %cond3A_83 : f32 to vector<1x1024xf32>
      %select_n3A_313 = arith.select %eq3A_4, %broadcast_in_dim3A_312, %slice3A_305 : vector<1x1024xi1>, vector<1x1024xf32>
      %reduce_max3A_314 = vector.shape_cast %select_n3A_313 : vector<1x1024xf32> to vector<1x1x1024xf32>
      %reduce_max3A_315 = arith.constant dense<0xFF800000> : vector<1xf32>
      %reduce_max3A_316 = vector.multi_reduction <maximumf>, %reduce_max3A_314, %reduce_max3A_315 [1, 2] : vector<1x1x1024xf32> to vector<1xf32>
      %reduce_max3A_317 = vector.shape_cast %reduce_max3A_316 : vector<1xf32> to vector<1x1x1xf32>
      %reduce_max3A_318 = vector.extract %reduce_max3A_317[0, 0, 0] : f32 from vector<1x1x1xf32>
      %gt3A_319 = arith.constant 0 : i32
      %gt3A_320 = vector.broadcast %gt3A_319 : i32 to vector<256x1xi32>
      %gt3A_321 = arith.cmpi sgt, %iota3A, %gt3A_320 : vector<256x1xi32>
      %and3A = arith.andi %ge3A, %gt3A_321 : vector<256x1xi1>
      %jit3A = arith.constant 256 : i32
      %broadcast_in_dim3A_322 = vector.broadcast %jit3A : i32 to vector<256x1xi32>
      %select_n3A_323 = arith.select %and3A, %iota3A, %broadcast_in_dim3A_322 : vector<256x1xi1>, vector<256x1xi32>
      %reduce_min3A = vector.shape_cast %select_n3A_323 : vector<256x1xi32> to vector<1x256x1xi32>
      %reduce_min3A_324 = arith.constant dense<2147483647> : vector<1xi32>
      %reduce_min3A_325 = vector.multi_reduction <minsi>, %reduce_min3A, %reduce_min3A_324 [1, 2] : vector<1x256x1xi32> to vector<1xi32>
      %reduce_min3A_326 = vector.shape_cast %reduce_min3A_325 : vector<1xi32> to vector<1x1x1xi32>
      %reduce_min3A_327 = vector.extract %reduce_min3A_326[0, 0, 0] : i32 from vector<1x1x1xi32>
      %add3A_328 = arith.addf %reduce_max3A_311, %get3A_200 : f32
      %ge3A_329 = arith.cmpf oge, %add3A_328, %reduce_max3A_318 : f32
      %jit3A_330 = arith.constant 0 : i32
      %select_n3A_331 = arith.select %ge3A_329, %jit3A_330, %reduce_min3A_327 : i32
      %sub3A = arith.constant 256 : i32
      %sub3A_332 = arith.subi %sub3A, %get3A_196 : i32
      %min3A = arith.minsi %select_n3A_331, %sub3A_332 : i32
      %add3A_333 = arith.addi %get3A_196, %min3A : i32
      %swap3A_334 = arith.constant 0 : index
      %swap3A_335 = memref.load %arg8[%swap3A_334] : memref<1xi32, #tpu.memory_space<smem>>
      memref.store %add3A_333, %arg8[%swap3A_334] : memref<1xi32, #tpu.memory_space<smem>>
      %gt3A_336 = arith.constant 0 : i32
      %gt3A_337 = arith.cmpi sgt, %min3A, %gt3A_336 : i32
      %convert_element_type3A_338 = arith.extui %gt3A_337 : i1 to i32
      %cond3A_339 = arith.constant 0 : i32
      %cond3A_340 = arith.cmpi ne, %convert_element_type3A_338, %cond3A_339 : i32
      scf.if %cond3A_340 {
        %get3A_341 = arith.constant 2 : index
        %get3A_342 = memref.load %arg9[%get3A_341] : memref<3xi32, #tpu.memory_space<smem>>
        %rem3A_343 = arith.constant 2 : i32
        %rem3A_344 = arith.remsi %get3A_342, %rem3A_343 : i32
        %get3A_345 = arith.index_cast %rem3A_344 : i32 to index
        %get3A_346 = memref.load %arg9[%get3A_345] : memref<3xi32, #tpu.memory_space<smem>>
        %eq3A_347 = arith.constant 1 : i32
        %eq3A_348 = arith.cmpi eq, %get3A_346, %eq3A_347 : i32
        %convert_element_type3A_349 = arith.extui %eq3A_348 : i1 to i32
        %cond3A_350 = arith.constant 0 : i32
        %cond3A_351 = arith.cmpi ne, %convert_element_type3A_349, %cond3A_350 : i32
        scf.if %cond3A_351 {
          %dma_wait3A = tpu.memref_slice %arg11[%rem3A_344] : memref<2x!tpu.dma_semaphore, #tpu.memory_space<semaphore_mem>> -> memref<1x!tpu.dma_semaphore, #tpu.memory_space<semaphore_mem>>
          %dma_wait3A_413 = tpu.memref_squeeze %dma_wait3A : memref<1x!tpu.dma_semaphore, #tpu.memory_space<semaphore_mem>> -> memref<!tpu.dma_semaphore, #tpu.memory_space<semaphore_mem>>
          %dma_wait3A_414 = arith.constant 0 : i32
          %dma_wait3A_415 = arith.constant 0 : i32
          %dma_wait3A_416 = tpu.memref_slice %arg4[%dma_wait3A_414, %dma_wait3A_415] : memref<32776x1024xf32, #tpu.memory_space<hbm>> -> memref<256x1024xf32, #tpu.memory_space<hbm>>
          %dma_wait3A_417 = arith.constant 0 : i32
          %dma_wait3A_418 = arith.constant 0 : i32
          %dma_wait3A_419 = tpu.memref_slice %arg7[%rem3A_344, %dma_wait3A_417, %dma_wait3A_418] : memref<2x256x1024xf32, #tpu.memory_space<vmem>> -> memref<1x256x1024xf32, #tpu.memory_space<vmem>>
          %dma_wait3A_420 = tpu.memref_squeeze %dma_wait3A_419 : memref<1x256x1024xf32, #tpu.memory_space<vmem>> -> memref<256x1024xf32, #tpu.memory_space<vmem>>
          tpu.wait_dma2 semaphore(%dma_wait3A_413 : memref<!tpu.dma_semaphore, #tpu.memory_space<semaphore_mem>>) src(%dma_wait3A_420 : memref<256x1024xf32, #tpu.memory_space<vmem>>) dst(%dma_wait3A_416 : memref<256x1024xf32, #tpu.memory_space<hbm>>)
        } else {
        }
        %swap3A_352 = arith.index_cast %rem3A_344 : i32 to index
        %swap3A_353 = arith.constant 0 : index
        %swap3A_354 = arith.constant 0 : index
        %swap3A_355 = vector.load %arg7[%swap3A_352, %swap3A_353, %swap3A_354] : memref<2x256x1024xf32, #tpu.memory_space<vmem>>, vector<1x256x1024xf32>
        %swap3A_356 = vector.shape_cast %swap3A_355 : vector<1x256x1024xf32> to vector<256x1024xf32>
        %swap3A_357 = vector.shape_cast %add3A_302 : vector<256x1024xf32> to vector<1x256x1024xf32>
        tpu.vector_store %arg7[%swap3A_352, %swap3A_353, %swap3A_354], %swap3A_357 {strides = array<i32>} : memref<2x256x1024xf32, #tpu.memory_space<vmem>>, vector<1x256x1024xf32>,
        %jit3A_358 = arith.constant 0.000000e+00 : f32
        %broadcast_in_dim3A_359 = vector.broadcast %get3A_200 : f32 to vector<1x1024xf32>
        %broadcast_in_dim3A_360 = vector.broadcast %jit3A_358 : f32 to vector<1x1024xf32>
        %select_n3A_361 = arith.select %eq3A_4, %broadcast_in_dim3A_359, %broadcast_in_dim3A_360 : vector<1x1024xi1>, vector<1x1024xf32>
        %add3A_362 = arith.addf %slice3A_305, %select_n3A_361 : vector<1x1024xf32>
        %swap3A_363 = arith.index_cast %rem3A_344 : i32 to index
        %swap3A_364 = arith.constant 0 : index
        %swap3A_365 = arith.constant 0 : index
        %swap3A_366 = vector.load %arg7[%swap3A_363, %swap3A_364, %swap3A_365] : memref<2x256x1024xf32, #tpu.memory_space<vmem>>, vector<1x1x1024xf32>
        %swap3A_367 = vector.shape_cast %swap3A_366 : vector<1x1x1024xf32> to vector<1x1024xf32>
        %swap3A_368 = vector.shape_cast %add3A_362 : vector<1x1024xf32> to vector<1x1x1024xf32>
        tpu.vector_store %arg7[%swap3A_363, %swap3A_364, %swap3A_365], %swap3A_368 {strides = array<i32>} : memref<2x256x1024xf32, #tpu.memory_space<vmem>>, vector<1x1x1024xf32>,
        %mul3A_369 = arith.constant 16 : i32
        %mul3A_370 = arith.muli %arg0, %mul3A_369 : i32
        %add3A_371 = arith.constant 2 : i32
        %add3A_372 = arith.addi %mul3A_370, %add3A_371 : i32
        %mul3A_373 = arith.constant 256 : i32
        %mul3A_374 = arith.muli %add3A_372, %mul3A_373 : i32
        %dma_start3A = tpu.memref_slice %arg11[%rem3A_344] : memref<2x!tpu.dma_semaphore, #tpu.memory_space<semaphore_mem>> -> memref<1x!tpu.dma_semaphore, #tpu.memory_space<semaphore_mem>>
        %dma_start3A_375 = tpu.memref_squeeze %dma_start3A : memref<1x!tpu.dma_semaphore, #tpu.memory_space<semaphore_mem>> -> memref<!tpu.dma_semaphore, #tpu.memory_space<semaphore_mem>>
        %dma_start3A_376 = arith.constant 0 : i32
        %dma_start3A_377 = tpu.memref_slice %arg4[%mul3A_374, %dma_start3A_376] : memref<32776x1024xf32, #tpu.memory_space<hbm>> -> memref<256x1024xf32, #tpu.memory_space<hbm>>
        %dma_start3A_378 = arith.constant 0 : i32
        %dma_start3A_379 = arith.constant 0 : i32
        %dma_start3A_380 = tpu.memref_slice %arg7[%rem3A_344, %dma_start3A_378, %dma_start3A_379] : memref<2x256x1024xf32, #tpu.memory_space<vmem>> -> memref<1x256x1024xf32, #tpu.memory_space<vmem>>
        %dma_start3A_381 = tpu.memref_squeeze %dma_start3A_380 : memref<1x256x1024xf32, #tpu.memory_space<vmem>> -> memref<256x1024xf32, #tpu.memory_space<vmem>>
        tpu.enqueue_dma source(%dma_start3A_381 : memref<256x1024xf32, #tpu.memory_space<vmem>>) target(%dma_start3A_377 : memref<256x1024xf32, #tpu.memory_space<hbm>>) target_semaphore(%dma_start3A_375 : memref<!tpu.dma_semaphore, #tpu.memory_space<semaphore_mem>>)
        %swap3A_382 = arith.constant 1 : i32
        %swap3A_383 = arith.index_cast %rem3A_344 : i32 to index
        %swap3A_384 = memref.load %arg9[%swap3A_383] : memref<3xi32, #tpu.memory_space<smem>>
        memref.store %swap3A_382, %arg9[%swap3A_383] : memref<3xi32, #tpu.memory_space<smem>>
        %get3A_385 = arith.constant 2 : index
        %get3A_386 = memref.load %arg9[%get3A_385] : memref<3xi32, #tpu.memory_space<smem>>
        %add3A_387 = arith.constant 1 : i32
        %add3A_388 = arith.addi %get3A_386, %add3A_387 : i32
        %swap3A_389 = arith.constant 2 : index
        %swap3A_390 = memref.load %arg9[%swap3A_389] : memref<3xi32, #tpu.memory_space<smem>>
        memref.store %add3A_388, %arg9[%swap3A_389] : memref<3xi32, #tpu.memory_space<smem>>
        %ge3A_391 = vector.broadcast %get3A_196 : i32 to vector<1x256xi32>
        %ge3A_392 = arith.cmpi sge, %iota3A_1, %ge3A_391 : vector<1x256xi32>
        %add3A_393 = arith.addi %get3A_196, %min3A : i32
        %lt3A_394 = vector.broadcast %add3A_393 : i32 to vector<1x256xi32>
        %lt3A_395 = arith.cmpi slt, %iota3A_1, %lt3A_394 : vector<1x256xi32>
        %and3A_396 = arith.andi %ge3A_392, %lt3A_395 : vector<1x256xi1>
        %add3A_397 = vector.broadcast %mul3A_374 : i32 to vector<1x256xi32>
        %add3A_398 = arith.addi %add3A_397, %iota3A_1 : vector<1x256xi32>
        %sub3A_399 = vector.broadcast %get3A_196 : i32 to vector<1x256xi32>
        %sub3A_400 = arith.subi %add3A_398, %sub3A_399 : vector<1x256xi32>
        %get3A_401 = arith.constant 0 : index
        %get3A_402 = arith.constant 0 : index
        %get3A_403 = arith.constant 0 : index
        %get3A_404 = vector.load %arg5[%get3A_401, %get3A_402, %get3A_403] : memref<1x1x256xi32, #tpu.memory_space<vmem>>, vector<1x1x256xi32>
        %get3A_405 = vector.shape_cast %get3A_404 : vector<1x1x256xi32> to vector<1x256xi32>
        %select_n3A_406 = arith.select %and3A_396, %sub3A_400, %get3A_405 : vector<1x256xi1>, vector<1x256xi32>
        %swap3A_407 = arith.constant 0 : index
        %swap3A_408 = arith.constant 0 : index
        %swap3A_409 = arith.constant 0 : index
        %swap3A_410 = vector.load %arg5[%swap3A_407, %swap3A_408, %swap3A_409] : memref<1x1x256xi32, #tpu.memory_space<vmem>>, vector<1x1x256xi32>
        %swap3A_411 = vector.shape_cast %swap3A_410 : vector<1x1x256xi32> to vector<1x256xi32>
        %swap3A_412 = vector.shape_cast %select_n3A_406 : vector<1x256xi32> to vector<1x1x256xi32>
        tpu.vector_store %arg5[%swap3A_407, %swap3A_408, %swap3A_409], %swap3A_412 {strides = array<i32>} : memref<1x1x256xi32, #tpu.memory_space<vmem>>, vector<1x1x256xi32>,
      } else {
      }
    } else {
    }
    %get3A_86 = arith.constant 0 : index
    %get3A_87 = memref.load %arg8[%get3A_86] : memref<1xi32, #tpu.memory_space<smem>>
    %lt3A_88 = arith.constant 256 : i32
    %lt3A_89 = arith.cmpi slt, %get3A_87, %lt3A_88 : i32
    %convert_element_type3A_90 = arith.extui %lt3A_89 : i1 to i32
    %cond3A_91 = arith.constant 0xFF800000 : f32
    %cond3A_92 = arith.constant 0 : i32
    %cond3A_93 = arith.cmpi ne, %convert_element_type3A_90, %cond3A_92 : i32
    scf.if %cond3A_93 {
      %get3A_195 = arith.constant 0 : index
      %get3A_196 = memref.load %arg8[%get3A_195] : memref<1xi32, #tpu.memory_space<smem>>
      %get3A_197 = arith.index_cast %arg0 : i32 to index
      %get3A_198 = arith.constant 3 : index
      %get3A_199 = arith.constant 0 : index
      %get3A_200 = memref.load %arg1[%get3A_197, %get3A_198, %get3A_199] : memref<8x16x9xf32, #tpu.memory_space<smem>>
      %get3A_201 = arith.index_cast %arg0 : i32 to index
      %get3A_202 = arith.constant 3 : index
      %get3A_203 = arith.constant 1 : index
      %get3A_204 = memref.load %arg1[%get3A_201, %get3A_202, %get3A_203] : memref<8x16x9xf32, #tpu.memory_space<smem>>
      %get3A_205 = arith.index_cast %rem3A_0 : i32 to index
      %get3A_206 = arith.constant 0 : index
      %get3A_207 = arith.constant 0 : index
      %get3A_208 = arith.constant 0 : index
      %get3A_209 = vector.load %arg6[%get3A_205, %get3A_206, %get3A_207, %get3A_208] : memref<2x8x256x1024xf32, #tpu.memory_space<vmem>>, vector<1x1x256x1024xf32>
      %get3A_210 = vector.shape_cast %get3A_209 : vector<1x1x256x1024xf32> to vector<256x1024xf32>
      %mul3A = vector.broadcast %get3A_204 : f32 to vector<256x1024xf32>
      %mul3A_211 = arith.mulf %mul3A, %get3A_210 : vector<256x1024xf32>
      %get3A_212 = arith.index_cast %arg0 : i32 to index
      %get3A_213 = arith.constant 3 : index
      %get3A_214 = arith.constant 2 : index
      %get3A_215 = memref.load %arg1[%get3A_212, %get3A_213, %get3A_214] : memref<8x16x9xf32, #tpu.memory_space<smem>>
      %get3A_216 = arith.index_cast %rem3A_0 : i32 to index
      %get3A_217 = arith.constant 1 : index
      %get3A_218 = arith.constant 0 : index
      %get3A_219 = arith.constant 0 : index
      %get3A_220 = vector.load %arg6[%get3A_216, %get3A_217, %get3A_218, %get3A_219] : memref<2x8x256x1024xf32, #tpu.memory_space<vmem>>, vector<1x1x256x1024xf32>
      %get3A_221 = vector.shape_cast %get3A_220 : vector<1x1x256x1024xf32> to vector<256x1024xf32>
      %mul3A_222 = vector.broadcast %get3A_215 : f32 to vector<256x1024xf32>
      %mul3A_223 = arith.mulf %mul3A_222, %get3A_221 : vector<256x1024xf32>
      %add3A_224 = arith.addf %mul3A_211, %mul3A_223 : vector<256x1024xf32>
      %get3A_225 = arith.index_cast %arg0 : i32 to index
      %get3A_226 = arith.constant 3 : index
      %get3A_227 = arith.constant 3 : index
      %get3A_228 = memref.load %arg1[%get3A_225, %get3A_226, %get3A_227] : memref<8x16x9xf32, #tpu.memory_space<smem>>
      %get3A_229 = arith.index_cast %rem3A_0 : i32 to index
      %get3A_230 = arith.constant 2 : index
      %get3A_231 = arith.constant 0 : index
      %get3A_232 = arith.constant 0 : index
      %get3A_233 = vector.load %arg6[%get3A_229, %get3A_230, %get3A_231, %get3A_232] : memref<2x8x256x1024xf32, #tpu.memory_space<vmem>>, vector<1x1x256x1024xf32>
      %get3A_234 = vector.shape_cast %get3A_233 : vector<1x1x256x1024xf32> to vector<256x1024xf32>
      %mul3A_235 = vector.broadcast %get3A_228 : f32 to vector<256x1024xf32>
      %mul3A_236 = arith.mulf %mul3A_235, %get3A_234 : vector<256x1024xf32>
      %add3A_237 = arith.addf %add3A_224, %mul3A_236 : vector<256x1024xf32>
      %get3A_238 = arith.index_cast %arg0 : i32 to index
      %get3A_239 = arith.constant 3 : index
      %get3A_240 = arith.constant 4 : index
      %get3A_241 = memref.load %arg1[%get3A_238, %get3A_239, %get3A_240] : memref<8x16x9xf32, #tpu.memory_space<smem>>
      %get3A_242 = arith.index_cast %rem3A_0 : i32 to index
      %get3A_243 = arith.constant 3 : index
      %get3A_244 = arith.constant 0 : index
      %get3A_245 = arith.constant 0 : index
      %get3A_246 = vector.load %arg6[%get3A_242, %get3A_243, %get3A_244, %get3A_245] : memref<2x8x256x1024xf32, #tpu.memory_space<vmem>>, vector<1x1x256x1024xf32>
      %get3A_247 = vector.shape_cast %get3A_246 : vector<1x1x256x1024xf32> to vector<256x1024xf32>
      %mul3A_248 = vector.broadcast %get3A_241 : f32 to vector<256x1024xf32>
      %mul3A_249 = arith.mulf %mul3A_248, %get3A_247 : vector<256x1024xf32>
      %add3A_250 = arith.addf %add3A_237, %mul3A_249 : vector<256x1024xf32>
      %get3A_251 = arith.index_cast %arg0 : i32 to index
      %get3A_252 = arith.constant 3 : index
      %get3A_253 = arith.constant 5 : index
      %get3A_254 = memref.load %arg1[%get3A_251, %get3A_252, %get3A_253] : memref<8x16x9xf32, #tpu.memory_space<smem>>
      %get3A_255 = arith.index_cast %rem3A_0 : i32 to index
      %get3A_256 = arith.constant 4 : index
      %get3A_257 = arith.constant 0 : index
      %get3A_258 = arith.constant 0 : index
      %get3A_259 = vector.load %arg6[%get3A_255, %get3A_256, %get3A_257, %get3A_258] : memref<2x8x256x1024xf32, #tpu.memory_space<vmem>>, vector<1x1x256x1024xf32>
      %get3A_260 = vector.shape_cast %get3A_259 : vector<1x1x256x1024xf32> to vector<256x1024xf32>
      %mul3A_261 = vector.broadcast %get3A_254 : f32 to vector<256x1024xf32>
      %mul3A_262 = arith.mulf %mul3A_261, %get3A_260 : vector<256x1024xf32>
      %add3A_263 = arith.addf %add3A_250, %mul3A_262 : vector<256x1024xf32>
      %get3A_264 = arith.index_cast %arg0 : i32 to index
      %get3A_265 = arith.constant 3 : index
      %get3A_266 = arith.constant 6 : index
      %get3A_267 = memref.load %arg1[%get3A_264, %get3A_265, %get3A_266] : memref<8x16x9xf32, #tpu.memory_space<smem>>
      %get3A_268 = arith.index_cast %rem3A_0 : i32 to index
      %get3A_269 = arith.constant 5 : index
      %get3A_270 = arith.constant 0 : index
      %get3A_271 = arith.constant 0 : index
      %get3A_272 = vector.load %arg6[%get3A_268, %get3A_269, %get3A_270, %get3A_271] : memref<2x8x256x1024xf32, #tpu.memory_space<vmem>>, vector<1x1x256x1024xf32>
      %get3A_273 = vector.shape_cast %get3A_272 : vector<1x1x256x1024xf32> to vector<256x1024xf32>
      %mul3A_274 = vector.broadcast %get3A_267 : f32 to vector<256x1024xf32>
      %mul3A_275 = arith.mulf %mul3A_274, %get3A_273 : vector<256x1024xf32>
      %add3A_276 = arith.addf %add3A_263, %mul3A_275 : vector<256x1024xf32>
      %get3A_277 = arith.index_cast %arg0 : i32 to index
      %get3A_278 = arith.constant 3 : index
      %get3A_279 = arith.constant 7 : index
      %get3A_280 = memref.load %arg1[%get3A_277, %get3A_278, %get3A_279] : memref<8x16x9xf32, #tpu.memory_space<smem>>
      %get3A_281 = arith.index_cast %rem3A_0 : i32 to index
      %get3A_282 = arith.constant 6 : index
      %get3A_283 = arith.constant 0 : index
      %get3A_284 = arith.constant 0 : index
      %get3A_285 = vector.load %arg6[%get3A_281, %get3A_282, %get3A_283, %get3A_284] : memref<2x8x256x1024xf32, #tpu.memory_space<vmem>>, vector<1x1x256x1024xf32>
      %get3A_286 = vector.shape_cast %get3A_285 : vector<1x1x256x1024xf32> to vector<256x1024xf32>
      %mul3A_287 = vector.broadcast %get3A_280 : f32 to vector<256x1024xf32>
      %mul3A_288 = arith.mulf %mul3A_287, %get3A_286 : vector<256x1024xf32>
      %add3A_289 = arith.addf %add3A_276, %mul3A_288 : vector<256x1024xf32>
      %get3A_290 = arith.index_cast %arg0 : i32 to index
      %get3A_291 = arith.constant 3 : index
      %get3A_292 = arith.constant 8 : index
      %get3A_293 = memref.load %arg1[%get3A_290, %get3A_291, %get3A_292] : memref<8x16x9xf32, #tpu.memory_space<smem>>
      %get3A_294 = arith.index_cast %rem3A_0 : i32 to index
      %get3A_295 = arith.constant 7 : index
      %get3A_296 = arith.constant 0 : index
      %get3A_297 = arith.constant 0 : index
      %get3A_298 = vector.load %arg6[%get3A_294, %get3A_295, %get3A_296, %get3A_297] : memref<2x8x256x1024xf32, #tpu.memory_space<vmem>>, vector<1x1x256x1024xf32>
      %get3A_299 = vector.shape_cast %get3A_298 : vector<1x1x256x1024xf32> to vector<256x1024xf32>
      %mul3A_300 = vector.broadcast %get3A_293 : f32 to vector<256x1024xf32>
      %mul3A_301 = arith.mulf %mul3A_300, %get3A_299 : vector<256x1024xf32>
      %add3A_302 = arith.addf %add3A_289, %mul3A_301 : vector<256x1024xf32>
      %reduce_max3A = arith.constant dense<0xFF800000> : vector<256xf32>
      %reduce_max3A_303 = vector.multi_reduction <maximumf>, %add3A_302, %reduce_max3A [1] : vector<256x1024xf32> to vector<256xf32>
      %broadcast_in_dim3A_304 = vector.shape_cast %reduce_max3A_303 : vector<256xf32> to vector<256x1xf32>
      %slice3A = vector.extract_strided_slice %add3A_302 {offsets = [0, 0], sizes = [256, 1], strides = [1, 1]} : vector<256x1024xf32> to vector<256x1xf32>
      %ge3A = arith.cmpf oge, %slice3A, %broadcast_in_dim3A_304 : vector<256x1xf32>
      %slice3A_305 = vector.extract_strided_slice %add3A_302 {offsets = [0, 0], sizes = [1, 1024], strides = [1, 1]} : vector<256x1024xf32> to vector<1x1024xf32>
      %broadcast_in_dim3A_306 = vector.broadcast %cond3A_91 : f32 to vector<1x1024xf32>
      %select_n3A = arith.select %eq3A_4, %slice3A_305, %broadcast_in_dim3A_306 : vector<1x1024xi1>, vector<1x1024xf32>
      %reduce_max3A_307 = vector.shape_cast %select_n3A : vector<1x1024xf32> to vector<1x1x1024xf32>
      %reduce_max3A_308 = arith.constant dense<0xFF800000> : vector<1xf32>
      %reduce_max3A_309 = vector.multi_reduction <maximumf>, %reduce_max3A_307, %reduce_max3A_308 [1, 2] : vector<1x1x1024xf32> to vector<1xf32>
      %reduce_max3A_310 = vector.shape_cast %reduce_max3A_309 : vector<1xf32> to vector<1x1x1xf32>
      %reduce_max3A_311 = vector.extract %reduce_max3A_310[0, 0, 0] : f32 from vector<1x1x1xf32>
      %broadcast_in_dim3A_312 = vector.broadcast %cond3A_91 : f32 to vector<1x1024xf32>
      %select_n3A_313 = arith.select %eq3A_4, %broadcast_in_dim3A_312, %slice3A_305 : vector<1x1024xi1>, vector<1x1024xf32>
      %reduce_max3A_314 = vector.shape_cast %select_n3A_313 : vector<1x1024xf32> to vector<1x1x1024xf32>
      %reduce_max3A_315 = arith.constant dense<0xFF800000> : vector<1xf32>
      %reduce_max3A_316 = vector.multi_reduction <maximumf>, %reduce_max3A_314, %reduce_max3A_315 [1, 2] : vector<1x1x1024xf32> to vector<1xf32>
      %reduce_max3A_317 = vector.shape_cast %reduce_max3A_316 : vector<1xf32> to vector<1x1x1xf32>
      %reduce_max3A_318 = vector.extract %reduce_max3A_317[0, 0, 0] : f32 from vector<1x1x1xf32>
      %gt3A_319 = arith.constant 0 : i32
      %gt3A_320 = vector.broadcast %gt3A_319 : i32 to vector<256x1xi32>
      %gt3A_321 = arith.cmpi sgt, %iota3A, %gt3A_320 : vector<256x1xi32>
      %and3A = arith.andi %ge3A, %gt3A_321 : vector<256x1xi1>
      %jit3A = arith.constant 256 : i32
      %broadcast_in_dim3A_322 = vector.broadcast %jit3A : i32 to vector<256x1xi32>
      %select_n3A_323 = arith.select %and3A, %iota3A, %broadcast_in_dim3A_322 : vector<256x1xi1>, vector<256x1xi32>
      %reduce_min3A = vector.shape_cast %select_n3A_323 : vector<256x1xi32> to vector<1x256x1xi32>
      %reduce_min3A_324 = arith.constant dense<2147483647> : vector<1xi32>
      %reduce_min3A_325 = vector.multi_reduction <minsi>, %reduce_min3A, %reduce_min3A_324 [1, 2] : vector<1x256x1xi32> to vector<1xi32>
      %reduce_min3A_326 = vector.shape_cast %reduce_min3A_325 : vector<1xi32> to vector<1x1x1xi32>
      %reduce_min3A_327 = vector.extract %reduce_min3A_326[0, 0, 0] : i32 from vector<1x1x1xi32>
      %add3A_328 = arith.addf %reduce_max3A_311, %get3A_200 : f32
      %ge3A_329 = arith.cmpf oge, %add3A_328, %reduce_max3A_318 : f32
      %jit3A_330 = arith.constant 0 : i32
      %select_n3A_331 = arith.select %ge3A_329, %jit3A_330, %reduce_min3A_327 : i32
      %sub3A = arith.constant 256 : i32
      %sub3A_332 = arith.subi %sub3A, %get3A_196 : i32
      %min3A = arith.minsi %select_n3A_331, %sub3A_332 : i32
      %add3A_333 = arith.addi %get3A_196, %min3A : i32
      %swap3A_334 = arith.constant 0 : index
      %swap3A_335 = memref.load %arg8[%swap3A_334] : memref<1xi32, #tpu.memory_space<smem>>
      memref.store %add3A_333, %arg8[%swap3A_334] : memref<1xi32, #tpu.memory_space<smem>>
      %gt3A_336 = arith.constant 0 : i32
      %gt3A_337 = arith.cmpi sgt, %min3A, %gt3A_336 : i32
      %convert_element_type3A_338 = arith.extui %gt3A_337 : i1 to i32
      %cond3A_339 = arith.constant 0 : i32
      %cond3A_340 = arith.cmpi ne, %convert_element_type3A_338, %cond3A_339 : i32
      scf.if %cond3A_340 {
        %get3A_341 = arith.constant 2 : index
        %get3A_342 = memref.load %arg9[%get3A_341] : memref<3xi32, #tpu.memory_space<smem>>
        %rem3A_343 = arith.constant 2 : i32
        %rem3A_344 = arith.remsi %get3A_342, %rem3A_343 : i32
        %get3A_345 = arith.index_cast %rem3A_344 : i32 to index
        %get3A_346 = memref.load %arg9[%get3A_345] : memref<3xi32, #tpu.memory_space<smem>>
        %eq3A_347 = arith.constant 1 : i32
        %eq3A_348 = arith.cmpi eq, %get3A_346, %eq3A_347 : i32
        %convert_element_type3A_349 = arith.extui %eq3A_348 : i1 to i32
        %cond3A_350 = arith.constant 0 : i32
        %cond3A_351 = arith.cmpi ne, %convert_element_type3A_349, %cond3A_350 : i32
        scf.if %cond3A_351 {
          %dma_wait3A = tpu.memref_slice %arg11[%rem3A_344] : memref<2x!tpu.dma_semaphore, #tpu.memory_space<semaphore_mem>> -> memref<1x!tpu.dma_semaphore, #tpu.memory_space<semaphore_mem>>
          %dma_wait3A_413 = tpu.memref_squeeze %dma_wait3A : memref<1x!tpu.dma_semaphore, #tpu.memory_space<semaphore_mem>> -> memref<!tpu.dma_semaphore, #tpu.memory_space<semaphore_mem>>
          %dma_wait3A_414 = arith.constant 0 : i32
          %dma_wait3A_415 = arith.constant 0 : i32
          %dma_wait3A_416 = tpu.memref_slice %arg4[%dma_wait3A_414, %dma_wait3A_415] : memref<32776x1024xf32, #tpu.memory_space<hbm>> -> memref<256x1024xf32, #tpu.memory_space<hbm>>
          %dma_wait3A_417 = arith.constant 0 : i32
          %dma_wait3A_418 = arith.constant 0 : i32
          %dma_wait3A_419 = tpu.memref_slice %arg7[%rem3A_344, %dma_wait3A_417, %dma_wait3A_418] : memref<2x256x1024xf32, #tpu.memory_space<vmem>> -> memref<1x256x1024xf32, #tpu.memory_space<vmem>>
          %dma_wait3A_420 = tpu.memref_squeeze %dma_wait3A_419 : memref<1x256x1024xf32, #tpu.memory_space<vmem>> -> memref<256x1024xf32, #tpu.memory_space<vmem>>
          tpu.wait_dma2 semaphore(%dma_wait3A_413 : memref<!tpu.dma_semaphore, #tpu.memory_space<semaphore_mem>>) src(%dma_wait3A_420 : memref<256x1024xf32, #tpu.memory_space<vmem>>) dst(%dma_wait3A_416 : memref<256x1024xf32, #tpu.memory_space<hbm>>)
        } else {
        }
        %swap3A_352 = arith.index_cast %rem3A_344 : i32 to index
        %swap3A_353 = arith.constant 0 : index
        %swap3A_354 = arith.constant 0 : index
        %swap3A_355 = vector.load %arg7[%swap3A_352, %swap3A_353, %swap3A_354] : memref<2x256x1024xf32, #tpu.memory_space<vmem>>, vector<1x256x1024xf32>
        %swap3A_356 = vector.shape_cast %swap3A_355 : vector<1x256x1024xf32> to vector<256x1024xf32>
        %swap3A_357 = vector.shape_cast %add3A_302 : vector<256x1024xf32> to vector<1x256x1024xf32>
        tpu.vector_store %arg7[%swap3A_352, %swap3A_353, %swap3A_354], %swap3A_357 {strides = array<i32>} : memref<2x256x1024xf32, #tpu.memory_space<vmem>>, vector<1x256x1024xf32>,
        %jit3A_358 = arith.constant 0.000000e+00 : f32
        %broadcast_in_dim3A_359 = vector.broadcast %get3A_200 : f32 to vector<1x1024xf32>
        %broadcast_in_dim3A_360 = vector.broadcast %jit3A_358 : f32 to vector<1x1024xf32>
        %select_n3A_361 = arith.select %eq3A_4, %broadcast_in_dim3A_359, %broadcast_in_dim3A_360 : vector<1x1024xi1>, vector<1x1024xf32>
        %add3A_362 = arith.addf %slice3A_305, %select_n3A_361 : vector<1x1024xf32>
        %swap3A_363 = arith.index_cast %rem3A_344 : i32 to index
        %swap3A_364 = arith.constant 0 : index
        %swap3A_365 = arith.constant 0 : index
        %swap3A_366 = vector.load %arg7[%swap3A_363, %swap3A_364, %swap3A_365] : memref<2x256x1024xf32, #tpu.memory_space<vmem>>, vector<1x1x1024xf32>
        %swap3A_367 = vector.shape_cast %swap3A_366 : vector<1x1x1024xf32> to vector<1x1024xf32>
        %swap3A_368 = vector.shape_cast %add3A_362 : vector<1x1024xf32> to vector<1x1x1024xf32>
        tpu.vector_store %arg7[%swap3A_363, %swap3A_364, %swap3A_365], %swap3A_368 {strides = array<i32>} : memref<2x256x1024xf32, #tpu.memory_space<vmem>>, vector<1x1x1024xf32>,
        %mul3A_369 = arith.constant 16 : i32
        %mul3A_370 = arith.muli %arg0, %mul3A_369 : i32
        %add3A_371 = arith.constant 3 : i32
        %add3A_372 = arith.addi %mul3A_370, %add3A_371 : i32
        %mul3A_373 = arith.constant 256 : i32
        %mul3A_374 = arith.muli %add3A_372, %mul3A_373 : i32
        %dma_start3A = tpu.memref_slice %arg11[%rem3A_344] : memref<2x!tpu.dma_semaphore, #tpu.memory_space<semaphore_mem>> -> memref<1x!tpu.dma_semaphore, #tpu.memory_space<semaphore_mem>>
        %dma_start3A_375 = tpu.memref_squeeze %dma_start3A : memref<1x!tpu.dma_semaphore, #tpu.memory_space<semaphore_mem>> -> memref<!tpu.dma_semaphore, #tpu.memory_space<semaphore_mem>>
        %dma_start3A_376 = arith.constant 0 : i32
        %dma_start3A_377 = tpu.memref_slice %arg4[%mul3A_374, %dma_start3A_376] : memref<32776x1024xf32, #tpu.memory_space<hbm>> -> memref<256x1024xf32, #tpu.memory_space<hbm>>
        %dma_start3A_378 = arith.constant 0 : i32
        %dma_start3A_379 = arith.constant 0 : i32
        %dma_start3A_380 = tpu.memref_slice %arg7[%rem3A_344, %dma_start3A_378, %dma_start3A_379] : memref<2x256x1024xf32, #tpu.memory_space<vmem>> -> memref<1x256x1024xf32, #tpu.memory_space<vmem>>
        %dma_start3A_381 = tpu.memref_squeeze %dma_start3A_380 : memref<1x256x1024xf32, #tpu.memory_space<vmem>> -> memref<256x1024xf32, #tpu.memory_space<vmem>>
        tpu.enqueue_dma source(%dma_start3A_381 : memref<256x1024xf32, #tpu.memory_space<vmem>>) target(%dma_start3A_377 : memref<256x1024xf32, #tpu.memory_space<hbm>>) target_semaphore(%dma_start3A_375 : memref<!tpu.dma_semaphore, #tpu.memory_space<semaphore_mem>>)
        %swap3A_382 = arith.constant 1 : i32
        %swap3A_383 = arith.index_cast %rem3A_344 : i32 to index
        %swap3A_384 = memref.load %arg9[%swap3A_383] : memref<3xi32, #tpu.memory_space<smem>>
        memref.store %swap3A_382, %arg9[%swap3A_383] : memref<3xi32, #tpu.memory_space<smem>>
        %get3A_385 = arith.constant 2 : index
        %get3A_386 = memref.load %arg9[%get3A_385] : memref<3xi32, #tpu.memory_space<smem>>
        %add3A_387 = arith.constant 1 : i32
        %add3A_388 = arith.addi %get3A_386, %add3A_387 : i32
        %swap3A_389 = arith.constant 2 : index
        %swap3A_390 = memref.load %arg9[%swap3A_389] : memref<3xi32, #tpu.memory_space<smem>>
        memref.store %add3A_388, %arg9[%swap3A_389] : memref<3xi32, #tpu.memory_space<smem>>
        %ge3A_391 = vector.broadcast %get3A_196 : i32 to vector<1x256xi32>
        %ge3A_392 = arith.cmpi sge, %iota3A_1, %ge3A_391 : vector<1x256xi32>
        %add3A_393 = arith.addi %get3A_196, %min3A : i32
        %lt3A_394 = vector.broadcast %add3A_393 : i32 to vector<1x256xi32>
        %lt3A_395 = arith.cmpi slt, %iota3A_1, %lt3A_394 : vector<1x256xi32>
        %and3A_396 = arith.andi %ge3A_392, %lt3A_395 : vector<1x256xi1>
        %add3A_397 = vector.broadcast %mul3A_374 : i32 to vector<1x256xi32>
        %add3A_398 = arith.addi %add3A_397, %iota3A_1 : vector<1x256xi32>
        %sub3A_399 = vector.broadcast %get3A_196 : i32 to vector<1x256xi32>
        %sub3A_400 = arith.subi %add3A_398, %sub3A_399 : vector<1x256xi32>
        %get3A_401 = arith.constant 0 : index
        %get3A_402 = arith.constant 0 : index
        %get3A_403 = arith.constant 0 : index
        %get3A_404 = vector.load %arg5[%get3A_401, %get3A_402, %get3A_403] : memref<1x1x256xi32, #tpu.memory_space<vmem>>, vector<1x1x256xi32>
        %get3A_405 = vector.shape_cast %get3A_404 : vector<1x1x256xi32> to vector<1x256xi32>
        %select_n3A_406 = arith.select %and3A_396, %sub3A_400, %get3A_405 : vector<1x256xi1>, vector<1x256xi32>
        %swap3A_407 = arith.constant 0 : index
        %swap3A_408 = arith.constant 0 : index
        %swap3A_409 = arith.constant 0 : index
        %swap3A_410 = vector.load %arg5[%swap3A_407, %swap3A_408, %swap3A_409] : memref<1x1x256xi32, #tpu.memory_space<vmem>>, vector<1x1x256xi32>
        %swap3A_411 = vector.shape_cast %swap3A_410 : vector<1x1x256xi32> to vector<1x256xi32>
        %swap3A_412 = vector.shape_cast %select_n3A_406 : vector<1x256xi32> to vector<1x1x256xi32>
        tpu.vector_store %arg5[%swap3A_407, %swap3A_408, %swap3A_409], %swap3A_412 {strides = array<i32>} : memref<1x1x256xi32, #tpu.memory_space<vmem>>, vector<1x1x256xi32>,
      } else {
      }
    } else {
    }
    %get3A_94 = arith.constant 0 : index
    %get3A_95 = memref.load %arg8[%get3A_94] : memref<1xi32, #tpu.memory_space<smem>>
    %lt3A_96 = arith.constant 256 : i32
    %lt3A_97 = arith.cmpi slt, %get3A_95, %lt3A_96 : i32
    %convert_element_type3A_98 = arith.extui %lt3A_97 : i1 to i32
    %cond3A_99 = arith.constant 0xFF800000 : f32
    %cond3A_100 = arith.constant 0 : i32
    %cond3A_101 = arith.cmpi ne, %convert_element_type3A_98, %cond3A_100 : i32
    scf.if %cond3A_101 {
      %get3A_195 = arith.constant 0 : index
      %get3A_196 = memref.load %arg8[%get3A_195] : memref<1xi32, #tpu.memory_space<smem>>
      %get3A_197 = arith.index_cast %arg0 : i32 to index
      %get3A_198 = arith.constant 4 : index
      %get3A_199 = arith.constant 0 : index
      %get3A_200 = memref.load %arg1[%get3A_197, %get3A_198, %get3A_199] : memref<8x16x9xf32, #tpu.memory_space<smem>>
      %get3A_201 = arith.index_cast %arg0 : i32 to index
      %get3A_202 = arith.constant 4 : index
      %get3A_203 = arith.constant 1 : index
      %get3A_204 = memref.load %arg1[%get3A_201, %get3A_202, %get3A_203] : memref<8x16x9xf32, #tpu.memory_space<smem>>
      %get3A_205 = arith.index_cast %rem3A_0 : i32 to index
      %get3A_206 = arith.constant 0 : index
      %get3A_207 = arith.constant 0 : index
      %get3A_208 = arith.constant 0 : index
      %get3A_209 = vector.load %arg6[%get3A_205, %get3A_206, %get3A_207, %get3A_208] : memref<2x8x256x1024xf32, #tpu.memory_space<vmem>>, vector<1x1x256x1024xf32>
      %get3A_210 = vector.shape_cast %get3A_209 : vector<1x1x256x1024xf32> to vector<256x1024xf32>
      %mul3A = vector.broadcast %get3A_204 : f32 to vector<256x1024xf32>
      %mul3A_211 = arith.mulf %mul3A, %get3A_210 : vector<256x1024xf32>
      %get3A_212 = arith.index_cast %arg0 : i32 to index
      %get3A_213 = arith.constant 4 : index
      %get3A_214 = arith.constant 2 : index
      %get3A_215 = memref.load %arg1[%get3A_212, %get3A_213, %get3A_214] : memref<8x16x9xf32, #tpu.memory_space<smem>>
      %get3A_216 = arith.index_cast %rem3A_0 : i32 to index
      %get3A_217 = arith.constant 1 : index
      %get3A_218 = arith.constant 0 : index
      %get3A_219 = arith.constant 0 : index
      %get3A_220 = vector.load %arg6[%get3A_216, %get3A_217, %get3A_218, %get3A_219] : memref<2x8x256x1024xf32, #tpu.memory_space<vmem>>, vector<1x1x256x1024xf32>
      %get3A_221 = vector.shape_cast %get3A_220 : vector<1x1x256x1024xf32> to vector<256x1024xf32>
      %mul3A_222 = vector.broadcast %get3A_215 : f32 to vector<256x1024xf32>
      %mul3A_223 = arith.mulf %mul3A_222, %get3A_221 : vector<256x1024xf32>
      %add3A_224 = arith.addf %mul3A_211, %mul3A_223 : vector<256x1024xf32>
      %get3A_225 = arith.index_cast %arg0 : i32 to index
      %get3A_226 = arith.constant 4 : index
      %get3A_227 = arith.constant 3 : index
      %get3A_228 = memref.load %arg1[%get3A_225, %get3A_226, %get3A_227] : memref<8x16x9xf32, #tpu.memory_space<smem>>
      %get3A_229 = arith.index_cast %rem3A_0 : i32 to index
      %get3A_230 = arith.constant 2 : index
      %get3A_231 = arith.constant 0 : index
      %get3A_232 = arith.constant 0 : index
      %get3A_233 = vector.load %arg6[%get3A_229, %get3A_230, %get3A_231, %get3A_232] : memref<2x8x256x1024xf32, #tpu.memory_space<vmem>>, vector<1x1x256x1024xf32>
      %get3A_234 = vector.shape_cast %get3A_233 : vector<1x1x256x1024xf32> to vector<256x1024xf32>
      %mul3A_235 = vector.broadcast %get3A_228 : f32 to vector<256x1024xf32>
      %mul3A_236 = arith.mulf %mul3A_235, %get3A_234 : vector<256x1024xf32>
      %add3A_237 = arith.addf %add3A_224, %mul3A_236 : vector<256x1024xf32>
      %get3A_238 = arith.index_cast %arg0 : i32 to index
      %get3A_239 = arith.constant 4 : index
      %get3A_240 = arith.constant 4 : index
      %get3A_241 = memref.load %arg1[%get3A_238, %get3A_239, %get3A_240] : memref<8x16x9xf32, #tpu.memory_space<smem>>
      %get3A_242 = arith.index_cast %rem3A_0 : i32 to index
      %get3A_243 = arith.constant 3 : index
      %get3A_244 = arith.constant 0 : index
      %get3A_245 = arith.constant 0 : index
      %get3A_246 = vector.load %arg6[%get3A_242, %get3A_243, %get3A_244, %get3A_245] : memref<2x8x256x1024xf32, #tpu.memory_space<vmem>>, vector<1x1x256x1024xf32>
      %get3A_247 = vector.shape_cast %get3A_246 : vector<1x1x256x1024xf32> to vector<256x1024xf32>
      %mul3A_248 = vector.broadcast %get3A_241 : f32 to vector<256x1024xf32>
      %mul3A_249 = arith.mulf %mul3A_248, %get3A_247 : vector<256x1024xf32>
      %add3A_250 = arith.addf %add3A_237, %mul3A_249 : vector<256x1024xf32>
      %get3A_251 = arith.index_cast %arg0 : i32 to index
      %get3A_252 = arith.constant 4 : index
      %get3A_253 = arith.constant 5 : index
      %get3A_254 = memref.load %arg1[%get3A_251, %get3A_252, %get3A_253] : memref<8x16x9xf32, #tpu.memory_space<smem>>
      %get3A_255 = arith.index_cast %rem3A_0 : i32 to index
      %get3A_256 = arith.constant 4 : index
      %get3A_257 = arith.constant 0 : index
      %get3A_258 = arith.constant 0 : index
      %get3A_259 = vector.load %arg6[%get3A_255, %get3A_256, %get3A_257, %get3A_258] : memref<2x8x256x1024xf32, #tpu.memory_space<vmem>>, vector<1x1x256x1024xf32>
      %get3A_260 = vector.shape_cast %get3A_259 : vector<1x1x256x1024xf32> to vector<256x1024xf32>
      %mul3A_261 = vector.broadcast %get3A_254 : f32 to vector<256x1024xf32>
      %mul3A_262 = arith.mulf %mul3A_261, %get3A_260 : vector<256x1024xf32>
      %add3A_263 = arith.addf %add3A_250, %mul3A_262 : vector<256x1024xf32>
      %get3A_264 = arith.index_cast %arg0 : i32 to index
      %get3A_265 = arith.constant 4 : index
      %get3A_266 = arith.constant 6 : index
      %get3A_267 = memref.load %arg1[%get3A_264, %get3A_265, %get3A_266] : memref<8x16x9xf32, #tpu.memory_space<smem>>
      %get3A_268 = arith.index_cast %rem3A_0 : i32 to index
      %get3A_269 = arith.constant 5 : index
      %get3A_270 = arith.constant 0 : index
      %get3A_271 = arith.constant 0 : index
      %get3A_272 = vector.load %arg6[%get3A_268, %get3A_269, %get3A_270, %get3A_271] : memref<2x8x256x1024xf32, #tpu.memory_space<vmem>>, vector<1x1x256x1024xf32>
      %get3A_273 = vector.shape_cast %get3A_272 : vector<1x1x256x1024xf32> to vector<256x1024xf32>
      %mul3A_274 = vector.broadcast %get3A_267 : f32 to vector<256x1024xf32>
      %mul3A_275 = arith.mulf %mul3A_274, %get3A_273 : vector<256x1024xf32>
      %add3A_276 = arith.addf %add3A_263, %mul3A_275 : vector<256x1024xf32>
      %get3A_277 = arith.index_cast %arg0 : i32 to index
      %get3A_278 = arith.constant 4 : index
      %get3A_279 = arith.constant 7 : index
      %get3A_280 = memref.load %arg1[%get3A_277, %get3A_278, %get3A_279] : memref<8x16x9xf32, #tpu.memory_space<smem>>
      %get3A_281 = arith.index_cast %rem3A_0 : i32 to index
      %get3A_282 = arith.constant 6 : index
      %get3A_283 = arith.constant 0 : index
      %get3A_284 = arith.constant 0 : index
      %get3A_285 = vector.load %arg6[%get3A_281, %get3A_282, %get3A_283, %get3A_284] : memref<2x8x256x1024xf32, #tpu.memory_space<vmem>>, vector<1x1x256x1024xf32>
      %get3A_286 = vector.shape_cast %get3A_285 : vector<1x1x256x1024xf32> to vector<256x1024xf32>
      %mul3A_287 = vector.broadcast %get3A_280 : f32 to vector<256x1024xf32>
      %mul3A_288 = arith.mulf %mul3A_287, %get3A_286 : vector<256x1024xf32>
      %add3A_289 = arith.addf %add3A_276, %mul3A_288 : vector<256x1024xf32>
      %get3A_290 = arith.index_cast %arg0 : i32 to index
      %get3A_291 = arith.constant 4 : index
      %get3A_292 = arith.constant 8 : index
      %get3A_293 = memref.load %arg1[%get3A_290, %get3A_291, %get3A_292] : memref<8x16x9xf32, #tpu.memory_space<smem>>
      %get3A_294 = arith.index_cast %rem3A_0 : i32 to index
      %get3A_295 = arith.constant 7 : index
      %get3A_296 = arith.constant 0 : index
      %get3A_297 = arith.constant 0 : index
      %get3A_298 = vector.load %arg6[%get3A_294, %get3A_295, %get3A_296, %get3A_297] : memref<2x8x256x1024xf32, #tpu.memory_space<vmem>>, vector<1x1x256x1024xf32>
      %get3A_299 = vector.shape_cast %get3A_298 : vector<1x1x256x1024xf32> to vector<256x1024xf32>
      %mul3A_300 = vector.broadcast %get3A_293 : f32 to vector<256x1024xf32>
      %mul3A_301 = arith.mulf %mul3A_300, %get3A_299 : vector<256x1024xf32>
      %add3A_302 = arith.addf %add3A_289, %mul3A_301 : vector<256x1024xf32>
      %reduce_max3A = arith.constant dense<0xFF800000> : vector<256xf32>
      %reduce_max3A_303 = vector.multi_reduction <maximumf>, %add3A_302, %reduce_max3A [1] : vector<256x1024xf32> to vector<256xf32>
      %broadcast_in_dim3A_304 = vector.shape_cast %reduce_max3A_303 : vector<256xf32> to vector<256x1xf32>
      %slice3A = vector.extract_strided_slice %add3A_302 {offsets = [0, 0], sizes = [256, 1], strides = [1, 1]} : vector<256x1024xf32> to vector<256x1xf32>
      %ge3A = arith.cmpf oge, %slice3A, %broadcast_in_dim3A_304 : vector<256x1xf32>
      %slice3A_305 = vector.extract_strided_slice %add3A_302 {offsets = [0, 0], sizes = [1, 1024], strides = [1, 1]} : vector<256x1024xf32> to vector<1x1024xf32>
      %broadcast_in_dim3A_306 = vector.broadcast %cond3A_99 : f32 to vector<1x1024xf32>
      %select_n3A = arith.select %eq3A_4, %slice3A_305, %broadcast_in_dim3A_306 : vector<1x1024xi1>, vector<1x1024xf32>
      %reduce_max3A_307 = vector.shape_cast %select_n3A : vector<1x1024xf32> to vector<1x1x1024xf32>
      %reduce_max3A_308 = arith.constant dense<0xFF800000> : vector<1xf32>
      %reduce_max3A_309 = vector.multi_reduction <maximumf>, %reduce_max3A_307, %reduce_max3A_308 [1, 2] : vector<1x1x1024xf32> to vector<1xf32>
      %reduce_max3A_310 = vector.shape_cast %reduce_max3A_309 : vector<1xf32> to vector<1x1x1xf32>
      %reduce_max3A_311 = vector.extract %reduce_max3A_310[0, 0, 0] : f32 from vector<1x1x1xf32>
      %broadcast_in_dim3A_312 = vector.broadcast %cond3A_99 : f32 to vector<1x1024xf32>
      %select_n3A_313 = arith.select %eq3A_4, %broadcast_in_dim3A_312, %slice3A_305 : vector<1x1024xi1>, vector<1x1024xf32>
      %reduce_max3A_314 = vector.shape_cast %select_n3A_313 : vector<1x1024xf32> to vector<1x1x1024xf32>
      %reduce_max3A_315 = arith.constant dense<0xFF800000> : vector<1xf32>
      %reduce_max3A_316 = vector.multi_reduction <maximumf>, %reduce_max3A_314, %reduce_max3A_315 [1, 2] : vector<1x1x1024xf32> to vector<1xf32>
      %reduce_max3A_317 = vector.shape_cast %reduce_max3A_316 : vector<1xf32> to vector<1x1x1xf32>
      %reduce_max3A_318 = vector.extract %reduce_max3A_317[0, 0, 0] : f32 from vector<1x1x1xf32>
      %gt3A_319 = arith.constant 0 : i32
      %gt3A_320 = vector.broadcast %gt3A_319 : i32 to vector<256x1xi32>
      %gt3A_321 = arith.cmpi sgt, %iota3A, %gt3A_320 : vector<256x1xi32>
      %and3A = arith.andi %ge3A, %gt3A_321 : vector<256x1xi1>
      %jit3A = arith.constant 256 : i32
      %broadcast_in_dim3A_322 = vector.broadcast %jit3A : i32 to vector<256x1xi32>
      %select_n3A_323 = arith.select %and3A, %iota3A, %broadcast_in_dim3A_322 : vector<256x1xi1>, vector<256x1xi32>
      %reduce_min3A = vector.shape_cast %select_n3A_323 : vector<256x1xi32> to vector<1x256x1xi32>
      %reduce_min3A_324 = arith.constant dense<2147483647> : vector<1xi32>
      %reduce_min3A_325 = vector.multi_reduction <minsi>, %reduce_min3A, %reduce_min3A_324 [1, 2] : vector<1x256x1xi32> to vector<1xi32>
      %reduce_min3A_326 = vector.shape_cast %reduce_min3A_325 : vector<1xi32> to vector<1x1x1xi32>
      %reduce_min3A_327 = vector.extract %reduce_min3A_326[0, 0, 0] : i32 from vector<1x1x1xi32>
      %add3A_328 = arith.addf %reduce_max3A_311, %get3A_200 : f32
      %ge3A_329 = arith.cmpf oge, %add3A_328, %reduce_max3A_318 : f32
      %jit3A_330 = arith.constant 0 : i32
      %select_n3A_331 = arith.select %ge3A_329, %jit3A_330, %reduce_min3A_327 : i32
      %sub3A = arith.constant 256 : i32
      %sub3A_332 = arith.subi %sub3A, %get3A_196 : i32
      %min3A = arith.minsi %select_n3A_331, %sub3A_332 : i32
      %add3A_333 = arith.addi %get3A_196, %min3A : i32
      %swap3A_334 = arith.constant 0 : index
      %swap3A_335 = memref.load %arg8[%swap3A_334] : memref<1xi32, #tpu.memory_space<smem>>
      memref.store %add3A_333, %arg8[%swap3A_334] : memref<1xi32, #tpu.memory_space<smem>>
      %gt3A_336 = arith.constant 0 : i32
      %gt3A_337 = arith.cmpi sgt, %min3A, %gt3A_336 : i32
      %convert_element_type3A_338 = arith.extui %gt3A_337 : i1 to i32
      %cond3A_339 = arith.constant 0 : i32
      %cond3A_340 = arith.cmpi ne, %convert_element_type3A_338, %cond3A_339 : i32
      scf.if %cond3A_340 {
        %get3A_341 = arith.constant 2 : index
        %get3A_342 = memref.load %arg9[%get3A_341] : memref<3xi32, #tpu.memory_space<smem>>
        %rem3A_343 = arith.constant 2 : i32
        %rem3A_344 = arith.remsi %get3A_342, %rem3A_343 : i32
        %get3A_345 = arith.index_cast %rem3A_344 : i32 to index
        %get3A_346 = memref.load %arg9[%get3A_345] : memref<3xi32, #tpu.memory_space<smem>>
        %eq3A_347 = arith.constant 1 : i32
        %eq3A_348 = arith.cmpi eq, %get3A_346, %eq3A_347 : i32
        %convert_element_type3A_349 = arith.extui %eq3A_348 : i1 to i32
        %cond3A_350 = arith.constant 0 : i32
        %cond3A_351 = arith.cmpi ne, %convert_element_type3A_349, %cond3A_350 : i32
        scf.if %cond3A_351 {
          %dma_wait3A = tpu.memref_slice %arg11[%rem3A_344] : memref<2x!tpu.dma_semaphore, #tpu.memory_space<semaphore_mem>> -> memref<1x!tpu.dma_semaphore, #tpu.memory_space<semaphore_mem>>
          %dma_wait3A_413 = tpu.memref_squeeze %dma_wait3A : memref<1x!tpu.dma_semaphore, #tpu.memory_space<semaphore_mem>> -> memref<!tpu.dma_semaphore, #tpu.memory_space<semaphore_mem>>
          %dma_wait3A_414 = arith.constant 0 : i32
          %dma_wait3A_415 = arith.constant 0 : i32
          %dma_wait3A_416 = tpu.memref_slice %arg4[%dma_wait3A_414, %dma_wait3A_415] : memref<32776x1024xf32, #tpu.memory_space<hbm>> -> memref<256x1024xf32, #tpu.memory_space<hbm>>
          %dma_wait3A_417 = arith.constant 0 : i32
          %dma_wait3A_418 = arith.constant 0 : i32
          %dma_wait3A_419 = tpu.memref_slice %arg7[%rem3A_344, %dma_wait3A_417, %dma_wait3A_418] : memref<2x256x1024xf32, #tpu.memory_space<vmem>> -> memref<1x256x1024xf32, #tpu.memory_space<vmem>>
          %dma_wait3A_420 = tpu.memref_squeeze %dma_wait3A_419 : memref<1x256x1024xf32, #tpu.memory_space<vmem>> -> memref<256x1024xf32, #tpu.memory_space<vmem>>
          tpu.wait_dma2 semaphore(%dma_wait3A_413 : memref<!tpu.dma_semaphore, #tpu.memory_space<semaphore_mem>>) src(%dma_wait3A_420 : memref<256x1024xf32, #tpu.memory_space<vmem>>) dst(%dma_wait3A_416 : memref<256x1024xf32, #tpu.memory_space<hbm>>)
        } else {
        }
        %swap3A_352 = arith.index_cast %rem3A_344 : i32 to index
        %swap3A_353 = arith.constant 0 : index
        %swap3A_354 = arith.constant 0 : index
        %swap3A_355 = vector.load %arg7[%swap3A_352, %swap3A_353, %swap3A_354] : memref<2x256x1024xf32, #tpu.memory_space<vmem>>, vector<1x256x1024xf32>
        %swap3A_356 = vector.shape_cast %swap3A_355 : vector<1x256x1024xf32> to vector<256x1024xf32>
        %swap3A_357 = vector.shape_cast %add3A_302 : vector<256x1024xf32> to vector<1x256x1024xf32>
        tpu.vector_store %arg7[%swap3A_352, %swap3A_353, %swap3A_354], %swap3A_357 {strides = array<i32>} : memref<2x256x1024xf32, #tpu.memory_space<vmem>>, vector<1x256x1024xf32>,
        %jit3A_358 = arith.constant 0.000000e+00 : f32
        %broadcast_in_dim3A_359 = vector.broadcast %get3A_200 : f32 to vector<1x1024xf32>
        %broadcast_in_dim3A_360 = vector.broadcast %jit3A_358 : f32 to vector<1x1024xf32>
        %select_n3A_361 = arith.select %eq3A_4, %broadcast_in_dim3A_359, %broadcast_in_dim3A_360 : vector<1x1024xi1>, vector<1x1024xf32>
        %add3A_362 = arith.addf %slice3A_305, %select_n3A_361 : vector<1x1024xf32>
        %swap3A_363 = arith.index_cast %rem3A_344 : i32 to index
        %swap3A_364 = arith.constant 0 : index
        %swap3A_365 = arith.constant 0 : index
        %swap3A_366 = vector.load %arg7[%swap3A_363, %swap3A_364, %swap3A_365] : memref<2x256x1024xf32, #tpu.memory_space<vmem>>, vector<1x1x1024xf32>
        %swap3A_367 = vector.shape_cast %swap3A_366 : vector<1x1x1024xf32> to vector<1x1024xf32>
        %swap3A_368 = vector.shape_cast %add3A_362 : vector<1x1024xf32> to vector<1x1x1024xf32>
        tpu.vector_store %arg7[%swap3A_363, %swap3A_364, %swap3A_365], %swap3A_368 {strides = array<i32>} : memref<2x256x1024xf32, #tpu.memory_space<vmem>>, vector<1x1x1024xf32>,
        %mul3A_369 = arith.constant 16 : i32
        %mul3A_370 = arith.muli %arg0, %mul3A_369 : i32
        %add3A_371 = arith.constant 4 : i32
        %add3A_372 = arith.addi %mul3A_370, %add3A_371 : i32
        %mul3A_373 = arith.constant 256 : i32
        %mul3A_374 = arith.muli %add3A_372, %mul3A_373 : i32
        %dma_start3A = tpu.memref_slice %arg11[%rem3A_344] : memref<2x!tpu.dma_semaphore, #tpu.memory_space<semaphore_mem>> -> memref<1x!tpu.dma_semaphore, #tpu.memory_space<semaphore_mem>>
        %dma_start3A_375 = tpu.memref_squeeze %dma_start3A : memref<1x!tpu.dma_semaphore, #tpu.memory_space<semaphore_mem>> -> memref<!tpu.dma_semaphore, #tpu.memory_space<semaphore_mem>>
        %dma_start3A_376 = arith.constant 0 : i32
        %dma_start3A_377 = tpu.memref_slice %arg4[%mul3A_374, %dma_start3A_376] : memref<32776x1024xf32, #tpu.memory_space<hbm>> -> memref<256x1024xf32, #tpu.memory_space<hbm>>
        %dma_start3A_378 = arith.constant 0 : i32
        %dma_start3A_379 = arith.constant 0 : i32
        %dma_start3A_380 = tpu.memref_slice %arg7[%rem3A_344, %dma_start3A_378, %dma_start3A_379] : memref<2x256x1024xf32, #tpu.memory_space<vmem>> -> memref<1x256x1024xf32, #tpu.memory_space<vmem>>
        %dma_start3A_381 = tpu.memref_squeeze %dma_start3A_380 : memref<1x256x1024xf32, #tpu.memory_space<vmem>> -> memref<256x1024xf32, #tpu.memory_space<vmem>>
        tpu.enqueue_dma source(%dma_start3A_381 : memref<256x1024xf32, #tpu.memory_space<vmem>>) target(%dma_start3A_377 : memref<256x1024xf32, #tpu.memory_space<hbm>>) target_semaphore(%dma_start3A_375 : memref<!tpu.dma_semaphore, #tpu.memory_space<semaphore_mem>>)
        %swap3A_382 = arith.constant 1 : i32
        %swap3A_383 = arith.index_cast %rem3A_344 : i32 to index
        %swap3A_384 = memref.load %arg9[%swap3A_383] : memref<3xi32, #tpu.memory_space<smem>>
        memref.store %swap3A_382, %arg9[%swap3A_383] : memref<3xi32, #tpu.memory_space<smem>>
        %get3A_385 = arith.constant 2 : index
        %get3A_386 = memref.load %arg9[%get3A_385] : memref<3xi32, #tpu.memory_space<smem>>
        %add3A_387 = arith.constant 1 : i32
        %add3A_388 = arith.addi %get3A_386, %add3A_387 : i32
        %swap3A_389 = arith.constant 2 : index
        %swap3A_390 = memref.load %arg9[%swap3A_389] : memref<3xi32, #tpu.memory_space<smem>>
        memref.store %add3A_388, %arg9[%swap3A_389] : memref<3xi32, #tpu.memory_space<smem>>
        %ge3A_391 = vector.broadcast %get3A_196 : i32 to vector<1x256xi32>
        %ge3A_392 = arith.cmpi sge, %iota3A_1, %ge3A_391 : vector<1x256xi32>
        %add3A_393 = arith.addi %get3A_196, %min3A : i32
        %lt3A_394 = vector.broadcast %add3A_393 : i32 to vector<1x256xi32>
        %lt3A_395 = arith.cmpi slt, %iota3A_1, %lt3A_394 : vector<1x256xi32>
        %and3A_396 = arith.andi %ge3A_392, %lt3A_395 : vector<1x256xi1>
        %add3A_397 = vector.broadcast %mul3A_374 : i32 to vector<1x256xi32>
        %add3A_398 = arith.addi %add3A_397, %iota3A_1 : vector<1x256xi32>
        %sub3A_399 = vector.broadcast %get3A_196 : i32 to vector<1x256xi32>
        %sub3A_400 = arith.subi %add3A_398, %sub3A_399 : vector<1x256xi32>
        %get3A_401 = arith.constant 0 : index
        %get3A_402 = arith.constant 0 : index
        %get3A_403 = arith.constant 0 : index
        %get3A_404 = vector.load %arg5[%get3A_401, %get3A_402, %get3A_403] : memref<1x1x256xi32, #tpu.memory_space<vmem>>, vector<1x1x256xi32>
        %get3A_405 = vector.shape_cast %get3A_404 : vector<1x1x256xi32> to vector<1x256xi32>
        %select_n3A_406 = arith.select %and3A_396, %sub3A_400, %get3A_405 : vector<1x256xi1>, vector<1x256xi32>
        %swap3A_407 = arith.constant 0 : index
        %swap3A_408 = arith.constant 0 : index
        %swap3A_409 = arith.constant 0 : index
        %swap3A_410 = vector.load %arg5[%swap3A_407, %swap3A_408, %swap3A_409] : memref<1x1x256xi32, #tpu.memory_space<vmem>>, vector<1x1x256xi32>
        %swap3A_411 = vector.shape_cast %swap3A_410 : vector<1x1x256xi32> to vector<1x256xi32>
        %swap3A_412 = vector.shape_cast %select_n3A_406 : vector<1x256xi32> to vector<1x1x256xi32>
        tpu.vector_store %arg5[%swap3A_407, %swap3A_408, %swap3A_409], %swap3A_412 {strides = array<i32>} : memref<1x1x256xi32, #tpu.memory_space<vmem>>, vector<1x1x256xi32>,
      } else {
      }
    } else {
    }
    %get3A_102 = arith.constant 0 : index
    %get3A_103 = memref.load %arg8[%get3A_102] : memref<1xi32, #tpu.memory_space<smem>>
    %lt3A_104 = arith.constant 256 : i32
    %lt3A_105 = arith.cmpi slt, %get3A_103, %lt3A_104 : i32
    %convert_element_type3A_106 = arith.extui %lt3A_105 : i1 to i32
    %cond3A_107 = arith.constant 0xFF800000 : f32
    %cond3A_108 = arith.constant 0 : i32
    %cond3A_109 = arith.cmpi ne, %convert_element_type3A_106, %cond3A_108 : i32
    scf.if %cond3A_109 {
      %get3A_195 = arith.constant 0 : index
      %get3A_196 = memref.load %arg8[%get3A_195] : memref<1xi32, #tpu.memory_space<smem>>
      %get3A_197 = arith.index_cast %arg0 : i32 to index
      %get3A_198 = arith.constant 5 : index
      %get3A_199 = arith.constant 0 : index
      %get3A_200 = memref.load %arg1[%get3A_197, %get3A_198, %get3A_199] : memref<8x16x9xf32, #tpu.memory_space<smem>>
      %get3A_201 = arith.index_cast %arg0 : i32 to index
      %get3A_202 = arith.constant 5 : index
      %get3A_203 = arith.constant 1 : index
      %get3A_204 = memref.load %arg1[%get3A_201, %get3A_202, %get3A_203] : memref<8x16x9xf32, #tpu.memory_space<smem>>
      %get3A_205 = arith.index_cast %rem3A_0 : i32 to index
      %get3A_206 = arith.constant 0 : index
      %get3A_207 = arith.constant 0 : index
      %get3A_208 = arith.constant 0 : index
      %get3A_209 = vector.load %arg6[%get3A_205, %get3A_206, %get3A_207, %get3A_208] : memref<2x8x256x1024xf32, #tpu.memory_space<vmem>>, vector<1x1x256x1024xf32>
      %get3A_210 = vector.shape_cast %get3A_209 : vector<1x1x256x1024xf32> to vector<256x1024xf32>
      %mul3A = vector.broadcast %get3A_204 : f32 to vector<256x1024xf32>
      %mul3A_211 = arith.mulf %mul3A, %get3A_210 : vector<256x1024xf32>
      %get3A_212 = arith.index_cast %arg0 : i32 to index
      %get3A_213 = arith.constant 5 : index
      %get3A_214 = arith.constant 2 : index
      %get3A_215 = memref.load %arg1[%get3A_212, %get3A_213, %get3A_214] : memref<8x16x9xf32, #tpu.memory_space<smem>>
      %get3A_216 = arith.index_cast %rem3A_0 : i32 to index
      %get3A_217 = arith.constant 1 : index
      %get3A_218 = arith.constant 0 : index
      %get3A_219 = arith.constant 0 : index
      %get3A_220 = vector.load %arg6[%get3A_216, %get3A_217, %get3A_218, %get3A_219] : memref<2x8x256x1024xf32, #tpu.memory_space<vmem>>, vector<1x1x256x1024xf32>
      %get3A_221 = vector.shape_cast %get3A_220 : vector<1x1x256x1024xf32> to vector<256x1024xf32>
      %mul3A_222 = vector.broadcast %get3A_215 : f32 to vector<256x1024xf32>
      %mul3A_223 = arith.mulf %mul3A_222, %get3A_221 : vector<256x1024xf32>
      %add3A_224 = arith.addf %mul3A_211, %mul3A_223 : vector<256x1024xf32>
      %get3A_225 = arith.index_cast %arg0 : i32 to index
      %get3A_226 = arith.constant 5 : index
      %get3A_227 = arith.constant 3 : index
      %get3A_228 = memref.load %arg1[%get3A_225, %get3A_226, %get3A_227] : memref<8x16x9xf32, #tpu.memory_space<smem>>
      %get3A_229 = arith.index_cast %rem3A_0 : i32 to index
      %get3A_230 = arith.constant 2 : index
      %get3A_231 = arith.constant 0 : index
      %get3A_232 = arith.constant 0 : index
      %get3A_233 = vector.load %arg6[%get3A_229, %get3A_230, %get3A_231, %get3A_232] : memref<2x8x256x1024xf32, #tpu.memory_space<vmem>>, vector<1x1x256x1024xf32>
      %get3A_234 = vector.shape_cast %get3A_233 : vector<1x1x256x1024xf32> to vector<256x1024xf32>
      %mul3A_235 = vector.broadcast %get3A_228 : f32 to vector<256x1024xf32>
      %mul3A_236 = arith.mulf %mul3A_235, %get3A_234 : vector<256x1024xf32>
      %add3A_237 = arith.addf %add3A_224, %mul3A_236 : vector<256x1024xf32>
      %get3A_238 = arith.index_cast %arg0 : i32 to index
      %get3A_239 = arith.constant 5 : index
      %get3A_240 = arith.constant 4 : index
      %get3A_241 = memref.load %arg1[%get3A_238, %get3A_239, %get3A_240] : memref<8x16x9xf32, #tpu.memory_space<smem>>
      %get3A_242 = arith.index_cast %rem3A_0 : i32 to index
      %get3A_243 = arith.constant 3 : index
      %get3A_244 = arith.constant 0 : index
      %get3A_245 = arith.constant 0 : index
      %get3A_246 = vector.load %arg6[%get3A_242, %get3A_243, %get3A_244, %get3A_245] : memref<2x8x256x1024xf32, #tpu.memory_space<vmem>>, vector<1x1x256x1024xf32>
      %get3A_247 = vector.shape_cast %get3A_246 : vector<1x1x256x1024xf32> to vector<256x1024xf32>
      %mul3A_248 = vector.broadcast %get3A_241 : f32 to vector<256x1024xf32>
      %mul3A_249 = arith.mulf %mul3A_248, %get3A_247 : vector<256x1024xf32>
      %add3A_250 = arith.addf %add3A_237, %mul3A_249 : vector<256x1024xf32>
      %get3A_251 = arith.index_cast %arg0 : i32 to index
      %get3A_252 = arith.constant 5 : index
      %get3A_253 = arith.constant 5 : index
      %get3A_254 = memref.load %arg1[%get3A_251, %get3A_252, %get3A_253] : memref<8x16x9xf32, #tpu.memory_space<smem>>
      %get3A_255 = arith.index_cast %rem3A_0 : i32 to index
      %get3A_256 = arith.constant 4 : index
      %get3A_257 = arith.constant 0 : index
      %get3A_258 = arith.constant 0 : index
      %get3A_259 = vector.load %arg6[%get3A_255, %get3A_256, %get3A_257, %get3A_258] : memref<2x8x256x1024xf32, #tpu.memory_space<vmem>>, vector<1x1x256x1024xf32>
      %get3A_260 = vector.shape_cast %get3A_259 : vector<1x1x256x1024xf32> to vector<256x1024xf32>
      %mul3A_261 = vector.broadcast %get3A_254 : f32 to vector<256x1024xf32>
      %mul3A_262 = arith.mulf %mul3A_261, %get3A_260 : vector<256x1024xf32>
      %add3A_263 = arith.addf %add3A_250, %mul3A_262 : vector<256x1024xf32>
      %get3A_264 = arith.index_cast %arg0 : i32 to index
      %get3A_265 = arith.constant 5 : index
      %get3A_266 = arith.constant 6 : index
      %get3A_267 = memref.load %arg1[%get3A_264, %get3A_265, %get3A_266] : memref<8x16x9xf32, #tpu.memory_space<smem>>
      %get3A_268 = arith.index_cast %rem3A_0 : i32 to index
      %get3A_269 = arith.constant 5 : index
      %get3A_270 = arith.constant 0 : index
      %get3A_271 = arith.constant 0 : index
      %get3A_272 = vector.load %arg6[%get3A_268, %get3A_269, %get3A_270, %get3A_271] : memref<2x8x256x1024xf32, #tpu.memory_space<vmem>>, vector<1x1x256x1024xf32>
      %get3A_273 = vector.shape_cast %get3A_272 : vector<1x1x256x1024xf32> to vector<256x1024xf32>
      %mul3A_274 = vector.broadcast %get3A_267 : f32 to vector<256x1024xf32>
      %mul3A_275 = arith.mulf %mul3A_274, %get3A_273 : vector<256x1024xf32>
      %add3A_276 = arith.addf %add3A_263, %mul3A_275 : vector<256x1024xf32>
      %get3A_277 = arith.index_cast %arg0 : i32 to index
      %get3A_278 = arith.constant 5 : index
      %get3A_279 = arith.constant 7 : index
      %get3A_280 = memref.load %arg1[%get3A_277, %get3A_278, %get3A_279] : memref<8x16x9xf32, #tpu.memory_space<smem>>
      %get3A_281 = arith.index_cast %rem3A_0 : i32 to index
      %get3A_282 = arith.constant 6 : index
      %get3A_283 = arith.constant 0 : index
      %get3A_284 = arith.constant 0 : index
      %get3A_285 = vector.load %arg6[%get3A_281, %get3A_282, %get3A_283, %get3A_284] : memref<2x8x256x1024xf32, #tpu.memory_space<vmem>>, vector<1x1x256x1024xf32>
      %get3A_286 = vector.shape_cast %get3A_285 : vector<1x1x256x1024xf32> to vector<256x1024xf32>
      %mul3A_287 = vector.broadcast %get3A_280 : f32 to vector<256x1024xf32>
      %mul3A_288 = arith.mulf %mul3A_287, %get3A_286 : vector<256x1024xf32>
      %add3A_289 = arith.addf %add3A_276, %mul3A_288 : vector<256x1024xf32>
      %get3A_290 = arith.index_cast %arg0 : i32 to index
      %get3A_291 = arith.constant 5 : index
      %get3A_292 = arith.constant 8 : index
      %get3A_293 = memref.load %arg1[%get3A_290, %get3A_291, %get3A_292] : memref<8x16x9xf32, #tpu.memory_space<smem>>
      %get3A_294 = arith.index_cast %rem3A_0 : i32 to index
      %get3A_295 = arith.constant 7 : index
      %get3A_296 = arith.constant 0 : index
      %get3A_297 = arith.constant 0 : index
      %get3A_298 = vector.load %arg6[%get3A_294, %get3A_295, %get3A_296, %get3A_297] : memref<2x8x256x1024xf32, #tpu.memory_space<vmem>>, vector<1x1x256x1024xf32>
      %get3A_299 = vector.shape_cast %get3A_298 : vector<1x1x256x1024xf32> to vector<256x1024xf32>
      %mul3A_300 = vector.broadcast %get3A_293 : f32 to vector<256x1024xf32>
      %mul3A_301 = arith.mulf %mul3A_300, %get3A_299 : vector<256x1024xf32>
      %add3A_302 = arith.addf %add3A_289, %mul3A_301 : vector<256x1024xf32>
      %reduce_max3A = arith.constant dense<0xFF800000> : vector<256xf32>
      %reduce_max3A_303 = vector.multi_reduction <maximumf>, %add3A_302, %reduce_max3A [1] : vector<256x1024xf32> to vector<256xf32>
      %broadcast_in_dim3A_304 = vector.shape_cast %reduce_max3A_303 : vector<256xf32> to vector<256x1xf32>
      %slice3A = vector.extract_strided_slice %add3A_302 {offsets = [0, 0], sizes = [256, 1], strides = [1, 1]} : vector<256x1024xf32> to vector<256x1xf32>
      %ge3A = arith.cmpf oge, %slice3A, %broadcast_in_dim3A_304 : vector<256x1xf32>
      %slice3A_305 = vector.extract_strided_slice %add3A_302 {offsets = [0, 0], sizes = [1, 1024], strides = [1, 1]} : vector<256x1024xf32> to vector<1x1024xf32>
      %broadcast_in_dim3A_306 = vector.broadcast %cond3A_107 : f32 to vector<1x1024xf32>
      %select_n3A = arith.select %eq3A_4, %slice3A_305, %broadcast_in_dim3A_306 : vector<1x1024xi1>, vector<1x1024xf32>
      %reduce_max3A_307 = vector.shape_cast %select_n3A : vector<1x1024xf32> to vector<1x1x1024xf32>
      %reduce_max3A_308 = arith.constant dense<0xFF800000> : vector<1xf32>
      %reduce_max3A_309 = vector.multi_reduction <maximumf>, %reduce_max3A_307, %reduce_max3A_308 [1, 2] : vector<1x1x1024xf32> to vector<1xf32>
      %reduce_max3A_310 = vector.shape_cast %reduce_max3A_309 : vector<1xf32> to vector<1x1x1xf32>
      %reduce_max3A_311 = vector.extract %reduce_max3A_310[0, 0, 0] : f32 from vector<1x1x1xf32>
      %broadcast_in_dim3A_312 = vector.broadcast %cond3A_107 : f32 to vector<1x1024xf32>
      %select_n3A_313 = arith.select %eq3A_4, %broadcast_in_dim3A_312, %slice3A_305 : vector<1x1024xi1>, vector<1x1024xf32>
      %reduce_max3A_314 = vector.shape_cast %select_n3A_313 : vector<1x1024xf32> to vector<1x1x1024xf32>
      %reduce_max3A_315 = arith.constant dense<0xFF800000> : vector<1xf32>
      %reduce_max3A_316 = vector.multi_reduction <maximumf>, %reduce_max3A_314, %reduce_max3A_315 [1, 2] : vector<1x1x1024xf32> to vector<1xf32>
      %reduce_max3A_317 = vector.shape_cast %reduce_max3A_316 : vector<1xf32> to vector<1x1x1xf32>
      %reduce_max3A_318 = vector.extract %reduce_max3A_317[0, 0, 0] : f32 from vector<1x1x1xf32>
      %gt3A_319 = arith.constant 0 : i32
      %gt3A_320 = vector.broadcast %gt3A_319 : i32 to vector<256x1xi32>
      %gt3A_321 = arith.cmpi sgt, %iota3A, %gt3A_320 : vector<256x1xi32>
      %and3A = arith.andi %ge3A, %gt3A_321 : vector<256x1xi1>
      %jit3A = arith.constant 256 : i32
      %broadcast_in_dim3A_322 = vector.broadcast %jit3A : i32 to vector<256x1xi32>
      %select_n3A_323 = arith.select %and3A, %iota3A, %broadcast_in_dim3A_322 : vector<256x1xi1>, vector<256x1xi32>
      %reduce_min3A = vector.shape_cast %select_n3A_323 : vector<256x1xi32> to vector<1x256x1xi32>
      %reduce_min3A_324 = arith.constant dense<2147483647> : vector<1xi32>
      %reduce_min3A_325 = vector.multi_reduction <minsi>, %reduce_min3A, %reduce_min3A_324 [1, 2] : vector<1x256x1xi32> to vector<1xi32>
      %reduce_min3A_326 = vector.shape_cast %reduce_min3A_325 : vector<1xi32> to vector<1x1x1xi32>
      %reduce_min3A_327 = vector.extract %reduce_min3A_326[0, 0, 0] : i32 from vector<1x1x1xi32>
      %add3A_328 = arith.addf %reduce_max3A_311, %get3A_200 : f32
      %ge3A_329 = arith.cmpf oge, %add3A_328, %reduce_max3A_318 : f32
      %jit3A_330 = arith.constant 0 : i32
      %select_n3A_331 = arith.select %ge3A_329, %jit3A_330, %reduce_min3A_327 : i32
      %sub3A = arith.constant 256 : i32
      %sub3A_332 = arith.subi %sub3A, %get3A_196 : i32
      %min3A = arith.minsi %select_n3A_331, %sub3A_332 : i32
      %add3A_333 = arith.addi %get3A_196, %min3A : i32
      %swap3A_334 = arith.constant 0 : index
      %swap3A_335 = memref.load %arg8[%swap3A_334] : memref<1xi32, #tpu.memory_space<smem>>
      memref.store %add3A_333, %arg8[%swap3A_334] : memref<1xi32, #tpu.memory_space<smem>>
      %gt3A_336 = arith.constant 0 : i32
      %gt3A_337 = arith.cmpi sgt, %min3A, %gt3A_336 : i32
      %convert_element_type3A_338 = arith.extui %gt3A_337 : i1 to i32
      %cond3A_339 = arith.constant 0 : i32
      %cond3A_340 = arith.cmpi ne, %convert_element_type3A_338, %cond3A_339 : i32
      scf.if %cond3A_340 {
        %get3A_341 = arith.constant 2 : index
        %get3A_342 = memref.load %arg9[%get3A_341] : memref<3xi32, #tpu.memory_space<smem>>
        %rem3A_343 = arith.constant 2 : i32
        %rem3A_344 = arith.remsi %get3A_342, %rem3A_343 : i32
        %get3A_345 = arith.index_cast %rem3A_344 : i32 to index
        %get3A_346 = memref.load %arg9[%get3A_345] : memref<3xi32, #tpu.memory_space<smem>>
        %eq3A_347 = arith.constant 1 : i32
        %eq3A_348 = arith.cmpi eq, %get3A_346, %eq3A_347 : i32
        %convert_element_type3A_349 = arith.extui %eq3A_348 : i1 to i32
        %cond3A_350 = arith.constant 0 : i32
        %cond3A_351 = arith.cmpi ne, %convert_element_type3A_349, %cond3A_350 : i32
        scf.if %cond3A_351 {
          %dma_wait3A = tpu.memref_slice %arg11[%rem3A_344] : memref<2x!tpu.dma_semaphore, #tpu.memory_space<semaphore_mem>> -> memref<1x!tpu.dma_semaphore, #tpu.memory_space<semaphore_mem>>
          %dma_wait3A_413 = tpu.memref_squeeze %dma_wait3A : memref<1x!tpu.dma_semaphore, #tpu.memory_space<semaphore_mem>> -> memref<!tpu.dma_semaphore, #tpu.memory_space<semaphore_mem>>
          %dma_wait3A_414 = arith.constant 0 : i32
          %dma_wait3A_415 = arith.constant 0 : i32
          %dma_wait3A_416 = tpu.memref_slice %arg4[%dma_wait3A_414, %dma_wait3A_415] : memref<32776x1024xf32, #tpu.memory_space<hbm>> -> memref<256x1024xf32, #tpu.memory_space<hbm>>
          %dma_wait3A_417 = arith.constant 0 : i32
          %dma_wait3A_418 = arith.constant 0 : i32
          %dma_wait3A_419 = tpu.memref_slice %arg7[%rem3A_344, %dma_wait3A_417, %dma_wait3A_418] : memref<2x256x1024xf32, #tpu.memory_space<vmem>> -> memref<1x256x1024xf32, #tpu.memory_space<vmem>>
          %dma_wait3A_420 = tpu.memref_squeeze %dma_wait3A_419 : memref<1x256x1024xf32, #tpu.memory_space<vmem>> -> memref<256x1024xf32, #tpu.memory_space<vmem>>
          tpu.wait_dma2 semaphore(%dma_wait3A_413 : memref<!tpu.dma_semaphore, #tpu.memory_space<semaphore_mem>>) src(%dma_wait3A_420 : memref<256x1024xf32, #tpu.memory_space<vmem>>) dst(%dma_wait3A_416 : memref<256x1024xf32, #tpu.memory_space<hbm>>)
        } else {
        }
        %swap3A_352 = arith.index_cast %rem3A_344 : i32 to index
        %swap3A_353 = arith.constant 0 : index
        %swap3A_354 = arith.constant 0 : index
        %swap3A_355 = vector.load %arg7[%swap3A_352, %swap3A_353, %swap3A_354] : memref<2x256x1024xf32, #tpu.memory_space<vmem>>, vector<1x256x1024xf32>
        %swap3A_356 = vector.shape_cast %swap3A_355 : vector<1x256x1024xf32> to vector<256x1024xf32>
        %swap3A_357 = vector.shape_cast %add3A_302 : vector<256x1024xf32> to vector<1x256x1024xf32>
        tpu.vector_store %arg7[%swap3A_352, %swap3A_353, %swap3A_354], %swap3A_357 {strides = array<i32>} : memref<2x256x1024xf32, #tpu.memory_space<vmem>>, vector<1x256x1024xf32>,
        %jit3A_358 = arith.constant 0.000000e+00 : f32
        %broadcast_in_dim3A_359 = vector.broadcast %get3A_200 : f32 to vector<1x1024xf32>
        %broadcast_in_dim3A_360 = vector.broadcast %jit3A_358 : f32 to vector<1x1024xf32>
        %select_n3A_361 = arith.select %eq3A_4, %broadcast_in_dim3A_359, %broadcast_in_dim3A_360 : vector<1x1024xi1>, vector<1x1024xf32>
        %add3A_362 = arith.addf %slice3A_305, %select_n3A_361 : vector<1x1024xf32>
        %swap3A_363 = arith.index_cast %rem3A_344 : i32 to index
        %swap3A_364 = arith.constant 0 : index
        %swap3A_365 = arith.constant 0 : index
        %swap3A_366 = vector.load %arg7[%swap3A_363, %swap3A_364, %swap3A_365] : memref<2x256x1024xf32, #tpu.memory_space<vmem>>, vector<1x1x1024xf32>
        %swap3A_367 = vector.shape_cast %swap3A_366 : vector<1x1x1024xf32> to vector<1x1024xf32>
        %swap3A_368 = vector.shape_cast %add3A_362 : vector<1x1024xf32> to vector<1x1x1024xf32>
        tpu.vector_store %arg7[%swap3A_363, %swap3A_364, %swap3A_365], %swap3A_368 {strides = array<i32>} : memref<2x256x1024xf32, #tpu.memory_space<vmem>>, vector<1x1x1024xf32>,
        %mul3A_369 = arith.constant 16 : i32
        %mul3A_370 = arith.muli %arg0, %mul3A_369 : i32
        %add3A_371 = arith.constant 5 : i32
        %add3A_372 = arith.addi %mul3A_370, %add3A_371 : i32
        %mul3A_373 = arith.constant 256 : i32
        %mul3A_374 = arith.muli %add3A_372, %mul3A_373 : i32
        %dma_start3A = tpu.memref_slice %arg11[%rem3A_344] : memref<2x!tpu.dma_semaphore, #tpu.memory_space<semaphore_mem>> -> memref<1x!tpu.dma_semaphore, #tpu.memory_space<semaphore_mem>>
        %dma_start3A_375 = tpu.memref_squeeze %dma_start3A : memref<1x!tpu.dma_semaphore, #tpu.memory_space<semaphore_mem>> -> memref<!tpu.dma_semaphore, #tpu.memory_space<semaphore_mem>>
        %dma_start3A_376 = arith.constant 0 : i32
        %dma_start3A_377 = tpu.memref_slice %arg4[%mul3A_374, %dma_start3A_376] : memref<32776x1024xf32, #tpu.memory_space<hbm>> -> memref<256x1024xf32, #tpu.memory_space<hbm>>
        %dma_start3A_378 = arith.constant 0 : i32
        %dma_start3A_379 = arith.constant 0 : i32
        %dma_start3A_380 = tpu.memref_slice %arg7[%rem3A_344, %dma_start3A_378, %dma_start3A_379] : memref<2x256x1024xf32, #tpu.memory_space<vmem>> -> memref<1x256x1024xf32, #tpu.memory_space<vmem>>
        %dma_start3A_381 = tpu.memref_squeeze %dma_start3A_380 : memref<1x256x1024xf32, #tpu.memory_space<vmem>> -> memref<256x1024xf32, #tpu.memory_space<vmem>>
        tpu.enqueue_dma source(%dma_start3A_381 : memref<256x1024xf32, #tpu.memory_space<vmem>>) target(%dma_start3A_377 : memref<256x1024xf32, #tpu.memory_space<hbm>>) target_semaphore(%dma_start3A_375 : memref<!tpu.dma_semaphore, #tpu.memory_space<semaphore_mem>>)
        %swap3A_382 = arith.constant 1 : i32
        %swap3A_383 = arith.index_cast %rem3A_344 : i32 to index
        %swap3A_384 = memref.load %arg9[%swap3A_383] : memref<3xi32, #tpu.memory_space<smem>>
        memref.store %swap3A_382, %arg9[%swap3A_383] : memref<3xi32, #tpu.memory_space<smem>>
        %get3A_385 = arith.constant 2 : index
        %get3A_386 = memref.load %arg9[%get3A_385] : memref<3xi32, #tpu.memory_space<smem>>
        %add3A_387 = arith.constant 1 : i32
        %add3A_388 = arith.addi %get3A_386, %add3A_387 : i32
        %swap3A_389 = arith.constant 2 : index
        %swap3A_390 = memref.load %arg9[%swap3A_389] : memref<3xi32, #tpu.memory_space<smem>>
        memref.store %add3A_388, %arg9[%swap3A_389] : memref<3xi32, #tpu.memory_space<smem>>
        %ge3A_391 = vector.broadcast %get3A_196 : i32 to vector<1x256xi32>
        %ge3A_392 = arith.cmpi sge, %iota3A_1, %ge3A_391 : vector<1x256xi32>
        %add3A_393 = arith.addi %get3A_196, %min3A : i32
        %lt3A_394 = vector.broadcast %add3A_393 : i32 to vector<1x256xi32>
        %lt3A_395 = arith.cmpi slt, %iota3A_1, %lt3A_394 : vector<1x256xi32>
        %and3A_396 = arith.andi %ge3A_392, %lt3A_395 : vector<1x256xi1>
        %add3A_397 = vector.broadcast %mul3A_374 : i32 to vector<1x256xi32>
        %add3A_398 = arith.addi %add3A_397, %iota3A_1 : vector<1x256xi32>
        %sub3A_399 = vector.broadcast %get3A_196 : i32 to vector<1x256xi32>
        %sub3A_400 = arith.subi %add3A_398, %sub3A_399 : vector<1x256xi32>
        %get3A_401 = arith.constant 0 : index
        %get3A_402 = arith.constant 0 : index
        %get3A_403 = arith.constant 0 : index
        %get3A_404 = vector.load %arg5[%get3A_401, %get3A_402, %get3A_403] : memref<1x1x256xi32, #tpu.memory_space<vmem>>, vector<1x1x256xi32>
        %get3A_405 = vector.shape_cast %get3A_404 : vector<1x1x256xi32> to vector<1x256xi32>
        %select_n3A_406 = arith.select %and3A_396, %sub3A_400, %get3A_405 : vector<1x256xi1>, vector<1x256xi32>
        %swap3A_407 = arith.constant 0 : index
        %swap3A_408 = arith.constant 0 : index
        %swap3A_409 = arith.constant 0 : index
        %swap3A_410 = vector.load %arg5[%swap3A_407, %swap3A_408, %swap3A_409] : memref<1x1x256xi32, #tpu.memory_space<vmem>>, vector<1x1x256xi32>
        %swap3A_411 = vector.shape_cast %swap3A_410 : vector<1x1x256xi32> to vector<1x256xi32>
        %swap3A_412 = vector.shape_cast %select_n3A_406 : vector<1x256xi32> to vector<1x1x256xi32>
        tpu.vector_store %arg5[%swap3A_407, %swap3A_408, %swap3A_409], %swap3A_412 {strides = array<i32>} : memref<1x1x256xi32, #tpu.memory_space<vmem>>, vector<1x1x256xi32>,
      } else {
      }
    } else {
    }
    %get3A_110 = arith.constant 0 : index
    %get3A_111 = memref.load %arg8[%get3A_110] : memref<1xi32, #tpu.memory_space<smem>>
    %lt3A_112 = arith.constant 256 : i32
    %lt3A_113 = arith.cmpi slt, %get3A_111, %lt3A_112 : i32
    %convert_element_type3A_114 = arith.extui %lt3A_113 : i1 to i32
    %cond3A_115 = arith.constant 0xFF800000 : f32
    %cond3A_116 = arith.constant 0 : i32
    %cond3A_117 = arith.cmpi ne, %convert_element_type3A_114, %cond3A_116 : i32
    scf.if %cond3A_117 {
      %get3A_195 = arith.constant 0 : index
      %get3A_196 = memref.load %arg8[%get3A_195] : memref<1xi32, #tpu.memory_space<smem>>
      %get3A_197 = arith.index_cast %arg0 : i32 to index
      %get3A_198 = arith.constant 6 : index
      %get3A_199 = arith.constant 0 : index
      %get3A_200 = memref.load %arg1[%get3A_197, %get3A_198, %get3A_199] : memref<8x16x9xf32, #tpu.memory_space<smem>>
      %get3A_201 = arith.index_cast %arg0 : i32 to index
      %get3A_202 = arith.constant 6 : index
      %get3A_203 = arith.constant 1 : index
      %get3A_204 = memref.load %arg1[%get3A_201, %get3A_202, %get3A_203] : memref<8x16x9xf32, #tpu.memory_space<smem>>
      %get3A_205 = arith.index_cast %rem3A_0 : i32 to index
      %get3A_206 = arith.constant 0 : index
      %get3A_207 = arith.constant 0 : index
      %get3A_208 = arith.constant 0 : index
      %get3A_209 = vector.load %arg6[%get3A_205, %get3A_206, %get3A_207, %get3A_208] : memref<2x8x256x1024xf32, #tpu.memory_space<vmem>>, vector<1x1x256x1024xf32>
      %get3A_210 = vector.shape_cast %get3A_209 : vector<1x1x256x1024xf32> to vector<256x1024xf32>
      %mul3A = vector.broadcast %get3A_204 : f32 to vector<256x1024xf32>
      %mul3A_211 = arith.mulf %mul3A, %get3A_210 : vector<256x1024xf32>
      %get3A_212 = arith.index_cast %arg0 : i32 to index
      %get3A_213 = arith.constant 6 : index
      %get3A_214 = arith.constant 2 : index
      %get3A_215 = memref.load %arg1[%get3A_212, %get3A_213, %get3A_214] : memref<8x16x9xf32, #tpu.memory_space<smem>>
      %get3A_216 = arith.index_cast %rem3A_0 : i32 to index
      %get3A_217 = arith.constant 1 : index
      %get3A_218 = arith.constant 0 : index
      %get3A_219 = arith.constant 0 : index
      %get3A_220 = vector.load %arg6[%get3A_216, %get3A_217, %get3A_218, %get3A_219] : memref<2x8x256x1024xf32, #tpu.memory_space<vmem>>, vector<1x1x256x1024xf32>
      %get3A_221 = vector.shape_cast %get3A_220 : vector<1x1x256x1024xf32> to vector<256x1024xf32>
      %mul3A_222 = vector.broadcast %get3A_215 : f32 to vector<256x1024xf32>
      %mul3A_223 = arith.mulf %mul3A_222, %get3A_221 : vector<256x1024xf32>
      %add3A_224 = arith.addf %mul3A_211, %mul3A_223 : vector<256x1024xf32>
      %get3A_225 = arith.index_cast %arg0 : i32 to index
      %get3A_226 = arith.constant 6 : index
      %get3A_227 = arith.constant 3 : index
      %get3A_228 = memref.load %arg1[%get3A_225, %get3A_226, %get3A_227] : memref<8x16x9xf32, #tpu.memory_space<smem>>
      %get3A_229 = arith.index_cast %rem3A_0 : i32 to index
      %get3A_230 = arith.constant 2 : index
      %get3A_231 = arith.constant 0 : index
      %get3A_232 = arith.constant 0 : index
      %get3A_233 = vector.load %arg6[%get3A_229, %get3A_230, %get3A_231, %get3A_232] : memref<2x8x256x1024xf32, #tpu.memory_space<vmem>>, vector<1x1x256x1024xf32>
      %get3A_234 = vector.shape_cast %get3A_233 : vector<1x1x256x1024xf32> to vector<256x1024xf32>
      %mul3A_235 = vector.broadcast %get3A_228 : f32 to vector<256x1024xf32>
      %mul3A_236 = arith.mulf %mul3A_235, %get3A_234 : vector<256x1024xf32>
      %add3A_237 = arith.addf %add3A_224, %mul3A_236 : vector<256x1024xf32>
      %get3A_238 = arith.index_cast %arg0 : i32 to index
      %get3A_239 = arith.constant 6 : index
      %get3A_240 = arith.constant 4 : index
      %get3A_241 = memref.load %arg1[%get3A_238, %get3A_239, %get3A_240] : memref<8x16x9xf32, #tpu.memory_space<smem>>
      %get3A_242 = arith.index_cast %rem3A_0 : i32 to index
      %get3A_243 = arith.constant 3 : index
      %get3A_244 = arith.constant 0 : index
      %get3A_245 = arith.constant 0 : index
      %get3A_246 = vector.load %arg6[%get3A_242, %get3A_243, %get3A_244, %get3A_245] : memref<2x8x256x1024xf32, #tpu.memory_space<vmem>>, vector<1x1x256x1024xf32>
      %get3A_247 = vector.shape_cast %get3A_246 : vector<1x1x256x1024xf32> to vector<256x1024xf32>
      %mul3A_248 = vector.broadcast %get3A_241 : f32 to vector<256x1024xf32>
      %mul3A_249 = arith.mulf %mul3A_248, %get3A_247 : vector<256x1024xf32>
      %add3A_250 = arith.addf %add3A_237, %mul3A_249 : vector<256x1024xf32>
      %get3A_251 = arith.index_cast %arg0 : i32 to index
      %get3A_252 = arith.constant 6 : index
      %get3A_253 = arith.constant 5 : index
      %get3A_254 = memref.load %arg1[%get3A_251, %get3A_252, %get3A_253] : memref<8x16x9xf32, #tpu.memory_space<smem>>
      %get3A_255 = arith.index_cast %rem3A_0 : i32 to index
      %get3A_256 = arith.constant 4 : index
      %get3A_257 = arith.constant 0 : index
      %get3A_258 = arith.constant 0 : index
      %get3A_259 = vector.load %arg6[%get3A_255, %get3A_256, %get3A_257, %get3A_258] : memref<2x8x256x1024xf32, #tpu.memory_space<vmem>>, vector<1x1x256x1024xf32>
      %get3A_260 = vector.shape_cast %get3A_259 : vector<1x1x256x1024xf32> to vector<256x1024xf32>
      %mul3A_261 = vector.broadcast %get3A_254 : f32 to vector<256x1024xf32>
      %mul3A_262 = arith.mulf %mul3A_261, %get3A_260 : vector<256x1024xf32>
      %add3A_263 = arith.addf %add3A_250, %mul3A_262 : vector<256x1024xf32>
      %get3A_264 = arith.index_cast %arg0 : i32 to index
      %get3A_265 = arith.constant 6 : index
      %get3A_266 = arith.constant 6 : index
      %get3A_267 = memref.load %arg1[%get3A_264, %get3A_265, %get3A_266] : memref<8x16x9xf32, #tpu.memory_space<smem>>
      %get3A_268 = arith.index_cast %rem3A_0 : i32 to index
      %get3A_269 = arith.constant 5 : index
      %get3A_270 = arith.constant 0 : index
      %get3A_271 = arith.constant 0 : index
      %get3A_272 = vector.load %arg6[%get3A_268, %get3A_269, %get3A_270, %get3A_271] : memref<2x8x256x1024xf32, #tpu.memory_space<vmem>>, vector<1x1x256x1024xf32>
      %get3A_273 = vector.shape_cast %get3A_272 : vector<1x1x256x1024xf32> to vector<256x1024xf32>
      %mul3A_274 = vector.broadcast %get3A_267 : f32 to vector<256x1024xf32>
      %mul3A_275 = arith.mulf %mul3A_274, %get3A_273 : vector<256x1024xf32>
      %add3A_276 = arith.addf %add3A_263, %mul3A_275 : vector<256x1024xf32>
      %get3A_277 = arith.index_cast %arg0 : i32 to index
      %get3A_278 = arith.constant 6 : index
      %get3A_279 = arith.constant 7 : index
      %get3A_280 = memref.load %arg1[%get3A_277, %get3A_278, %get3A_279] : memref<8x16x9xf32, #tpu.memory_space<smem>>
      %get3A_281 = arith.index_cast %rem3A_0 : i32 to index
      %get3A_282 = arith.constant 6 : index
      %get3A_283 = arith.constant 0 : index
      %get3A_284 = arith.constant 0 : index
      %get3A_285 = vector.load %arg6[%get3A_281, %get3A_282, %get3A_283, %get3A_284] : memref<2x8x256x1024xf32, #tpu.memory_space<vmem>>, vector<1x1x256x1024xf32>
      %get3A_286 = vector.shape_cast %get3A_285 : vector<1x1x256x1024xf32> to vector<256x1024xf32>
      %mul3A_287 = vector.broadcast %get3A_280 : f32 to vector<256x1024xf32>
      %mul3A_288 = arith.mulf %mul3A_287, %get3A_286 : vector<256x1024xf32>
      %add3A_289 = arith.addf %add3A_276, %mul3A_288 : vector<256x1024xf32>
      %get3A_290 = arith.index_cast %arg0 : i32 to index
      %get3A_291 = arith.constant 6 : index
      %get3A_292 = arith.constant 8 : index
      %get3A_293 = memref.load %arg1[%get3A_290, %get3A_291, %get3A_292] : memref<8x16x9xf32, #tpu.memory_space<smem>>
      %get3A_294 = arith.index_cast %rem3A_0 : i32 to index
      %get3A_295 = arith.constant 7 : index
      %get3A_296 = arith.constant 0 : index
      %get3A_297 = arith.constant 0 : index
      %get3A_298 = vector.load %arg6[%get3A_294, %get3A_295, %get3A_296, %get3A_297] : memref<2x8x256x1024xf32, #tpu.memory_space<vmem>>, vector<1x1x256x1024xf32>
      %get3A_299 = vector.shape_cast %get3A_298 : vector<1x1x256x1024xf32> to vector<256x1024xf32>
      %mul3A_300 = vector.broadcast %get3A_293 : f32 to vector<256x1024xf32>
      %mul3A_301 = arith.mulf %mul3A_300, %get3A_299 : vector<256x1024xf32>
      %add3A_302 = arith.addf %add3A_289, %mul3A_301 : vector<256x1024xf32>
      %reduce_max3A = arith.constant dense<0xFF800000> : vector<256xf32>
      %reduce_max3A_303 = vector.multi_reduction <maximumf>, %add3A_302, %reduce_max3A [1] : vector<256x1024xf32> to vector<256xf32>
      %broadcast_in_dim3A_304 = vector.shape_cast %reduce_max3A_303 : vector<256xf32> to vector<256x1xf32>
      %slice3A = vector.extract_strided_slice %add3A_302 {offsets = [0, 0], sizes = [256, 1], strides = [1, 1]} : vector<256x1024xf32> to vector<256x1xf32>
      %ge3A = arith.cmpf oge, %slice3A, %broadcast_in_dim3A_304 : vector<256x1xf32>
      %slice3A_305 = vector.extract_strided_slice %add3A_302 {offsets = [0, 0], sizes = [1, 1024], strides = [1, 1]} : vector<256x1024xf32> to vector<1x1024xf32>
      %broadcast_in_dim3A_306 = vector.broadcast %cond3A_115 : f32 to vector<1x1024xf32>
      %select_n3A = arith.select %eq3A_4, %slice3A_305, %broadcast_in_dim3A_306 : vector<1x1024xi1>, vector<1x1024xf32>
      %reduce_max3A_307 = vector.shape_cast %select_n3A : vector<1x1024xf32> to vector<1x1x1024xf32>
      %reduce_max3A_308 = arith.constant dense<0xFF800000> : vector<1xf32>
      %reduce_max3A_309 = vector.multi_reduction <maximumf>, %reduce_max3A_307, %reduce_max3A_308 [1, 2] : vector<1x1x1024xf32> to vector<1xf32>
      %reduce_max3A_310 = vector.shape_cast %reduce_max3A_309 : vector<1xf32> to vector<1x1x1xf32>
      %reduce_max3A_311 = vector.extract %reduce_max3A_310[0, 0, 0] : f32 from vector<1x1x1xf32>
      %broadcast_in_dim3A_312 = vector.broadcast %cond3A_115 : f32 to vector<1x1024xf32>
      %select_n3A_313 = arith.select %eq3A_4, %broadcast_in_dim3A_312, %slice3A_305 : vector<1x1024xi1>, vector<1x1024xf32>
      %reduce_max3A_314 = vector.shape_cast %select_n3A_313 : vector<1x1024xf32> to vector<1x1x1024xf32>
      %reduce_max3A_315 = arith.constant dense<0xFF800000> : vector<1xf32>
      %reduce_max3A_316 = vector.multi_reduction <maximumf>, %reduce_max3A_314, %reduce_max3A_315 [1, 2] : vector<1x1x1024xf32> to vector<1xf32>
      %reduce_max3A_317 = vector.shape_cast %reduce_max3A_316 : vector<1xf32> to vector<1x1x1xf32>
      %reduce_max3A_318 = vector.extract %reduce_max3A_317[0, 0, 0] : f32 from vector<1x1x1xf32>
      %gt3A_319 = arith.constant 0 : i32
      %gt3A_320 = vector.broadcast %gt3A_319 : i32 to vector<256x1xi32>
      %gt3A_321 = arith.cmpi sgt, %iota3A, %gt3A_320 : vector<256x1xi32>
      %and3A = arith.andi %ge3A, %gt3A_321 : vector<256x1xi1>
      %jit3A = arith.constant 256 : i32
      %broadcast_in_dim3A_322 = vector.broadcast %jit3A : i32 to vector<256x1xi32>
      %select_n3A_323 = arith.select %and3A, %iota3A, %broadcast_in_dim3A_322 : vector<256x1xi1>, vector<256x1xi32>
      %reduce_min3A = vector.shape_cast %select_n3A_323 : vector<256x1xi32> to vector<1x256x1xi32>
      %reduce_min3A_324 = arith.constant dense<2147483647> : vector<1xi32>
      %reduce_min3A_325 = vector.multi_reduction <minsi>, %reduce_min3A, %reduce_min3A_324 [1, 2] : vector<1x256x1xi32> to vector<1xi32>
      %reduce_min3A_326 = vector.shape_cast %reduce_min3A_325 : vector<1xi32> to vector<1x1x1xi32>
      %reduce_min3A_327 = vector.extract %reduce_min3A_326[0, 0, 0] : i32 from vector<1x1x1xi32>
      %add3A_328 = arith.addf %reduce_max3A_311, %get3A_200 : f32
      %ge3A_329 = arith.cmpf oge, %add3A_328, %reduce_max3A_318 : f32
      %jit3A_330 = arith.constant 0 : i32
      %select_n3A_331 = arith.select %ge3A_329, %jit3A_330, %reduce_min3A_327 : i32
      %sub3A = arith.constant 256 : i32
      %sub3A_332 = arith.subi %sub3A, %get3A_196 : i32
      %min3A = arith.minsi %select_n3A_331, %sub3A_332 : i32
      %add3A_333 = arith.addi %get3A_196, %min3A : i32
      %swap3A_334 = arith.constant 0 : index
      %swap3A_335 = memref.load %arg8[%swap3A_334] : memref<1xi32, #tpu.memory_space<smem>>
      memref.store %add3A_333, %arg8[%swap3A_334] : memref<1xi32, #tpu.memory_space<smem>>
      %gt3A_336 = arith.constant 0 : i32
      %gt3A_337 = arith.cmpi sgt, %min3A, %gt3A_336 : i32
      %convert_element_type3A_338 = arith.extui %gt3A_337 : i1 to i32
      %cond3A_339 = arith.constant 0 : i32
      %cond3A_340 = arith.cmpi ne, %convert_element_type3A_338, %cond3A_339 : i32
      scf.if %cond3A_340 {
        %get3A_341 = arith.constant 2 : index
        %get3A_342 = memref.load %arg9[%get3A_341] : memref<3xi32, #tpu.memory_space<smem>>
        %rem3A_343 = arith.constant 2 : i32
        %rem3A_344 = arith.remsi %get3A_342, %rem3A_343 : i32
        %get3A_345 = arith.index_cast %rem3A_344 : i32 to index
        %get3A_346 = memref.load %arg9[%get3A_345] : memref<3xi32, #tpu.memory_space<smem>>
        %eq3A_347 = arith.constant 1 : i32
        %eq3A_348 = arith.cmpi eq, %get3A_346, %eq3A_347 : i32
        %convert_element_type3A_349 = arith.extui %eq3A_348 : i1 to i32
        %cond3A_350 = arith.constant 0 : i32
        %cond3A_351 = arith.cmpi ne, %convert_element_type3A_349, %cond3A_350 : i32
        scf.if %cond3A_351 {
          %dma_wait3A = tpu.memref_slice %arg11[%rem3A_344] : memref<2x!tpu.dma_semaphore, #tpu.memory_space<semaphore_mem>> -> memref<1x!tpu.dma_semaphore, #tpu.memory_space<semaphore_mem>>
          %dma_wait3A_413 = tpu.memref_squeeze %dma_wait3A : memref<1x!tpu.dma_semaphore, #tpu.memory_space<semaphore_mem>> -> memref<!tpu.dma_semaphore, #tpu.memory_space<semaphore_mem>>
          %dma_wait3A_414 = arith.constant 0 : i32
          %dma_wait3A_415 = arith.constant 0 : i32
          %dma_wait3A_416 = tpu.memref_slice %arg4[%dma_wait3A_414, %dma_wait3A_415] : memref<32776x1024xf32, #tpu.memory_space<hbm>> -> memref<256x1024xf32, #tpu.memory_space<hbm>>
          %dma_wait3A_417 = arith.constant 0 : i32
          %dma_wait3A_418 = arith.constant 0 : i32
          %dma_wait3A_419 = tpu.memref_slice %arg7[%rem3A_344, %dma_wait3A_417, %dma_wait3A_418] : memref<2x256x1024xf32, #tpu.memory_space<vmem>> -> memref<1x256x1024xf32, #tpu.memory_space<vmem>>
          %dma_wait3A_420 = tpu.memref_squeeze %dma_wait3A_419 : memref<1x256x1024xf32, #tpu.memory_space<vmem>> -> memref<256x1024xf32, #tpu.memory_space<vmem>>
          tpu.wait_dma2 semaphore(%dma_wait3A_413 : memref<!tpu.dma_semaphore, #tpu.memory_space<semaphore_mem>>) src(%dma_wait3A_420 : memref<256x1024xf32, #tpu.memory_space<vmem>>) dst(%dma_wait3A_416 : memref<256x1024xf32, #tpu.memory_space<hbm>>)
        } else {
        }
        %swap3A_352 = arith.index_cast %rem3A_344 : i32 to index
        %swap3A_353 = arith.constant 0 : index
        %swap3A_354 = arith.constant 0 : index
        %swap3A_355 = vector.load %arg7[%swap3A_352, %swap3A_353, %swap3A_354] : memref<2x256x1024xf32, #tpu.memory_space<vmem>>, vector<1x256x1024xf32>
        %swap3A_356 = vector.shape_cast %swap3A_355 : vector<1x256x1024xf32> to vector<256x1024xf32>
        %swap3A_357 = vector.shape_cast %add3A_302 : vector<256x1024xf32> to vector<1x256x1024xf32>
        tpu.vector_store %arg7[%swap3A_352, %swap3A_353, %swap3A_354], %swap3A_357 {strides = array<i32>} : memref<2x256x1024xf32, #tpu.memory_space<vmem>>, vector<1x256x1024xf32>,
        %jit3A_358 = arith.constant 0.000000e+00 : f32
        %broadcast_in_dim3A_359 = vector.broadcast %get3A_200 : f32 to vector<1x1024xf32>
        %broadcast_in_dim3A_360 = vector.broadcast %jit3A_358 : f32 to vector<1x1024xf32>
        %select_n3A_361 = arith.select %eq3A_4, %broadcast_in_dim3A_359, %broadcast_in_dim3A_360 : vector<1x1024xi1>, vector<1x1024xf32>
        %add3A_362 = arith.addf %slice3A_305, %select_n3A_361 : vector<1x1024xf32>
        %swap3A_363 = arith.index_cast %rem3A_344 : i32 to index
        %swap3A_364 = arith.constant 0 : index
        %swap3A_365 = arith.constant 0 : index
        %swap3A_366 = vector.load %arg7[%swap3A_363, %swap3A_364, %swap3A_365] : memref<2x256x1024xf32, #tpu.memory_space<vmem>>, vector<1x1x1024xf32>
        %swap3A_367 = vector.shape_cast %swap3A_366 : vector<1x1x1024xf32> to vector<1x1024xf32>
        %swap3A_368 = vector.shape_cast %add3A_362 : vector<1x1024xf32> to vector<1x1x1024xf32>
        tpu.vector_store %arg7[%swap3A_363, %swap3A_364, %swap3A_365], %swap3A_368 {strides = array<i32>} : memref<2x256x1024xf32, #tpu.memory_space<vmem>>, vector<1x1x1024xf32>,
        %mul3A_369 = arith.constant 16 : i32
        %mul3A_370 = arith.muli %arg0, %mul3A_369 : i32
        %add3A_371 = arith.constant 6 : i32
        %add3A_372 = arith.addi %mul3A_370, %add3A_371 : i32
        %mul3A_373 = arith.constant 256 : i32
        %mul3A_374 = arith.muli %add3A_372, %mul3A_373 : i32
        %dma_start3A = tpu.memref_slice %arg11[%rem3A_344] : memref<2x!tpu.dma_semaphore, #tpu.memory_space<semaphore_mem>> -> memref<1x!tpu.dma_semaphore, #tpu.memory_space<semaphore_mem>>
        %dma_start3A_375 = tpu.memref_squeeze %dma_start3A : memref<1x!tpu.dma_semaphore, #tpu.memory_space<semaphore_mem>> -> memref<!tpu.dma_semaphore, #tpu.memory_space<semaphore_mem>>
        %dma_start3A_376 = arith.constant 0 : i32
        %dma_start3A_377 = tpu.memref_slice %arg4[%mul3A_374, %dma_start3A_376] : memref<32776x1024xf32, #tpu.memory_space<hbm>> -> memref<256x1024xf32, #tpu.memory_space<hbm>>
        %dma_start3A_378 = arith.constant 0 : i32
        %dma_start3A_379 = arith.constant 0 : i32
        %dma_start3A_380 = tpu.memref_slice %arg7[%rem3A_344, %dma_start3A_378, %dma_start3A_379] : memref<2x256x1024xf32, #tpu.memory_space<vmem>> -> memref<1x256x1024xf32, #tpu.memory_space<vmem>>
        %dma_start3A_381 = tpu.memref_squeeze %dma_start3A_380 : memref<1x256x1024xf32, #tpu.memory_space<vmem>> -> memref<256x1024xf32, #tpu.memory_space<vmem>>
        tpu.enqueue_dma source(%dma_start3A_381 : memref<256x1024xf32, #tpu.memory_space<vmem>>) target(%dma_start3A_377 : memref<256x1024xf32, #tpu.memory_space<hbm>>) target_semaphore(%dma_start3A_375 : memref<!tpu.dma_semaphore, #tpu.memory_space<semaphore_mem>>)
        %swap3A_382 = arith.constant 1 : i32
        %swap3A_383 = arith.index_cast %rem3A_344 : i32 to index
        %swap3A_384 = memref.load %arg9[%swap3A_383] : memref<3xi32, #tpu.memory_space<smem>>
        memref.store %swap3A_382, %arg9[%swap3A_383] : memref<3xi32, #tpu.memory_space<smem>>
        %get3A_385 = arith.constant 2 : index
        %get3A_386 = memref.load %arg9[%get3A_385] : memref<3xi32, #tpu.memory_space<smem>>
        %add3A_387 = arith.constant 1 : i32
        %add3A_388 = arith.addi %get3A_386, %add3A_387 : i32
        %swap3A_389 = arith.constant 2 : index
        %swap3A_390 = memref.load %arg9[%swap3A_389] : memref<3xi32, #tpu.memory_space<smem>>
        memref.store %add3A_388, %arg9[%swap3A_389] : memref<3xi32, #tpu.memory_space<smem>>
        %ge3A_391 = vector.broadcast %get3A_196 : i32 to vector<1x256xi32>
        %ge3A_392 = arith.cmpi sge, %iota3A_1, %ge3A_391 : vector<1x256xi32>
        %add3A_393 = arith.addi %get3A_196, %min3A : i32
        %lt3A_394 = vector.broadcast %add3A_393 : i32 to vector<1x256xi32>
        %lt3A_395 = arith.cmpi slt, %iota3A_1, %lt3A_394 : vector<1x256xi32>
        %and3A_396 = arith.andi %ge3A_392, %lt3A_395 : vector<1x256xi1>
        %add3A_397 = vector.broadcast %mul3A_374 : i32 to vector<1x256xi32>
        %add3A_398 = arith.addi %add3A_397, %iota3A_1 : vector<1x256xi32>
        %sub3A_399 = vector.broadcast %get3A_196 : i32 to vector<1x256xi32>
        %sub3A_400 = arith.subi %add3A_398, %sub3A_399 : vector<1x256xi32>
        %get3A_401 = arith.constant 0 : index
        %get3A_402 = arith.constant 0 : index
        %get3A_403 = arith.constant 0 : index
        %get3A_404 = vector.load %arg5[%get3A_401, %get3A_402, %get3A_403] : memref<1x1x256xi32, #tpu.memory_space<vmem>>, vector<1x1x256xi32>
        %get3A_405 = vector.shape_cast %get3A_404 : vector<1x1x256xi32> to vector<1x256xi32>
        %select_n3A_406 = arith.select %and3A_396, %sub3A_400, %get3A_405 : vector<1x256xi1>, vector<1x256xi32>
        %swap3A_407 = arith.constant 0 : index
        %swap3A_408 = arith.constant 0 : index
        %swap3A_409 = arith.constant 0 : index
        %swap3A_410 = vector.load %arg5[%swap3A_407, %swap3A_408, %swap3A_409] : memref<1x1x256xi32, #tpu.memory_space<vmem>>, vector<1x1x256xi32>
        %swap3A_411 = vector.shape_cast %swap3A_410 : vector<1x1x256xi32> to vector<1x256xi32>
        %swap3A_412 = vector.shape_cast %select_n3A_406 : vector<1x256xi32> to vector<1x1x256xi32>
        tpu.vector_store %arg5[%swap3A_407, %swap3A_408, %swap3A_409], %swap3A_412 {strides = array<i32>} : memref<1x1x256xi32, #tpu.memory_space<vmem>>, vector<1x1x256xi32>,
      } else {
      }
    } else {
    }
    %get3A_118 = arith.constant 0 : index
    %get3A_119 = memref.load %arg8[%get3A_118] : memref<1xi32, #tpu.memory_space<smem>>
    %lt3A_120 = arith.constant 256 : i32
    %lt3A_121 = arith.cmpi slt, %get3A_119, %lt3A_120 : i32
    %convert_element_type3A_122 = arith.extui %lt3A_121 : i1 to i32
    %cond3A_123 = arith.constant 0xFF800000 : f32
    %cond3A_124 = arith.constant 0 : i32
    %cond3A_125 = arith.cmpi ne, %convert_element_type3A_122, %cond3A_124 : i32
    scf.if %cond3A_125 {
      %get3A_195 = arith.constant 0 : index
      %get3A_196 = memref.load %arg8[%get3A_195] : memref<1xi32, #tpu.memory_space<smem>>
      %get3A_197 = arith.index_cast %arg0 : i32 to index
      %get3A_198 = arith.constant 7 : index
      %get3A_199 = arith.constant 0 : index
      %get3A_200 = memref.load %arg1[%get3A_197, %get3A_198, %get3A_199] : memref<8x16x9xf32, #tpu.memory_space<smem>>
      %get3A_201 = arith.index_cast %arg0 : i32 to index
      %get3A_202 = arith.constant 7 : index
      %get3A_203 = arith.constant 1 : index
      %get3A_204 = memref.load %arg1[%get3A_201, %get3A_202, %get3A_203] : memref<8x16x9xf32, #tpu.memory_space<smem>>
      %get3A_205 = arith.index_cast %rem3A_0 : i32 to index
      %get3A_206 = arith.constant 0 : index
      %get3A_207 = arith.constant 0 : index
      %get3A_208 = arith.constant 0 : index
      %get3A_209 = vector.load %arg6[%get3A_205, %get3A_206, %get3A_207, %get3A_208] : memref<2x8x256x1024xf32, #tpu.memory_space<vmem>>, vector<1x1x256x1024xf32>
      %get3A_210 = vector.shape_cast %get3A_209 : vector<1x1x256x1024xf32> to vector<256x1024xf32>
      %mul3A = vector.broadcast %get3A_204 : f32 to vector<256x1024xf32>
      %mul3A_211 = arith.mulf %mul3A, %get3A_210 : vector<256x1024xf32>
      %get3A_212 = arith.index_cast %arg0 : i32 to index
      %get3A_213 = arith.constant 7 : index
      %get3A_214 = arith.constant 2 : index
      %get3A_215 = memref.load %arg1[%get3A_212, %get3A_213, %get3A_214] : memref<8x16x9xf32, #tpu.memory_space<smem>>
      %get3A_216 = arith.index_cast %rem3A_0 : i32 to index
      %get3A_217 = arith.constant 1 : index
      %get3A_218 = arith.constant 0 : index
      %get3A_219 = arith.constant 0 : index
      %get3A_220 = vector.load %arg6[%get3A_216, %get3A_217, %get3A_218, %get3A_219] : memref<2x8x256x1024xf32, #tpu.memory_space<vmem>>, vector<1x1x256x1024xf32>
      %get3A_221 = vector.shape_cast %get3A_220 : vector<1x1x256x1024xf32> to vector<256x1024xf32>
      %mul3A_222 = vector.broadcast %get3A_215 : f32 to vector<256x1024xf32>
      %mul3A_223 = arith.mulf %mul3A_222, %get3A_221 : vector<256x1024xf32>
      %add3A_224 = arith.addf %mul3A_211, %mul3A_223 : vector<256x1024xf32>
      %get3A_225 = arith.index_cast %arg0 : i32 to index
      %get3A_226 = arith.constant 7 : index
      %get3A_227 = arith.constant 3 : index
      %get3A_228 = memref.load %arg1[%get3A_225, %get3A_226, %get3A_227] : memref<8x16x9xf32, #tpu.memory_space<smem>>
      %get3A_229 = arith.index_cast %rem3A_0 : i32 to index
      %get3A_230 = arith.constant 2 : index
      %get3A_231 = arith.constant 0 : index
      %get3A_232 = arith.constant 0 : index
      %get3A_233 = vector.load %arg6[%get3A_229, %get3A_230, %get3A_231, %get3A_232] : memref<2x8x256x1024xf32, #tpu.memory_space<vmem>>, vector<1x1x256x1024xf32>
      %get3A_234 = vector.shape_cast %get3A_233 : vector<1x1x256x1024xf32> to vector<256x1024xf32>
      %mul3A_235 = vector.broadcast %get3A_228 : f32 to vector<256x1024xf32>
      %mul3A_236 = arith.mulf %mul3A_235, %get3A_234 : vector<256x1024xf32>
      %add3A_237 = arith.addf %add3A_224, %mul3A_236 : vector<256x1024xf32>
      %get3A_238 = arith.index_cast %arg0 : i32 to index
      %get3A_239 = arith.constant 7 : index
      %get3A_240 = arith.constant 4 : index
      %get3A_241 = memref.load %arg1[%get3A_238, %get3A_239, %get3A_240] : memref<8x16x9xf32, #tpu.memory_space<smem>>
      %get3A_242 = arith.index_cast %rem3A_0 : i32 to index
      %get3A_243 = arith.constant 3 : index
      %get3A_244 = arith.constant 0 : index
      %get3A_245 = arith.constant 0 : index
      %get3A_246 = vector.load %arg6[%get3A_242, %get3A_243, %get3A_244, %get3A_245] : memref<2x8x256x1024xf32, #tpu.memory_space<vmem>>, vector<1x1x256x1024xf32>
      %get3A_247 = vector.shape_cast %get3A_246 : vector<1x1x256x1024xf32> to vector<256x1024xf32>
      %mul3A_248 = vector.broadcast %get3A_241 : f32 to vector<256x1024xf32>
      %mul3A_249 = arith.mulf %mul3A_248, %get3A_247 : vector<256x1024xf32>
      %add3A_250 = arith.addf %add3A_237, %mul3A_249 : vector<256x1024xf32>
      %get3A_251 = arith.index_cast %arg0 : i32 to index
      %get3A_252 = arith.constant 7 : index
      %get3A_253 = arith.constant 5 : index
      %get3A_254 = memref.load %arg1[%get3A_251, %get3A_252, %get3A_253] : memref<8x16x9xf32, #tpu.memory_space<smem>>
      %get3A_255 = arith.index_cast %rem3A_0 : i32 to index
      %get3A_256 = arith.constant 4 : index
      %get3A_257 = arith.constant 0 : index
      %get3A_258 = arith.constant 0 : index
      %get3A_259 = vector.load %arg6[%get3A_255, %get3A_256, %get3A_257, %get3A_258] : memref<2x8x256x1024xf32, #tpu.memory_space<vmem>>, vector<1x1x256x1024xf32>
      %get3A_260 = vector.shape_cast %get3A_259 : vector<1x1x256x1024xf32> to vector<256x1024xf32>
      %mul3A_261 = vector.broadcast %get3A_254 : f32 to vector<256x1024xf32>
      %mul3A_262 = arith.mulf %mul3A_261, %get3A_260 : vector<256x1024xf32>
      %add3A_263 = arith.addf %add3A_250, %mul3A_262 : vector<256x1024xf32>
      %get3A_264 = arith.index_cast %arg0 : i32 to index
      %get3A_265 = arith.constant 7 : index
      %get3A_266 = arith.constant 6 : index
      %get3A_267 = memref.load %arg1[%get3A_264, %get3A_265, %get3A_266] : memref<8x16x9xf32, #tpu.memory_space<smem>>
      %get3A_268 = arith.index_cast %rem3A_0 : i32 to index
      %get3A_269 = arith.constant 5 : index
      %get3A_270 = arith.constant 0 : index
      %get3A_271 = arith.constant 0 : index
      %get3A_272 = vector.load %arg6[%get3A_268, %get3A_269, %get3A_270, %get3A_271] : memref<2x8x256x1024xf32, #tpu.memory_space<vmem>>, vector<1x1x256x1024xf32>
      %get3A_273 = vector.shape_cast %get3A_272 : vector<1x1x256x1024xf32> to vector<256x1024xf32>
      %mul3A_274 = vector.broadcast %get3A_267 : f32 to vector<256x1024xf32>
      %mul3A_275 = arith.mulf %mul3A_274, %get3A_273 : vector<256x1024xf32>
      %add3A_276 = arith.addf %add3A_263, %mul3A_275 : vector<256x1024xf32>
      %get3A_277 = arith.index_cast %arg0 : i32 to index
      %get3A_278 = arith.constant 7 : index
      %get3A_279 = arith.constant 7 : index
      %get3A_280 = memref.load %arg1[%get3A_277, %get3A_278, %get3A_279] : memref<8x16x9xf32, #tpu.memory_space<smem>>
      %get3A_281 = arith.index_cast %rem3A_0 : i32 to index
      %get3A_282 = arith.constant 6 : index
      %get3A_283 = arith.constant 0 : index
      %get3A_284 = arith.constant 0 : index
      %get3A_285 = vector.load %arg6[%get3A_281, %get3A_282, %get3A_283, %get3A_284] : memref<2x8x256x1024xf32, #tpu.memory_space<vmem>>, vector<1x1x256x1024xf32>
      %get3A_286 = vector.shape_cast %get3A_285 : vector<1x1x256x1024xf32> to vector<256x1024xf32>
      %mul3A_287 = vector.broadcast %get3A_280 : f32 to vector<256x1024xf32>
      %mul3A_288 = arith.mulf %mul3A_287, %get3A_286 : vector<256x1024xf32>
      %add3A_289 = arith.addf %add3A_276, %mul3A_288 : vector<256x1024xf32>
      %get3A_290 = arith.index_cast %arg0 : i32 to index
      %get3A_291 = arith.constant 7 : index
      %get3A_292 = arith.constant 8 : index
      %get3A_293 = memref.load %arg1[%get3A_290, %get3A_291, %get3A_292] : memref<8x16x9xf32, #tpu.memory_space<smem>>
      %get3A_294 = arith.index_cast %rem3A_0 : i32 to index
      %get3A_295 = arith.constant 7 : index
      %get3A_296 = arith.constant 0 : index
      %get3A_297 = arith.constant 0 : index
      %get3A_298 = vector.load %arg6[%get3A_294, %get3A_295, %get3A_296, %get3A_297] : memref<2x8x256x1024xf32, #tpu.memory_space<vmem>>, vector<1x1x256x1024xf32>
      %get3A_299 = vector.shape_cast %get3A_298 : vector<1x1x256x1024xf32> to vector<256x1024xf32>
      %mul3A_300 = vector.broadcast %get3A_293 : f32 to vector<256x1024xf32>
      %mul3A_301 = arith.mulf %mul3A_300, %get3A_299 : vector<256x1024xf32>
      %add3A_302 = arith.addf %add3A_289, %mul3A_301 : vector<256x1024xf32>
      %reduce_max3A = arith.constant dense<0xFF800000> : vector<256xf32>
      %reduce_max3A_303 = vector.multi_reduction <maximumf>, %add3A_302, %reduce_max3A [1] : vector<256x1024xf32> to vector<256xf32>
      %broadcast_in_dim3A_304 = vector.shape_cast %reduce_max3A_303 : vector<256xf32> to vector<256x1xf32>
      %slice3A = vector.extract_strided_slice %add3A_302 {offsets = [0, 0], sizes = [256, 1], strides = [1, 1]} : vector<256x1024xf32> to vector<256x1xf32>
      %ge3A = arith.cmpf oge, %slice3A, %broadcast_in_dim3A_304 : vector<256x1xf32>
      %slice3A_305 = vector.extract_strided_slice %add3A_302 {offsets = [0, 0], sizes = [1, 1024], strides = [1, 1]} : vector<256x1024xf32> to vector<1x1024xf32>
      %broadcast_in_dim3A_306 = vector.broadcast %cond3A_123 : f32 to vector<1x1024xf32>
      %select_n3A = arith.select %eq3A_4, %slice3A_305, %broadcast_in_dim3A_306 : vector<1x1024xi1>, vector<1x1024xf32>
      %reduce_max3A_307 = vector.shape_cast %select_n3A : vector<1x1024xf32> to vector<1x1x1024xf32>
      %reduce_max3A_308 = arith.constant dense<0xFF800000> : vector<1xf32>
      %reduce_max3A_309 = vector.multi_reduction <maximumf>, %reduce_max3A_307, %reduce_max3A_308 [1, 2] : vector<1x1x1024xf32> to vector<1xf32>
      %reduce_max3A_310 = vector.shape_cast %reduce_max3A_309 : vector<1xf32> to vector<1x1x1xf32>
      %reduce_max3A_311 = vector.extract %reduce_max3A_310[0, 0, 0] : f32 from vector<1x1x1xf32>
      %broadcast_in_dim3A_312 = vector.broadcast %cond3A_123 : f32 to vector<1x1024xf32>
      %select_n3A_313 = arith.select %eq3A_4, %broadcast_in_dim3A_312, %slice3A_305 : vector<1x1024xi1>, vector<1x1024xf32>
      %reduce_max3A_314 = vector.shape_cast %select_n3A_313 : vector<1x1024xf32> to vector<1x1x1024xf32>
      %reduce_max3A_315 = arith.constant dense<0xFF800000> : vector<1xf32>
      %reduce_max3A_316 = vector.multi_reduction <maximumf>, %reduce_max3A_314, %reduce_max3A_315 [1, 2] : vector<1x1x1024xf32> to vector<1xf32>
      %reduce_max3A_317 = vector.shape_cast %reduce_max3A_316 : vector<1xf32> to vector<1x1x1xf32>
      %reduce_max3A_318 = vector.extract %reduce_max3A_317[0, 0, 0] : f32 from vector<1x1x1xf32>
      %gt3A_319 = arith.constant 0 : i32
      %gt3A_320 = vector.broadcast %gt3A_319 : i32 to vector<256x1xi32>
      %gt3A_321 = arith.cmpi sgt, %iota3A, %gt3A_320 : vector<256x1xi32>
      %and3A = arith.andi %ge3A, %gt3A_321 : vector<256x1xi1>
      %jit3A = arith.constant 256 : i32
      %broadcast_in_dim3A_322 = vector.broadcast %jit3A : i32 to vector<256x1xi32>
      %select_n3A_323 = arith.select %and3A, %iota3A, %broadcast_in_dim3A_322 : vector<256x1xi1>, vector<256x1xi32>
      %reduce_min3A = vector.shape_cast %select_n3A_323 : vector<256x1xi32> to vector<1x256x1xi32>
      %reduce_min3A_324 = arith.constant dense<2147483647> : vector<1xi32>
      %reduce_min3A_325 = vector.multi_reduction <minsi>, %reduce_min3A, %reduce_min3A_324 [1, 2] : vector<1x256x1xi32> to vector<1xi32>
      %reduce_min3A_326 = vector.shape_cast %reduce_min3A_325 : vector<1xi32> to vector<1x1x1xi32>
      %reduce_min3A_327 = vector.extract %reduce_min3A_326[0, 0, 0] : i32 from vector<1x1x1xi32>
      %add3A_328 = arith.addf %reduce_max3A_311, %get3A_200 : f32
      %ge3A_329 = arith.cmpf oge, %add3A_328, %reduce_max3A_318 : f32
      %jit3A_330 = arith.constant 0 : i32
      %select_n3A_331 = arith.select %ge3A_329, %jit3A_330, %reduce_min3A_327 : i32
      %sub3A = arith.constant 256 : i32
      %sub3A_332 = arith.subi %sub3A, %get3A_196 : i32
      %min3A = arith.minsi %select_n3A_331, %sub3A_332 : i32
      %add3A_333 = arith.addi %get3A_196, %min3A : i32
      %swap3A_334 = arith.constant 0 : index
      %swap3A_335 = memref.load %arg8[%swap3A_334] : memref<1xi32, #tpu.memory_space<smem>>
      memref.store %add3A_333, %arg8[%swap3A_334] : memref<1xi32, #tpu.memory_space<smem>>
      %gt3A_336 = arith.constant 0 : i32
      %gt3A_337 = arith.cmpi sgt, %min3A, %gt3A_336 : i32
      %convert_element_type3A_338 = arith.extui %gt3A_337 : i1 to i32
      %cond3A_339 = arith.constant 0 : i32
      %cond3A_340 = arith.cmpi ne, %convert_element_type3A_338, %cond3A_339 : i32
      scf.if %cond3A_340 {
        %get3A_341 = arith.constant 2 : index
        %get3A_342 = memref.load %arg9[%get3A_341] : memref<3xi32, #tpu.memory_space<smem>>
        %rem3A_343 = arith.constant 2 : i32
        %rem3A_344 = arith.remsi %get3A_342, %rem3A_343 : i32
        %get3A_345 = arith.index_cast %rem3A_344 : i32 to index
        %get3A_346 = memref.load %arg9[%get3A_345] : memref<3xi32, #tpu.memory_space<smem>>
        %eq3A_347 = arith.constant 1 : i32
        %eq3A_348 = arith.cmpi eq, %get3A_346, %eq3A_347 : i32
        %convert_element_type3A_349 = arith.extui %eq3A_348 : i1 to i32
        %cond3A_350 = arith.constant 0 : i32
        %cond3A_351 = arith.cmpi ne, %convert_element_type3A_349, %cond3A_350 : i32
        scf.if %cond3A_351 {
          %dma_wait3A = tpu.memref_slice %arg11[%rem3A_344] : memref<2x!tpu.dma_semaphore, #tpu.memory_space<semaphore_mem>> -> memref<1x!tpu.dma_semaphore, #tpu.memory_space<semaphore_mem>>
          %dma_wait3A_413 = tpu.memref_squeeze %dma_wait3A : memref<1x!tpu.dma_semaphore, #tpu.memory_space<semaphore_mem>> -> memref<!tpu.dma_semaphore, #tpu.memory_space<semaphore_mem>>
          %dma_wait3A_414 = arith.constant 0 : i32
          %dma_wait3A_415 = arith.constant 0 : i32
          %dma_wait3A_416 = tpu.memref_slice %arg4[%dma_wait3A_414, %dma_wait3A_415] : memref<32776x1024xf32, #tpu.memory_space<hbm>> -> memref<256x1024xf32, #tpu.memory_space<hbm>>
          %dma_wait3A_417 = arith.constant 0 : i32
          %dma_wait3A_418 = arith.constant 0 : i32
          %dma_wait3A_419 = tpu.memref_slice %arg7[%rem3A_344, %dma_wait3A_417, %dma_wait3A_418] : memref<2x256x1024xf32, #tpu.memory_space<vmem>> -> memref<1x256x1024xf32, #tpu.memory_space<vmem>>
          %dma_wait3A_420 = tpu.memref_squeeze %dma_wait3A_419 : memref<1x256x1024xf32, #tpu.memory_space<vmem>> -> memref<256x1024xf32, #tpu.memory_space<vmem>>
          tpu.wait_dma2 semaphore(%dma_wait3A_413 : memref<!tpu.dma_semaphore, #tpu.memory_space<semaphore_mem>>) src(%dma_wait3A_420 : memref<256x1024xf32, #tpu.memory_space<vmem>>) dst(%dma_wait3A_416 : memref<256x1024xf32, #tpu.memory_space<hbm>>)
        } else {
        }
        %swap3A_352 = arith.index_cast %rem3A_344 : i32 to index
        %swap3A_353 = arith.constant 0 : index
        %swap3A_354 = arith.constant 0 : index
        %swap3A_355 = vector.load %arg7[%swap3A_352, %swap3A_353, %swap3A_354] : memref<2x256x1024xf32, #tpu.memory_space<vmem>>, vector<1x256x1024xf32>
        %swap3A_356 = vector.shape_cast %swap3A_355 : vector<1x256x1024xf32> to vector<256x1024xf32>
        %swap3A_357 = vector.shape_cast %add3A_302 : vector<256x1024xf32> to vector<1x256x1024xf32>
        tpu.vector_store %arg7[%swap3A_352, %swap3A_353, %swap3A_354], %swap3A_357 {strides = array<i32>} : memref<2x256x1024xf32, #tpu.memory_space<vmem>>, vector<1x256x1024xf32>,
        %jit3A_358 = arith.constant 0.000000e+00 : f32
        %broadcast_in_dim3A_359 = vector.broadcast %get3A_200 : f32 to vector<1x1024xf32>
        %broadcast_in_dim3A_360 = vector.broadcast %jit3A_358 : f32 to vector<1x1024xf32>
        %select_n3A_361 = arith.select %eq3A_4, %broadcast_in_dim3A_359, %broadcast_in_dim3A_360 : vector<1x1024xi1>, vector<1x1024xf32>
        %add3A_362 = arith.addf %slice3A_305, %select_n3A_361 : vector<1x1024xf32>
        %swap3A_363 = arith.index_cast %rem3A_344 : i32 to index
        %swap3A_364 = arith.constant 0 : index
        %swap3A_365 = arith.constant 0 : index
        %swap3A_366 = vector.load %arg7[%swap3A_363, %swap3A_364, %swap3A_365] : memref<2x256x1024xf32, #tpu.memory_space<vmem>>, vector<1x1x1024xf32>
        %swap3A_367 = vector.shape_cast %swap3A_366 : vector<1x1x1024xf32> to vector<1x1024xf32>
        %swap3A_368 = vector.shape_cast %add3A_362 : vector<1x1024xf32> to vector<1x1x1024xf32>
        tpu.vector_store %arg7[%swap3A_363, %swap3A_364, %swap3A_365], %swap3A_368 {strides = array<i32>} : memref<2x256x1024xf32, #tpu.memory_space<vmem>>, vector<1x1x1024xf32>,
        %mul3A_369 = arith.constant 16 : i32
        %mul3A_370 = arith.muli %arg0, %mul3A_369 : i32
        %add3A_371 = arith.constant 7 : i32
        %add3A_372 = arith.addi %mul3A_370, %add3A_371 : i32
        %mul3A_373 = arith.constant 256 : i32
        %mul3A_374 = arith.muli %add3A_372, %mul3A_373 : i32
        %dma_start3A = tpu.memref_slice %arg11[%rem3A_344] : memref<2x!tpu.dma_semaphore, #tpu.memory_space<semaphore_mem>> -> memref<1x!tpu.dma_semaphore, #tpu.memory_space<semaphore_mem>>
        %dma_start3A_375 = tpu.memref_squeeze %dma_start3A : memref<1x!tpu.dma_semaphore, #tpu.memory_space<semaphore_mem>> -> memref<!tpu.dma_semaphore, #tpu.memory_space<semaphore_mem>>
        %dma_start3A_376 = arith.constant 0 : i32
        %dma_start3A_377 = tpu.memref_slice %arg4[%mul3A_374, %dma_start3A_376] : memref<32776x1024xf32, #tpu.memory_space<hbm>> -> memref<256x1024xf32, #tpu.memory_space<hbm>>
        %dma_start3A_378 = arith.constant 0 : i32
        %dma_start3A_379 = arith.constant 0 : i32
        %dma_start3A_380 = tpu.memref_slice %arg7[%rem3A_344, %dma_start3A_378, %dma_start3A_379] : memref<2x256x1024xf32, #tpu.memory_space<vmem>> -> memref<1x256x1024xf32, #tpu.memory_space<vmem>>
        %dma_start3A_381 = tpu.memref_squeeze %dma_start3A_380 : memref<1x256x1024xf32, #tpu.memory_space<vmem>> -> memref<256x1024xf32, #tpu.memory_space<vmem>>
        tpu.enqueue_dma source(%dma_start3A_381 : memref<256x1024xf32, #tpu.memory_space<vmem>>) target(%dma_start3A_377 : memref<256x1024xf32, #tpu.memory_space<hbm>>) target_semaphore(%dma_start3A_375 : memref<!tpu.dma_semaphore, #tpu.memory_space<semaphore_mem>>)
        %swap3A_382 = arith.constant 1 : i32
        %swap3A_383 = arith.index_cast %rem3A_344 : i32 to index
        %swap3A_384 = memref.load %arg9[%swap3A_383] : memref<3xi32, #tpu.memory_space<smem>>
        memref.store %swap3A_382, %arg9[%swap3A_383] : memref<3xi32, #tpu.memory_space<smem>>
        %get3A_385 = arith.constant 2 : index
        %get3A_386 = memref.load %arg9[%get3A_385] : memref<3xi32, #tpu.memory_space<smem>>
        %add3A_387 = arith.constant 1 : i32
        %add3A_388 = arith.addi %get3A_386, %add3A_387 : i32
        %swap3A_389 = arith.constant 2 : index
        %swap3A_390 = memref.load %arg9[%swap3A_389] : memref<3xi32, #tpu.memory_space<smem>>
        memref.store %add3A_388, %arg9[%swap3A_389] : memref<3xi32, #tpu.memory_space<smem>>
        %ge3A_391 = vector.broadcast %get3A_196 : i32 to vector<1x256xi32>
        %ge3A_392 = arith.cmpi sge, %iota3A_1, %ge3A_391 : vector<1x256xi32>
        %add3A_393 = arith.addi %get3A_196, %min3A : i32
        %lt3A_394 = vector.broadcast %add3A_393 : i32 to vector<1x256xi32>
        %lt3A_395 = arith.cmpi slt, %iota3A_1, %lt3A_394 : vector<1x256xi32>
        %and3A_396 = arith.andi %ge3A_392, %lt3A_395 : vector<1x256xi1>
        %add3A_397 = vector.broadcast %mul3A_374 : i32 to vector<1x256xi32>
        %add3A_398 = arith.addi %add3A_397, %iota3A_1 : vector<1x256xi32>
        %sub3A_399 = vector.broadcast %get3A_196 : i32 to vector<1x256xi32>
        %sub3A_400 = arith.subi %add3A_398, %sub3A_399 : vector<1x256xi32>
        %get3A_401 = arith.constant 0 : index
        %get3A_402 = arith.constant 0 : index
        %get3A_403 = arith.constant 0 : index
        %get3A_404 = vector.load %arg5[%get3A_401, %get3A_402, %get3A_403] : memref<1x1x256xi32, #tpu.memory_space<vmem>>, vector<1x1x256xi32>
        %get3A_405 = vector.shape_cast %get3A_404 : vector<1x1x256xi32> to vector<1x256xi32>
        %select_n3A_406 = arith.select %and3A_396, %sub3A_400, %get3A_405 : vector<1x256xi1>, vector<1x256xi32>
        %swap3A_407 = arith.constant 0 : index
        %swap3A_408 = arith.constant 0 : index
        %swap3A_409 = arith.constant 0 : index
        %swap3A_410 = vector.load %arg5[%swap3A_407, %swap3A_408, %swap3A_409] : memref<1x1x256xi32, #tpu.memory_space<vmem>>, vector<1x1x256xi32>
        %swap3A_411 = vector.shape_cast %swap3A_410 : vector<1x1x256xi32> to vector<1x256xi32>
        %swap3A_412 = vector.shape_cast %select_n3A_406 : vector<1x256xi32> to vector<1x1x256xi32>
        tpu.vector_store %arg5[%swap3A_407, %swap3A_408, %swap3A_409], %swap3A_412 {strides = array<i32>} : memref<1x1x256xi32, #tpu.memory_space<vmem>>, vector<1x1x256xi32>,
      } else {
      }
    } else {
    }
    %get3A_126 = arith.constant 0 : index
    %get3A_127 = memref.load %arg8[%get3A_126] : memref<1xi32, #tpu.memory_space<smem>>
    %lt3A_128 = arith.constant 256 : i32
    %lt3A_129 = arith.cmpi slt, %get3A_127, %lt3A_128 : i32
    %convert_element_type3A_130 = arith.extui %lt3A_129 : i1 to i32
    %cond3A_131 = arith.constant 0xFF800000 : f32
    %cond3A_132 = arith.constant 0 : i32
    %cond3A_133 = arith.cmpi ne, %convert_element_type3A_130, %cond3A_132 : i32
    scf.if %cond3A_133 {
      %get3A_195 = arith.constant 0 : index
      %get3A_196 = memref.load %arg8[%get3A_195] : memref<1xi32, #tpu.memory_space<smem>>
      %get3A_197 = arith.index_cast %arg0 : i32 to index
      %get3A_198 = arith.constant 8 : index
      %get3A_199 = arith.constant 0 : index
      %get3A_200 = memref.load %arg1[%get3A_197, %get3A_198, %get3A_199] : memref<8x16x9xf32, #tpu.memory_space<smem>>
      %get3A_201 = arith.index_cast %arg0 : i32 to index
      %get3A_202 = arith.constant 8 : index
      %get3A_203 = arith.constant 1 : index
      %get3A_204 = memref.load %arg1[%get3A_201, %get3A_202, %get3A_203] : memref<8x16x9xf32, #tpu.memory_space<smem>>
      %get3A_205 = arith.index_cast %rem3A_0 : i32 to index
      %get3A_206 = arith.constant 0 : index
      %get3A_207 = arith.constant 0 : index
      %get3A_208 = arith.constant 0 : index
      %get3A_209 = vector.load %arg6[%get3A_205, %get3A_206, %get3A_207, %get3A_208] : memref<2x8x256x1024xf32, #tpu.memory_space<vmem>>, vector<1x1x256x1024xf32>
      %get3A_210 = vector.shape_cast %get3A_209 : vector<1x1x256x1024xf32> to vector<256x1024xf32>
      %mul3A = vector.broadcast %get3A_204 : f32 to vector<256x1024xf32>
      %mul3A_211 = arith.mulf %mul3A, %get3A_210 : vector<256x1024xf32>
      %get3A_212 = arith.index_cast %arg0 : i32 to index
      %get3A_213 = arith.constant 8 : index
      %get3A_214 = arith.constant 2 : index
      %get3A_215 = memref.load %arg1[%get3A_212, %get3A_213, %get3A_214] : memref<8x16x9xf32, #tpu.memory_space<smem>>
      %get3A_216 = arith.index_cast %rem3A_0 : i32 to index
      %get3A_217 = arith.constant 1 : index
      %get3A_218 = arith.constant 0 : index
      %get3A_219 = arith.constant 0 : index
      %get3A_220 = vector.load %arg6[%get3A_216, %get3A_217, %get3A_218, %get3A_219] : memref<2x8x256x1024xf32, #tpu.memory_space<vmem>>, vector<1x1x256x1024xf32>
      %get3A_221 = vector.shape_cast %get3A_220 : vector<1x1x256x1024xf32> to vector<256x1024xf32>
      %mul3A_222 = vector.broadcast %get3A_215 : f32 to vector<256x1024xf32>
      %mul3A_223 = arith.mulf %mul3A_222, %get3A_221 : vector<256x1024xf32>
      %add3A_224 = arith.addf %mul3A_211, %mul3A_223 : vector<256x1024xf32>
      %get3A_225 = arith.index_cast %arg0 : i32 to index
      %get3A_226 = arith.constant 8 : index
      %get3A_227 = arith.constant 3 : index
      %get3A_228 = memref.load %arg1[%get3A_225, %get3A_226, %get3A_227] : memref<8x16x9xf32, #tpu.memory_space<smem>>
      %get3A_229 = arith.index_cast %rem3A_0 : i32 to index
      %get3A_230 = arith.constant 2 : index
      %get3A_231 = arith.constant 0 : index
      %get3A_232 = arith.constant 0 : index
      %get3A_233 = vector.load %arg6[%get3A_229, %get3A_230, %get3A_231, %get3A_232] : memref<2x8x256x1024xf32, #tpu.memory_space<vmem>>, vector<1x1x256x1024xf32>
      %get3A_234 = vector.shape_cast %get3A_233 : vector<1x1x256x1024xf32> to vector<256x1024xf32>
      %mul3A_235 = vector.broadcast %get3A_228 : f32 to vector<256x1024xf32>
      %mul3A_236 = arith.mulf %mul3A_235, %get3A_234 : vector<256x1024xf32>
      %add3A_237 = arith.addf %add3A_224, %mul3A_236 : vector<256x1024xf32>
      %get3A_238 = arith.index_cast %arg0 : i32 to index
      %get3A_239 = arith.constant 8 : index
      %get3A_240 = arith.constant 4 : index
      %get3A_241 = memref.load %arg1[%get3A_238, %get3A_239, %get3A_240] : memref<8x16x9xf32, #tpu.memory_space<smem>>
      %get3A_242 = arith.index_cast %rem3A_0 : i32 to index
      %get3A_243 = arith.constant 3 : index
      %get3A_244 = arith.constant 0 : index
      %get3A_245 = arith.constant 0 : index
      %get3A_246 = vector.load %arg6[%get3A_242, %get3A_243, %get3A_244, %get3A_245] : memref<2x8x256x1024xf32, #tpu.memory_space<vmem>>, vector<1x1x256x1024xf32>
      %get3A_247 = vector.shape_cast %get3A_246 : vector<1x1x256x1024xf32> to vector<256x1024xf32>
      %mul3A_248 = vector.broadcast %get3A_241 : f32 to vector<256x1024xf32>
      %mul3A_249 = arith.mulf %mul3A_248, %get3A_247 : vector<256x1024xf32>
      %add3A_250 = arith.addf %add3A_237, %mul3A_249 : vector<256x1024xf32>
      %get3A_251 = arith.index_cast %arg0 : i32 to index
      %get3A_252 = arith.constant 8 : index
      %get3A_253 = arith.constant 5 : index
      %get3A_254 = memref.load %arg1[%get3A_251, %get3A_252, %get3A_253] : memref<8x16x9xf32, #tpu.memory_space<smem>>
      %get3A_255 = arith.index_cast %rem3A_0 : i32 to index
      %get3A_256 = arith.constant 4 : index
      %get3A_257 = arith.constant 0 : index
      %get3A_258 = arith.constant 0 : index
      %get3A_259 = vector.load %arg6[%get3A_255, %get3A_256, %get3A_257, %get3A_258] : memref<2x8x256x1024xf32, #tpu.memory_space<vmem>>, vector<1x1x256x1024xf32>
      %get3A_260 = vector.shape_cast %get3A_259 : vector<1x1x256x1024xf32> to vector<256x1024xf32>
      %mul3A_261 = vector.broadcast %get3A_254 : f32 to vector<256x1024xf32>
      %mul3A_262 = arith.mulf %mul3A_261, %get3A_260 : vector<256x1024xf32>
      %add3A_263 = arith.addf %add3A_250, %mul3A_262 : vector<256x1024xf32>
      %get3A_264 = arith.index_cast %arg0 : i32 to index
      %get3A_265 = arith.constant 8 : index
      %get3A_266 = arith.constant 6 : index
      %get3A_267 = memref.load %arg1[%get3A_264, %get3A_265, %get3A_266] : memref<8x16x9xf32, #tpu.memory_space<smem>>
      %get3A_268 = arith.index_cast %rem3A_0 : i32 to index
      %get3A_269 = arith.constant 5 : index
      %get3A_270 = arith.constant 0 : index
      %get3A_271 = arith.constant 0 : index
      %get3A_272 = vector.load %arg6[%get3A_268, %get3A_269, %get3A_270, %get3A_271] : memref<2x8x256x1024xf32, #tpu.memory_space<vmem>>, vector<1x1x256x1024xf32>
      %get3A_273 = vector.shape_cast %get3A_272 : vector<1x1x256x1024xf32> to vector<256x1024xf32>
      %mul3A_274 = vector.broadcast %get3A_267 : f32 to vector<256x1024xf32>
      %mul3A_275 = arith.mulf %mul3A_274, %get3A_273 : vector<256x1024xf32>
      %add3A_276 = arith.addf %add3A_263, %mul3A_275 : vector<256x1024xf32>
      %get3A_277 = arith.index_cast %arg0 : i32 to index
      %get3A_278 = arith.constant 8 : index
      %get3A_279 = arith.constant 7 : index
      %get3A_280 = memref.load %arg1[%get3A_277, %get3A_278, %get3A_279] : memref<8x16x9xf32, #tpu.memory_space<smem>>
      %get3A_281 = arith.index_cast %rem3A_0 : i32 to index
      %get3A_282 = arith.constant 6 : index
      %get3A_283 = arith.constant 0 : index
      %get3A_284 = arith.constant 0 : index
      %get3A_285 = vector.load %arg6[%get3A_281, %get3A_282, %get3A_283, %get3A_284] : memref<2x8x256x1024xf32, #tpu.memory_space<vmem>>, vector<1x1x256x1024xf32>
      %get3A_286 = vector.shape_cast %get3A_285 : vector<1x1x256x1024xf32> to vector<256x1024xf32>
      %mul3A_287 = vector.broadcast %get3A_280 : f32 to vector<256x1024xf32>
      %mul3A_288 = arith.mulf %mul3A_287, %get3A_286 : vector<256x1024xf32>
      %add3A_289 = arith.addf %add3A_276, %mul3A_288 : vector<256x1024xf32>
      %get3A_290 = arith.index_cast %arg0 : i32 to index
      %get3A_291 = arith.constant 8 : index
      %get3A_292 = arith.constant 8 : index
      %get3A_293 = memref.load %arg1[%get3A_290, %get3A_291, %get3A_292] : memref<8x16x9xf32, #tpu.memory_space<smem>>
      %get3A_294 = arith.index_cast %rem3A_0 : i32 to index
      %get3A_295 = arith.constant 7 : index
      %get3A_296 = arith.constant 0 : index
      %get3A_297 = arith.constant 0 : index
      %get3A_298 = vector.load %arg6[%get3A_294, %get3A_295, %get3A_296, %get3A_297] : memref<2x8x256x1024xf32, #tpu.memory_space<vmem>>, vector<1x1x256x1024xf32>
      %get3A_299 = vector.shape_cast %get3A_298 : vector<1x1x256x1024xf32> to vector<256x1024xf32>
      %mul3A_300 = vector.broadcast %get3A_293 : f32 to vector<256x1024xf32>
      %mul3A_301 = arith.mulf %mul3A_300, %get3A_299 : vector<256x1024xf32>
      %add3A_302 = arith.addf %add3A_289, %mul3A_301 : vector<256x1024xf32>
      %reduce_max3A = arith.constant dense<0xFF800000> : vector<256xf32>
      %reduce_max3A_303 = vector.multi_reduction <maximumf>, %add3A_302, %reduce_max3A [1] : vector<256x1024xf32> to vector<256xf32>
      %broadcast_in_dim3A_304 = vector.shape_cast %reduce_max3A_303 : vector<256xf32> to vector<256x1xf32>
      %slice3A = vector.extract_strided_slice %add3A_302 {offsets = [0, 0], sizes = [256, 1], strides = [1, 1]} : vector<256x1024xf32> to vector<256x1xf32>
      %ge3A = arith.cmpf oge, %slice3A, %broadcast_in_dim3A_304 : vector<256x1xf32>
      %slice3A_305 = vector.extract_strided_slice %add3A_302 {offsets = [0, 0], sizes = [1, 1024], strides = [1, 1]} : vector<256x1024xf32> to vector<1x1024xf32>
      %broadcast_in_dim3A_306 = vector.broadcast %cond3A_131 : f32 to vector<1x1024xf32>
      %select_n3A = arith.select %eq3A_4, %slice3A_305, %broadcast_in_dim3A_306 : vector<1x1024xi1>, vector<1x1024xf32>
      %reduce_max3A_307 = vector.shape_cast %select_n3A : vector<1x1024xf32> to vector<1x1x1024xf32>
      %reduce_max3A_308 = arith.constant dense<0xFF800000> : vector<1xf32>
      %reduce_max3A_309 = vector.multi_reduction <maximumf>, %reduce_max3A_307, %reduce_max3A_308 [1, 2] : vector<1x1x1024xf32> to vector<1xf32>
      %reduce_max3A_310 = vector.shape_cast %reduce_max3A_309 : vector<1xf32> to vector<1x1x1xf32>
      %reduce_max3A_311 = vector.extract %reduce_max3A_310[0, 0, 0] : f32 from vector<1x1x1xf32>
      %broadcast_in_dim3A_312 = vector.broadcast %cond3A_131 : f32 to vector<1x1024xf32>
      %select_n3A_313 = arith.select %eq3A_4, %broadcast_in_dim3A_312, %slice3A_305 : vector<1x1024xi1>, vector<1x1024xf32>
      %reduce_max3A_314 = vector.shape_cast %select_n3A_313 : vector<1x1024xf32> to vector<1x1x1024xf32>
      %reduce_max3A_315 = arith.constant dense<0xFF800000> : vector<1xf32>
      %reduce_max3A_316 = vector.multi_reduction <maximumf>, %reduce_max3A_314, %reduce_max3A_315 [1, 2] : vector<1x1x1024xf32> to vector<1xf32>
      %reduce_max3A_317 = vector.shape_cast %reduce_max3A_316 : vector<1xf32> to vector<1x1x1xf32>
      %reduce_max3A_318 = vector.extract %reduce_max3A_317[0, 0, 0] : f32 from vector<1x1x1xf32>
      %gt3A_319 = arith.constant 0 : i32
      %gt3A_320 = vector.broadcast %gt3A_319 : i32 to vector<256x1xi32>
      %gt3A_321 = arith.cmpi sgt, %iota3A, %gt3A_320 : vector<256x1xi32>
      %and3A = arith.andi %ge3A, %gt3A_321 : vector<256x1xi1>
      %jit3A = arith.constant 256 : i32
      %broadcast_in_dim3A_322 = vector.broadcast %jit3A : i32 to vector<256x1xi32>
      %select_n3A_323 = arith.select %and3A, %iota3A, %broadcast_in_dim3A_322 : vector<256x1xi1>, vector<256x1xi32>
      %reduce_min3A = vector.shape_cast %select_n3A_323 : vector<256x1xi32> to vector<1x256x1xi32>
      %reduce_min3A_324 = arith.constant dense<2147483647> : vector<1xi32>
      %reduce_min3A_325 = vector.multi_reduction <minsi>, %reduce_min3A, %reduce_min3A_324 [1, 2] : vector<1x256x1xi32> to vector<1xi32>
      %reduce_min3A_326 = vector.shape_cast %reduce_min3A_325 : vector<1xi32> to vector<1x1x1xi32>
      %reduce_min3A_327 = vector.extract %reduce_min3A_326[0, 0, 0] : i32 from vector<1x1x1xi32>
      %add3A_328 = arith.addf %reduce_max3A_311, %get3A_200 : f32
      %ge3A_329 = arith.cmpf oge, %add3A_328, %reduce_max3A_318 : f32
      %jit3A_330 = arith.constant 0 : i32
      %select_n3A_331 = arith.select %ge3A_329, %jit3A_330, %reduce_min3A_327 : i32
      %sub3A = arith.constant 256 : i32
      %sub3A_332 = arith.subi %sub3A, %get3A_196 : i32
      %min3A = arith.minsi %select_n3A_331, %sub3A_332 : i32
      %add3A_333 = arith.addi %get3A_196, %min3A : i32
      %swap3A_334 = arith.constant 0 : index
      %swap3A_335 = memref.load %arg8[%swap3A_334] : memref<1xi32, #tpu.memory_space<smem>>
      memref.store %add3A_333, %arg8[%swap3A_334] : memref<1xi32, #tpu.memory_space<smem>>
      %gt3A_336 = arith.constant 0 : i32
      %gt3A_337 = arith.cmpi sgt, %min3A, %gt3A_336 : i32
      %convert_element_type3A_338 = arith.extui %gt3A_337 : i1 to i32
      %cond3A_339 = arith.constant 0 : i32
      %cond3A_340 = arith.cmpi ne, %convert_element_type3A_338, %cond3A_339 : i32
      scf.if %cond3A_340 {
        %get3A_341 = arith.constant 2 : index
        %get3A_342 = memref.load %arg9[%get3A_341] : memref<3xi32, #tpu.memory_space<smem>>
        %rem3A_343 = arith.constant 2 : i32
        %rem3A_344 = arith.remsi %get3A_342, %rem3A_343 : i32
        %get3A_345 = arith.index_cast %rem3A_344 : i32 to index
        %get3A_346 = memref.load %arg9[%get3A_345] : memref<3xi32, #tpu.memory_space<smem>>
        %eq3A_347 = arith.constant 1 : i32
        %eq3A_348 = arith.cmpi eq, %get3A_346, %eq3A_347 : i32
        %convert_element_type3A_349 = arith.extui %eq3A_348 : i1 to i32
        %cond3A_350 = arith.constant 0 : i32
        %cond3A_351 = arith.cmpi ne, %convert_element_type3A_349, %cond3A_350 : i32
        scf.if %cond3A_351 {
          %dma_wait3A = tpu.memref_slice %arg11[%rem3A_344] : memref<2x!tpu.dma_semaphore, #tpu.memory_space<semaphore_mem>> -> memref<1x!tpu.dma_semaphore, #tpu.memory_space<semaphore_mem>>
          %dma_wait3A_413 = tpu.memref_squeeze %dma_wait3A : memref<1x!tpu.dma_semaphore, #tpu.memory_space<semaphore_mem>> -> memref<!tpu.dma_semaphore, #tpu.memory_space<semaphore_mem>>
          %dma_wait3A_414 = arith.constant 0 : i32
          %dma_wait3A_415 = arith.constant 0 : i32
          %dma_wait3A_416 = tpu.memref_slice %arg4[%dma_wait3A_414, %dma_wait3A_415] : memref<32776x1024xf32, #tpu.memory_space<hbm>> -> memref<256x1024xf32, #tpu.memory_space<hbm>>
          %dma_wait3A_417 = arith.constant 0 : i32
          %dma_wait3A_418 = arith.constant 0 : i32
          %dma_wait3A_419 = tpu.memref_slice %arg7[%rem3A_344, %dma_wait3A_417, %dma_wait3A_418] : memref<2x256x1024xf32, #tpu.memory_space<vmem>> -> memref<1x256x1024xf32, #tpu.memory_space<vmem>>
          %dma_wait3A_420 = tpu.memref_squeeze %dma_wait3A_419 : memref<1x256x1024xf32, #tpu.memory_space<vmem>> -> memref<256x1024xf32, #tpu.memory_space<vmem>>
          tpu.wait_dma2 semaphore(%dma_wait3A_413 : memref<!tpu.dma_semaphore, #tpu.memory_space<semaphore_mem>>) src(%dma_wait3A_420 : memref<256x1024xf32, #tpu.memory_space<vmem>>) dst(%dma_wait3A_416 : memref<256x1024xf32, #tpu.memory_space<hbm>>)
        } else {
        }
        %swap3A_352 = arith.index_cast %rem3A_344 : i32 to index
        %swap3A_353 = arith.constant 0 : index
        %swap3A_354 = arith.constant 0 : index
        %swap3A_355 = vector.load %arg7[%swap3A_352, %swap3A_353, %swap3A_354] : memref<2x256x1024xf32, #tpu.memory_space<vmem>>, vector<1x256x1024xf32>
        %swap3A_356 = vector.shape_cast %swap3A_355 : vector<1x256x1024xf32> to vector<256x1024xf32>
        %swap3A_357 = vector.shape_cast %add3A_302 : vector<256x1024xf32> to vector<1x256x1024xf32>
        tpu.vector_store %arg7[%swap3A_352, %swap3A_353, %swap3A_354], %swap3A_357 {strides = array<i32>} : memref<2x256x1024xf32, #tpu.memory_space<vmem>>, vector<1x256x1024xf32>,
        %jit3A_358 = arith.constant 0.000000e+00 : f32
        %broadcast_in_dim3A_359 = vector.broadcast %get3A_200 : f32 to vector<1x1024xf32>
        %broadcast_in_dim3A_360 = vector.broadcast %jit3A_358 : f32 to vector<1x1024xf32>
        %select_n3A_361 = arith.select %eq3A_4, %broadcast_in_dim3A_359, %broadcast_in_dim3A_360 : vector<1x1024xi1>, vector<1x1024xf32>
        %add3A_362 = arith.addf %slice3A_305, %select_n3A_361 : vector<1x1024xf32>
        %swap3A_363 = arith.index_cast %rem3A_344 : i32 to index
        %swap3A_364 = arith.constant 0 : index
        %swap3A_365 = arith.constant 0 : index
        %swap3A_366 = vector.load %arg7[%swap3A_363, %swap3A_364, %swap3A_365] : memref<2x256x1024xf32, #tpu.memory_space<vmem>>, vector<1x1x1024xf32>
        %swap3A_367 = vector.shape_cast %swap3A_366 : vector<1x1x1024xf32> to vector<1x1024xf32>
        %swap3A_368 = vector.shape_cast %add3A_362 : vector<1x1024xf32> to vector<1x1x1024xf32>
        tpu.vector_store %arg7[%swap3A_363, %swap3A_364, %swap3A_365], %swap3A_368 {strides = array<i32>} : memref<2x256x1024xf32, #tpu.memory_space<vmem>>, vector<1x1x1024xf32>,
        %mul3A_369 = arith.constant 16 : i32
        %mul3A_370 = arith.muli %arg0, %mul3A_369 : i32
        %add3A_371 = arith.constant 8 : i32
        %add3A_372 = arith.addi %mul3A_370, %add3A_371 : i32
        %mul3A_373 = arith.constant 256 : i32
        %mul3A_374 = arith.muli %add3A_372, %mul3A_373 : i32
        %dma_start3A = tpu.memref_slice %arg11[%rem3A_344] : memref<2x!tpu.dma_semaphore, #tpu.memory_space<semaphore_mem>> -> memref<1x!tpu.dma_semaphore, #tpu.memory_space<semaphore_mem>>
        %dma_start3A_375 = tpu.memref_squeeze %dma_start3A : memref<1x!tpu.dma_semaphore, #tpu.memory_space<semaphore_mem>> -> memref<!tpu.dma_semaphore, #tpu.memory_space<semaphore_mem>>
        %dma_start3A_376 = arith.constant 0 : i32
        %dma_start3A_377 = tpu.memref_slice %arg4[%mul3A_374, %dma_start3A_376] : memref<32776x1024xf32, #tpu.memory_space<hbm>> -> memref<256x1024xf32, #tpu.memory_space<hbm>>
        %dma_start3A_378 = arith.constant 0 : i32
        %dma_start3A_379 = arith.constant 0 : i32
        %dma_start3A_380 = tpu.memref_slice %arg7[%rem3A_344, %dma_start3A_378, %dma_start3A_379] : memref<2x256x1024xf32, #tpu.memory_space<vmem>> -> memref<1x256x1024xf32, #tpu.memory_space<vmem>>
        %dma_start3A_381 = tpu.memref_squeeze %dma_start3A_380 : memref<1x256x1024xf32, #tpu.memory_space<vmem>> -> memref<256x1024xf32, #tpu.memory_space<vmem>>
        tpu.enqueue_dma source(%dma_start3A_381 : memref<256x1024xf32, #tpu.memory_space<vmem>>) target(%dma_start3A_377 : memref<256x1024xf32, #tpu.memory_space<hbm>>) target_semaphore(%dma_start3A_375 : memref<!tpu.dma_semaphore, #tpu.memory_space<semaphore_mem>>)
        %swap3A_382 = arith.constant 1 : i32
        %swap3A_383 = arith.index_cast %rem3A_344 : i32 to index
        %swap3A_384 = memref.load %arg9[%swap3A_383] : memref<3xi32, #tpu.memory_space<smem>>
        memref.store %swap3A_382, %arg9[%swap3A_383] : memref<3xi32, #tpu.memory_space<smem>>
        %get3A_385 = arith.constant 2 : index
        %get3A_386 = memref.load %arg9[%get3A_385] : memref<3xi32, #tpu.memory_space<smem>>
        %add3A_387 = arith.constant 1 : i32
        %add3A_388 = arith.addi %get3A_386, %add3A_387 : i32
        %swap3A_389 = arith.constant 2 : index
        %swap3A_390 = memref.load %arg9[%swap3A_389] : memref<3xi32, #tpu.memory_space<smem>>
        memref.store %add3A_388, %arg9[%swap3A_389] : memref<3xi32, #tpu.memory_space<smem>>
        %ge3A_391 = vector.broadcast %get3A_196 : i32 to vector<1x256xi32>
        %ge3A_392 = arith.cmpi sge, %iota3A_1, %ge3A_391 : vector<1x256xi32>
        %add3A_393 = arith.addi %get3A_196, %min3A : i32
        %lt3A_394 = vector.broadcast %add3A_393 : i32 to vector<1x256xi32>
        %lt3A_395 = arith.cmpi slt, %iota3A_1, %lt3A_394 : vector<1x256xi32>
        %and3A_396 = arith.andi %ge3A_392, %lt3A_395 : vector<1x256xi1>
        %add3A_397 = vector.broadcast %mul3A_374 : i32 to vector<1x256xi32>
        %add3A_398 = arith.addi %add3A_397, %iota3A_1 : vector<1x256xi32>
        %sub3A_399 = vector.broadcast %get3A_196 : i32 to vector<1x256xi32>
        %sub3A_400 = arith.subi %add3A_398, %sub3A_399 : vector<1x256xi32>
        %get3A_401 = arith.constant 0 : index
        %get3A_402 = arith.constant 0 : index
        %get3A_403 = arith.constant 0 : index
        %get3A_404 = vector.load %arg5[%get3A_401, %get3A_402, %get3A_403] : memref<1x1x256xi32, #tpu.memory_space<vmem>>, vector<1x1x256xi32>
        %get3A_405 = vector.shape_cast %get3A_404 : vector<1x1x256xi32> to vector<1x256xi32>
        %select_n3A_406 = arith.select %and3A_396, %sub3A_400, %get3A_405 : vector<1x256xi1>, vector<1x256xi32>
        %swap3A_407 = arith.constant 0 : index
        %swap3A_408 = arith.constant 0 : index
        %swap3A_409 = arith.constant 0 : index
        %swap3A_410 = vector.load %arg5[%swap3A_407, %swap3A_408, %swap3A_409] : memref<1x1x256xi32, #tpu.memory_space<vmem>>, vector<1x1x256xi32>
        %swap3A_411 = vector.shape_cast %swap3A_410 : vector<1x1x256xi32> to vector<1x256xi32>
        %swap3A_412 = vector.shape_cast %select_n3A_406 : vector<1x256xi32> to vector<1x1x256xi32>
        tpu.vector_store %arg5[%swap3A_407, %swap3A_408, %swap3A_409], %swap3A_412 {strides = array<i32>} : memref<1x1x256xi32, #tpu.memory_space<vmem>>, vector<1x1x256xi32>,
      } else {
      }
    } else {
    }
    %get3A_134 = arith.constant 0 : index
    %get3A_135 = memref.load %arg8[%get3A_134] : memref<1xi32, #tpu.memory_space<smem>>
    %lt3A_136 = arith.constant 256 : i32
    %lt3A_137 = arith.cmpi slt, %get3A_135, %lt3A_136 : i32
    %convert_element_type3A_138 = arith.extui %lt3A_137 : i1 to i32
    %cond3A_139 = arith.constant 0xFF800000 : f32
    %cond3A_140 = arith.constant 0 : i32
    %cond3A_141 = arith.cmpi ne, %convert_element_type3A_138, %cond3A_140 : i32
    scf.if %cond3A_141 {
      %get3A_195 = arith.constant 0 : index
      %get3A_196 = memref.load %arg8[%get3A_195] : memref<1xi32, #tpu.memory_space<smem>>
      %get3A_197 = arith.index_cast %arg0 : i32 to index
      %get3A_198 = arith.constant 9 : index
      %get3A_199 = arith.constant 0 : index
      %get3A_200 = memref.load %arg1[%get3A_197, %get3A_198, %get3A_199] : memref<8x16x9xf32, #tpu.memory_space<smem>>
      %get3A_201 = arith.index_cast %arg0 : i32 to index
      %get3A_202 = arith.constant 9 : index
      %get3A_203 = arith.constant 1 : index
      %get3A_204 = memref.load %arg1[%get3A_201, %get3A_202, %get3A_203] : memref<8x16x9xf32, #tpu.memory_space<smem>>
      %get3A_205 = arith.index_cast %rem3A_0 : i32 to index
      %get3A_206 = arith.constant 0 : index
      %get3A_207 = arith.constant 0 : index
      %get3A_208 = arith.constant 0 : index
      %get3A_209 = vector.load %arg6[%get3A_205, %get3A_206, %get3A_207, %get3A_208] : memref<2x8x256x1024xf32, #tpu.memory_space<vmem>>, vector<1x1x256x1024xf32>
      %get3A_210 = vector.shape_cast %get3A_209 : vector<1x1x256x1024xf32> to vector<256x1024xf32>
      %mul3A = vector.broadcast %get3A_204 : f32 to vector<256x1024xf32>
      %mul3A_211 = arith.mulf %mul3A, %get3A_210 : vector<256x1024xf32>
      %get3A_212 = arith.index_cast %arg0 : i32 to index
      %get3A_213 = arith.constant 9 : index
      %get3A_214 = arith.constant 2 : index
      %get3A_215 = memref.load %arg1[%get3A_212, %get3A_213, %get3A_214] : memref<8x16x9xf32, #tpu.memory_space<smem>>
      %get3A_216 = arith.index_cast %rem3A_0 : i32 to index
      %get3A_217 = arith.constant 1 : index
      %get3A_218 = arith.constant 0 : index
      %get3A_219 = arith.constant 0 : index
      %get3A_220 = vector.load %arg6[%get3A_216, %get3A_217, %get3A_218, %get3A_219] : memref<2x8x256x1024xf32, #tpu.memory_space<vmem>>, vector<1x1x256x1024xf32>
      %get3A_221 = vector.shape_cast %get3A_220 : vector<1x1x256x1024xf32> to vector<256x1024xf32>
      %mul3A_222 = vector.broadcast %get3A_215 : f32 to vector<256x1024xf32>
      %mul3A_223 = arith.mulf %mul3A_222, %get3A_221 : vector<256x1024xf32>
      %add3A_224 = arith.addf %mul3A_211, %mul3A_223 : vector<256x1024xf32>
      %get3A_225 = arith.index_cast %arg0 : i32 to index
      %get3A_226 = arith.constant 9 : index
      %get3A_227 = arith.constant 3 : index
      %get3A_228 = memref.load %arg1[%get3A_225, %get3A_226, %get3A_227] : memref<8x16x9xf32, #tpu.memory_space<smem>>
      %get3A_229 = arith.index_cast %rem3A_0 : i32 to index
      %get3A_230 = arith.constant 2 : index
      %get3A_231 = arith.constant 0 : index
      %get3A_232 = arith.constant 0 : index
      %get3A_233 = vector.load %arg6[%get3A_229, %get3A_230, %get3A_231, %get3A_232] : memref<2x8x256x1024xf32, #tpu.memory_space<vmem>>, vector<1x1x256x1024xf32>
      %get3A_234 = vector.shape_cast %get3A_233 : vector<1x1x256x1024xf32> to vector<256x1024xf32>
      %mul3A_235 = vector.broadcast %get3A_228 : f32 to vector<256x1024xf32>
      %mul3A_236 = arith.mulf %mul3A_235, %get3A_234 : vector<256x1024xf32>
      %add3A_237 = arith.addf %add3A_224, %mul3A_236 : vector<256x1024xf32>
      %get3A_238 = arith.index_cast %arg0 : i32 to index
      %get3A_239 = arith.constant 9 : index
      %get3A_240 = arith.constant 4 : index
      %get3A_241 = memref.load %arg1[%get3A_238, %get3A_239, %get3A_240] : memref<8x16x9xf32, #tpu.memory_space<smem>>
      %get3A_242 = arith.index_cast %rem3A_0 : i32 to index
      %get3A_243 = arith.constant 3 : index
      %get3A_244 = arith.constant 0 : index
      %get3A_245 = arith.constant 0 : index
      %get3A_246 = vector.load %arg6[%get3A_242, %get3A_243, %get3A_244, %get3A_245] : memref<2x8x256x1024xf32, #tpu.memory_space<vmem>>, vector<1x1x256x1024xf32>
      %get3A_247 = vector.shape_cast %get3A_246 : vector<1x1x256x1024xf32> to vector<256x1024xf32>
      %mul3A_248 = vector.broadcast %get3A_241 : f32 to vector<256x1024xf32>
      %mul3A_249 = arith.mulf %mul3A_248, %get3A_247 : vector<256x1024xf32>
      %add3A_250 = arith.addf %add3A_237, %mul3A_249 : vector<256x1024xf32>
      %get3A_251 = arith.index_cast %arg0 : i32 to index
      %get3A_252 = arith.constant 9 : index
      %get3A_253 = arith.constant 5 : index
      %get3A_254 = memref.load %arg1[%get3A_251, %get3A_252, %get3A_253] : memref<8x16x9xf32, #tpu.memory_space<smem>>
      %get3A_255 = arith.index_cast %rem3A_0 : i32 to index
      %get3A_256 = arith.constant 4 : index
      %get3A_257 = arith.constant 0 : index
      %get3A_258 = arith.constant 0 : index
      %get3A_259 = vector.load %arg6[%get3A_255, %get3A_256, %get3A_257, %get3A_258] : memref<2x8x256x1024xf32, #tpu.memory_space<vmem>>, vector<1x1x256x1024xf32>
      %get3A_260 = vector.shape_cast %get3A_259 : vector<1x1x256x1024xf32> to vector<256x1024xf32>
      %mul3A_261 = vector.broadcast %get3A_254 : f32 to vector<256x1024xf32>
      %mul3A_262 = arith.mulf %mul3A_261, %get3A_260 : vector<256x1024xf32>
      %add3A_263 = arith.addf %add3A_250, %mul3A_262 : vector<256x1024xf32>
      %get3A_264 = arith.index_cast %arg0 : i32 to index
      %get3A_265 = arith.constant 9 : index
      %get3A_266 = arith.constant 6 : index
      %get3A_267 = memref.load %arg1[%get3A_264, %get3A_265, %get3A_266] : memref<8x16x9xf32, #tpu.memory_space<smem>>
      %get3A_268 = arith.index_cast %rem3A_0 : i32 to index
      %get3A_269 = arith.constant 5 : index
      %get3A_270 = arith.constant 0 : index
      %get3A_271 = arith.constant 0 : index
      %get3A_272 = vector.load %arg6[%get3A_268, %get3A_269, %get3A_270, %get3A_271] : memref<2x8x256x1024xf32, #tpu.memory_space<vmem>>, vector<1x1x256x1024xf32>
      %get3A_273 = vector.shape_cast %get3A_272 : vector<1x1x256x1024xf32> to vector<256x1024xf32>
      %mul3A_274 = vector.broadcast %get3A_267 : f32 to vector<256x1024xf32>
      %mul3A_275 = arith.mulf %mul3A_274, %get3A_273 : vector<256x1024xf32>
      %add3A_276 = arith.addf %add3A_263, %mul3A_275 : vector<256x1024xf32>
      %get3A_277 = arith.index_cast %arg0 : i32 to index
      %get3A_278 = arith.constant 9 : index
      %get3A_279 = arith.constant 7 : index
      %get3A_280 = memref.load %arg1[%get3A_277, %get3A_278, %get3A_279] : memref<8x16x9xf32, #tpu.memory_space<smem>>
      %get3A_281 = arith.index_cast %rem3A_0 : i32 to index
      %get3A_282 = arith.constant 6 : index
      %get3A_283 = arith.constant 0 : index
      %get3A_284 = arith.constant 0 : index
      %get3A_285 = vector.load %arg6[%get3A_281, %get3A_282, %get3A_283, %get3A_284] : memref<2x8x256x1024xf32, #tpu.memory_space<vmem>>, vector<1x1x256x1024xf32>
      %get3A_286 = vector.shape_cast %get3A_285 : vector<1x1x256x1024xf32> to vector<256x1024xf32>
      %mul3A_287 = vector.broadcast %get3A_280 : f32 to vector<256x1024xf32>
      %mul3A_288 = arith.mulf %mul3A_287, %get3A_286 : vector<256x1024xf32>
      %add3A_289 = arith.addf %add3A_276, %mul3A_288 : vector<256x1024xf32>
      %get3A_290 = arith.index_cast %arg0 : i32 to index
      %get3A_291 = arith.constant 9 : index
      %get3A_292 = arith.constant 8 : index
      %get3A_293 = memref.load %arg1[%get3A_290, %get3A_291, %get3A_292] : memref<8x16x9xf32, #tpu.memory_space<smem>>
      %get3A_294 = arith.index_cast %rem3A_0 : i32 to index
      %get3A_295 = arith.constant 7 : index
      %get3A_296 = arith.constant 0 : index
      %get3A_297 = arith.constant 0 : index
      %get3A_298 = vector.load %arg6[%get3A_294, %get3A_295, %get3A_296, %get3A_297] : memref<2x8x256x1024xf32, #tpu.memory_space<vmem>>, vector<1x1x256x1024xf32>
      %get3A_299 = vector.shape_cast %get3A_298 : vector<1x1x256x1024xf32> to vector<256x1024xf32>
      %mul3A_300 = vector.broadcast %get3A_293 : f32 to vector<256x1024xf32>
      %mul3A_301 = arith.mulf %mul3A_300, %get3A_299 : vector<256x1024xf32>
      %add3A_302 = arith.addf %add3A_289, %mul3A_301 : vector<256x1024xf32>
      %reduce_max3A = arith.constant dense<0xFF800000> : vector<256xf32>
      %reduce_max3A_303 = vector.multi_reduction <maximumf>, %add3A_302, %reduce_max3A [1] : vector<256x1024xf32> to vector<256xf32>
      %broadcast_in_dim3A_304 = vector.shape_cast %reduce_max3A_303 : vector<256xf32> to vector<256x1xf32>
      %slice3A = vector.extract_strided_slice %add3A_302 {offsets = [0, 0], sizes = [256, 1], strides = [1, 1]} : vector<256x1024xf32> to vector<256x1xf32>
      %ge3A = arith.cmpf oge, %slice3A, %broadcast_in_dim3A_304 : vector<256x1xf32>
      %slice3A_305 = vector.extract_strided_slice %add3A_302 {offsets = [0, 0], sizes = [1, 1024], strides = [1, 1]} : vector<256x1024xf32> to vector<1x1024xf32>
      %broadcast_in_dim3A_306 = vector.broadcast %cond3A_139 : f32 to vector<1x1024xf32>
      %select_n3A = arith.select %eq3A_4, %slice3A_305, %broadcast_in_dim3A_306 : vector<1x1024xi1>, vector<1x1024xf32>
      %reduce_max3A_307 = vector.shape_cast %select_n3A : vector<1x1024xf32> to vector<1x1x1024xf32>
      %reduce_max3A_308 = arith.constant dense<0xFF800000> : vector<1xf32>
      %reduce_max3A_309 = vector.multi_reduction <maximumf>, %reduce_max3A_307, %reduce_max3A_308 [1, 2] : vector<1x1x1024xf32> to vector<1xf32>
      %reduce_max3A_310 = vector.shape_cast %reduce_max3A_309 : vector<1xf32> to vector<1x1x1xf32>
      %reduce_max3A_311 = vector.extract %reduce_max3A_310[0, 0, 0] : f32 from vector<1x1x1xf32>
      %broadcast_in_dim3A_312 = vector.broadcast %cond3A_139 : f32 to vector<1x1024xf32>
      %select_n3A_313 = arith.select %eq3A_4, %broadcast_in_dim3A_312, %slice3A_305 : vector<1x1024xi1>, vector<1x1024xf32>
      %reduce_max3A_314 = vector.shape_cast %select_n3A_313 : vector<1x1024xf32> to vector<1x1x1024xf32>
      %reduce_max3A_315 = arith.constant dense<0xFF800000> : vector<1xf32>
      %reduce_max3A_316 = vector.multi_reduction <maximumf>, %reduce_max3A_314, %reduce_max3A_315 [1, 2] : vector<1x1x1024xf32> to vector<1xf32>
      %reduce_max3A_317 = vector.shape_cast %reduce_max3A_316 : vector<1xf32> to vector<1x1x1xf32>
      %reduce_max3A_318 = vector.extract %reduce_max3A_317[0, 0, 0] : f32 from vector<1x1x1xf32>
      %gt3A_319 = arith.constant 0 : i32
      %gt3A_320 = vector.broadcast %gt3A_319 : i32 to vector<256x1xi32>
      %gt3A_321 = arith.cmpi sgt, %iota3A, %gt3A_320 : vector<256x1xi32>
      %and3A = arith.andi %ge3A, %gt3A_321 : vector<256x1xi1>
      %jit3A = arith.constant 256 : i32
      %broadcast_in_dim3A_322 = vector.broadcast %jit3A : i32 to vector<256x1xi32>
      %select_n3A_323 = arith.select %and3A, %iota3A, %broadcast_in_dim3A_322 : vector<256x1xi1>, vector<256x1xi32>
      %reduce_min3A = vector.shape_cast %select_n3A_323 : vector<256x1xi32> to vector<1x256x1xi32>
      %reduce_min3A_324 = arith.constant dense<2147483647> : vector<1xi32>
      %reduce_min3A_325 = vector.multi_reduction <minsi>, %reduce_min3A, %reduce_min3A_324 [1, 2] : vector<1x256x1xi32> to vector<1xi32>
      %reduce_min3A_326 = vector.shape_cast %reduce_min3A_325 : vector<1xi32> to vector<1x1x1xi32>
      %reduce_min3A_327 = vector.extract %reduce_min3A_326[0, 0, 0] : i32 from vector<1x1x1xi32>
      %add3A_328 = arith.addf %reduce_max3A_311, %get3A_200 : f32
      %ge3A_329 = arith.cmpf oge, %add3A_328, %reduce_max3A_318 : f32
      %jit3A_330 = arith.constant 0 : i32
      %select_n3A_331 = arith.select %ge3A_329, %jit3A_330, %reduce_min3A_327 : i32
      %sub3A = arith.constant 256 : i32
      %sub3A_332 = arith.subi %sub3A, %get3A_196 : i32
      %min3A = arith.minsi %select_n3A_331, %sub3A_332 : i32
      %add3A_333 = arith.addi %get3A_196, %min3A : i32
      %swap3A_334 = arith.constant 0 : index
      %swap3A_335 = memref.load %arg8[%swap3A_334] : memref<1xi32, #tpu.memory_space<smem>>
      memref.store %add3A_333, %arg8[%swap3A_334] : memref<1xi32, #tpu.memory_space<smem>>
      %gt3A_336 = arith.constant 0 : i32
      %gt3A_337 = arith.cmpi sgt, %min3A, %gt3A_336 : i32
      %convert_element_type3A_338 = arith.extui %gt3A_337 : i1 to i32
      %cond3A_339 = arith.constant 0 : i32
      %cond3A_340 = arith.cmpi ne, %convert_element_type3A_338, %cond3A_339 : i32
      scf.if %cond3A_340 {
        %get3A_341 = arith.constant 2 : index
        %get3A_342 = memref.load %arg9[%get3A_341] : memref<3xi32, #tpu.memory_space<smem>>
        %rem3A_343 = arith.constant 2 : i32
        %rem3A_344 = arith.remsi %get3A_342, %rem3A_343 : i32
        %get3A_345 = arith.index_cast %rem3A_344 : i32 to index
        %get3A_346 = memref.load %arg9[%get3A_345] : memref<3xi32, #tpu.memory_space<smem>>
        %eq3A_347 = arith.constant 1 : i32
        %eq3A_348 = arith.cmpi eq, %get3A_346, %eq3A_347 : i32
        %convert_element_type3A_349 = arith.extui %eq3A_348 : i1 to i32
        %cond3A_350 = arith.constant 0 : i32
        %cond3A_351 = arith.cmpi ne, %convert_element_type3A_349, %cond3A_350 : i32
        scf.if %cond3A_351 {
          %dma_wait3A = tpu.memref_slice %arg11[%rem3A_344] : memref<2x!tpu.dma_semaphore, #tpu.memory_space<semaphore_mem>> -> memref<1x!tpu.dma_semaphore, #tpu.memory_space<semaphore_mem>>
          %dma_wait3A_413 = tpu.memref_squeeze %dma_wait3A : memref<1x!tpu.dma_semaphore, #tpu.memory_space<semaphore_mem>> -> memref<!tpu.dma_semaphore, #tpu.memory_space<semaphore_mem>>
          %dma_wait3A_414 = arith.constant 0 : i32
          %dma_wait3A_415 = arith.constant 0 : i32
          %dma_wait3A_416 = tpu.memref_slice %arg4[%dma_wait3A_414, %dma_wait3A_415] : memref<32776x1024xf32, #tpu.memory_space<hbm>> -> memref<256x1024xf32, #tpu.memory_space<hbm>>
          %dma_wait3A_417 = arith.constant 0 : i32
          %dma_wait3A_418 = arith.constant 0 : i32
          %dma_wait3A_419 = tpu.memref_slice %arg7[%rem3A_344, %dma_wait3A_417, %dma_wait3A_418] : memref<2x256x1024xf32, #tpu.memory_space<vmem>> -> memref<1x256x1024xf32, #tpu.memory_space<vmem>>
          %dma_wait3A_420 = tpu.memref_squeeze %dma_wait3A_419 : memref<1x256x1024xf32, #tpu.memory_space<vmem>> -> memref<256x1024xf32, #tpu.memory_space<vmem>>
          tpu.wait_dma2 semaphore(%dma_wait3A_413 : memref<!tpu.dma_semaphore, #tpu.memory_space<semaphore_mem>>) src(%dma_wait3A_420 : memref<256x1024xf32, #tpu.memory_space<vmem>>) dst(%dma_wait3A_416 : memref<256x1024xf32, #tpu.memory_space<hbm>>)
        } else {
        }
        %swap3A_352 = arith.index_cast %rem3A_344 : i32 to index
        %swap3A_353 = arith.constant 0 : index
        %swap3A_354 = arith.constant 0 : index
        %swap3A_355 = vector.load %arg7[%swap3A_352, %swap3A_353, %swap3A_354] : memref<2x256x1024xf32, #tpu.memory_space<vmem>>, vector<1x256x1024xf32>
        %swap3A_356 = vector.shape_cast %swap3A_355 : vector<1x256x1024xf32> to vector<256x1024xf32>
        %swap3A_357 = vector.shape_cast %add3A_302 : vector<256x1024xf32> to vector<1x256x1024xf32>
        tpu.vector_store %arg7[%swap3A_352, %swap3A_353, %swap3A_354], %swap3A_357 {strides = array<i32>} : memref<2x256x1024xf32, #tpu.memory_space<vmem>>, vector<1x256x1024xf32>,
        %jit3A_358 = arith.constant 0.000000e+00 : f32
        %broadcast_in_dim3A_359 = vector.broadcast %get3A_200 : f32 to vector<1x1024xf32>
        %broadcast_in_dim3A_360 = vector.broadcast %jit3A_358 : f32 to vector<1x1024xf32>
        %select_n3A_361 = arith.select %eq3A_4, %broadcast_in_dim3A_359, %broadcast_in_dim3A_360 : vector<1x1024xi1>, vector<1x1024xf32>
        %add3A_362 = arith.addf %slice3A_305, %select_n3A_361 : vector<1x1024xf32>
        %swap3A_363 = arith.index_cast %rem3A_344 : i32 to index
        %swap3A_364 = arith.constant 0 : index
        %swap3A_365 = arith.constant 0 : index
        %swap3A_366 = vector.load %arg7[%swap3A_363, %swap3A_364, %swap3A_365] : memref<2x256x1024xf32, #tpu.memory_space<vmem>>, vector<1x1x1024xf32>
        %swap3A_367 = vector.shape_cast %swap3A_366 : vector<1x1x1024xf32> to vector<1x1024xf32>
        %swap3A_368 = vector.shape_cast %add3A_362 : vector<1x1024xf32> to vector<1x1x1024xf32>
        tpu.vector_store %arg7[%swap3A_363, %swap3A_364, %swap3A_365], %swap3A_368 {strides = array<i32>} : memref<2x256x1024xf32, #tpu.memory_space<vmem>>, vector<1x1x1024xf32>,
        %mul3A_369 = arith.constant 16 : i32
        %mul3A_370 = arith.muli %arg0, %mul3A_369 : i32
        %add3A_371 = arith.constant 9 : i32
        %add3A_372 = arith.addi %mul3A_370, %add3A_371 : i32
        %mul3A_373 = arith.constant 256 : i32
        %mul3A_374 = arith.muli %add3A_372, %mul3A_373 : i32
        %dma_start3A = tpu.memref_slice %arg11[%rem3A_344] : memref<2x!tpu.dma_semaphore, #tpu.memory_space<semaphore_mem>> -> memref<1x!tpu.dma_semaphore, #tpu.memory_space<semaphore_mem>>
        %dma_start3A_375 = tpu.memref_squeeze %dma_start3A : memref<1x!tpu.dma_semaphore, #tpu.memory_space<semaphore_mem>> -> memref<!tpu.dma_semaphore, #tpu.memory_space<semaphore_mem>>
        %dma_start3A_376 = arith.constant 0 : i32
        %dma_start3A_377 = tpu.memref_slice %arg4[%mul3A_374, %dma_start3A_376] : memref<32776x1024xf32, #tpu.memory_space<hbm>> -> memref<256x1024xf32, #tpu.memory_space<hbm>>
        %dma_start3A_378 = arith.constant 0 : i32
        %dma_start3A_379 = arith.constant 0 : i32
        %dma_start3A_380 = tpu.memref_slice %arg7[%rem3A_344, %dma_start3A_378, %dma_start3A_379] : memref<2x256x1024xf32, #tpu.memory_space<vmem>> -> memref<1x256x1024xf32, #tpu.memory_space<vmem>>
        %dma_start3A_381 = tpu.memref_squeeze %dma_start3A_380 : memref<1x256x1024xf32, #tpu.memory_space<vmem>> -> memref<256x1024xf32, #tpu.memory_space<vmem>>
        tpu.enqueue_dma source(%dma_start3A_381 : memref<256x1024xf32, #tpu.memory_space<vmem>>) target(%dma_start3A_377 : memref<256x1024xf32, #tpu.memory_space<hbm>>) target_semaphore(%dma_start3A_375 : memref<!tpu.dma_semaphore, #tpu.memory_space<semaphore_mem>>)
        %swap3A_382 = arith.constant 1 : i32
        %swap3A_383 = arith.index_cast %rem3A_344 : i32 to index
        %swap3A_384 = memref.load %arg9[%swap3A_383] : memref<3xi32, #tpu.memory_space<smem>>
        memref.store %swap3A_382, %arg9[%swap3A_383] : memref<3xi32, #tpu.memory_space<smem>>
        %get3A_385 = arith.constant 2 : index
        %get3A_386 = memref.load %arg9[%get3A_385] : memref<3xi32, #tpu.memory_space<smem>>
        %add3A_387 = arith.constant 1 : i32
        %add3A_388 = arith.addi %get3A_386, %add3A_387 : i32
        %swap3A_389 = arith.constant 2 : index
        %swap3A_390 = memref.load %arg9[%swap3A_389] : memref<3xi32, #tpu.memory_space<smem>>
        memref.store %add3A_388, %arg9[%swap3A_389] : memref<3xi32, #tpu.memory_space<smem>>
        %ge3A_391 = vector.broadcast %get3A_196 : i32 to vector<1x256xi32>
        %ge3A_392 = arith.cmpi sge, %iota3A_1, %ge3A_391 : vector<1x256xi32>
        %add3A_393 = arith.addi %get3A_196, %min3A : i32
        %lt3A_394 = vector.broadcast %add3A_393 : i32 to vector<1x256xi32>
        %lt3A_395 = arith.cmpi slt, %iota3A_1, %lt3A_394 : vector<1x256xi32>
        %and3A_396 = arith.andi %ge3A_392, %lt3A_395 : vector<1x256xi1>
        %add3A_397 = vector.broadcast %mul3A_374 : i32 to vector<1x256xi32>
        %add3A_398 = arith.addi %add3A_397, %iota3A_1 : vector<1x256xi32>
        %sub3A_399 = vector.broadcast %get3A_196 : i32 to vector<1x256xi32>
        %sub3A_400 = arith.subi %add3A_398, %sub3A_399 : vector<1x256xi32>
        %get3A_401 = arith.constant 0 : index
        %get3A_402 = arith.constant 0 : index
        %get3A_403 = arith.constant 0 : index
        %get3A_404 = vector.load %arg5[%get3A_401, %get3A_402, %get3A_403] : memref<1x1x256xi32, #tpu.memory_space<vmem>>, vector<1x1x256xi32>
        %get3A_405 = vector.shape_cast %get3A_404 : vector<1x1x256xi32> to vector<1x256xi32>
        %select_n3A_406 = arith.select %and3A_396, %sub3A_400, %get3A_405 : vector<1x256xi1>, vector<1x256xi32>
        %swap3A_407 = arith.constant 0 : index
        %swap3A_408 = arith.constant 0 : index
        %swap3A_409 = arith.constant 0 : index
        %swap3A_410 = vector.load %arg5[%swap3A_407, %swap3A_408, %swap3A_409] : memref<1x1x256xi32, #tpu.memory_space<vmem>>, vector<1x1x256xi32>
        %swap3A_411 = vector.shape_cast %swap3A_410 : vector<1x1x256xi32> to vector<1x256xi32>
        %swap3A_412 = vector.shape_cast %select_n3A_406 : vector<1x256xi32> to vector<1x1x256xi32>
        tpu.vector_store %arg5[%swap3A_407, %swap3A_408, %swap3A_409], %swap3A_412 {strides = array<i32>} : memref<1x1x256xi32, #tpu.memory_space<vmem>>, vector<1x1x256xi32>,
      } else {
      }
    } else {
    }
    %get3A_142 = arith.constant 0 : index
    %get3A_143 = memref.load %arg8[%get3A_142] : memref<1xi32, #tpu.memory_space<smem>>
    %lt3A_144 = arith.constant 256 : i32
    %lt3A_145 = arith.cmpi slt, %get3A_143, %lt3A_144 : i32
    %convert_element_type3A_146 = arith.extui %lt3A_145 : i1 to i32
    %cond3A_147 = arith.constant 0xFF800000 : f32
    %cond3A_148 = arith.constant 0 : i32
    %cond3A_149 = arith.cmpi ne, %convert_element_type3A_146, %cond3A_148 : i32
    scf.if %cond3A_149 {
      %get3A_195 = arith.constant 0 : index
      %get3A_196 = memref.load %arg8[%get3A_195] : memref<1xi32, #tpu.memory_space<smem>>
      %get3A_197 = arith.index_cast %arg0 : i32 to index
      %get3A_198 = arith.constant 10 : index
      %get3A_199 = arith.constant 0 : index
      %get3A_200 = memref.load %arg1[%get3A_197, %get3A_198, %get3A_199] : memref<8x16x9xf32, #tpu.memory_space<smem>>
      %get3A_201 = arith.index_cast %arg0 : i32 to index
      %get3A_202 = arith.constant 10 : index
      %get3A_203 = arith.constant 1 : index
      %get3A_204 = memref.load %arg1[%get3A_201, %get3A_202, %get3A_203] : memref<8x16x9xf32, #tpu.memory_space<smem>>
      %get3A_205 = arith.index_cast %rem3A_0 : i32 to index
      %get3A_206 = arith.constant 0 : index
      %get3A_207 = arith.constant 0 : index
      %get3A_208 = arith.constant 0 : index
      %get3A_209 = vector.load %arg6[%get3A_205, %get3A_206, %get3A_207, %get3A_208] : memref<2x8x256x1024xf32, #tpu.memory_space<vmem>>, vector<1x1x256x1024xf32>
      %get3A_210 = vector.shape_cast %get3A_209 : vector<1x1x256x1024xf32> to vector<256x1024xf32>
      %mul3A = vector.broadcast %get3A_204 : f32 to vector<256x1024xf32>
      %mul3A_211 = arith.mulf %mul3A, %get3A_210 : vector<256x1024xf32>
      %get3A_212 = arith.index_cast %arg0 : i32 to index
      %get3A_213 = arith.constant 10 : index
      %get3A_214 = arith.constant 2 : index
      %get3A_215 = memref.load %arg1[%get3A_212, %get3A_213, %get3A_214] : memref<8x16x9xf32, #tpu.memory_space<smem>>
      %get3A_216 = arith.index_cast %rem3A_0 : i32 to index
      %get3A_217 = arith.constant 1 : index
      %get3A_218 = arith.constant 0 : index
      %get3A_219 = arith.constant 0 : index
      %get3A_220 = vector.load %arg6[%get3A_216, %get3A_217, %get3A_218, %get3A_219] : memref<2x8x256x1024xf32, #tpu.memory_space<vmem>>, vector<1x1x256x1024xf32>
      %get3A_221 = vector.shape_cast %get3A_220 : vector<1x1x256x1024xf32> to vector<256x1024xf32>
      %mul3A_222 = vector.broadcast %get3A_215 : f32 to vector<256x1024xf32>
      %mul3A_223 = arith.mulf %mul3A_222, %get3A_221 : vector<256x1024xf32>
      %add3A_224 = arith.addf %mul3A_211, %mul3A_223 : vector<256x1024xf32>
      %get3A_225 = arith.index_cast %arg0 : i32 to index
      %get3A_226 = arith.constant 10 : index
      %get3A_227 = arith.constant 3 : index
      %get3A_228 = memref.load %arg1[%get3A_225, %get3A_226, %get3A_227] : memref<8x16x9xf32, #tpu.memory_space<smem>>
      %get3A_229 = arith.index_cast %rem3A_0 : i32 to index
      %get3A_230 = arith.constant 2 : index
      %get3A_231 = arith.constant 0 : index
      %get3A_232 = arith.constant 0 : index
      %get3A_233 = vector.load %arg6[%get3A_229, %get3A_230, %get3A_231, %get3A_232] : memref<2x8x256x1024xf32, #tpu.memory_space<vmem>>, vector<1x1x256x1024xf32>
      %get3A_234 = vector.shape_cast %get3A_233 : vector<1x1x256x1024xf32> to vector<256x1024xf32>
      %mul3A_235 = vector.broadcast %get3A_228 : f32 to vector<256x1024xf32>
      %mul3A_236 = arith.mulf %mul3A_235, %get3A_234 : vector<256x1024xf32>
      %add3A_237 = arith.addf %add3A_224, %mul3A_236 : vector<256x1024xf32>
      %get3A_238 = arith.index_cast %arg0 : i32 to index
      %get3A_239 = arith.constant 10 : index
      %get3A_240 = arith.constant 4 : index
      %get3A_241 = memref.load %arg1[%get3A_238, %get3A_239, %get3A_240] : memref<8x16x9xf32, #tpu.memory_space<smem>>
      %get3A_242 = arith.index_cast %rem3A_0 : i32 to index
      %get3A_243 = arith.constant 3 : index
      %get3A_244 = arith.constant 0 : index
      %get3A_245 = arith.constant 0 : index
      %get3A_246 = vector.load %arg6[%get3A_242, %get3A_243, %get3A_244, %get3A_245] : memref<2x8x256x1024xf32, #tpu.memory_space<vmem>>, vector<1x1x256x1024xf32>
      %get3A_247 = vector.shape_cast %get3A_246 : vector<1x1x256x1024xf32> to vector<256x1024xf32>
      %mul3A_248 = vector.broadcast %get3A_241 : f32 to vector<256x1024xf32>
      %mul3A_249 = arith.mulf %mul3A_248, %get3A_247 : vector<256x1024xf32>
      %add3A_250 = arith.addf %add3A_237, %mul3A_249 : vector<256x1024xf32>
      %get3A_251 = arith.index_cast %arg0 : i32 to index
      %get3A_252 = arith.constant 10 : index
      %get3A_253 = arith.constant 5 : index
      %get3A_254 = memref.load %arg1[%get3A_251, %get3A_252, %get3A_253] : memref<8x16x9xf32, #tpu.memory_space<smem>>
      %get3A_255 = arith.index_cast %rem3A_0 : i32 to index
      %get3A_256 = arith.constant 4 : index
      %get3A_257 = arith.constant 0 : index
      %get3A_258 = arith.constant 0 : index
      %get3A_259 = vector.load %arg6[%get3A_255, %get3A_256, %get3A_257, %get3A_258] : memref<2x8x256x1024xf32, #tpu.memory_space<vmem>>, vector<1x1x256x1024xf32>
      %get3A_260 = vector.shape_cast %get3A_259 : vector<1x1x256x1024xf32> to vector<256x1024xf32>
      %mul3A_261 = vector.broadcast %get3A_254 : f32 to vector<256x1024xf32>
      %mul3A_262 = arith.mulf %mul3A_261, %get3A_260 : vector<256x1024xf32>
      %add3A_263 = arith.addf %add3A_250, %mul3A_262 : vector<256x1024xf32>
      %get3A_264 = arith.index_cast %arg0 : i32 to index
      %get3A_265 = arith.constant 10 : index
      %get3A_266 = arith.constant 6 : index
      %get3A_267 = memref.load %arg1[%get3A_264, %get3A_265, %get3A_266] : memref<8x16x9xf32, #tpu.memory_space<smem>>
      %get3A_268 = arith.index_cast %rem3A_0 : i32 to index
      %get3A_269 = arith.constant 5 : index
      %get3A_270 = arith.constant 0 : index
      %get3A_271 = arith.constant 0 : index
      %get3A_272 = vector.load %arg6[%get3A_268, %get3A_269, %get3A_270, %get3A_271] : memref<2x8x256x1024xf32, #tpu.memory_space<vmem>>, vector<1x1x256x1024xf32>
      %get3A_273 = vector.shape_cast %get3A_272 : vector<1x1x256x1024xf32> to vector<256x1024xf32>
      %mul3A_274 = vector.broadcast %get3A_267 : f32 to vector<256x1024xf32>
      %mul3A_275 = arith.mulf %mul3A_274, %get3A_273 : vector<256x1024xf32>
      %add3A_276 = arith.addf %add3A_263, %mul3A_275 : vector<256x1024xf32>
      %get3A_277 = arith.index_cast %arg0 : i32 to index
      %get3A_278 = arith.constant 10 : index
      %get3A_279 = arith.constant 7 : index
      %get3A_280 = memref.load %arg1[%get3A_277, %get3A_278, %get3A_279] : memref<8x16x9xf32, #tpu.memory_space<smem>>
      %get3A_281 = arith.index_cast %rem3A_0 : i32 to index
      %get3A_282 = arith.constant 6 : index
      %get3A_283 = arith.constant 0 : index
      %get3A_284 = arith.constant 0 : index
      %get3A_285 = vector.load %arg6[%get3A_281, %get3A_282, %get3A_283, %get3A_284] : memref<2x8x256x1024xf32, #tpu.memory_space<vmem>>, vector<1x1x256x1024xf32>
      %get3A_286 = vector.shape_cast %get3A_285 : vector<1x1x256x1024xf32> to vector<256x1024xf32>
      %mul3A_287 = vector.broadcast %get3A_280 : f32 to vector<256x1024xf32>
      %mul3A_288 = arith.mulf %mul3A_287, %get3A_286 : vector<256x1024xf32>
      %add3A_289 = arith.addf %add3A_276, %mul3A_288 : vector<256x1024xf32>
      %get3A_290 = arith.index_cast %arg0 : i32 to index
      %get3A_291 = arith.constant 10 : index
      %get3A_292 = arith.constant 8 : index
      %get3A_293 = memref.load %arg1[%get3A_290, %get3A_291, %get3A_292] : memref<8x16x9xf32, #tpu.memory_space<smem>>
      %get3A_294 = arith.index_cast %rem3A_0 : i32 to index
      %get3A_295 = arith.constant 7 : index
      %get3A_296 = arith.constant 0 : index
      %get3A_297 = arith.constant 0 : index
      %get3A_298 = vector.load %arg6[%get3A_294, %get3A_295, %get3A_296, %get3A_297] : memref<2x8x256x1024xf32, #tpu.memory_space<vmem>>, vector<1x1x256x1024xf32>
      %get3A_299 = vector.shape_cast %get3A_298 : vector<1x1x256x1024xf32> to vector<256x1024xf32>
      %mul3A_300 = vector.broadcast %get3A_293 : f32 to vector<256x1024xf32>
      %mul3A_301 = arith.mulf %mul3A_300, %get3A_299 : vector<256x1024xf32>
      %add3A_302 = arith.addf %add3A_289, %mul3A_301 : vector<256x1024xf32>
      %reduce_max3A = arith.constant dense<0xFF800000> : vector<256xf32>
      %reduce_max3A_303 = vector.multi_reduction <maximumf>, %add3A_302, %reduce_max3A [1] : vector<256x1024xf32> to vector<256xf32>
      %broadcast_in_dim3A_304 = vector.shape_cast %reduce_max3A_303 : vector<256xf32> to vector<256x1xf32>
      %slice3A = vector.extract_strided_slice %add3A_302 {offsets = [0, 0], sizes = [256, 1], strides = [1, 1]} : vector<256x1024xf32> to vector<256x1xf32>
      %ge3A = arith.cmpf oge, %slice3A, %broadcast_in_dim3A_304 : vector<256x1xf32>
      %slice3A_305 = vector.extract_strided_slice %add3A_302 {offsets = [0, 0], sizes = [1, 1024], strides = [1, 1]} : vector<256x1024xf32> to vector<1x1024xf32>
      %broadcast_in_dim3A_306 = vector.broadcast %cond3A_147 : f32 to vector<1x1024xf32>
      %select_n3A = arith.select %eq3A_4, %slice3A_305, %broadcast_in_dim3A_306 : vector<1x1024xi1>, vector<1x1024xf32>
      %reduce_max3A_307 = vector.shape_cast %select_n3A : vector<1x1024xf32> to vector<1x1x1024xf32>
      %reduce_max3A_308 = arith.constant dense<0xFF800000> : vector<1xf32>
      %reduce_max3A_309 = vector.multi_reduction <maximumf>, %reduce_max3A_307, %reduce_max3A_308 [1, 2] : vector<1x1x1024xf32> to vector<1xf32>
      %reduce_max3A_310 = vector.shape_cast %reduce_max3A_309 : vector<1xf32> to vector<1x1x1xf32>
      %reduce_max3A_311 = vector.extract %reduce_max3A_310[0, 0, 0] : f32 from vector<1x1x1xf32>
      %broadcast_in_dim3A_312 = vector.broadcast %cond3A_147 : f32 to vector<1x1024xf32>
      %select_n3A_313 = arith.select %eq3A_4, %broadcast_in_dim3A_312, %slice3A_305 : vector<1x1024xi1>, vector<1x1024xf32>
      %reduce_max3A_314 = vector.shape_cast %select_n3A_313 : vector<1x1024xf32> to vector<1x1x1024xf32>
      %reduce_max3A_315 = arith.constant dense<0xFF800000> : vector<1xf32>
      %reduce_max3A_316 = vector.multi_reduction <maximumf>, %reduce_max3A_314, %reduce_max3A_315 [1, 2] : vector<1x1x1024xf32> to vector<1xf32>
      %reduce_max3A_317 = vector.shape_cast %reduce_max3A_316 : vector<1xf32> to vector<1x1x1xf32>
      %reduce_max3A_318 = vector.extract %reduce_max3A_317[0, 0, 0] : f32 from vector<1x1x1xf32>
      %gt3A_319 = arith.constant 0 : i32
      %gt3A_320 = vector.broadcast %gt3A_319 : i32 to vector<256x1xi32>
      %gt3A_321 = arith.cmpi sgt, %iota3A, %gt3A_320 : vector<256x1xi32>
      %and3A = arith.andi %ge3A, %gt3A_321 : vector<256x1xi1>
      %jit3A = arith.constant 256 : i32
      %broadcast_in_dim3A_322 = vector.broadcast %jit3A : i32 to vector<256x1xi32>
      %select_n3A_323 = arith.select %and3A, %iota3A, %broadcast_in_dim3A_322 : vector<256x1xi1>, vector<256x1xi32>
      %reduce_min3A = vector.shape_cast %select_n3A_323 : vector<256x1xi32> to vector<1x256x1xi32>
      %reduce_min3A_324 = arith.constant dense<2147483647> : vector<1xi32>
      %reduce_min3A_325 = vector.multi_reduction <minsi>, %reduce_min3A, %reduce_min3A_324 [1, 2] : vector<1x256x1xi32> to vector<1xi32>
      %reduce_min3A_326 = vector.shape_cast %reduce_min3A_325 : vector<1xi32> to vector<1x1x1xi32>
      %reduce_min3A_327 = vector.extract %reduce_min3A_326[0, 0, 0] : i32 from vector<1x1x1xi32>
      %add3A_328 = arith.addf %reduce_max3A_311, %get3A_200 : f32
      %ge3A_329 = arith.cmpf oge, %add3A_328, %reduce_max3A_318 : f32
      %jit3A_330 = arith.constant 0 : i32
      %select_n3A_331 = arith.select %ge3A_329, %jit3A_330, %reduce_min3A_327 : i32
      %sub3A = arith.constant 256 : i32
      %sub3A_332 = arith.subi %sub3A, %get3A_196 : i32
      %min3A = arith.minsi %select_n3A_331, %sub3A_332 : i32
      %add3A_333 = arith.addi %get3A_196, %min3A : i32
      %swap3A_334 = arith.constant 0 : index
      %swap3A_335 = memref.load %arg8[%swap3A_334] : memref<1xi32, #tpu.memory_space<smem>>
      memref.store %add3A_333, %arg8[%swap3A_334] : memref<1xi32, #tpu.memory_space<smem>>
      %gt3A_336 = arith.constant 0 : i32
      %gt3A_337 = arith.cmpi sgt, %min3A, %gt3A_336 : i32
      %convert_element_type3A_338 = arith.extui %gt3A_337 : i1 to i32
      %cond3A_339 = arith.constant 0 : i32
      %cond3A_340 = arith.cmpi ne, %convert_element_type3A_338, %cond3A_339 : i32
      scf.if %cond3A_340 {
        %get3A_341 = arith.constant 2 : index
        %get3A_342 = memref.load %arg9[%get3A_341] : memref<3xi32, #tpu.memory_space<smem>>
        %rem3A_343 = arith.constant 2 : i32
        %rem3A_344 = arith.remsi %get3A_342, %rem3A_343 : i32
        %get3A_345 = arith.index_cast %rem3A_344 : i32 to index
        %get3A_346 = memref.load %arg9[%get3A_345] : memref<3xi32, #tpu.memory_space<smem>>
        %eq3A_347 = arith.constant 1 : i32
        %eq3A_348 = arith.cmpi eq, %get3A_346, %eq3A_347 : i32
        %convert_element_type3A_349 = arith.extui %eq3A_348 : i1 to i32
        %cond3A_350 = arith.constant 0 : i32
        %cond3A_351 = arith.cmpi ne, %convert_element_type3A_349, %cond3A_350 : i32
        scf.if %cond3A_351 {
          %dma_wait3A = tpu.memref_slice %arg11[%rem3A_344] : memref<2x!tpu.dma_semaphore, #tpu.memory_space<semaphore_mem>> -> memref<1x!tpu.dma_semaphore, #tpu.memory_space<semaphore_mem>>
          %dma_wait3A_413 = tpu.memref_squeeze %dma_wait3A : memref<1x!tpu.dma_semaphore, #tpu.memory_space<semaphore_mem>> -> memref<!tpu.dma_semaphore, #tpu.memory_space<semaphore_mem>>
          %dma_wait3A_414 = arith.constant 0 : i32
          %dma_wait3A_415 = arith.constant 0 : i32
          %dma_wait3A_416 = tpu.memref_slice %arg4[%dma_wait3A_414, %dma_wait3A_415] : memref<32776x1024xf32, #tpu.memory_space<hbm>> -> memref<256x1024xf32, #tpu.memory_space<hbm>>
          %dma_wait3A_417 = arith.constant 0 : i32
          %dma_wait3A_418 = arith.constant 0 : i32
          %dma_wait3A_419 = tpu.memref_slice %arg7[%rem3A_344, %dma_wait3A_417, %dma_wait3A_418] : memref<2x256x1024xf32, #tpu.memory_space<vmem>> -> memref<1x256x1024xf32, #tpu.memory_space<vmem>>
          %dma_wait3A_420 = tpu.memref_squeeze %dma_wait3A_419 : memref<1x256x1024xf32, #tpu.memory_space<vmem>> -> memref<256x1024xf32, #tpu.memory_space<vmem>>
          tpu.wait_dma2 semaphore(%dma_wait3A_413 : memref<!tpu.dma_semaphore, #tpu.memory_space<semaphore_mem>>) src(%dma_wait3A_420 : memref<256x1024xf32, #tpu.memory_space<vmem>>) dst(%dma_wait3A_416 : memref<256x1024xf32, #tpu.memory_space<hbm>>)
        } else {
        }
        %swap3A_352 = arith.index_cast %rem3A_344 : i32 to index
        %swap3A_353 = arith.constant 0 : index
        %swap3A_354 = arith.constant 0 : index
        %swap3A_355 = vector.load %arg7[%swap3A_352, %swap3A_353, %swap3A_354] : memref<2x256x1024xf32, #tpu.memory_space<vmem>>, vector<1x256x1024xf32>
        %swap3A_356 = vector.shape_cast %swap3A_355 : vector<1x256x1024xf32> to vector<256x1024xf32>
        %swap3A_357 = vector.shape_cast %add3A_302 : vector<256x1024xf32> to vector<1x256x1024xf32>
        tpu.vector_store %arg7[%swap3A_352, %swap3A_353, %swap3A_354], %swap3A_357 {strides = array<i32>} : memref<2x256x1024xf32, #tpu.memory_space<vmem>>, vector<1x256x1024xf32>,
        %jit3A_358 = arith.constant 0.000000e+00 : f32
        %broadcast_in_dim3A_359 = vector.broadcast %get3A_200 : f32 to vector<1x1024xf32>
        %broadcast_in_dim3A_360 = vector.broadcast %jit3A_358 : f32 to vector<1x1024xf32>
        %select_n3A_361 = arith.select %eq3A_4, %broadcast_in_dim3A_359, %broadcast_in_dim3A_360 : vector<1x1024xi1>, vector<1x1024xf32>
        %add3A_362 = arith.addf %slice3A_305, %select_n3A_361 : vector<1x1024xf32>
        %swap3A_363 = arith.index_cast %rem3A_344 : i32 to index
        %swap3A_364 = arith.constant 0 : index
        %swap3A_365 = arith.constant 0 : index
        %swap3A_366 = vector.load %arg7[%swap3A_363, %swap3A_364, %swap3A_365] : memref<2x256x1024xf32, #tpu.memory_space<vmem>>, vector<1x1x1024xf32>
        %swap3A_367 = vector.shape_cast %swap3A_366 : vector<1x1x1024xf32> to vector<1x1024xf32>
        %swap3A_368 = vector.shape_cast %add3A_362 : vector<1x1024xf32> to vector<1x1x1024xf32>
        tpu.vector_store %arg7[%swap3A_363, %swap3A_364, %swap3A_365], %swap3A_368 {strides = array<i32>} : memref<2x256x1024xf32, #tpu.memory_space<vmem>>, vector<1x1x1024xf32>,
        %mul3A_369 = arith.constant 16 : i32
        %mul3A_370 = arith.muli %arg0, %mul3A_369 : i32
        %add3A_371 = arith.constant 10 : i32
        %add3A_372 = arith.addi %mul3A_370, %add3A_371 : i32
        %mul3A_373 = arith.constant 256 : i32
        %mul3A_374 = arith.muli %add3A_372, %mul3A_373 : i32
        %dma_start3A = tpu.memref_slice %arg11[%rem3A_344] : memref<2x!tpu.dma_semaphore, #tpu.memory_space<semaphore_mem>> -> memref<1x!tpu.dma_semaphore, #tpu.memory_space<semaphore_mem>>
        %dma_start3A_375 = tpu.memref_squeeze %dma_start3A : memref<1x!tpu.dma_semaphore, #tpu.memory_space<semaphore_mem>> -> memref<!tpu.dma_semaphore, #tpu.memory_space<semaphore_mem>>
        %dma_start3A_376 = arith.constant 0 : i32
        %dma_start3A_377 = tpu.memref_slice %arg4[%mul3A_374, %dma_start3A_376] : memref<32776x1024xf32, #tpu.memory_space<hbm>> -> memref<256x1024xf32, #tpu.memory_space<hbm>>
        %dma_start3A_378 = arith.constant 0 : i32
        %dma_start3A_379 = arith.constant 0 : i32
        %dma_start3A_380 = tpu.memref_slice %arg7[%rem3A_344, %dma_start3A_378, %dma_start3A_379] : memref<2x256x1024xf32, #tpu.memory_space<vmem>> -> memref<1x256x1024xf32, #tpu.memory_space<vmem>>
        %dma_start3A_381 = tpu.memref_squeeze %dma_start3A_380 : memref<1x256x1024xf32, #tpu.memory_space<vmem>> -> memref<256x1024xf32, #tpu.memory_space<vmem>>
        tpu.enqueue_dma source(%dma_start3A_381 : memref<256x1024xf32, #tpu.memory_space<vmem>>) target(%dma_start3A_377 : memref<256x1024xf32, #tpu.memory_space<hbm>>) target_semaphore(%dma_start3A_375 : memref<!tpu.dma_semaphore, #tpu.memory_space<semaphore_mem>>)
        %swap3A_382 = arith.constant 1 : i32
        %swap3A_383 = arith.index_cast %rem3A_344 : i32 to index
        %swap3A_384 = memref.load %arg9[%swap3A_383] : memref<3xi32, #tpu.memory_space<smem>>
        memref.store %swap3A_382, %arg9[%swap3A_383] : memref<3xi32, #tpu.memory_space<smem>>
        %get3A_385 = arith.constant 2 : index
        %get3A_386 = memref.load %arg9[%get3A_385] : memref<3xi32, #tpu.memory_space<smem>>
        %add3A_387 = arith.constant 1 : i32
        %add3A_388 = arith.addi %get3A_386, %add3A_387 : i32
        %swap3A_389 = arith.constant 2 : index
        %swap3A_390 = memref.load %arg9[%swap3A_389] : memref<3xi32, #tpu.memory_space<smem>>
        memref.store %add3A_388, %arg9[%swap3A_389] : memref<3xi32, #tpu.memory_space<smem>>
        %ge3A_391 = vector.broadcast %get3A_196 : i32 to vector<1x256xi32>
        %ge3A_392 = arith.cmpi sge, %iota3A_1, %ge3A_391 : vector<1x256xi32>
        %add3A_393 = arith.addi %get3A_196, %min3A : i32
        %lt3A_394 = vector.broadcast %add3A_393 : i32 to vector<1x256xi32>
        %lt3A_395 = arith.cmpi slt, %iota3A_1, %lt3A_394 : vector<1x256xi32>
        %and3A_396 = arith.andi %ge3A_392, %lt3A_395 : vector<1x256xi1>
        %add3A_397 = vector.broadcast %mul3A_374 : i32 to vector<1x256xi32>
        %add3A_398 = arith.addi %add3A_397, %iota3A_1 : vector<1x256xi32>
        %sub3A_399 = vector.broadcast %get3A_196 : i32 to vector<1x256xi32>
        %sub3A_400 = arith.subi %add3A_398, %sub3A_399 : vector<1x256xi32>
        %get3A_401 = arith.constant 0 : index
        %get3A_402 = arith.constant 0 : index
        %get3A_403 = arith.constant 0 : index
        %get3A_404 = vector.load %arg5[%get3A_401, %get3A_402, %get3A_403] : memref<1x1x256xi32, #tpu.memory_space<vmem>>, vector<1x1x256xi32>
        %get3A_405 = vector.shape_cast %get3A_404 : vector<1x1x256xi32> to vector<1x256xi32>
        %select_n3A_406 = arith.select %and3A_396, %sub3A_400, %get3A_405 : vector<1x256xi1>, vector<1x256xi32>
        %swap3A_407 = arith.constant 0 : index
        %swap3A_408 = arith.constant 0 : index
        %swap3A_409 = arith.constant 0 : index
        %swap3A_410 = vector.load %arg5[%swap3A_407, %swap3A_408, %swap3A_409] : memref<1x1x256xi32, #tpu.memory_space<vmem>>, vector<1x1x256xi32>
        %swap3A_411 = vector.shape_cast %swap3A_410 : vector<1x1x256xi32> to vector<1x256xi32>
        %swap3A_412 = vector.shape_cast %select_n3A_406 : vector<1x256xi32> to vector<1x1x256xi32>
        tpu.vector_store %arg5[%swap3A_407, %swap3A_408, %swap3A_409], %swap3A_412 {strides = array<i32>} : memref<1x1x256xi32, #tpu.memory_space<vmem>>, vector<1x1x256xi32>,
      } else {
      }
    } else {
    }
    %get3A_150 = arith.constant 0 : index
    %get3A_151 = memref.load %arg8[%get3A_150] : memref<1xi32, #tpu.memory_space<smem>>
    %lt3A_152 = arith.constant 256 : i32
    %lt3A_153 = arith.cmpi slt, %get3A_151, %lt3A_152 : i32
    %convert_element_type3A_154 = arith.extui %lt3A_153 : i1 to i32
    %cond3A_155 = arith.constant 0xFF800000 : f32
    %cond3A_156 = arith.constant 0 : i32
    %cond3A_157 = arith.cmpi ne, %convert_element_type3A_154, %cond3A_156 : i32
    scf.if %cond3A_157 {
      %get3A_195 = arith.constant 0 : index
      %get3A_196 = memref.load %arg8[%get3A_195] : memref<1xi32, #tpu.memory_space<smem>>
      %get3A_197 = arith.index_cast %arg0 : i32 to index
      %get3A_198 = arith.constant 11 : index
      %get3A_199 = arith.constant 0 : index
      %get3A_200 = memref.load %arg1[%get3A_197, %get3A_198, %get3A_199] : memref<8x16x9xf32, #tpu.memory_space<smem>>
      %get3A_201 = arith.index_cast %arg0 : i32 to index
      %get3A_202 = arith.constant 11 : index
      %get3A_203 = arith.constant 1 : index
      %get3A_204 = memref.load %arg1[%get3A_201, %get3A_202, %get3A_203] : memref<8x16x9xf32, #tpu.memory_space<smem>>
      %get3A_205 = arith.index_cast %rem3A_0 : i32 to index
      %get3A_206 = arith.constant 0 : index
      %get3A_207 = arith.constant 0 : index
      %get3A_208 = arith.constant 0 : index
      %get3A_209 = vector.load %arg6[%get3A_205, %get3A_206, %get3A_207, %get3A_208] : memref<2x8x256x1024xf32, #tpu.memory_space<vmem>>, vector<1x1x256x1024xf32>
      %get3A_210 = vector.shape_cast %get3A_209 : vector<1x1x256x1024xf32> to vector<256x1024xf32>
      %mul3A = vector.broadcast %get3A_204 : f32 to vector<256x1024xf32>
      %mul3A_211 = arith.mulf %mul3A, %get3A_210 : vector<256x1024xf32>
      %get3A_212 = arith.index_cast %arg0 : i32 to index
      %get3A_213 = arith.constant 11 : index
      %get3A_214 = arith.constant 2 : index
      %get3A_215 = memref.load %arg1[%get3A_212, %get3A_213, %get3A_214] : memref<8x16x9xf32, #tpu.memory_space<smem>>
      %get3A_216 = arith.index_cast %rem3A_0 : i32 to index
      %get3A_217 = arith.constant 1 : index
      %get3A_218 = arith.constant 0 : index
      %get3A_219 = arith.constant 0 : index
      %get3A_220 = vector.load %arg6[%get3A_216, %get3A_217, %get3A_218, %get3A_219] : memref<2x8x256x1024xf32, #tpu.memory_space<vmem>>, vector<1x1x256x1024xf32>
      %get3A_221 = vector.shape_cast %get3A_220 : vector<1x1x256x1024xf32> to vector<256x1024xf32>
      %mul3A_222 = vector.broadcast %get3A_215 : f32 to vector<256x1024xf32>
      %mul3A_223 = arith.mulf %mul3A_222, %get3A_221 : vector<256x1024xf32>
      %add3A_224 = arith.addf %mul3A_211, %mul3A_223 : vector<256x1024xf32>
      %get3A_225 = arith.index_cast %arg0 : i32 to index
      %get3A_226 = arith.constant 11 : index
      %get3A_227 = arith.constant 3 : index
      %get3A_228 = memref.load %arg1[%get3A_225, %get3A_226, %get3A_227] : memref<8x16x9xf32, #tpu.memory_space<smem>>
      %get3A_229 = arith.index_cast %rem3A_0 : i32 to index
      %get3A_230 = arith.constant 2 : index
      %get3A_231 = arith.constant 0 : index
      %get3A_232 = arith.constant 0 : index
      %get3A_233 = vector.load %arg6[%get3A_229, %get3A_230, %get3A_231, %get3A_232] : memref<2x8x256x1024xf32, #tpu.memory_space<vmem>>, vector<1x1x256x1024xf32>
      %get3A_234 = vector.shape_cast %get3A_233 : vector<1x1x256x1024xf32> to vector<256x1024xf32>
      %mul3A_235 = vector.broadcast %get3A_228 : f32 to vector<256x1024xf32>
      %mul3A_236 = arith.mulf %mul3A_235, %get3A_234 : vector<256x1024xf32>
      %add3A_237 = arith.addf %add3A_224, %mul3A_236 : vector<256x1024xf32>
      %get3A_238 = arith.index_cast %arg0 : i32 to index
      %get3A_239 = arith.constant 11 : index
      %get3A_240 = arith.constant 4 : index
      %get3A_241 = memref.load %arg1[%get3A_238, %get3A_239, %get3A_240] : memref<8x16x9xf32, #tpu.memory_space<smem>>
      %get3A_242 = arith.index_cast %rem3A_0 : i32 to index
      %get3A_243 = arith.constant 3 : index
      %get3A_244 = arith.constant 0 : index
      %get3A_245 = arith.constant 0 : index
      %get3A_246 = vector.load %arg6[%get3A_242, %get3A_243, %get3A_244, %get3A_245] : memref<2x8x256x1024xf32, #tpu.memory_space<vmem>>, vector<1x1x256x1024xf32>
      %get3A_247 = vector.shape_cast %get3A_246 : vector<1x1x256x1024xf32> to vector<256x1024xf32>
      %mul3A_248 = vector.broadcast %get3A_241 : f32 to vector<256x1024xf32>
      %mul3A_249 = arith.mulf %mul3A_248, %get3A_247 : vector<256x1024xf32>
      %add3A_250 = arith.addf %add3A_237, %mul3A_249 : vector<256x1024xf32>
      %get3A_251 = arith.index_cast %arg0 : i32 to index
      %get3A_252 = arith.constant 11 : index
      %get3A_253 = arith.constant 5 : index
      %get3A_254 = memref.load %arg1[%get3A_251, %get3A_252, %get3A_253] : memref<8x16x9xf32, #tpu.memory_space<smem>>
      %get3A_255 = arith.index_cast %rem3A_0 : i32 to index
      %get3A_256 = arith.constant 4 : index
      %get3A_257 = arith.constant 0 : index
      %get3A_258 = arith.constant 0 : index
      %get3A_259 = vector.load %arg6[%get3A_255, %get3A_256, %get3A_257, %get3A_258] : memref<2x8x256x1024xf32, #tpu.memory_space<vmem>>, vector<1x1x256x1024xf32>
      %get3A_260 = vector.shape_cast %get3A_259 : vector<1x1x256x1024xf32> to vector<256x1024xf32>
      %mul3A_261 = vector.broadcast %get3A_254 : f32 to vector<256x1024xf32>
      %mul3A_262 = arith.mulf %mul3A_261, %get3A_260 : vector<256x1024xf32>
      %add3A_263 = arith.addf %add3A_250, %mul3A_262 : vector<256x1024xf32>
      %get3A_264 = arith.index_cast %arg0 : i32 to index
      %get3A_265 = arith.constant 11 : index
      %get3A_266 = arith.constant 6 : index
      %get3A_267 = memref.load %arg1[%get3A_264, %get3A_265, %get3A_266] : memref<8x16x9xf32, #tpu.memory_space<smem>>
      %get3A_268 = arith.index_cast %rem3A_0 : i32 to index
      %get3A_269 = arith.constant 5 : index
      %get3A_270 = arith.constant 0 : index
      %get3A_271 = arith.constant 0 : index
      %get3A_272 = vector.load %arg6[%get3A_268, %get3A_269, %get3A_270, %get3A_271] : memref<2x8x256x1024xf32, #tpu.memory_space<vmem>>, vector<1x1x256x1024xf32>
      %get3A_273 = vector.shape_cast %get3A_272 : vector<1x1x256x1024xf32> to vector<256x1024xf32>
      %mul3A_274 = vector.broadcast %get3A_267 : f32 to vector<256x1024xf32>
      %mul3A_275 = arith.mulf %mul3A_274, %get3A_273 : vector<256x1024xf32>
      %add3A_276 = arith.addf %add3A_263, %mul3A_275 : vector<256x1024xf32>
      %get3A_277 = arith.index_cast %arg0 : i32 to index
      %get3A_278 = arith.constant 11 : index
      %get3A_279 = arith.constant 7 : index
      %get3A_280 = memref.load %arg1[%get3A_277, %get3A_278, %get3A_279] : memref<8x16x9xf32, #tpu.memory_space<smem>>
      %get3A_281 = arith.index_cast %rem3A_0 : i32 to index
      %get3A_282 = arith.constant 6 : index
      %get3A_283 = arith.constant 0 : index
      %get3A_284 = arith.constant 0 : index
      %get3A_285 = vector.load %arg6[%get3A_281, %get3A_282, %get3A_283, %get3A_284] : memref<2x8x256x1024xf32, #tpu.memory_space<vmem>>, vector<1x1x256x1024xf32>
      %get3A_286 = vector.shape_cast %get3A_285 : vector<1x1x256x1024xf32> to vector<256x1024xf32>
      %mul3A_287 = vector.broadcast %get3A_280 : f32 to vector<256x1024xf32>
      %mul3A_288 = arith.mulf %mul3A_287, %get3A_286 : vector<256x1024xf32>
      %add3A_289 = arith.addf %add3A_276, %mul3A_288 : vector<256x1024xf32>
      %get3A_290 = arith.index_cast %arg0 : i32 to index
      %get3A_291 = arith.constant 11 : index
      %get3A_292 = arith.constant 8 : index
      %get3A_293 = memref.load %arg1[%get3A_290, %get3A_291, %get3A_292] : memref<8x16x9xf32, #tpu.memory_space<smem>>
      %get3A_294 = arith.index_cast %rem3A_0 : i32 to index
      %get3A_295 = arith.constant 7 : index
      %get3A_296 = arith.constant 0 : index
      %get3A_297 = arith.constant 0 : index
      %get3A_298 = vector.load %arg6[%get3A_294, %get3A_295, %get3A_296, %get3A_297] : memref<2x8x256x1024xf32, #tpu.memory_space<vmem>>, vector<1x1x256x1024xf32>
      %get3A_299 = vector.shape_cast %get3A_298 : vector<1x1x256x1024xf32> to vector<256x1024xf32>
      %mul3A_300 = vector.broadcast %get3A_293 : f32 to vector<256x1024xf32>
      %mul3A_301 = arith.mulf %mul3A_300, %get3A_299 : vector<256x1024xf32>
      %add3A_302 = arith.addf %add3A_289, %mul3A_301 : vector<256x1024xf32>
      %reduce_max3A = arith.constant dense<0xFF800000> : vector<256xf32>
      %reduce_max3A_303 = vector.multi_reduction <maximumf>, %add3A_302, %reduce_max3A [1] : vector<256x1024xf32> to vector<256xf32>
      %broadcast_in_dim3A_304 = vector.shape_cast %reduce_max3A_303 : vector<256xf32> to vector<256x1xf32>
      %slice3A = vector.extract_strided_slice %add3A_302 {offsets = [0, 0], sizes = [256, 1], strides = [1, 1]} : vector<256x1024xf32> to vector<256x1xf32>
      %ge3A = arith.cmpf oge, %slice3A, %broadcast_in_dim3A_304 : vector<256x1xf32>
      %slice3A_305 = vector.extract_strided_slice %add3A_302 {offsets = [0, 0], sizes = [1, 1024], strides = [1, 1]} : vector<256x1024xf32> to vector<1x1024xf32>
      %broadcast_in_dim3A_306 = vector.broadcast %cond3A_155 : f32 to vector<1x1024xf32>
      %select_n3A = arith.select %eq3A_4, %slice3A_305, %broadcast_in_dim3A_306 : vector<1x1024xi1>, vector<1x1024xf32>
      %reduce_max3A_307 = vector.shape_cast %select_n3A : vector<1x1024xf32> to vector<1x1x1024xf32>
      %reduce_max3A_308 = arith.constant dense<0xFF800000> : vector<1xf32>
      %reduce_max3A_309 = vector.multi_reduction <maximumf>, %reduce_max3A_307, %reduce_max3A_308 [1, 2] : vector<1x1x1024xf32> to vector<1xf32>
      %reduce_max3A_310 = vector.shape_cast %reduce_max3A_309 : vector<1xf32> to vector<1x1x1xf32>
      %reduce_max3A_311 = vector.extract %reduce_max3A_310[0, 0, 0] : f32 from vector<1x1x1xf32>
      %broadcast_in_dim3A_312 = vector.broadcast %cond3A_155 : f32 to vector<1x1024xf32>
      %select_n3A_313 = arith.select %eq3A_4, %broadcast_in_dim3A_312, %slice3A_305 : vector<1x1024xi1>, vector<1x1024xf32>
      %reduce_max3A_314 = vector.shape_cast %select_n3A_313 : vector<1x1024xf32> to vector<1x1x1024xf32>
      %reduce_max3A_315 = arith.constant dense<0xFF800000> : vector<1xf32>
      %reduce_max3A_316 = vector.multi_reduction <maximumf>, %reduce_max3A_314, %reduce_max3A_315 [1, 2] : vector<1x1x1024xf32> to vector<1xf32>
      %reduce_max3A_317 = vector.shape_cast %reduce_max3A_316 : vector<1xf32> to vector<1x1x1xf32>
      %reduce_max3A_318 = vector.extract %reduce_max3A_317[0, 0, 0] : f32 from vector<1x1x1xf32>
      %gt3A_319 = arith.constant 0 : i32
      %gt3A_320 = vector.broadcast %gt3A_319 : i32 to vector<256x1xi32>
      %gt3A_321 = arith.cmpi sgt, %iota3A, %gt3A_320 : vector<256x1xi32>
      %and3A = arith.andi %ge3A, %gt3A_321 : vector<256x1xi1>
      %jit3A = arith.constant 256 : i32
      %broadcast_in_dim3A_322 = vector.broadcast %jit3A : i32 to vector<256x1xi32>
      %select_n3A_323 = arith.select %and3A, %iota3A, %broadcast_in_dim3A_322 : vector<256x1xi1>, vector<256x1xi32>
      %reduce_min3A = vector.shape_cast %select_n3A_323 : vector<256x1xi32> to vector<1x256x1xi32>
      %reduce_min3A_324 = arith.constant dense<2147483647> : vector<1xi32>
      %reduce_min3A_325 = vector.multi_reduction <minsi>, %reduce_min3A, %reduce_min3A_324 [1, 2] : vector<1x256x1xi32> to vector<1xi32>
      %reduce_min3A_326 = vector.shape_cast %reduce_min3A_325 : vector<1xi32> to vector<1x1x1xi32>
      %reduce_min3A_327 = vector.extract %reduce_min3A_326[0, 0, 0] : i32 from vector<1x1x1xi32>
      %add3A_328 = arith.addf %reduce_max3A_311, %get3A_200 : f32
      %ge3A_329 = arith.cmpf oge, %add3A_328, %reduce_max3A_318 : f32
      %jit3A_330 = arith.constant 0 : i32
      %select_n3A_331 = arith.select %ge3A_329, %jit3A_330, %reduce_min3A_327 : i32
      %sub3A = arith.constant 256 : i32
      %sub3A_332 = arith.subi %sub3A, %get3A_196 : i32
      %min3A = arith.minsi %select_n3A_331, %sub3A_332 : i32
      %add3A_333 = arith.addi %get3A_196, %min3A : i32
      %swap3A_334 = arith.constant 0 : index
      %swap3A_335 = memref.load %arg8[%swap3A_334] : memref<1xi32, #tpu.memory_space<smem>>
      memref.store %add3A_333, %arg8[%swap3A_334] : memref<1xi32, #tpu.memory_space<smem>>
      %gt3A_336 = arith.constant 0 : i32
      %gt3A_337 = arith.cmpi sgt, %min3A, %gt3A_336 : i32
      %convert_element_type3A_338 = arith.extui %gt3A_337 : i1 to i32
      %cond3A_339 = arith.constant 0 : i32
      %cond3A_340 = arith.cmpi ne, %convert_element_type3A_338, %cond3A_339 : i32
      scf.if %cond3A_340 {
        %get3A_341 = arith.constant 2 : index
        %get3A_342 = memref.load %arg9[%get3A_341] : memref<3xi32, #tpu.memory_space<smem>>
        %rem3A_343 = arith.constant 2 : i32
        %rem3A_344 = arith.remsi %get3A_342, %rem3A_343 : i32
        %get3A_345 = arith.index_cast %rem3A_344 : i32 to index
        %get3A_346 = memref.load %arg9[%get3A_345] : memref<3xi32, #tpu.memory_space<smem>>
        %eq3A_347 = arith.constant 1 : i32
        %eq3A_348 = arith.cmpi eq, %get3A_346, %eq3A_347 : i32
        %convert_element_type3A_349 = arith.extui %eq3A_348 : i1 to i32
        %cond3A_350 = arith.constant 0 : i32
        %cond3A_351 = arith.cmpi ne, %convert_element_type3A_349, %cond3A_350 : i32
        scf.if %cond3A_351 {
          %dma_wait3A = tpu.memref_slice %arg11[%rem3A_344] : memref<2x!tpu.dma_semaphore, #tpu.memory_space<semaphore_mem>> -> memref<1x!tpu.dma_semaphore, #tpu.memory_space<semaphore_mem>>
          %dma_wait3A_413 = tpu.memref_squeeze %dma_wait3A : memref<1x!tpu.dma_semaphore, #tpu.memory_space<semaphore_mem>> -> memref<!tpu.dma_semaphore, #tpu.memory_space<semaphore_mem>>
          %dma_wait3A_414 = arith.constant 0 : i32
          %dma_wait3A_415 = arith.constant 0 : i32
          %dma_wait3A_416 = tpu.memref_slice %arg4[%dma_wait3A_414, %dma_wait3A_415] : memref<32776x1024xf32, #tpu.memory_space<hbm>> -> memref<256x1024xf32, #tpu.memory_space<hbm>>
          %dma_wait3A_417 = arith.constant 0 : i32
          %dma_wait3A_418 = arith.constant 0 : i32
          %dma_wait3A_419 = tpu.memref_slice %arg7[%rem3A_344, %dma_wait3A_417, %dma_wait3A_418] : memref<2x256x1024xf32, #tpu.memory_space<vmem>> -> memref<1x256x1024xf32, #tpu.memory_space<vmem>>
          %dma_wait3A_420 = tpu.memref_squeeze %dma_wait3A_419 : memref<1x256x1024xf32, #tpu.memory_space<vmem>> -> memref<256x1024xf32, #tpu.memory_space<vmem>>
          tpu.wait_dma2 semaphore(%dma_wait3A_413 : memref<!tpu.dma_semaphore, #tpu.memory_space<semaphore_mem>>) src(%dma_wait3A_420 : memref<256x1024xf32, #tpu.memory_space<vmem>>) dst(%dma_wait3A_416 : memref<256x1024xf32, #tpu.memory_space<hbm>>)
        } else {
        }
        %swap3A_352 = arith.index_cast %rem3A_344 : i32 to index
        %swap3A_353 = arith.constant 0 : index
        %swap3A_354 = arith.constant 0 : index
        %swap3A_355 = vector.load %arg7[%swap3A_352, %swap3A_353, %swap3A_354] : memref<2x256x1024xf32, #tpu.memory_space<vmem>>, vector<1x256x1024xf32>
        %swap3A_356 = vector.shape_cast %swap3A_355 : vector<1x256x1024xf32> to vector<256x1024xf32>
        %swap3A_357 = vector.shape_cast %add3A_302 : vector<256x1024xf32> to vector<1x256x1024xf32>
        tpu.vector_store %arg7[%swap3A_352, %swap3A_353, %swap3A_354], %swap3A_357 {strides = array<i32>} : memref<2x256x1024xf32, #tpu.memory_space<vmem>>, vector<1x256x1024xf32>,
        %jit3A_358 = arith.constant 0.000000e+00 : f32
        %broadcast_in_dim3A_359 = vector.broadcast %get3A_200 : f32 to vector<1x1024xf32>
        %broadcast_in_dim3A_360 = vector.broadcast %jit3A_358 : f32 to vector<1x1024xf32>
        %select_n3A_361 = arith.select %eq3A_4, %broadcast_in_dim3A_359, %broadcast_in_dim3A_360 : vector<1x1024xi1>, vector<1x1024xf32>
        %add3A_362 = arith.addf %slice3A_305, %select_n3A_361 : vector<1x1024xf32>
        %swap3A_363 = arith.index_cast %rem3A_344 : i32 to index
        %swap3A_364 = arith.constant 0 : index
        %swap3A_365 = arith.constant 0 : index
        %swap3A_366 = vector.load %arg7[%swap3A_363, %swap3A_364, %swap3A_365] : memref<2x256x1024xf32, #tpu.memory_space<vmem>>, vector<1x1x1024xf32>
        %swap3A_367 = vector.shape_cast %swap3A_366 : vector<1x1x1024xf32> to vector<1x1024xf32>
        %swap3A_368 = vector.shape_cast %add3A_362 : vector<1x1024xf32> to vector<1x1x1024xf32>
        tpu.vector_store %arg7[%swap3A_363, %swap3A_364, %swap3A_365], %swap3A_368 {strides = array<i32>} : memref<2x256x1024xf32, #tpu.memory_space<vmem>>, vector<1x1x1024xf32>,
        %mul3A_369 = arith.constant 16 : i32
        %mul3A_370 = arith.muli %arg0, %mul3A_369 : i32
        %add3A_371 = arith.constant 11 : i32
        %add3A_372 = arith.addi %mul3A_370, %add3A_371 : i32
        %mul3A_373 = arith.constant 256 : i32
        %mul3A_374 = arith.muli %add3A_372, %mul3A_373 : i32
        %dma_start3A = tpu.memref_slice %arg11[%rem3A_344] : memref<2x!tpu.dma_semaphore, #tpu.memory_space<semaphore_mem>> -> memref<1x!tpu.dma_semaphore, #tpu.memory_space<semaphore_mem>>
        %dma_start3A_375 = tpu.memref_squeeze %dma_start3A : memref<1x!tpu.dma_semaphore, #tpu.memory_space<semaphore_mem>> -> memref<!tpu.dma_semaphore, #tpu.memory_space<semaphore_mem>>
        %dma_start3A_376 = arith.constant 0 : i32
        %dma_start3A_377 = tpu.memref_slice %arg4[%mul3A_374, %dma_start3A_376] : memref<32776x1024xf32, #tpu.memory_space<hbm>> -> memref<256x1024xf32, #tpu.memory_space<hbm>>
        %dma_start3A_378 = arith.constant 0 : i32
        %dma_start3A_379 = arith.constant 0 : i32
        %dma_start3A_380 = tpu.memref_slice %arg7[%rem3A_344, %dma_start3A_378, %dma_start3A_379] : memref<2x256x1024xf32, #tpu.memory_space<vmem>> -> memref<1x256x1024xf32, #tpu.memory_space<vmem>>
        %dma_start3A_381 = tpu.memref_squeeze %dma_start3A_380 : memref<1x256x1024xf32, #tpu.memory_space<vmem>> -> memref<256x1024xf32, #tpu.memory_space<vmem>>
        tpu.enqueue_dma source(%dma_start3A_381 : memref<256x1024xf32, #tpu.memory_space<vmem>>) target(%dma_start3A_377 : memref<256x1024xf32, #tpu.memory_space<hbm>>) target_semaphore(%dma_start3A_375 : memref<!tpu.dma_semaphore, #tpu.memory_space<semaphore_mem>>)
        %swap3A_382 = arith.constant 1 : i32
        %swap3A_383 = arith.index_cast %rem3A_344 : i32 to index
        %swap3A_384 = memref.load %arg9[%swap3A_383] : memref<3xi32, #tpu.memory_space<smem>>
        memref.store %swap3A_382, %arg9[%swap3A_383] : memref<3xi32, #tpu.memory_space<smem>>
        %get3A_385 = arith.constant 2 : index
        %get3A_386 = memref.load %arg9[%get3A_385] : memref<3xi32, #tpu.memory_space<smem>>
        %add3A_387 = arith.constant 1 : i32
        %add3A_388 = arith.addi %get3A_386, %add3A_387 : i32
        %swap3A_389 = arith.constant 2 : index
        %swap3A_390 = memref.load %arg9[%swap3A_389] : memref<3xi32, #tpu.memory_space<smem>>
        memref.store %add3A_388, %arg9[%swap3A_389] : memref<3xi32, #tpu.memory_space<smem>>
        %ge3A_391 = vector.broadcast %get3A_196 : i32 to vector<1x256xi32>
        %ge3A_392 = arith.cmpi sge, %iota3A_1, %ge3A_391 : vector<1x256xi32>
        %add3A_393 = arith.addi %get3A_196, %min3A : i32
        %lt3A_394 = vector.broadcast %add3A_393 : i32 to vector<1x256xi32>
        %lt3A_395 = arith.cmpi slt, %iota3A_1, %lt3A_394 : vector<1x256xi32>
        %and3A_396 = arith.andi %ge3A_392, %lt3A_395 : vector<1x256xi1>
        %add3A_397 = vector.broadcast %mul3A_374 : i32 to vector<1x256xi32>
        %add3A_398 = arith.addi %add3A_397, %iota3A_1 : vector<1x256xi32>
        %sub3A_399 = vector.broadcast %get3A_196 : i32 to vector<1x256xi32>
        %sub3A_400 = arith.subi %add3A_398, %sub3A_399 : vector<1x256xi32>
        %get3A_401 = arith.constant 0 : index
        %get3A_402 = arith.constant 0 : index
        %get3A_403 = arith.constant 0 : index
        %get3A_404 = vector.load %arg5[%get3A_401, %get3A_402, %get3A_403] : memref<1x1x256xi32, #tpu.memory_space<vmem>>, vector<1x1x256xi32>
        %get3A_405 = vector.shape_cast %get3A_404 : vector<1x1x256xi32> to vector<1x256xi32>
        %select_n3A_406 = arith.select %and3A_396, %sub3A_400, %get3A_405 : vector<1x256xi1>, vector<1x256xi32>
        %swap3A_407 = arith.constant 0 : index
        %swap3A_408 = arith.constant 0 : index
        %swap3A_409 = arith.constant 0 : index
        %swap3A_410 = vector.load %arg5[%swap3A_407, %swap3A_408, %swap3A_409] : memref<1x1x256xi32, #tpu.memory_space<vmem>>, vector<1x1x256xi32>
        %swap3A_411 = vector.shape_cast %swap3A_410 : vector<1x1x256xi32> to vector<1x256xi32>
        %swap3A_412 = vector.shape_cast %select_n3A_406 : vector<1x256xi32> to vector<1x1x256xi32>
        tpu.vector_store %arg5[%swap3A_407, %swap3A_408, %swap3A_409], %swap3A_412 {strides = array<i32>} : memref<1x1x256xi32, #tpu.memory_space<vmem>>, vector<1x1x256xi32>,
      } else {
      }
    } else {
    }
    %get3A_158 = arith.constant 0 : index
    %get3A_159 = memref.load %arg8[%get3A_158] : memref<1xi32, #tpu.memory_space<smem>>
    %lt3A_160 = arith.constant 256 : i32
    %lt3A_161 = arith.cmpi slt, %get3A_159, %lt3A_160 : i32
    %convert_element_type3A_162 = arith.extui %lt3A_161 : i1 to i32
    %cond3A_163 = arith.constant 0xFF800000 : f32
    %cond3A_164 = arith.constant 0 : i32
    %cond3A_165 = arith.cmpi ne, %convert_element_type3A_162, %cond3A_164 : i32
    scf.if %cond3A_165 {
      %get3A_195 = arith.constant 0 : index
      %get3A_196 = memref.load %arg8[%get3A_195] : memref<1xi32, #tpu.memory_space<smem>>
      %get3A_197 = arith.index_cast %arg0 : i32 to index
      %get3A_198 = arith.constant 12 : index
      %get3A_199 = arith.constant 0 : index
      %get3A_200 = memref.load %arg1[%get3A_197, %get3A_198, %get3A_199] : memref<8x16x9xf32, #tpu.memory_space<smem>>
      %get3A_201 = arith.index_cast %arg0 : i32 to index
      %get3A_202 = arith.constant 12 : index
      %get3A_203 = arith.constant 1 : index
      %get3A_204 = memref.load %arg1[%get3A_201, %get3A_202, %get3A_203] : memref<8x16x9xf32, #tpu.memory_space<smem>>
      %get3A_205 = arith.index_cast %rem3A_0 : i32 to index
      %get3A_206 = arith.constant 0 : index
      %get3A_207 = arith.constant 0 : index
      %get3A_208 = arith.constant 0 : index
      %get3A_209 = vector.load %arg6[%get3A_205, %get3A_206, %get3A_207, %get3A_208] : memref<2x8x256x1024xf32, #tpu.memory_space<vmem>>, vector<1x1x256x1024xf32>
      %get3A_210 = vector.shape_cast %get3A_209 : vector<1x1x256x1024xf32> to vector<256x1024xf32>
      %mul3A = vector.broadcast %get3A_204 : f32 to vector<256x1024xf32>
      %mul3A_211 = arith.mulf %mul3A, %get3A_210 : vector<256x1024xf32>
      %get3A_212 = arith.index_cast %arg0 : i32 to index
      %get3A_213 = arith.constant 12 : index
      %get3A_214 = arith.constant 2 : index
      %get3A_215 = memref.load %arg1[%get3A_212, %get3A_213, %get3A_214] : memref<8x16x9xf32, #tpu.memory_space<smem>>
      %get3A_216 = arith.index_cast %rem3A_0 : i32 to index
      %get3A_217 = arith.constant 1 : index
      %get3A_218 = arith.constant 0 : index
      %get3A_219 = arith.constant 0 : index
      %get3A_220 = vector.load %arg6[%get3A_216, %get3A_217, %get3A_218, %get3A_219] : memref<2x8x256x1024xf32, #tpu.memory_space<vmem>>, vector<1x1x256x1024xf32>
      %get3A_221 = vector.shape_cast %get3A_220 : vector<1x1x256x1024xf32> to vector<256x1024xf32>
      %mul3A_222 = vector.broadcast %get3A_215 : f32 to vector<256x1024xf32>
      %mul3A_223 = arith.mulf %mul3A_222, %get3A_221 : vector<256x1024xf32>
      %add3A_224 = arith.addf %mul3A_211, %mul3A_223 : vector<256x1024xf32>
      %get3A_225 = arith.index_cast %arg0 : i32 to index
      %get3A_226 = arith.constant 12 : index
      %get3A_227 = arith.constant 3 : index
      %get3A_228 = memref.load %arg1[%get3A_225, %get3A_226, %get3A_227] : memref<8x16x9xf32, #tpu.memory_space<smem>>
      %get3A_229 = arith.index_cast %rem3A_0 : i32 to index
      %get3A_230 = arith.constant 2 : index
      %get3A_231 = arith.constant 0 : index
      %get3A_232 = arith.constant 0 : index
      %get3A_233 = vector.load %arg6[%get3A_229, %get3A_230, %get3A_231, %get3A_232] : memref<2x8x256x1024xf32, #tpu.memory_space<vmem>>, vector<1x1x256x1024xf32>
      %get3A_234 = vector.shape_cast %get3A_233 : vector<1x1x256x1024xf32> to vector<256x1024xf32>
      %mul3A_235 = vector.broadcast %get3A_228 : f32 to vector<256x1024xf32>
      %mul3A_236 = arith.mulf %mul3A_235, %get3A_234 : vector<256x1024xf32>
      %add3A_237 = arith.addf %add3A_224, %mul3A_236 : vector<256x1024xf32>
      %get3A_238 = arith.index_cast %arg0 : i32 to index
      %get3A_239 = arith.constant 12 : index
      %get3A_240 = arith.constant 4 : index
      %get3A_241 = memref.load %arg1[%get3A_238, %get3A_239, %get3A_240] : memref<8x16x9xf32, #tpu.memory_space<smem>>
      %get3A_242 = arith.index_cast %rem3A_0 : i32 to index
      %get3A_243 = arith.constant 3 : index
      %get3A_244 = arith.constant 0 : index
      %get3A_245 = arith.constant 0 : index
      %get3A_246 = vector.load %arg6[%get3A_242, %get3A_243, %get3A_244, %get3A_245] : memref<2x8x256x1024xf32, #tpu.memory_space<vmem>>, vector<1x1x256x1024xf32>
      %get3A_247 = vector.shape_cast %get3A_246 : vector<1x1x256x1024xf32> to vector<256x1024xf32>
      %mul3A_248 = vector.broadcast %get3A_241 : f32 to vector<256x1024xf32>
      %mul3A_249 = arith.mulf %mul3A_248, %get3A_247 : vector<256x1024xf32>
      %add3A_250 = arith.addf %add3A_237, %mul3A_249 : vector<256x1024xf32>
      %get3A_251 = arith.index_cast %arg0 : i32 to index
      %get3A_252 = arith.constant 12 : index
      %get3A_253 = arith.constant 5 : index
      %get3A_254 = memref.load %arg1[%get3A_251, %get3A_252, %get3A_253] : memref<8x16x9xf32, #tpu.memory_space<smem>>
      %get3A_255 = arith.index_cast %rem3A_0 : i32 to index
      %get3A_256 = arith.constant 4 : index
      %get3A_257 = arith.constant 0 : index
      %get3A_258 = arith.constant 0 : index
      %get3A_259 = vector.load %arg6[%get3A_255, %get3A_256, %get3A_257, %get3A_258] : memref<2x8x256x1024xf32, #tpu.memory_space<vmem>>, vector<1x1x256x1024xf32>
      %get3A_260 = vector.shape_cast %get3A_259 : vector<1x1x256x1024xf32> to vector<256x1024xf32>
      %mul3A_261 = vector.broadcast %get3A_254 : f32 to vector<256x1024xf32>
      %mul3A_262 = arith.mulf %mul3A_261, %get3A_260 : vector<256x1024xf32>
      %add3A_263 = arith.addf %add3A_250, %mul3A_262 : vector<256x1024xf32>
      %get3A_264 = arith.index_cast %arg0 : i32 to index
      %get3A_265 = arith.constant 12 : index
      %get3A_266 = arith.constant 6 : index
      %get3A_267 = memref.load %arg1[%get3A_264, %get3A_265, %get3A_266] : memref<8x16x9xf32, #tpu.memory_space<smem>>
      %get3A_268 = arith.index_cast %rem3A_0 : i32 to index
      %get3A_269 = arith.constant 5 : index
      %get3A_270 = arith.constant 0 : index
      %get3A_271 = arith.constant 0 : index
      %get3A_272 = vector.load %arg6[%get3A_268, %get3A_269, %get3A_270, %get3A_271] : memref<2x8x256x1024xf32, #tpu.memory_space<vmem>>, vector<1x1x256x1024xf32>
      %get3A_273 = vector.shape_cast %get3A_272 : vector<1x1x256x1024xf32> to vector<256x1024xf32>
      %mul3A_274 = vector.broadcast %get3A_267 : f32 to vector<256x1024xf32>
      %mul3A_275 = arith.mulf %mul3A_274, %get3A_273 : vector<256x1024xf32>
      %add3A_276 = arith.addf %add3A_263, %mul3A_275 : vector<256x1024xf32>
      %get3A_277 = arith.index_cast %arg0 : i32 to index
      %get3A_278 = arith.constant 12 : index
      %get3A_279 = arith.constant 7 : index
      %get3A_280 = memref.load %arg1[%get3A_277, %get3A_278, %get3A_279] : memref<8x16x9xf32, #tpu.memory_space<smem>>
      %get3A_281 = arith.index_cast %rem3A_0 : i32 to index
      %get3A_282 = arith.constant 6 : index
      %get3A_283 = arith.constant 0 : index
      %get3A_284 = arith.constant 0 : index
      %get3A_285 = vector.load %arg6[%get3A_281, %get3A_282, %get3A_283, %get3A_284] : memref<2x8x256x1024xf32, #tpu.memory_space<vmem>>, vector<1x1x256x1024xf32>
      %get3A_286 = vector.shape_cast %get3A_285 : vector<1x1x256x1024xf32> to vector<256x1024xf32>
      %mul3A_287 = vector.broadcast %get3A_280 : f32 to vector<256x1024xf32>
      %mul3A_288 = arith.mulf %mul3A_287, %get3A_286 : vector<256x1024xf32>
      %add3A_289 = arith.addf %add3A_276, %mul3A_288 : vector<256x1024xf32>
      %get3A_290 = arith.index_cast %arg0 : i32 to index
      %get3A_291 = arith.constant 12 : index
      %get3A_292 = arith.constant 8 : index
      %get3A_293 = memref.load %arg1[%get3A_290, %get3A_291, %get3A_292] : memref<8x16x9xf32, #tpu.memory_space<smem>>
      %get3A_294 = arith.index_cast %rem3A_0 : i32 to index
      %get3A_295 = arith.constant 7 : index
      %get3A_296 = arith.constant 0 : index
      %get3A_297 = arith.constant 0 : index
      %get3A_298 = vector.load %arg6[%get3A_294, %get3A_295, %get3A_296, %get3A_297] : memref<2x8x256x1024xf32, #tpu.memory_space<vmem>>, vector<1x1x256x1024xf32>
      %get3A_299 = vector.shape_cast %get3A_298 : vector<1x1x256x1024xf32> to vector<256x1024xf32>
      %mul3A_300 = vector.broadcast %get3A_293 : f32 to vector<256x1024xf32>
      %mul3A_301 = arith.mulf %mul3A_300, %get3A_299 : vector<256x1024xf32>
      %add3A_302 = arith.addf %add3A_289, %mul3A_301 : vector<256x1024xf32>
      %reduce_max3A = arith.constant dense<0xFF800000> : vector<256xf32>
      %reduce_max3A_303 = vector.multi_reduction <maximumf>, %add3A_302, %reduce_max3A [1] : vector<256x1024xf32> to vector<256xf32>
      %broadcast_in_dim3A_304 = vector.shape_cast %reduce_max3A_303 : vector<256xf32> to vector<256x1xf32>
      %slice3A = vector.extract_strided_slice %add3A_302 {offsets = [0, 0], sizes = [256, 1], strides = [1, 1]} : vector<256x1024xf32> to vector<256x1xf32>
      %ge3A = arith.cmpf oge, %slice3A, %broadcast_in_dim3A_304 : vector<256x1xf32>
      %slice3A_305 = vector.extract_strided_slice %add3A_302 {offsets = [0, 0], sizes = [1, 1024], strides = [1, 1]} : vector<256x1024xf32> to vector<1x1024xf32>
      %broadcast_in_dim3A_306 = vector.broadcast %cond3A_163 : f32 to vector<1x1024xf32>
      %select_n3A = arith.select %eq3A_4, %slice3A_305, %broadcast_in_dim3A_306 : vector<1x1024xi1>, vector<1x1024xf32>
      %reduce_max3A_307 = vector.shape_cast %select_n3A : vector<1x1024xf32> to vector<1x1x1024xf32>
      %reduce_max3A_308 = arith.constant dense<0xFF800000> : vector<1xf32>
      %reduce_max3A_309 = vector.multi_reduction <maximumf>, %reduce_max3A_307, %reduce_max3A_308 [1, 2] : vector<1x1x1024xf32> to vector<1xf32>
      %reduce_max3A_310 = vector.shape_cast %reduce_max3A_309 : vector<1xf32> to vector<1x1x1xf32>
      %reduce_max3A_311 = vector.extract %reduce_max3A_310[0, 0, 0] : f32 from vector<1x1x1xf32>
      %broadcast_in_dim3A_312 = vector.broadcast %cond3A_163 : f32 to vector<1x1024xf32>
      %select_n3A_313 = arith.select %eq3A_4, %broadcast_in_dim3A_312, %slice3A_305 : vector<1x1024xi1>, vector<1x1024xf32>
      %reduce_max3A_314 = vector.shape_cast %select_n3A_313 : vector<1x1024xf32> to vector<1x1x1024xf32>
      %reduce_max3A_315 = arith.constant dense<0xFF800000> : vector<1xf32>
      %reduce_max3A_316 = vector.multi_reduction <maximumf>, %reduce_max3A_314, %reduce_max3A_315 [1, 2] : vector<1x1x1024xf32> to vector<1xf32>
      %reduce_max3A_317 = vector.shape_cast %reduce_max3A_316 : vector<1xf32> to vector<1x1x1xf32>
      %reduce_max3A_318 = vector.extract %reduce_max3A_317[0, 0, 0] : f32 from vector<1x1x1xf32>
      %gt3A_319 = arith.constant 0 : i32
      %gt3A_320 = vector.broadcast %gt3A_319 : i32 to vector<256x1xi32>
      %gt3A_321 = arith.cmpi sgt, %iota3A, %gt3A_320 : vector<256x1xi32>
      %and3A = arith.andi %ge3A, %gt3A_321 : vector<256x1xi1>
      %jit3A = arith.constant 256 : i32
      %broadcast_in_dim3A_322 = vector.broadcast %jit3A : i32 to vector<256x1xi32>
      %select_n3A_323 = arith.select %and3A, %iota3A, %broadcast_in_dim3A_322 : vector<256x1xi1>, vector<256x1xi32>
      %reduce_min3A = vector.shape_cast %select_n3A_323 : vector<256x1xi32> to vector<1x256x1xi32>
      %reduce_min3A_324 = arith.constant dense<2147483647> : vector<1xi32>
      %reduce_min3A_325 = vector.multi_reduction <minsi>, %reduce_min3A, %reduce_min3A_324 [1, 2] : vector<1x256x1xi32> to vector<1xi32>
      %reduce_min3A_326 = vector.shape_cast %reduce_min3A_325 : vector<1xi32> to vector<1x1x1xi32>
      %reduce_min3A_327 = vector.extract %reduce_min3A_326[0, 0, 0] : i32 from vector<1x1x1xi32>
      %add3A_328 = arith.addf %reduce_max3A_311, %get3A_200 : f32
      %ge3A_329 = arith.cmpf oge, %add3A_328, %reduce_max3A_318 : f32
      %jit3A_330 = arith.constant 0 : i32
      %select_n3A_331 = arith.select %ge3A_329, %jit3A_330, %reduce_min3A_327 : i32
      %sub3A = arith.constant 256 : i32
      %sub3A_332 = arith.subi %sub3A, %get3A_196 : i32
      %min3A = arith.minsi %select_n3A_331, %sub3A_332 : i32
      %add3A_333 = arith.addi %get3A_196, %min3A : i32
      %swap3A_334 = arith.constant 0 : index
      %swap3A_335 = memref.load %arg8[%swap3A_334] : memref<1xi32, #tpu.memory_space<smem>>
      memref.store %add3A_333, %arg8[%swap3A_334] : memref<1xi32, #tpu.memory_space<smem>>
      %gt3A_336 = arith.constant 0 : i32
      %gt3A_337 = arith.cmpi sgt, %min3A, %gt3A_336 : i32
      %convert_element_type3A_338 = arith.extui %gt3A_337 : i1 to i32
      %cond3A_339 = arith.constant 0 : i32
      %cond3A_340 = arith.cmpi ne, %convert_element_type3A_338, %cond3A_339 : i32
      scf.if %cond3A_340 {
        %get3A_341 = arith.constant 2 : index
        %get3A_342 = memref.load %arg9[%get3A_341] : memref<3xi32, #tpu.memory_space<smem>>
        %rem3A_343 = arith.constant 2 : i32
        %rem3A_344 = arith.remsi %get3A_342, %rem3A_343 : i32
        %get3A_345 = arith.index_cast %rem3A_344 : i32 to index
        %get3A_346 = memref.load %arg9[%get3A_345] : memref<3xi32, #tpu.memory_space<smem>>
        %eq3A_347 = arith.constant 1 : i32
        %eq3A_348 = arith.cmpi eq, %get3A_346, %eq3A_347 : i32
        %convert_element_type3A_349 = arith.extui %eq3A_348 : i1 to i32
        %cond3A_350 = arith.constant 0 : i32
        %cond3A_351 = arith.cmpi ne, %convert_element_type3A_349, %cond3A_350 : i32
        scf.if %cond3A_351 {
          %dma_wait3A = tpu.memref_slice %arg11[%rem3A_344] : memref<2x!tpu.dma_semaphore, #tpu.memory_space<semaphore_mem>> -> memref<1x!tpu.dma_semaphore, #tpu.memory_space<semaphore_mem>>
          %dma_wait3A_413 = tpu.memref_squeeze %dma_wait3A : memref<1x!tpu.dma_semaphore, #tpu.memory_space<semaphore_mem>> -> memref<!tpu.dma_semaphore, #tpu.memory_space<semaphore_mem>>
          %dma_wait3A_414 = arith.constant 0 : i32
          %dma_wait3A_415 = arith.constant 0 : i32
          %dma_wait3A_416 = tpu.memref_slice %arg4[%dma_wait3A_414, %dma_wait3A_415] : memref<32776x1024xf32, #tpu.memory_space<hbm>> -> memref<256x1024xf32, #tpu.memory_space<hbm>>
          %dma_wait3A_417 = arith.constant 0 : i32
          %dma_wait3A_418 = arith.constant 0 : i32
          %dma_wait3A_419 = tpu.memref_slice %arg7[%rem3A_344, %dma_wait3A_417, %dma_wait3A_418] : memref<2x256x1024xf32, #tpu.memory_space<vmem>> -> memref<1x256x1024xf32, #tpu.memory_space<vmem>>
          %dma_wait3A_420 = tpu.memref_squeeze %dma_wait3A_419 : memref<1x256x1024xf32, #tpu.memory_space<vmem>> -> memref<256x1024xf32, #tpu.memory_space<vmem>>
          tpu.wait_dma2 semaphore(%dma_wait3A_413 : memref<!tpu.dma_semaphore, #tpu.memory_space<semaphore_mem>>) src(%dma_wait3A_420 : memref<256x1024xf32, #tpu.memory_space<vmem>>) dst(%dma_wait3A_416 : memref<256x1024xf32, #tpu.memory_space<hbm>>)
        } else {
        }
        %swap3A_352 = arith.index_cast %rem3A_344 : i32 to index
        %swap3A_353 = arith.constant 0 : index
        %swap3A_354 = arith.constant 0 : index
        %swap3A_355 = vector.load %arg7[%swap3A_352, %swap3A_353, %swap3A_354] : memref<2x256x1024xf32, #tpu.memory_space<vmem>>, vector<1x256x1024xf32>
        %swap3A_356 = vector.shape_cast %swap3A_355 : vector<1x256x1024xf32> to vector<256x1024xf32>
        %swap3A_357 = vector.shape_cast %add3A_302 : vector<256x1024xf32> to vector<1x256x1024xf32>
        tpu.vector_store %arg7[%swap3A_352, %swap3A_353, %swap3A_354], %swap3A_357 {strides = array<i32>} : memref<2x256x1024xf32, #tpu.memory_space<vmem>>, vector<1x256x1024xf32>,
        %jit3A_358 = arith.constant 0.000000e+00 : f32
        %broadcast_in_dim3A_359 = vector.broadcast %get3A_200 : f32 to vector<1x1024xf32>
        %broadcast_in_dim3A_360 = vector.broadcast %jit3A_358 : f32 to vector<1x1024xf32>
        %select_n3A_361 = arith.select %eq3A_4, %broadcast_in_dim3A_359, %broadcast_in_dim3A_360 : vector<1x1024xi1>, vector<1x1024xf32>
        %add3A_362 = arith.addf %slice3A_305, %select_n3A_361 : vector<1x1024xf32>
        %swap3A_363 = arith.index_cast %rem3A_344 : i32 to index
        %swap3A_364 = arith.constant 0 : index
        %swap3A_365 = arith.constant 0 : index
        %swap3A_366 = vector.load %arg7[%swap3A_363, %swap3A_364, %swap3A_365] : memref<2x256x1024xf32, #tpu.memory_space<vmem>>, vector<1x1x1024xf32>
        %swap3A_367 = vector.shape_cast %swap3A_366 : vector<1x1x1024xf32> to vector<1x1024xf32>
        %swap3A_368 = vector.shape_cast %add3A_362 : vector<1x1024xf32> to vector<1x1x1024xf32>
        tpu.vector_store %arg7[%swap3A_363, %swap3A_364, %swap3A_365], %swap3A_368 {strides = array<i32>} : memref<2x256x1024xf32, #tpu.memory_space<vmem>>, vector<1x1x1024xf32>,
        %mul3A_369 = arith.constant 16 : i32
        %mul3A_370 = arith.muli %arg0, %mul3A_369 : i32
        %add3A_371 = arith.constant 12 : i32
        %add3A_372 = arith.addi %mul3A_370, %add3A_371 : i32
        %mul3A_373 = arith.constant 256 : i32
        %mul3A_374 = arith.muli %add3A_372, %mul3A_373 : i32
        %dma_start3A = tpu.memref_slice %arg11[%rem3A_344] : memref<2x!tpu.dma_semaphore, #tpu.memory_space<semaphore_mem>> -> memref<1x!tpu.dma_semaphore, #tpu.memory_space<semaphore_mem>>
        %dma_start3A_375 = tpu.memref_squeeze %dma_start3A : memref<1x!tpu.dma_semaphore, #tpu.memory_space<semaphore_mem>> -> memref<!tpu.dma_semaphore, #tpu.memory_space<semaphore_mem>>
        %dma_start3A_376 = arith.constant 0 : i32
        %dma_start3A_377 = tpu.memref_slice %arg4[%mul3A_374, %dma_start3A_376] : memref<32776x1024xf32, #tpu.memory_space<hbm>> -> memref<256x1024xf32, #tpu.memory_space<hbm>>
        %dma_start3A_378 = arith.constant 0 : i32
        %dma_start3A_379 = arith.constant 0 : i32
        %dma_start3A_380 = tpu.memref_slice %arg7[%rem3A_344, %dma_start3A_378, %dma_start3A_379] : memref<2x256x1024xf32, #tpu.memory_space<vmem>> -> memref<1x256x1024xf32, #tpu.memory_space<vmem>>
        %dma_start3A_381 = tpu.memref_squeeze %dma_start3A_380 : memref<1x256x1024xf32, #tpu.memory_space<vmem>> -> memref<256x1024xf32, #tpu.memory_space<vmem>>
        tpu.enqueue_dma source(%dma_start3A_381 : memref<256x1024xf32, #tpu.memory_space<vmem>>) target(%dma_start3A_377 : memref<256x1024xf32, #tpu.memory_space<hbm>>) target_semaphore(%dma_start3A_375 : memref<!tpu.dma_semaphore, #tpu.memory_space<semaphore_mem>>)
        %swap3A_382 = arith.constant 1 : i32
        %swap3A_383 = arith.index_cast %rem3A_344 : i32 to index
        %swap3A_384 = memref.load %arg9[%swap3A_383] : memref<3xi32, #tpu.memory_space<smem>>
        memref.store %swap3A_382, %arg9[%swap3A_383] : memref<3xi32, #tpu.memory_space<smem>>
        %get3A_385 = arith.constant 2 : index
        %get3A_386 = memref.load %arg9[%get3A_385] : memref<3xi32, #tpu.memory_space<smem>>
        %add3A_387 = arith.constant 1 : i32
        %add3A_388 = arith.addi %get3A_386, %add3A_387 : i32
        %swap3A_389 = arith.constant 2 : index
        %swap3A_390 = memref.load %arg9[%swap3A_389] : memref<3xi32, #tpu.memory_space<smem>>
        memref.store %add3A_388, %arg9[%swap3A_389] : memref<3xi32, #tpu.memory_space<smem>>
        %ge3A_391 = vector.broadcast %get3A_196 : i32 to vector<1x256xi32>
        %ge3A_392 = arith.cmpi sge, %iota3A_1, %ge3A_391 : vector<1x256xi32>
        %add3A_393 = arith.addi %get3A_196, %min3A : i32
        %lt3A_394 = vector.broadcast %add3A_393 : i32 to vector<1x256xi32>
        %lt3A_395 = arith.cmpi slt, %iota3A_1, %lt3A_394 : vector<1x256xi32>
        %and3A_396 = arith.andi %ge3A_392, %lt3A_395 : vector<1x256xi1>
        %add3A_397 = vector.broadcast %mul3A_374 : i32 to vector<1x256xi32>
        %add3A_398 = arith.addi %add3A_397, %iota3A_1 : vector<1x256xi32>
        %sub3A_399 = vector.broadcast %get3A_196 : i32 to vector<1x256xi32>
        %sub3A_400 = arith.subi %add3A_398, %sub3A_399 : vector<1x256xi32>
        %get3A_401 = arith.constant 0 : index
        %get3A_402 = arith.constant 0 : index
        %get3A_403 = arith.constant 0 : index
        %get3A_404 = vector.load %arg5[%get3A_401, %get3A_402, %get3A_403] : memref<1x1x256xi32, #tpu.memory_space<vmem>>, vector<1x1x256xi32>
        %get3A_405 = vector.shape_cast %get3A_404 : vector<1x1x256xi32> to vector<1x256xi32>
        %select_n3A_406 = arith.select %and3A_396, %sub3A_400, %get3A_405 : vector<1x256xi1>, vector<1x256xi32>
        %swap3A_407 = arith.constant 0 : index
        %swap3A_408 = arith.constant 0 : index
        %swap3A_409 = arith.constant 0 : index
        %swap3A_410 = vector.load %arg5[%swap3A_407, %swap3A_408, %swap3A_409] : memref<1x1x256xi32, #tpu.memory_space<vmem>>, vector<1x1x256xi32>
        %swap3A_411 = vector.shape_cast %swap3A_410 : vector<1x1x256xi32> to vector<1x256xi32>
        %swap3A_412 = vector.shape_cast %select_n3A_406 : vector<1x256xi32> to vector<1x1x256xi32>
        tpu.vector_store %arg5[%swap3A_407, %swap3A_408, %swap3A_409], %swap3A_412 {strides = array<i32>} : memref<1x1x256xi32, #tpu.memory_space<vmem>>, vector<1x1x256xi32>,
      } else {
      }
    } else {
    }
    %get3A_166 = arith.constant 0 : index
    %get3A_167 = memref.load %arg8[%get3A_166] : memref<1xi32, #tpu.memory_space<smem>>
    %lt3A_168 = arith.constant 256 : i32
    %lt3A_169 = arith.cmpi slt, %get3A_167, %lt3A_168 : i32
    %convert_element_type3A_170 = arith.extui %lt3A_169 : i1 to i32
    %cond3A_171 = arith.constant 0xFF800000 : f32
    %cond3A_172 = arith.constant 0 : i32
    %cond3A_173 = arith.cmpi ne, %convert_element_type3A_170, %cond3A_172 : i32
    scf.if %cond3A_173 {
      %get3A_195 = arith.constant 0 : index
      %get3A_196 = memref.load %arg8[%get3A_195] : memref<1xi32, #tpu.memory_space<smem>>
      %get3A_197 = arith.index_cast %arg0 : i32 to index
      %get3A_198 = arith.constant 13 : index
      %get3A_199 = arith.constant 0 : index
      %get3A_200 = memref.load %arg1[%get3A_197, %get3A_198, %get3A_199] : memref<8x16x9xf32, #tpu.memory_space<smem>>
      %get3A_201 = arith.index_cast %arg0 : i32 to index
      %get3A_202 = arith.constant 13 : index
      %get3A_203 = arith.constant 1 : index
      %get3A_204 = memref.load %arg1[%get3A_201, %get3A_202, %get3A_203] : memref<8x16x9xf32, #tpu.memory_space<smem>>
      %get3A_205 = arith.index_cast %rem3A_0 : i32 to index
      %get3A_206 = arith.constant 0 : index
      %get3A_207 = arith.constant 0 : index
      %get3A_208 = arith.constant 0 : index
      %get3A_209 = vector.load %arg6[%get3A_205, %get3A_206, %get3A_207, %get3A_208] : memref<2x8x256x1024xf32, #tpu.memory_space<vmem>>, vector<1x1x256x1024xf32>
      %get3A_210 = vector.shape_cast %get3A_209 : vector<1x1x256x1024xf32> to vector<256x1024xf32>
      %mul3A = vector.broadcast %get3A_204 : f32 to vector<256x1024xf32>
      %mul3A_211 = arith.mulf %mul3A, %get3A_210 : vector<256x1024xf32>
      %get3A_212 = arith.index_cast %arg0 : i32 to index
      %get3A_213 = arith.constant 13 : index
      %get3A_214 = arith.constant 2 : index
      %get3A_215 = memref.load %arg1[%get3A_212, %get3A_213, %get3A_214] : memref<8x16x9xf32, #tpu.memory_space<smem>>
      %get3A_216 = arith.index_cast %rem3A_0 : i32 to index
      %get3A_217 = arith.constant 1 : index
      %get3A_218 = arith.constant 0 : index
      %get3A_219 = arith.constant 0 : index
      %get3A_220 = vector.load %arg6[%get3A_216, %get3A_217, %get3A_218, %get3A_219] : memref<2x8x256x1024xf32, #tpu.memory_space<vmem>>, vector<1x1x256x1024xf32>
      %get3A_221 = vector.shape_cast %get3A_220 : vector<1x1x256x1024xf32> to vector<256x1024xf32>
      %mul3A_222 = vector.broadcast %get3A_215 : f32 to vector<256x1024xf32>
      %mul3A_223 = arith.mulf %mul3A_222, %get3A_221 : vector<256x1024xf32>
      %add3A_224 = arith.addf %mul3A_211, %mul3A_223 : vector<256x1024xf32>
      %get3A_225 = arith.index_cast %arg0 : i32 to index
      %get3A_226 = arith.constant 13 : index
      %get3A_227 = arith.constant 3 : index
      %get3A_228 = memref.load %arg1[%get3A_225, %get3A_226, %get3A_227] : memref<8x16x9xf32, #tpu.memory_space<smem>>
      %get3A_229 = arith.index_cast %rem3A_0 : i32 to index
      %get3A_230 = arith.constant 2 : index
      %get3A_231 = arith.constant 0 : index
      %get3A_232 = arith.constant 0 : index
      %get3A_233 = vector.load %arg6[%get3A_229, %get3A_230, %get3A_231, %get3A_232] : memref<2x8x256x1024xf32, #tpu.memory_space<vmem>>, vector<1x1x256x1024xf32>
      %get3A_234 = vector.shape_cast %get3A_233 : vector<1x1x256x1024xf32> to vector<256x1024xf32>
      %mul3A_235 = vector.broadcast %get3A_228 : f32 to vector<256x1024xf32>
      %mul3A_236 = arith.mulf %mul3A_235, %get3A_234 : vector<256x1024xf32>
      %add3A_237 = arith.addf %add3A_224, %mul3A_236 : vector<256x1024xf32>
      %get3A_238 = arith.index_cast %arg0 : i32 to index
      %get3A_239 = arith.constant 13 : index
      %get3A_240 = arith.constant 4 : index
      %get3A_241 = memref.load %arg1[%get3A_238, %get3A_239, %get3A_240] : memref<8x16x9xf32, #tpu.memory_space<smem>>
      %get3A_242 = arith.index_cast %rem3A_0 : i32 to index
      %get3A_243 = arith.constant 3 : index
      %get3A_244 = arith.constant 0 : index
      %get3A_245 = arith.constant 0 : index
      %get3A_246 = vector.load %arg6[%get3A_242, %get3A_243, %get3A_244, %get3A_245] : memref<2x8x256x1024xf32, #tpu.memory_space<vmem>>, vector<1x1x256x1024xf32>
      %get3A_247 = vector.shape_cast %get3A_246 : vector<1x1x256x1024xf32> to vector<256x1024xf32>
      %mul3A_248 = vector.broadcast %get3A_241 : f32 to vector<256x1024xf32>
      %mul3A_249 = arith.mulf %mul3A_248, %get3A_247 : vector<256x1024xf32>
      %add3A_250 = arith.addf %add3A_237, %mul3A_249 : vector<256x1024xf32>
      %get3A_251 = arith.index_cast %arg0 : i32 to index
      %get3A_252 = arith.constant 13 : index
      %get3A_253 = arith.constant 5 : index
      %get3A_254 = memref.load %arg1[%get3A_251, %get3A_252, %get3A_253] : memref<8x16x9xf32, #tpu.memory_space<smem>>
      %get3A_255 = arith.index_cast %rem3A_0 : i32 to index
      %get3A_256 = arith.constant 4 : index
      %get3A_257 = arith.constant 0 : index
      %get3A_258 = arith.constant 0 : index
      %get3A_259 = vector.load %arg6[%get3A_255, %get3A_256, %get3A_257, %get3A_258] : memref<2x8x256x1024xf32, #tpu.memory_space<vmem>>, vector<1x1x256x1024xf32>
      %get3A_260 = vector.shape_cast %get3A_259 : vector<1x1x256x1024xf32> to vector<256x1024xf32>
      %mul3A_261 = vector.broadcast %get3A_254 : f32 to vector<256x1024xf32>
      %mul3A_262 = arith.mulf %mul3A_261, %get3A_260 : vector<256x1024xf32>
      %add3A_263 = arith.addf %add3A_250, %mul3A_262 : vector<256x1024xf32>
      %get3A_264 = arith.index_cast %arg0 : i32 to index
      %get3A_265 = arith.constant 13 : index
      %get3A_266 = arith.constant 6 : index
      %get3A_267 = memref.load %arg1[%get3A_264, %get3A_265, %get3A_266] : memref<8x16x9xf32, #tpu.memory_space<smem>>
      %get3A_268 = arith.index_cast %rem3A_0 : i32 to index
      %get3A_269 = arith.constant 5 : index
      %get3A_270 = arith.constant 0 : index
      %get3A_271 = arith.constant 0 : index
      %get3A_272 = vector.load %arg6[%get3A_268, %get3A_269, %get3A_270, %get3A_271] : memref<2x8x256x1024xf32, #tpu.memory_space<vmem>>, vector<1x1x256x1024xf32>
      %get3A_273 = vector.shape_cast %get3A_272 : vector<1x1x256x1024xf32> to vector<256x1024xf32>
      %mul3A_274 = vector.broadcast %get3A_267 : f32 to vector<256x1024xf32>
      %mul3A_275 = arith.mulf %mul3A_274, %get3A_273 : vector<256x1024xf32>
      %add3A_276 = arith.addf %add3A_263, %mul3A_275 : vector<256x1024xf32>
      %get3A_277 = arith.index_cast %arg0 : i32 to index
      %get3A_278 = arith.constant 13 : index
      %get3A_279 = arith.constant 7 : index
      %get3A_280 = memref.load %arg1[%get3A_277, %get3A_278, %get3A_279] : memref<8x16x9xf32, #tpu.memory_space<smem>>
      %get3A_281 = arith.index_cast %rem3A_0 : i32 to index
      %get3A_282 = arith.constant 6 : index
      %get3A_283 = arith.constant 0 : index
      %get3A_284 = arith.constant 0 : index
      %get3A_285 = vector.load %arg6[%get3A_281, %get3A_282, %get3A_283, %get3A_284] : memref<2x8x256x1024xf32, #tpu.memory_space<vmem>>, vector<1x1x256x1024xf32>
      %get3A_286 = vector.shape_cast %get3A_285 : vector<1x1x256x1024xf32> to vector<256x1024xf32>
      %mul3A_287 = vector.broadcast %get3A_280 : f32 to vector<256x1024xf32>
      %mul3A_288 = arith.mulf %mul3A_287, %get3A_286 : vector<256x1024xf32>
      %add3A_289 = arith.addf %add3A_276, %mul3A_288 : vector<256x1024xf32>
      %get3A_290 = arith.index_cast %arg0 : i32 to index
      %get3A_291 = arith.constant 13 : index
      %get3A_292 = arith.constant 8 : index
      %get3A_293 = memref.load %arg1[%get3A_290, %get3A_291, %get3A_292] : memref<8x16x9xf32, #tpu.memory_space<smem>>
      %get3A_294 = arith.index_cast %rem3A_0 : i32 to index
      %get3A_295 = arith.constant 7 : index
      %get3A_296 = arith.constant 0 : index
      %get3A_297 = arith.constant 0 : index
      %get3A_298 = vector.load %arg6[%get3A_294, %get3A_295, %get3A_296, %get3A_297] : memref<2x8x256x1024xf32, #tpu.memory_space<vmem>>, vector<1x1x256x1024xf32>
      %get3A_299 = vector.shape_cast %get3A_298 : vector<1x1x256x1024xf32> to vector<256x1024xf32>
      %mul3A_300 = vector.broadcast %get3A_293 : f32 to vector<256x1024xf32>
      %mul3A_301 = arith.mulf %mul3A_300, %get3A_299 : vector<256x1024xf32>
      %add3A_302 = arith.addf %add3A_289, %mul3A_301 : vector<256x1024xf32>
      %reduce_max3A = arith.constant dense<0xFF800000> : vector<256xf32>
      %reduce_max3A_303 = vector.multi_reduction <maximumf>, %add3A_302, %reduce_max3A [1] : vector<256x1024xf32> to vector<256xf32>
      %broadcast_in_dim3A_304 = vector.shape_cast %reduce_max3A_303 : vector<256xf32> to vector<256x1xf32>
      %slice3A = vector.extract_strided_slice %add3A_302 {offsets = [0, 0], sizes = [256, 1], strides = [1, 1]} : vector<256x1024xf32> to vector<256x1xf32>
      %ge3A = arith.cmpf oge, %slice3A, %broadcast_in_dim3A_304 : vector<256x1xf32>
      %slice3A_305 = vector.extract_strided_slice %add3A_302 {offsets = [0, 0], sizes = [1, 1024], strides = [1, 1]} : vector<256x1024xf32> to vector<1x1024xf32>
      %broadcast_in_dim3A_306 = vector.broadcast %cond3A_171 : f32 to vector<1x1024xf32>
      %select_n3A = arith.select %eq3A_4, %slice3A_305, %broadcast_in_dim3A_306 : vector<1x1024xi1>, vector<1x1024xf32>
      %reduce_max3A_307 = vector.shape_cast %select_n3A : vector<1x1024xf32> to vector<1x1x1024xf32>
      %reduce_max3A_308 = arith.constant dense<0xFF800000> : vector<1xf32>
      %reduce_max3A_309 = vector.multi_reduction <maximumf>, %reduce_max3A_307, %reduce_max3A_308 [1, 2] : vector<1x1x1024xf32> to vector<1xf32>
      %reduce_max3A_310 = vector.shape_cast %reduce_max3A_309 : vector<1xf32> to vector<1x1x1xf32>
      %reduce_max3A_311 = vector.extract %reduce_max3A_310[0, 0, 0] : f32 from vector<1x1x1xf32>
      %broadcast_in_dim3A_312 = vector.broadcast %cond3A_171 : f32 to vector<1x1024xf32>
      %select_n3A_313 = arith.select %eq3A_4, %broadcast_in_dim3A_312, %slice3A_305 : vector<1x1024xi1>, vector<1x1024xf32>
      %reduce_max3A_314 = vector.shape_cast %select_n3A_313 : vector<1x1024xf32> to vector<1x1x1024xf32>
      %reduce_max3A_315 = arith.constant dense<0xFF800000> : vector<1xf32>
      %reduce_max3A_316 = vector.multi_reduction <maximumf>, %reduce_max3A_314, %reduce_max3A_315 [1, 2] : vector<1x1x1024xf32> to vector<1xf32>
      %reduce_max3A_317 = vector.shape_cast %reduce_max3A_316 : vector<1xf32> to vector<1x1x1xf32>
      %reduce_max3A_318 = vector.extract %reduce_max3A_317[0, 0, 0] : f32 from vector<1x1x1xf32>
      %gt3A_319 = arith.constant 0 : i32
      %gt3A_320 = vector.broadcast %gt3A_319 : i32 to vector<256x1xi32>
      %gt3A_321 = arith.cmpi sgt, %iota3A, %gt3A_320 : vector<256x1xi32>
      %and3A = arith.andi %ge3A, %gt3A_321 : vector<256x1xi1>
      %jit3A = arith.constant 256 : i32
      %broadcast_in_dim3A_322 = vector.broadcast %jit3A : i32 to vector<256x1xi32>
      %select_n3A_323 = arith.select %and3A, %iota3A, %broadcast_in_dim3A_322 : vector<256x1xi1>, vector<256x1xi32>
      %reduce_min3A = vector.shape_cast %select_n3A_323 : vector<256x1xi32> to vector<1x256x1xi32>
      %reduce_min3A_324 = arith.constant dense<2147483647> : vector<1xi32>
      %reduce_min3A_325 = vector.multi_reduction <minsi>, %reduce_min3A, %reduce_min3A_324 [1, 2] : vector<1x256x1xi32> to vector<1xi32>
      %reduce_min3A_326 = vector.shape_cast %reduce_min3A_325 : vector<1xi32> to vector<1x1x1xi32>
      %reduce_min3A_327 = vector.extract %reduce_min3A_326[0, 0, 0] : i32 from vector<1x1x1xi32>
      %add3A_328 = arith.addf %reduce_max3A_311, %get3A_200 : f32
      %ge3A_329 = arith.cmpf oge, %add3A_328, %reduce_max3A_318 : f32
      %jit3A_330 = arith.constant 0 : i32
      %select_n3A_331 = arith.select %ge3A_329, %jit3A_330, %reduce_min3A_327 : i32
      %sub3A = arith.constant 256 : i32
      %sub3A_332 = arith.subi %sub3A, %get3A_196 : i32
      %min3A = arith.minsi %select_n3A_331, %sub3A_332 : i32
      %add3A_333 = arith.addi %get3A_196, %min3A : i32
      %swap3A_334 = arith.constant 0 : index
      %swap3A_335 = memref.load %arg8[%swap3A_334] : memref<1xi32, #tpu.memory_space<smem>>
      memref.store %add3A_333, %arg8[%swap3A_334] : memref<1xi32, #tpu.memory_space<smem>>
      %gt3A_336 = arith.constant 0 : i32
      %gt3A_337 = arith.cmpi sgt, %min3A, %gt3A_336 : i32
      %convert_element_type3A_338 = arith.extui %gt3A_337 : i1 to i32
      %cond3A_339 = arith.constant 0 : i32
      %cond3A_340 = arith.cmpi ne, %convert_element_type3A_338, %cond3A_339 : i32
      scf.if %cond3A_340 {
        %get3A_341 = arith.constant 2 : index
        %get3A_342 = memref.load %arg9[%get3A_341] : memref<3xi32, #tpu.memory_space<smem>>
        %rem3A_343 = arith.constant 2 : i32
        %rem3A_344 = arith.remsi %get3A_342, %rem3A_343 : i32
        %get3A_345 = arith.index_cast %rem3A_344 : i32 to index
        %get3A_346 = memref.load %arg9[%get3A_345] : memref<3xi32, #tpu.memory_space<smem>>
        %eq3A_347 = arith.constant 1 : i32
        %eq3A_348 = arith.cmpi eq, %get3A_346, %eq3A_347 : i32
        %convert_element_type3A_349 = arith.extui %eq3A_348 : i1 to i32
        %cond3A_350 = arith.constant 0 : i32
        %cond3A_351 = arith.cmpi ne, %convert_element_type3A_349, %cond3A_350 : i32
        scf.if %cond3A_351 {
          %dma_wait3A = tpu.memref_slice %arg11[%rem3A_344] : memref<2x!tpu.dma_semaphore, #tpu.memory_space<semaphore_mem>> -> memref<1x!tpu.dma_semaphore, #tpu.memory_space<semaphore_mem>>
          %dma_wait3A_413 = tpu.memref_squeeze %dma_wait3A : memref<1x!tpu.dma_semaphore, #tpu.memory_space<semaphore_mem>> -> memref<!tpu.dma_semaphore, #tpu.memory_space<semaphore_mem>>
          %dma_wait3A_414 = arith.constant 0 : i32
          %dma_wait3A_415 = arith.constant 0 : i32
          %dma_wait3A_416 = tpu.memref_slice %arg4[%dma_wait3A_414, %dma_wait3A_415] : memref<32776x1024xf32, #tpu.memory_space<hbm>> -> memref<256x1024xf32, #tpu.memory_space<hbm>>
          %dma_wait3A_417 = arith.constant 0 : i32
          %dma_wait3A_418 = arith.constant 0 : i32
          %dma_wait3A_419 = tpu.memref_slice %arg7[%rem3A_344, %dma_wait3A_417, %dma_wait3A_418] : memref<2x256x1024xf32, #tpu.memory_space<vmem>> -> memref<1x256x1024xf32, #tpu.memory_space<vmem>>
          %dma_wait3A_420 = tpu.memref_squeeze %dma_wait3A_419 : memref<1x256x1024xf32, #tpu.memory_space<vmem>> -> memref<256x1024xf32, #tpu.memory_space<vmem>>
          tpu.wait_dma2 semaphore(%dma_wait3A_413 : memref<!tpu.dma_semaphore, #tpu.memory_space<semaphore_mem>>) src(%dma_wait3A_420 : memref<256x1024xf32, #tpu.memory_space<vmem>>) dst(%dma_wait3A_416 : memref<256x1024xf32, #tpu.memory_space<hbm>>)
        } else {
        }
        %swap3A_352 = arith.index_cast %rem3A_344 : i32 to index
        %swap3A_353 = arith.constant 0 : index
        %swap3A_354 = arith.constant 0 : index
        %swap3A_355 = vector.load %arg7[%swap3A_352, %swap3A_353, %swap3A_354] : memref<2x256x1024xf32, #tpu.memory_space<vmem>>, vector<1x256x1024xf32>
        %swap3A_356 = vector.shape_cast %swap3A_355 : vector<1x256x1024xf32> to vector<256x1024xf32>
        %swap3A_357 = vector.shape_cast %add3A_302 : vector<256x1024xf32> to vector<1x256x1024xf32>
        tpu.vector_store %arg7[%swap3A_352, %swap3A_353, %swap3A_354], %swap3A_357 {strides = array<i32>} : memref<2x256x1024xf32, #tpu.memory_space<vmem>>, vector<1x256x1024xf32>,
        %jit3A_358 = arith.constant 0.000000e+00 : f32
        %broadcast_in_dim3A_359 = vector.broadcast %get3A_200 : f32 to vector<1x1024xf32>
        %broadcast_in_dim3A_360 = vector.broadcast %jit3A_358 : f32 to vector<1x1024xf32>
        %select_n3A_361 = arith.select %eq3A_4, %broadcast_in_dim3A_359, %broadcast_in_dim3A_360 : vector<1x1024xi1>, vector<1x1024xf32>
        %add3A_362 = arith.addf %slice3A_305, %select_n3A_361 : vector<1x1024xf32>
        %swap3A_363 = arith.index_cast %rem3A_344 : i32 to index
        %swap3A_364 = arith.constant 0 : index
        %swap3A_365 = arith.constant 0 : index
        %swap3A_366 = vector.load %arg7[%swap3A_363, %swap3A_364, %swap3A_365] : memref<2x256x1024xf32, #tpu.memory_space<vmem>>, vector<1x1x1024xf32>
        %swap3A_367 = vector.shape_cast %swap3A_366 : vector<1x1x1024xf32> to vector<1x1024xf32>
        %swap3A_368 = vector.shape_cast %add3A_362 : vector<1x1024xf32> to vector<1x1x1024xf32>
        tpu.vector_store %arg7[%swap3A_363, %swap3A_364, %swap3A_365], %swap3A_368 {strides = array<i32>} : memref<2x256x1024xf32, #tpu.memory_space<vmem>>, vector<1x1x1024xf32>,
        %mul3A_369 = arith.constant 16 : i32
        %mul3A_370 = arith.muli %arg0, %mul3A_369 : i32
        %add3A_371 = arith.constant 13 : i32
        %add3A_372 = arith.addi %mul3A_370, %add3A_371 : i32
        %mul3A_373 = arith.constant 256 : i32
        %mul3A_374 = arith.muli %add3A_372, %mul3A_373 : i32
        %dma_start3A = tpu.memref_slice %arg11[%rem3A_344] : memref<2x!tpu.dma_semaphore, #tpu.memory_space<semaphore_mem>> -> memref<1x!tpu.dma_semaphore, #tpu.memory_space<semaphore_mem>>
        %dma_start3A_375 = tpu.memref_squeeze %dma_start3A : memref<1x!tpu.dma_semaphore, #tpu.memory_space<semaphore_mem>> -> memref<!tpu.dma_semaphore, #tpu.memory_space<semaphore_mem>>
        %dma_start3A_376 = arith.constant 0 : i32
        %dma_start3A_377 = tpu.memref_slice %arg4[%mul3A_374, %dma_start3A_376] : memref<32776x1024xf32, #tpu.memory_space<hbm>> -> memref<256x1024xf32, #tpu.memory_space<hbm>>
        %dma_start3A_378 = arith.constant 0 : i32
        %dma_start3A_379 = arith.constant 0 : i32
        %dma_start3A_380 = tpu.memref_slice %arg7[%rem3A_344, %dma_start3A_378, %dma_start3A_379] : memref<2x256x1024xf32, #tpu.memory_space<vmem>> -> memref<1x256x1024xf32, #tpu.memory_space<vmem>>
        %dma_start3A_381 = tpu.memref_squeeze %dma_start3A_380 : memref<1x256x1024xf32, #tpu.memory_space<vmem>> -> memref<256x1024xf32, #tpu.memory_space<vmem>>
        tpu.enqueue_dma source(%dma_start3A_381 : memref<256x1024xf32, #tpu.memory_space<vmem>>) target(%dma_start3A_377 : memref<256x1024xf32, #tpu.memory_space<hbm>>) target_semaphore(%dma_start3A_375 : memref<!tpu.dma_semaphore, #tpu.memory_space<semaphore_mem>>)
        %swap3A_382 = arith.constant 1 : i32
        %swap3A_383 = arith.index_cast %rem3A_344 : i32 to index
        %swap3A_384 = memref.load %arg9[%swap3A_383] : memref<3xi32, #tpu.memory_space<smem>>
        memref.store %swap3A_382, %arg9[%swap3A_383] : memref<3xi32, #tpu.memory_space<smem>>
        %get3A_385 = arith.constant 2 : index
        %get3A_386 = memref.load %arg9[%get3A_385] : memref<3xi32, #tpu.memory_space<smem>>
        %add3A_387 = arith.constant 1 : i32
        %add3A_388 = arith.addi %get3A_386, %add3A_387 : i32
        %swap3A_389 = arith.constant 2 : index
        %swap3A_390 = memref.load %arg9[%swap3A_389] : memref<3xi32, #tpu.memory_space<smem>>
        memref.store %add3A_388, %arg9[%swap3A_389] : memref<3xi32, #tpu.memory_space<smem>>
        %ge3A_391 = vector.broadcast %get3A_196 : i32 to vector<1x256xi32>
        %ge3A_392 = arith.cmpi sge, %iota3A_1, %ge3A_391 : vector<1x256xi32>
        %add3A_393 = arith.addi %get3A_196, %min3A : i32
        %lt3A_394 = vector.broadcast %add3A_393 : i32 to vector<1x256xi32>
        %lt3A_395 = arith.cmpi slt, %iota3A_1, %lt3A_394 : vector<1x256xi32>
        %and3A_396 = arith.andi %ge3A_392, %lt3A_395 : vector<1x256xi1>
        %add3A_397 = vector.broadcast %mul3A_374 : i32 to vector<1x256xi32>
        %add3A_398 = arith.addi %add3A_397, %iota3A_1 : vector<1x256xi32>
        %sub3A_399 = vector.broadcast %get3A_196 : i32 to vector<1x256xi32>
        %sub3A_400 = arith.subi %add3A_398, %sub3A_399 : vector<1x256xi32>
        %get3A_401 = arith.constant 0 : index
        %get3A_402 = arith.constant 0 : index
        %get3A_403 = arith.constant 0 : index
        %get3A_404 = vector.load %arg5[%get3A_401, %get3A_402, %get3A_403] : memref<1x1x256xi32, #tpu.memory_space<vmem>>, vector<1x1x256xi32>
        %get3A_405 = vector.shape_cast %get3A_404 : vector<1x1x256xi32> to vector<1x256xi32>
        %select_n3A_406 = arith.select %and3A_396, %sub3A_400, %get3A_405 : vector<1x256xi1>, vector<1x256xi32>
        %swap3A_407 = arith.constant 0 : index
        %swap3A_408 = arith.constant 0 : index
        %swap3A_409 = arith.constant 0 : index
        %swap3A_410 = vector.load %arg5[%swap3A_407, %swap3A_408, %swap3A_409] : memref<1x1x256xi32, #tpu.memory_space<vmem>>, vector<1x1x256xi32>
        %swap3A_411 = vector.shape_cast %swap3A_410 : vector<1x1x256xi32> to vector<1x256xi32>
        %swap3A_412 = vector.shape_cast %select_n3A_406 : vector<1x256xi32> to vector<1x1x256xi32>
        tpu.vector_store %arg5[%swap3A_407, %swap3A_408, %swap3A_409], %swap3A_412 {strides = array<i32>} : memref<1x1x256xi32, #tpu.memory_space<vmem>>, vector<1x1x256xi32>,
      } else {
      }
    } else {
    }
    %get3A_174 = arith.constant 0 : index
    %get3A_175 = memref.load %arg8[%get3A_174] : memref<1xi32, #tpu.memory_space<smem>>
    %lt3A_176 = arith.constant 256 : i32
    %lt3A_177 = arith.cmpi slt, %get3A_175, %lt3A_176 : i32
    %convert_element_type3A_178 = arith.extui %lt3A_177 : i1 to i32
    %cond3A_179 = arith.constant 0xFF800000 : f32
    %cond3A_180 = arith.constant 0 : i32
    %cond3A_181 = arith.cmpi ne, %convert_element_type3A_178, %cond3A_180 : i32
    scf.if %cond3A_181 {
      %get3A_195 = arith.constant 0 : index
      %get3A_196 = memref.load %arg8[%get3A_195] : memref<1xi32, #tpu.memory_space<smem>>
      %get3A_197 = arith.index_cast %arg0 : i32 to index
      %get3A_198 = arith.constant 14 : index
      %get3A_199 = arith.constant 0 : index
      %get3A_200 = memref.load %arg1[%get3A_197, %get3A_198, %get3A_199] : memref<8x16x9xf32, #tpu.memory_space<smem>>
      %get3A_201 = arith.index_cast %arg0 : i32 to index
      %get3A_202 = arith.constant 14 : index
      %get3A_203 = arith.constant 1 : index
      %get3A_204 = memref.load %arg1[%get3A_201, %get3A_202, %get3A_203] : memref<8x16x9xf32, #tpu.memory_space<smem>>
      %get3A_205 = arith.index_cast %rem3A_0 : i32 to index
      %get3A_206 = arith.constant 0 : index
      %get3A_207 = arith.constant 0 : index
      %get3A_208 = arith.constant 0 : index
      %get3A_209 = vector.load %arg6[%get3A_205, %get3A_206, %get3A_207, %get3A_208] : memref<2x8x256x1024xf32, #tpu.memory_space<vmem>>, vector<1x1x256x1024xf32>
      %get3A_210 = vector.shape_cast %get3A_209 : vector<1x1x256x1024xf32> to vector<256x1024xf32>
      %mul3A = vector.broadcast %get3A_204 : f32 to vector<256x1024xf32>
      %mul3A_211 = arith.mulf %mul3A, %get3A_210 : vector<256x1024xf32>
      %get3A_212 = arith.index_cast %arg0 : i32 to index
      %get3A_213 = arith.constant 14 : index
      %get3A_214 = arith.constant 2 : index
      %get3A_215 = memref.load %arg1[%get3A_212, %get3A_213, %get3A_214] : memref<8x16x9xf32, #tpu.memory_space<smem>>
      %get3A_216 = arith.index_cast %rem3A_0 : i32 to index
      %get3A_217 = arith.constant 1 : index
      %get3A_218 = arith.constant 0 : index
      %get3A_219 = arith.constant 0 : index
      %get3A_220 = vector.load %arg6[%get3A_216, %get3A_217, %get3A_218, %get3A_219] : memref<2x8x256x1024xf32, #tpu.memory_space<vmem>>, vector<1x1x256x1024xf32>
      %get3A_221 = vector.shape_cast %get3A_220 : vector<1x1x256x1024xf32> to vector<256x1024xf32>
      %mul3A_222 = vector.broadcast %get3A_215 : f32 to vector<256x1024xf32>
      %mul3A_223 = arith.mulf %mul3A_222, %get3A_221 : vector<256x1024xf32>
      %add3A_224 = arith.addf %mul3A_211, %mul3A_223 : vector<256x1024xf32>
      %get3A_225 = arith.index_cast %arg0 : i32 to index
      %get3A_226 = arith.constant 14 : index
      %get3A_227 = arith.constant 3 : index
      %get3A_228 = memref.load %arg1[%get3A_225, %get3A_226, %get3A_227] : memref<8x16x9xf32, #tpu.memory_space<smem>>
      %get3A_229 = arith.index_cast %rem3A_0 : i32 to index
      %get3A_230 = arith.constant 2 : index
      %get3A_231 = arith.constant 0 : index
      %get3A_232 = arith.constant 0 : index
      %get3A_233 = vector.load %arg6[%get3A_229, %get3A_230, %get3A_231, %get3A_232] : memref<2x8x256x1024xf32, #tpu.memory_space<vmem>>, vector<1x1x256x1024xf32>
      %get3A_234 = vector.shape_cast %get3A_233 : vector<1x1x256x1024xf32> to vector<256x1024xf32>
      %mul3A_235 = vector.broadcast %get3A_228 : f32 to vector<256x1024xf32>
      %mul3A_236 = arith.mulf %mul3A_235, %get3A_234 : vector<256x1024xf32>
      %add3A_237 = arith.addf %add3A_224, %mul3A_236 : vector<256x1024xf32>
      %get3A_238 = arith.index_cast %arg0 : i32 to index
      %get3A_239 = arith.constant 14 : index
      %get3A_240 = arith.constant 4 : index
      %get3A_241 = memref.load %arg1[%get3A_238, %get3A_239, %get3A_240] : memref<8x16x9xf32, #tpu.memory_space<smem>>
      %get3A_242 = arith.index_cast %rem3A_0 : i32 to index
      %get3A_243 = arith.constant 3 : index
      %get3A_244 = arith.constant 0 : index
      %get3A_245 = arith.constant 0 : index
      %get3A_246 = vector.load %arg6[%get3A_242, %get3A_243, %get3A_244, %get3A_245] : memref<2x8x256x1024xf32, #tpu.memory_space<vmem>>, vector<1x1x256x1024xf32>
      %get3A_247 = vector.shape_cast %get3A_246 : vector<1x1x256x1024xf32> to vector<256x1024xf32>
      %mul3A_248 = vector.broadcast %get3A_241 : f32 to vector<256x1024xf32>
      %mul3A_249 = arith.mulf %mul3A_248, %get3A_247 : vector<256x1024xf32>
      %add3A_250 = arith.addf %add3A_237, %mul3A_249 : vector<256x1024xf32>
      %get3A_251 = arith.index_cast %arg0 : i32 to index
      %get3A_252 = arith.constant 14 : index
      %get3A_253 = arith.constant 5 : index
      %get3A_254 = memref.load %arg1[%get3A_251, %get3A_252, %get3A_253] : memref<8x16x9xf32, #tpu.memory_space<smem>>
      %get3A_255 = arith.index_cast %rem3A_0 : i32 to index
      %get3A_256 = arith.constant 4 : index
      %get3A_257 = arith.constant 0 : index
      %get3A_258 = arith.constant 0 : index
      %get3A_259 = vector.load %arg6[%get3A_255, %get3A_256, %get3A_257, %get3A_258] : memref<2x8x256x1024xf32, #tpu.memory_space<vmem>>, vector<1x1x256x1024xf32>
      %get3A_260 = vector.shape_cast %get3A_259 : vector<1x1x256x1024xf32> to vector<256x1024xf32>
      %mul3A_261 = vector.broadcast %get3A_254 : f32 to vector<256x1024xf32>
      %mul3A_262 = arith.mulf %mul3A_261, %get3A_260 : vector<256x1024xf32>
      %add3A_263 = arith.addf %add3A_250, %mul3A_262 : vector<256x1024xf32>
      %get3A_264 = arith.index_cast %arg0 : i32 to index
      %get3A_265 = arith.constant 14 : index
      %get3A_266 = arith.constant 6 : index
      %get3A_267 = memref.load %arg1[%get3A_264, %get3A_265, %get3A_266] : memref<8x16x9xf32, #tpu.memory_space<smem>>
      %get3A_268 = arith.index_cast %rem3A_0 : i32 to index
      %get3A_269 = arith.constant 5 : index
      %get3A_270 = arith.constant 0 : index
      %get3A_271 = arith.constant 0 : index
      %get3A_272 = vector.load %arg6[%get3A_268, %get3A_269, %get3A_270, %get3A_271] : memref<2x8x256x1024xf32, #tpu.memory_space<vmem>>, vector<1x1x256x1024xf32>
      %get3A_273 = vector.shape_cast %get3A_272 : vector<1x1x256x1024xf32> to vector<256x1024xf32>
      %mul3A_274 = vector.broadcast %get3A_267 : f32 to vector<256x1024xf32>
      %mul3A_275 = arith.mulf %mul3A_274, %get3A_273 : vector<256x1024xf32>
      %add3A_276 = arith.addf %add3A_263, %mul3A_275 : vector<256x1024xf32>
      %get3A_277 = arith.index_cast %arg0 : i32 to index
      %get3A_278 = arith.constant 14 : index
      %get3A_279 = arith.constant 7 : index
      %get3A_280 = memref.load %arg1[%get3A_277, %get3A_278, %get3A_279] : memref<8x16x9xf32, #tpu.memory_space<smem>>
      %get3A_281 = arith.index_cast %rem3A_0 : i32 to index
      %get3A_282 = arith.constant 6 : index
      %get3A_283 = arith.constant 0 : index
      %get3A_284 = arith.constant 0 : index
      %get3A_285 = vector.load %arg6[%get3A_281, %get3A_282, %get3A_283, %get3A_284] : memref<2x8x256x1024xf32, #tpu.memory_space<vmem>>, vector<1x1x256x1024xf32>
      %get3A_286 = vector.shape_cast %get3A_285 : vector<1x1x256x1024xf32> to vector<256x1024xf32>
      %mul3A_287 = vector.broadcast %get3A_280 : f32 to vector<256x1024xf32>
      %mul3A_288 = arith.mulf %mul3A_287, %get3A_286 : vector<256x1024xf32>
      %add3A_289 = arith.addf %add3A_276, %mul3A_288 : vector<256x1024xf32>
      %get3A_290 = arith.index_cast %arg0 : i32 to index
      %get3A_291 = arith.constant 14 : index
      %get3A_292 = arith.constant 8 : index
      %get3A_293 = memref.load %arg1[%get3A_290, %get3A_291, %get3A_292] : memref<8x16x9xf32, #tpu.memory_space<smem>>
      %get3A_294 = arith.index_cast %rem3A_0 : i32 to index
      %get3A_295 = arith.constant 7 : index
      %get3A_296 = arith.constant 0 : index
      %get3A_297 = arith.constant 0 : index
      %get3A_298 = vector.load %arg6[%get3A_294, %get3A_295, %get3A_296, %get3A_297] : memref<2x8x256x1024xf32, #tpu.memory_space<vmem>>, vector<1x1x256x1024xf32>
      %get3A_299 = vector.shape_cast %get3A_298 : vector<1x1x256x1024xf32> to vector<256x1024xf32>
      %mul3A_300 = vector.broadcast %get3A_293 : f32 to vector<256x1024xf32>
      %mul3A_301 = arith.mulf %mul3A_300, %get3A_299 : vector<256x1024xf32>
      %add3A_302 = arith.addf %add3A_289, %mul3A_301 : vector<256x1024xf32>
      %reduce_max3A = arith.constant dense<0xFF800000> : vector<256xf32>
      %reduce_max3A_303 = vector.multi_reduction <maximumf>, %add3A_302, %reduce_max3A [1] : vector<256x1024xf32> to vector<256xf32>
      %broadcast_in_dim3A_304 = vector.shape_cast %reduce_max3A_303 : vector<256xf32> to vector<256x1xf32>
      %slice3A = vector.extract_strided_slice %add3A_302 {offsets = [0, 0], sizes = [256, 1], strides = [1, 1]} : vector<256x1024xf32> to vector<256x1xf32>
      %ge3A = arith.cmpf oge, %slice3A, %broadcast_in_dim3A_304 : vector<256x1xf32>
      %slice3A_305 = vector.extract_strided_slice %add3A_302 {offsets = [0, 0], sizes = [1, 1024], strides = [1, 1]} : vector<256x1024xf32> to vector<1x1024xf32>
      %broadcast_in_dim3A_306 = vector.broadcast %cond3A_179 : f32 to vector<1x1024xf32>
      %select_n3A = arith.select %eq3A_4, %slice3A_305, %broadcast_in_dim3A_306 : vector<1x1024xi1>, vector<1x1024xf32>
      %reduce_max3A_307 = vector.shape_cast %select_n3A : vector<1x1024xf32> to vector<1x1x1024xf32>
      %reduce_max3A_308 = arith.constant dense<0xFF800000> : vector<1xf32>
      %reduce_max3A_309 = vector.multi_reduction <maximumf>, %reduce_max3A_307, %reduce_max3A_308 [1, 2] : vector<1x1x1024xf32> to vector<1xf32>
      %reduce_max3A_310 = vector.shape_cast %reduce_max3A_309 : vector<1xf32> to vector<1x1x1xf32>
      %reduce_max3A_311 = vector.extract %reduce_max3A_310[0, 0, 0] : f32 from vector<1x1x1xf32>
      %broadcast_in_dim3A_312 = vector.broadcast %cond3A_179 : f32 to vector<1x1024xf32>
      %select_n3A_313 = arith.select %eq3A_4, %broadcast_in_dim3A_312, %slice3A_305 : vector<1x1024xi1>, vector<1x1024xf32>
      %reduce_max3A_314 = vector.shape_cast %select_n3A_313 : vector<1x1024xf32> to vector<1x1x1024xf32>
      %reduce_max3A_315 = arith.constant dense<0xFF800000> : vector<1xf32>
      %reduce_max3A_316 = vector.multi_reduction <maximumf>, %reduce_max3A_314, %reduce_max3A_315 [1, 2] : vector<1x1x1024xf32> to vector<1xf32>
      %reduce_max3A_317 = vector.shape_cast %reduce_max3A_316 : vector<1xf32> to vector<1x1x1xf32>
      %reduce_max3A_318 = vector.extract %reduce_max3A_317[0, 0, 0] : f32 from vector<1x1x1xf32>
      %gt3A_319 = arith.constant 0 : i32
      %gt3A_320 = vector.broadcast %gt3A_319 : i32 to vector<256x1xi32>
      %gt3A_321 = arith.cmpi sgt, %iota3A, %gt3A_320 : vector<256x1xi32>
      %and3A = arith.andi %ge3A, %gt3A_321 : vector<256x1xi1>
      %jit3A = arith.constant 256 : i32
      %broadcast_in_dim3A_322 = vector.broadcast %jit3A : i32 to vector<256x1xi32>
      %select_n3A_323 = arith.select %and3A, %iota3A, %broadcast_in_dim3A_322 : vector<256x1xi1>, vector<256x1xi32>
      %reduce_min3A = vector.shape_cast %select_n3A_323 : vector<256x1xi32> to vector<1x256x1xi32>
      %reduce_min3A_324 = arith.constant dense<2147483647> : vector<1xi32>
      %reduce_min3A_325 = vector.multi_reduction <minsi>, %reduce_min3A, %reduce_min3A_324 [1, 2] : vector<1x256x1xi32> to vector<1xi32>
      %reduce_min3A_326 = vector.shape_cast %reduce_min3A_325 : vector<1xi32> to vector<1x1x1xi32>
      %reduce_min3A_327 = vector.extract %reduce_min3A_326[0, 0, 0] : i32 from vector<1x1x1xi32>
      %add3A_328 = arith.addf %reduce_max3A_311, %get3A_200 : f32
      %ge3A_329 = arith.cmpf oge, %add3A_328, %reduce_max3A_318 : f32
      %jit3A_330 = arith.constant 0 : i32
      %select_n3A_331 = arith.select %ge3A_329, %jit3A_330, %reduce_min3A_327 : i32
      %sub3A = arith.constant 256 : i32
      %sub3A_332 = arith.subi %sub3A, %get3A_196 : i32
      %min3A = arith.minsi %select_n3A_331, %sub3A_332 : i32
      %add3A_333 = arith.addi %get3A_196, %min3A : i32
      %swap3A_334 = arith.constant 0 : index
      %swap3A_335 = memref.load %arg8[%swap3A_334] : memref<1xi32, #tpu.memory_space<smem>>
      memref.store %add3A_333, %arg8[%swap3A_334] : memref<1xi32, #tpu.memory_space<smem>>
      %gt3A_336 = arith.constant 0 : i32
      %gt3A_337 = arith.cmpi sgt, %min3A, %gt3A_336 : i32
      %convert_element_type3A_338 = arith.extui %gt3A_337 : i1 to i32
      %cond3A_339 = arith.constant 0 : i32
      %cond3A_340 = arith.cmpi ne, %convert_element_type3A_338, %cond3A_339 : i32
      scf.if %cond3A_340 {
        %get3A_341 = arith.constant 2 : index
        %get3A_342 = memref.load %arg9[%get3A_341] : memref<3xi32, #tpu.memory_space<smem>>
        %rem3A_343 = arith.constant 2 : i32
        %rem3A_344 = arith.remsi %get3A_342, %rem3A_343 : i32
        %get3A_345 = arith.index_cast %rem3A_344 : i32 to index
        %get3A_346 = memref.load %arg9[%get3A_345] : memref<3xi32, #tpu.memory_space<smem>>
        %eq3A_347 = arith.constant 1 : i32
        %eq3A_348 = arith.cmpi eq, %get3A_346, %eq3A_347 : i32
        %convert_element_type3A_349 = arith.extui %eq3A_348 : i1 to i32
        %cond3A_350 = arith.constant 0 : i32
        %cond3A_351 = arith.cmpi ne, %convert_element_type3A_349, %cond3A_350 : i32
        scf.if %cond3A_351 {
          %dma_wait3A = tpu.memref_slice %arg11[%rem3A_344] : memref<2x!tpu.dma_semaphore, #tpu.memory_space<semaphore_mem>> -> memref<1x!tpu.dma_semaphore, #tpu.memory_space<semaphore_mem>>
          %dma_wait3A_413 = tpu.memref_squeeze %dma_wait3A : memref<1x!tpu.dma_semaphore, #tpu.memory_space<semaphore_mem>> -> memref<!tpu.dma_semaphore, #tpu.memory_space<semaphore_mem>>
          %dma_wait3A_414 = arith.constant 0 : i32
          %dma_wait3A_415 = arith.constant 0 : i32
          %dma_wait3A_416 = tpu.memref_slice %arg4[%dma_wait3A_414, %dma_wait3A_415] : memref<32776x1024xf32, #tpu.memory_space<hbm>> -> memref<256x1024xf32, #tpu.memory_space<hbm>>
          %dma_wait3A_417 = arith.constant 0 : i32
          %dma_wait3A_418 = arith.constant 0 : i32
          %dma_wait3A_419 = tpu.memref_slice %arg7[%rem3A_344, %dma_wait3A_417, %dma_wait3A_418] : memref<2x256x1024xf32, #tpu.memory_space<vmem>> -> memref<1x256x1024xf32, #tpu.memory_space<vmem>>
          %dma_wait3A_420 = tpu.memref_squeeze %dma_wait3A_419 : memref<1x256x1024xf32, #tpu.memory_space<vmem>> -> memref<256x1024xf32, #tpu.memory_space<vmem>>
          tpu.wait_dma2 semaphore(%dma_wait3A_413 : memref<!tpu.dma_semaphore, #tpu.memory_space<semaphore_mem>>) src(%dma_wait3A_420 : memref<256x1024xf32, #tpu.memory_space<vmem>>) dst(%dma_wait3A_416 : memref<256x1024xf32, #tpu.memory_space<hbm>>)
        } else {
        }
        %swap3A_352 = arith.index_cast %rem3A_344 : i32 to index
        %swap3A_353 = arith.constant 0 : index
        %swap3A_354 = arith.constant 0 : index
        %swap3A_355 = vector.load %arg7[%swap3A_352, %swap3A_353, %swap3A_354] : memref<2x256x1024xf32, #tpu.memory_space<vmem>>, vector<1x256x1024xf32>
        %swap3A_356 = vector.shape_cast %swap3A_355 : vector<1x256x1024xf32> to vector<256x1024xf32>
        %swap3A_357 = vector.shape_cast %add3A_302 : vector<256x1024xf32> to vector<1x256x1024xf32>
        tpu.vector_store %arg7[%swap3A_352, %swap3A_353, %swap3A_354], %swap3A_357 {strides = array<i32>} : memref<2x256x1024xf32, #tpu.memory_space<vmem>>, vector<1x256x1024xf32>,
        %jit3A_358 = arith.constant 0.000000e+00 : f32
        %broadcast_in_dim3A_359 = vector.broadcast %get3A_200 : f32 to vector<1x1024xf32>
        %broadcast_in_dim3A_360 = vector.broadcast %jit3A_358 : f32 to vector<1x1024xf32>
        %select_n3A_361 = arith.select %eq3A_4, %broadcast_in_dim3A_359, %broadcast_in_dim3A_360 : vector<1x1024xi1>, vector<1x1024xf32>
        %add3A_362 = arith.addf %slice3A_305, %select_n3A_361 : vector<1x1024xf32>
        %swap3A_363 = arith.index_cast %rem3A_344 : i32 to index
        %swap3A_364 = arith.constant 0 : index
        %swap3A_365 = arith.constant 0 : index
        %swap3A_366 = vector.load %arg7[%swap3A_363, %swap3A_364, %swap3A_365] : memref<2x256x1024xf32, #tpu.memory_space<vmem>>, vector<1x1x1024xf32>
        %swap3A_367 = vector.shape_cast %swap3A_366 : vector<1x1x1024xf32> to vector<1x1024xf32>
        %swap3A_368 = vector.shape_cast %add3A_362 : vector<1x1024xf32> to vector<1x1x1024xf32>
        tpu.vector_store %arg7[%swap3A_363, %swap3A_364, %swap3A_365], %swap3A_368 {strides = array<i32>} : memref<2x256x1024xf32, #tpu.memory_space<vmem>>, vector<1x1x1024xf32>,
        %mul3A_369 = arith.constant 16 : i32
        %mul3A_370 = arith.muli %arg0, %mul3A_369 : i32
        %add3A_371 = arith.constant 14 : i32
        %add3A_372 = arith.addi %mul3A_370, %add3A_371 : i32
        %mul3A_373 = arith.constant 256 : i32
        %mul3A_374 = arith.muli %add3A_372, %mul3A_373 : i32
        %dma_start3A = tpu.memref_slice %arg11[%rem3A_344] : memref<2x!tpu.dma_semaphore, #tpu.memory_space<semaphore_mem>> -> memref<1x!tpu.dma_semaphore, #tpu.memory_space<semaphore_mem>>
        %dma_start3A_375 = tpu.memref_squeeze %dma_start3A : memref<1x!tpu.dma_semaphore, #tpu.memory_space<semaphore_mem>> -> memref<!tpu.dma_semaphore, #tpu.memory_space<semaphore_mem>>
        %dma_start3A_376 = arith.constant 0 : i32
        %dma_start3A_377 = tpu.memref_slice %arg4[%mul3A_374, %dma_start3A_376] : memref<32776x1024xf32, #tpu.memory_space<hbm>> -> memref<256x1024xf32, #tpu.memory_space<hbm>>
        %dma_start3A_378 = arith.constant 0 : i32
        %dma_start3A_379 = arith.constant 0 : i32
        %dma_start3A_380 = tpu.memref_slice %arg7[%rem3A_344, %dma_start3A_378, %dma_start3A_379] : memref<2x256x1024xf32, #tpu.memory_space<vmem>> -> memref<1x256x1024xf32, #tpu.memory_space<vmem>>
        %dma_start3A_381 = tpu.memref_squeeze %dma_start3A_380 : memref<1x256x1024xf32, #tpu.memory_space<vmem>> -> memref<256x1024xf32, #tpu.memory_space<vmem>>
        tpu.enqueue_dma source(%dma_start3A_381 : memref<256x1024xf32, #tpu.memory_space<vmem>>) target(%dma_start3A_377 : memref<256x1024xf32, #tpu.memory_space<hbm>>) target_semaphore(%dma_start3A_375 : memref<!tpu.dma_semaphore, #tpu.memory_space<semaphore_mem>>)
        %swap3A_382 = arith.constant 1 : i32
        %swap3A_383 = arith.index_cast %rem3A_344 : i32 to index
        %swap3A_384 = memref.load %arg9[%swap3A_383] : memref<3xi32, #tpu.memory_space<smem>>
        memref.store %swap3A_382, %arg9[%swap3A_383] : memref<3xi32, #tpu.memory_space<smem>>
        %get3A_385 = arith.constant 2 : index
        %get3A_386 = memref.load %arg9[%get3A_385] : memref<3xi32, #tpu.memory_space<smem>>
        %add3A_387 = arith.constant 1 : i32
        %add3A_388 = arith.addi %get3A_386, %add3A_387 : i32
        %swap3A_389 = arith.constant 2 : index
        %swap3A_390 = memref.load %arg9[%swap3A_389] : memref<3xi32, #tpu.memory_space<smem>>
        memref.store %add3A_388, %arg9[%swap3A_389] : memref<3xi32, #tpu.memory_space<smem>>
        %ge3A_391 = vector.broadcast %get3A_196 : i32 to vector<1x256xi32>
        %ge3A_392 = arith.cmpi sge, %iota3A_1, %ge3A_391 : vector<1x256xi32>
        %add3A_393 = arith.addi %get3A_196, %min3A : i32
        %lt3A_394 = vector.broadcast %add3A_393 : i32 to vector<1x256xi32>
        %lt3A_395 = arith.cmpi slt, %iota3A_1, %lt3A_394 : vector<1x256xi32>
        %and3A_396 = arith.andi %ge3A_392, %lt3A_395 : vector<1x256xi1>
        %add3A_397 = vector.broadcast %mul3A_374 : i32 to vector<1x256xi32>
        %add3A_398 = arith.addi %add3A_397, %iota3A_1 : vector<1x256xi32>
        %sub3A_399 = vector.broadcast %get3A_196 : i32 to vector<1x256xi32>
        %sub3A_400 = arith.subi %add3A_398, %sub3A_399 : vector<1x256xi32>
        %get3A_401 = arith.constant 0 : index
        %get3A_402 = arith.constant 0 : index
        %get3A_403 = arith.constant 0 : index
        %get3A_404 = vector.load %arg5[%get3A_401, %get3A_402, %get3A_403] : memref<1x1x256xi32, #tpu.memory_space<vmem>>, vector<1x1x256xi32>
        %get3A_405 = vector.shape_cast %get3A_404 : vector<1x1x256xi32> to vector<1x256xi32>
        %select_n3A_406 = arith.select %and3A_396, %sub3A_400, %get3A_405 : vector<1x256xi1>, vector<1x256xi32>
        %swap3A_407 = arith.constant 0 : index
        %swap3A_408 = arith.constant 0 : index
        %swap3A_409 = arith.constant 0 : index
        %swap3A_410 = vector.load %arg5[%swap3A_407, %swap3A_408, %swap3A_409] : memref<1x1x256xi32, #tpu.memory_space<vmem>>, vector<1x1x256xi32>
        %swap3A_411 = vector.shape_cast %swap3A_410 : vector<1x1x256xi32> to vector<1x256xi32>
        %swap3A_412 = vector.shape_cast %select_n3A_406 : vector<1x256xi32> to vector<1x1x256xi32>
        tpu.vector_store %arg5[%swap3A_407, %swap3A_408, %swap3A_409], %swap3A_412 {strides = array<i32>} : memref<1x1x256xi32, #tpu.memory_space<vmem>>, vector<1x1x256xi32>,
      } else {
      }
    } else {
    }
    %get3A_182 = arith.constant 0 : index
    %get3A_183 = memref.load %arg8[%get3A_182] : memref<1xi32, #tpu.memory_space<smem>>
    %lt3A_184 = arith.constant 256 : i32
    %lt3A_185 = arith.cmpi slt, %get3A_183, %lt3A_184 : i32
    %convert_element_type3A_186 = arith.extui %lt3A_185 : i1 to i32
    %cond3A_187 = arith.constant 0xFF800000 : f32
    %cond3A_188 = arith.constant 0 : i32
    %cond3A_189 = arith.cmpi ne, %convert_element_type3A_186, %cond3A_188 : i32
    scf.if %cond3A_189 {
      %get3A_195 = arith.constant 0 : index
      %get3A_196 = memref.load %arg8[%get3A_195] : memref<1xi32, #tpu.memory_space<smem>>
      %get3A_197 = arith.index_cast %arg0 : i32 to index
      %get3A_198 = arith.constant 15 : index
      %get3A_199 = arith.constant 0 : index
      %get3A_200 = memref.load %arg1[%get3A_197, %get3A_198, %get3A_199] : memref<8x16x9xf32, #tpu.memory_space<smem>>
      %get3A_201 = arith.index_cast %arg0 : i32 to index
      %get3A_202 = arith.constant 15 : index
      %get3A_203 = arith.constant 1 : index
      %get3A_204 = memref.load %arg1[%get3A_201, %get3A_202, %get3A_203] : memref<8x16x9xf32, #tpu.memory_space<smem>>
      %get3A_205 = arith.index_cast %rem3A_0 : i32 to index
      %get3A_206 = arith.constant 0 : index
      %get3A_207 = arith.constant 0 : index
      %get3A_208 = arith.constant 0 : index
      %get3A_209 = vector.load %arg6[%get3A_205, %get3A_206, %get3A_207, %get3A_208] : memref<2x8x256x1024xf32, #tpu.memory_space<vmem>>, vector<1x1x256x1024xf32>
      %get3A_210 = vector.shape_cast %get3A_209 : vector<1x1x256x1024xf32> to vector<256x1024xf32>
      %mul3A = vector.broadcast %get3A_204 : f32 to vector<256x1024xf32>
      %mul3A_211 = arith.mulf %mul3A, %get3A_210 : vector<256x1024xf32>
      %get3A_212 = arith.index_cast %arg0 : i32 to index
      %get3A_213 = arith.constant 15 : index
      %get3A_214 = arith.constant 2 : index
      %get3A_215 = memref.load %arg1[%get3A_212, %get3A_213, %get3A_214] : memref<8x16x9xf32, #tpu.memory_space<smem>>
      %get3A_216 = arith.index_cast %rem3A_0 : i32 to index
      %get3A_217 = arith.constant 1 : index
      %get3A_218 = arith.constant 0 : index
      %get3A_219 = arith.constant 0 : index
      %get3A_220 = vector.load %arg6[%get3A_216, %get3A_217, %get3A_218, %get3A_219] : memref<2x8x256x1024xf32, #tpu.memory_space<vmem>>, vector<1x1x256x1024xf32>
      %get3A_221 = vector.shape_cast %get3A_220 : vector<1x1x256x1024xf32> to vector<256x1024xf32>
      %mul3A_222 = vector.broadcast %get3A_215 : f32 to vector<256x1024xf32>
      %mul3A_223 = arith.mulf %mul3A_222, %get3A_221 : vector<256x1024xf32>
      %add3A_224 = arith.addf %mul3A_211, %mul3A_223 : vector<256x1024xf32>
      %get3A_225 = arith.index_cast %arg0 : i32 to index
      %get3A_226 = arith.constant 15 : index
      %get3A_227 = arith.constant 3 : index
      %get3A_228 = memref.load %arg1[%get3A_225, %get3A_226, %get3A_227] : memref<8x16x9xf32, #tpu.memory_space<smem>>
      %get3A_229 = arith.index_cast %rem3A_0 : i32 to index
      %get3A_230 = arith.constant 2 : index
      %get3A_231 = arith.constant 0 : index
      %get3A_232 = arith.constant 0 : index
      %get3A_233 = vector.load %arg6[%get3A_229, %get3A_230, %get3A_231, %get3A_232] : memref<2x8x256x1024xf32, #tpu.memory_space<vmem>>, vector<1x1x256x1024xf32>
      %get3A_234 = vector.shape_cast %get3A_233 : vector<1x1x256x1024xf32> to vector<256x1024xf32>
      %mul3A_235 = vector.broadcast %get3A_228 : f32 to vector<256x1024xf32>
      %mul3A_236 = arith.mulf %mul3A_235, %get3A_234 : vector<256x1024xf32>
      %add3A_237 = arith.addf %add3A_224, %mul3A_236 : vector<256x1024xf32>
      %get3A_238 = arith.index_cast %arg0 : i32 to index
      %get3A_239 = arith.constant 15 : index
      %get3A_240 = arith.constant 4 : index
      %get3A_241 = memref.load %arg1[%get3A_238, %get3A_239, %get3A_240] : memref<8x16x9xf32, #tpu.memory_space<smem>>
      %get3A_242 = arith.index_cast %rem3A_0 : i32 to index
      %get3A_243 = arith.constant 3 : index
      %get3A_244 = arith.constant 0 : index
      %get3A_245 = arith.constant 0 : index
      %get3A_246 = vector.load %arg6[%get3A_242, %get3A_243, %get3A_244, %get3A_245] : memref<2x8x256x1024xf32, #tpu.memory_space<vmem>>, vector<1x1x256x1024xf32>
      %get3A_247 = vector.shape_cast %get3A_246 : vector<1x1x256x1024xf32> to vector<256x1024xf32>
      %mul3A_248 = vector.broadcast %get3A_241 : f32 to vector<256x1024xf32>
      %mul3A_249 = arith.mulf %mul3A_248, %get3A_247 : vector<256x1024xf32>
      %add3A_250 = arith.addf %add3A_237, %mul3A_249 : vector<256x1024xf32>
      %get3A_251 = arith.index_cast %arg0 : i32 to index
      %get3A_252 = arith.constant 15 : index
      %get3A_253 = arith.constant 5 : index
      %get3A_254 = memref.load %arg1[%get3A_251, %get3A_252, %get3A_253] : memref<8x16x9xf32, #tpu.memory_space<smem>>
      %get3A_255 = arith.index_cast %rem3A_0 : i32 to index
      %get3A_256 = arith.constant 4 : index
      %get3A_257 = arith.constant 0 : index
      %get3A_258 = arith.constant 0 : index
      %get3A_259 = vector.load %arg6[%get3A_255, %get3A_256, %get3A_257, %get3A_258] : memref<2x8x256x1024xf32, #tpu.memory_space<vmem>>, vector<1x1x256x1024xf32>
      %get3A_260 = vector.shape_cast %get3A_259 : vector<1x1x256x1024xf32> to vector<256x1024xf32>
      %mul3A_261 = vector.broadcast %get3A_254 : f32 to vector<256x1024xf32>
      %mul3A_262 = arith.mulf %mul3A_261, %get3A_260 : vector<256x1024xf32>
      %add3A_263 = arith.addf %add3A_250, %mul3A_262 : vector<256x1024xf32>
      %get3A_264 = arith.index_cast %arg0 : i32 to index
      %get3A_265 = arith.constant 15 : index
      %get3A_266 = arith.constant 6 : index
      %get3A_267 = memref.load %arg1[%get3A_264, %get3A_265, %get3A_266] : memref<8x16x9xf32, #tpu.memory_space<smem>>
      %get3A_268 = arith.index_cast %rem3A_0 : i32 to index
      %get3A_269 = arith.constant 5 : index
      %get3A_270 = arith.constant 0 : index
      %get3A_271 = arith.constant 0 : index
      %get3A_272 = vector.load %arg6[%get3A_268, %get3A_269, %get3A_270, %get3A_271] : memref<2x8x256x1024xf32, #tpu.memory_space<vmem>>, vector<1x1x256x1024xf32>
      %get3A_273 = vector.shape_cast %get3A_272 : vector<1x1x256x1024xf32> to vector<256x1024xf32>
      %mul3A_274 = vector.broadcast %get3A_267 : f32 to vector<256x1024xf32>
      %mul3A_275 = arith.mulf %mul3A_274, %get3A_273 : vector<256x1024xf32>
      %add3A_276 = arith.addf %add3A_263, %mul3A_275 : vector<256x1024xf32>
      %get3A_277 = arith.index_cast %arg0 : i32 to index
      %get3A_278 = arith.constant 15 : index
      %get3A_279 = arith.constant 7 : index
      %get3A_280 = memref.load %arg1[%get3A_277, %get3A_278, %get3A_279] : memref<8x16x9xf32, #tpu.memory_space<smem>>
      %get3A_281 = arith.index_cast %rem3A_0 : i32 to index
      %get3A_282 = arith.constant 6 : index
      %get3A_283 = arith.constant 0 : index
      %get3A_284 = arith.constant 0 : index
      %get3A_285 = vector.load %arg6[%get3A_281, %get3A_282, %get3A_283, %get3A_284] : memref<2x8x256x1024xf32, #tpu.memory_space<vmem>>, vector<1x1x256x1024xf32>
      %get3A_286 = vector.shape_cast %get3A_285 : vector<1x1x256x1024xf32> to vector<256x1024xf32>
      %mul3A_287 = vector.broadcast %get3A_280 : f32 to vector<256x1024xf32>
      %mul3A_288 = arith.mulf %mul3A_287, %get3A_286 : vector<256x1024xf32>
      %add3A_289 = arith.addf %add3A_276, %mul3A_288 : vector<256x1024xf32>
      %get3A_290 = arith.index_cast %arg0 : i32 to index
      %get3A_291 = arith.constant 15 : index
      %get3A_292 = arith.constant 8 : index
      %get3A_293 = memref.load %arg1[%get3A_290, %get3A_291, %get3A_292] : memref<8x16x9xf32, #tpu.memory_space<smem>>
      %get3A_294 = arith.index_cast %rem3A_0 : i32 to index
      %get3A_295 = arith.constant 7 : index
      %get3A_296 = arith.constant 0 : index
      %get3A_297 = arith.constant 0 : index
      %get3A_298 = vector.load %arg6[%get3A_294, %get3A_295, %get3A_296, %get3A_297] : memref<2x8x256x1024xf32, #tpu.memory_space<vmem>>, vector<1x1x256x1024xf32>
      %get3A_299 = vector.shape_cast %get3A_298 : vector<1x1x256x1024xf32> to vector<256x1024xf32>
      %mul3A_300 = vector.broadcast %get3A_293 : f32 to vector<256x1024xf32>
      %mul3A_301 = arith.mulf %mul3A_300, %get3A_299 : vector<256x1024xf32>
      %add3A_302 = arith.addf %add3A_289, %mul3A_301 : vector<256x1024xf32>
      %reduce_max3A = arith.constant dense<0xFF800000> : vector<256xf32>
      %reduce_max3A_303 = vector.multi_reduction <maximumf>, %add3A_302, %reduce_max3A [1] : vector<256x1024xf32> to vector<256xf32>
      %broadcast_in_dim3A_304 = vector.shape_cast %reduce_max3A_303 : vector<256xf32> to vector<256x1xf32>
      %slice3A = vector.extract_strided_slice %add3A_302 {offsets = [0, 0], sizes = [256, 1], strides = [1, 1]} : vector<256x1024xf32> to vector<256x1xf32>
      %ge3A = arith.cmpf oge, %slice3A, %broadcast_in_dim3A_304 : vector<256x1xf32>
      %slice3A_305 = vector.extract_strided_slice %add3A_302 {offsets = [0, 0], sizes = [1, 1024], strides = [1, 1]} : vector<256x1024xf32> to vector<1x1024xf32>
      %broadcast_in_dim3A_306 = vector.broadcast %cond3A_187 : f32 to vector<1x1024xf32>
      %select_n3A = arith.select %eq3A_4, %slice3A_305, %broadcast_in_dim3A_306 : vector<1x1024xi1>, vector<1x1024xf32>
      %reduce_max3A_307 = vector.shape_cast %select_n3A : vector<1x1024xf32> to vector<1x1x1024xf32>
      %reduce_max3A_308 = arith.constant dense<0xFF800000> : vector<1xf32>
      %reduce_max3A_309 = vector.multi_reduction <maximumf>, %reduce_max3A_307, %reduce_max3A_308 [1, 2] : vector<1x1x1024xf32> to vector<1xf32>
      %reduce_max3A_310 = vector.shape_cast %reduce_max3A_309 : vector<1xf32> to vector<1x1x1xf32>
      %reduce_max3A_311 = vector.extract %reduce_max3A_310[0, 0, 0] : f32 from vector<1x1x1xf32>
      %broadcast_in_dim3A_312 = vector.broadcast %cond3A_187 : f32 to vector<1x1024xf32>
      %select_n3A_313 = arith.select %eq3A_4, %broadcast_in_dim3A_312, %slice3A_305 : vector<1x1024xi1>, vector<1x1024xf32>
      %reduce_max3A_314 = vector.shape_cast %select_n3A_313 : vector<1x1024xf32> to vector<1x1x1024xf32>
      %reduce_max3A_315 = arith.constant dense<0xFF800000> : vector<1xf32>
      %reduce_max3A_316 = vector.multi_reduction <maximumf>, %reduce_max3A_314, %reduce_max3A_315 [1, 2] : vector<1x1x1024xf32> to vector<1xf32>
      %reduce_max3A_317 = vector.shape_cast %reduce_max3A_316 : vector<1xf32> to vector<1x1x1xf32>
      %reduce_max3A_318 = vector.extract %reduce_max3A_317[0, 0, 0] : f32 from vector<1x1x1xf32>
      %gt3A_319 = arith.constant 0 : i32
      %gt3A_320 = vector.broadcast %gt3A_319 : i32 to vector<256x1xi32>
      %gt3A_321 = arith.cmpi sgt, %iota3A, %gt3A_320 : vector<256x1xi32>
      %and3A = arith.andi %ge3A, %gt3A_321 : vector<256x1xi1>
      %jit3A = arith.constant 256 : i32
      %broadcast_in_dim3A_322 = vector.broadcast %jit3A : i32 to vector<256x1xi32>
      %select_n3A_323 = arith.select %and3A, %iota3A, %broadcast_in_dim3A_322 : vector<256x1xi1>, vector<256x1xi32>
      %reduce_min3A = vector.shape_cast %select_n3A_323 : vector<256x1xi32> to vector<1x256x1xi32>
      %reduce_min3A_324 = arith.constant dense<2147483647> : vector<1xi32>
      %reduce_min3A_325 = vector.multi_reduction <minsi>, %reduce_min3A, %reduce_min3A_324 [1, 2] : vector<1x256x1xi32> to vector<1xi32>
      %reduce_min3A_326 = vector.shape_cast %reduce_min3A_325 : vector<1xi32> to vector<1x1x1xi32>
      %reduce_min3A_327 = vector.extract %reduce_min3A_326[0, 0, 0] : i32 from vector<1x1x1xi32>
      %add3A_328 = arith.addf %reduce_max3A_311, %get3A_200 : f32
      %ge3A_329 = arith.cmpf oge, %add3A_328, %reduce_max3A_318 : f32
      %jit3A_330 = arith.constant 0 : i32
      %select_n3A_331 = arith.select %ge3A_329, %jit3A_330, %reduce_min3A_327 : i32
      %sub3A = arith.constant 256 : i32
      %sub3A_332 = arith.subi %sub3A, %get3A_196 : i32
      %min3A = arith.minsi %select_n3A_331, %sub3A_332 : i32
      %add3A_333 = arith.addi %get3A_196, %min3A : i32
      %swap3A_334 = arith.constant 0 : index
      %swap3A_335 = memref.load %arg8[%swap3A_334] : memref<1xi32, #tpu.memory_space<smem>>
      memref.store %add3A_333, %arg8[%swap3A_334] : memref<1xi32, #tpu.memory_space<smem>>
      %gt3A_336 = arith.constant 0 : i32
      %gt3A_337 = arith.cmpi sgt, %min3A, %gt3A_336 : i32
      %convert_element_type3A_338 = arith.extui %gt3A_337 : i1 to i32
      %cond3A_339 = arith.constant 0 : i32
      %cond3A_340 = arith.cmpi ne, %convert_element_type3A_338, %cond3A_339 : i32
      scf.if %cond3A_340 {
        %get3A_341 = arith.constant 2 : index
        %get3A_342 = memref.load %arg9[%get3A_341] : memref<3xi32, #tpu.memory_space<smem>>
        %rem3A_343 = arith.constant 2 : i32
        %rem3A_344 = arith.remsi %get3A_342, %rem3A_343 : i32
        %get3A_345 = arith.index_cast %rem3A_344 : i32 to index
        %get3A_346 = memref.load %arg9[%get3A_345] : memref<3xi32, #tpu.memory_space<smem>>
        %eq3A_347 = arith.constant 1 : i32
        %eq3A_348 = arith.cmpi eq, %get3A_346, %eq3A_347 : i32
        %convert_element_type3A_349 = arith.extui %eq3A_348 : i1 to i32
        %cond3A_350 = arith.constant 0 : i32
        %cond3A_351 = arith.cmpi ne, %convert_element_type3A_349, %cond3A_350 : i32
        scf.if %cond3A_351 {
          %dma_wait3A = tpu.memref_slice %arg11[%rem3A_344] : memref<2x!tpu.dma_semaphore, #tpu.memory_space<semaphore_mem>> -> memref<1x!tpu.dma_semaphore, #tpu.memory_space<semaphore_mem>>
          %dma_wait3A_413 = tpu.memref_squeeze %dma_wait3A : memref<1x!tpu.dma_semaphore, #tpu.memory_space<semaphore_mem>> -> memref<!tpu.dma_semaphore, #tpu.memory_space<semaphore_mem>>
          %dma_wait3A_414 = arith.constant 0 : i32
          %dma_wait3A_415 = arith.constant 0 : i32
          %dma_wait3A_416 = tpu.memref_slice %arg4[%dma_wait3A_414, %dma_wait3A_415] : memref<32776x1024xf32, #tpu.memory_space<hbm>> -> memref<256x1024xf32, #tpu.memory_space<hbm>>
          %dma_wait3A_417 = arith.constant 0 : i32
          %dma_wait3A_418 = arith.constant 0 : i32
          %dma_wait3A_419 = tpu.memref_slice %arg7[%rem3A_344, %dma_wait3A_417, %dma_wait3A_418] : memref<2x256x1024xf32, #tpu.memory_space<vmem>> -> memref<1x256x1024xf32, #tpu.memory_space<vmem>>
          %dma_wait3A_420 = tpu.memref_squeeze %dma_wait3A_419 : memref<1x256x1024xf32, #tpu.memory_space<vmem>> -> memref<256x1024xf32, #tpu.memory_space<vmem>>
          tpu.wait_dma2 semaphore(%dma_wait3A_413 : memref<!tpu.dma_semaphore, #tpu.memory_space<semaphore_mem>>) src(%dma_wait3A_420 : memref<256x1024xf32, #tpu.memory_space<vmem>>) dst(%dma_wait3A_416 : memref<256x1024xf32, #tpu.memory_space<hbm>>)
        } else {
        }
        %swap3A_352 = arith.index_cast %rem3A_344 : i32 to index
        %swap3A_353 = arith.constant 0 : index
        %swap3A_354 = arith.constant 0 : index
        %swap3A_355 = vector.load %arg7[%swap3A_352, %swap3A_353, %swap3A_354] : memref<2x256x1024xf32, #tpu.memory_space<vmem>>, vector<1x256x1024xf32>
        %swap3A_356 = vector.shape_cast %swap3A_355 : vector<1x256x1024xf32> to vector<256x1024xf32>
        %swap3A_357 = vector.shape_cast %add3A_302 : vector<256x1024xf32> to vector<1x256x1024xf32>
        tpu.vector_store %arg7[%swap3A_352, %swap3A_353, %swap3A_354], %swap3A_357 {strides = array<i32>} : memref<2x256x1024xf32, #tpu.memory_space<vmem>>, vector<1x256x1024xf32>,
        %jit3A_358 = arith.constant 0.000000e+00 : f32
        %broadcast_in_dim3A_359 = vector.broadcast %get3A_200 : f32 to vector<1x1024xf32>
        %broadcast_in_dim3A_360 = vector.broadcast %jit3A_358 : f32 to vector<1x1024xf32>
        %select_n3A_361 = arith.select %eq3A_4, %broadcast_in_dim3A_359, %broadcast_in_dim3A_360 : vector<1x1024xi1>, vector<1x1024xf32>
        %add3A_362 = arith.addf %slice3A_305, %select_n3A_361 : vector<1x1024xf32>
        %swap3A_363 = arith.index_cast %rem3A_344 : i32 to index
        %swap3A_364 = arith.constant 0 : index
        %swap3A_365 = arith.constant 0 : index
        %swap3A_366 = vector.load %arg7[%swap3A_363, %swap3A_364, %swap3A_365] : memref<2x256x1024xf32, #tpu.memory_space<vmem>>, vector<1x1x1024xf32>
        %swap3A_367 = vector.shape_cast %swap3A_366 : vector<1x1x1024xf32> to vector<1x1024xf32>
        %swap3A_368 = vector.shape_cast %add3A_362 : vector<1x1024xf32> to vector<1x1x1024xf32>
        tpu.vector_store %arg7[%swap3A_363, %swap3A_364, %swap3A_365], %swap3A_368 {strides = array<i32>} : memref<2x256x1024xf32, #tpu.memory_space<vmem>>, vector<1x1x1024xf32>,
        %mul3A_369 = arith.constant 16 : i32
        %mul3A_370 = arith.muli %arg0, %mul3A_369 : i32
        %add3A_371 = arith.constant 15 : i32
        %add3A_372 = arith.addi %mul3A_370, %add3A_371 : i32
        %mul3A_373 = arith.constant 256 : i32
        %mul3A_374 = arith.muli %add3A_372, %mul3A_373 : i32
        %dma_start3A = tpu.memref_slice %arg11[%rem3A_344] : memref<2x!tpu.dma_semaphore, #tpu.memory_space<semaphore_mem>> -> memref<1x!tpu.dma_semaphore, #tpu.memory_space<semaphore_mem>>
        %dma_start3A_375 = tpu.memref_squeeze %dma_start3A : memref<1x!tpu.dma_semaphore, #tpu.memory_space<semaphore_mem>> -> memref<!tpu.dma_semaphore, #tpu.memory_space<semaphore_mem>>
        %dma_start3A_376 = arith.constant 0 : i32
        %dma_start3A_377 = tpu.memref_slice %arg4[%mul3A_374, %dma_start3A_376] : memref<32776x1024xf32, #tpu.memory_space<hbm>> -> memref<256x1024xf32, #tpu.memory_space<hbm>>
        %dma_start3A_378 = arith.constant 0 : i32
        %dma_start3A_379 = arith.constant 0 : i32
        %dma_start3A_380 = tpu.memref_slice %arg7[%rem3A_344, %dma_start3A_378, %dma_start3A_379] : memref<2x256x1024xf32, #tpu.memory_space<vmem>> -> memref<1x256x1024xf32, #tpu.memory_space<vmem>>
        %dma_start3A_381 = tpu.memref_squeeze %dma_start3A_380 : memref<1x256x1024xf32, #tpu.memory_space<vmem>> -> memref<256x1024xf32, #tpu.memory_space<vmem>>
        tpu.enqueue_dma source(%dma_start3A_381 : memref<256x1024xf32, #tpu.memory_space<vmem>>) target(%dma_start3A_377 : memref<256x1024xf32, #tpu.memory_space<hbm>>) target_semaphore(%dma_start3A_375 : memref<!tpu.dma_semaphore, #tpu.memory_space<semaphore_mem>>)
        %swap3A_382 = arith.constant 1 : i32
        %swap3A_383 = arith.index_cast %rem3A_344 : i32 to index
        %swap3A_384 = memref.load %arg9[%swap3A_383] : memref<3xi32, #tpu.memory_space<smem>>
        memref.store %swap3A_382, %arg9[%swap3A_383] : memref<3xi32, #tpu.memory_space<smem>>
        %get3A_385 = arith.constant 2 : index
        %get3A_386 = memref.load %arg9[%get3A_385] : memref<3xi32, #tpu.memory_space<smem>>
        %add3A_387 = arith.constant 1 : i32
        %add3A_388 = arith.addi %get3A_386, %add3A_387 : i32
        %swap3A_389 = arith.constant 2 : index
        %swap3A_390 = memref.load %arg9[%swap3A_389] : memref<3xi32, #tpu.memory_space<smem>>
        memref.store %add3A_388, %arg9[%swap3A_389] : memref<3xi32, #tpu.memory_space<smem>>
        %ge3A_391 = vector.broadcast %get3A_196 : i32 to vector<1x256xi32>
        %ge3A_392 = arith.cmpi sge, %iota3A_1, %ge3A_391 : vector<1x256xi32>
        %add3A_393 = arith.addi %get3A_196, %min3A : i32
        %lt3A_394 = vector.broadcast %add3A_393 : i32 to vector<1x256xi32>
        %lt3A_395 = arith.cmpi slt, %iota3A_1, %lt3A_394 : vector<1x256xi32>
        %and3A_396 = arith.andi %ge3A_392, %lt3A_395 : vector<1x256xi1>
        %add3A_397 = vector.broadcast %mul3A_374 : i32 to vector<1x256xi32>
        %add3A_398 = arith.addi %add3A_397, %iota3A_1 : vector<1x256xi32>
        %sub3A_399 = vector.broadcast %get3A_196 : i32 to vector<1x256xi32>
        %sub3A_400 = arith.subi %add3A_398, %sub3A_399 : vector<1x256xi32>
        %get3A_401 = arith.constant 0 : index
        %get3A_402 = arith.constant 0 : index
        %get3A_403 = arith.constant 0 : index
        %get3A_404 = vector.load %arg5[%get3A_401, %get3A_402, %get3A_403] : memref<1x1x256xi32, #tpu.memory_space<vmem>>, vector<1x1x256xi32>
        %get3A_405 = vector.shape_cast %get3A_404 : vector<1x1x256xi32> to vector<1x256xi32>
        %select_n3A_406 = arith.select %and3A_396, %sub3A_400, %get3A_405 : vector<1x256xi1>, vector<1x256xi32>
        %swap3A_407 = arith.constant 0 : index
        %swap3A_408 = arith.constant 0 : index
        %swap3A_409 = arith.constant 0 : index
        %swap3A_410 = vector.load %arg5[%swap3A_407, %swap3A_408, %swap3A_409] : memref<1x1x256xi32, #tpu.memory_space<vmem>>, vector<1x1x256xi32>
        %swap3A_411 = vector.shape_cast %swap3A_410 : vector<1x1x256xi32> to vector<1x256xi32>
        %swap3A_412 = vector.shape_cast %select_n3A_406 : vector<1x256xi32> to vector<1x1x256xi32>
        tpu.vector_store %arg5[%swap3A_407, %swap3A_408, %swap3A_409], %swap3A_412 {strides = array<i32>} : memref<1x1x256xi32, #tpu.memory_space<vmem>>, vector<1x1x256xi32>,
      } else {
      }
    } else {
    }
    %eq3A_190 = arith.constant 7 : i32
    %eq3A_191 = arith.cmpi eq, %arg0, %eq3A_190 : i32
    %convert_element_type3A_192 = arith.extui %eq3A_191 : i1 to i32
    %cond3A_193 = arith.constant 0 : i32
    %cond3A_194 = arith.cmpi ne, %convert_element_type3A_192, %cond3A_193 : i32
    scf.if %cond3A_194 {
      %get3A_195 = arith.constant 0 : index
      %get3A_196 = memref.load %arg9[%get3A_195] : memref<3xi32, #tpu.memory_space<smem>>
      %eq3A_197 = arith.constant 1 : i32
      %eq3A_198 = arith.cmpi eq, %get3A_196, %eq3A_197 : i32
      %convert_element_type3A_199 = arith.extui %eq3A_198 : i1 to i32
      %cond3A_200 = arith.constant 0 : i32
      %cond3A_201 = arith.cmpi ne, %convert_element_type3A_199, %cond3A_200 : i32
      scf.if %cond3A_201 {
        %dma_wait3A = arith.constant 0 : i32
        %dma_wait3A_209 = arith.constant 0 : i32
        %dma_wait3A_210 = tpu.memref_slice %arg11[%dma_wait3A_209] : memref<2x!tpu.dma_semaphore, #tpu.memory_space<semaphore_mem>> -> memref<1x!tpu.dma_semaphore, #tpu.memory_space<semaphore_mem>>
        %dma_wait3A_211 = tpu.memref_squeeze %dma_wait3A_210 : memref<1x!tpu.dma_semaphore, #tpu.memory_space<semaphore_mem>> -> memref<!tpu.dma_semaphore, #tpu.memory_space<semaphore_mem>>
        %dma_wait3A_212 = arith.constant 0 : i32
        %dma_wait3A_213 = arith.constant 0 : i32
        %dma_wait3A_214 = tpu.memref_slice %arg4[%dma_wait3A_212, %dma_wait3A_213] : memref<32776x1024xf32, #tpu.memory_space<hbm>> -> memref<256x1024xf32, #tpu.memory_space<hbm>>
        %dma_wait3A_215 = arith.constant 0 : i32
        %dma_wait3A_216 = arith.constant 0 : i32
        %dma_wait3A_217 = tpu.memref_slice %arg7[%dma_wait3A, %dma_wait3A_215, %dma_wait3A_216] : memref<2x256x1024xf32, #tpu.memory_space<vmem>> -> memref<1x256x1024xf32, #tpu.memory_space<vmem>>
        %dma_wait3A_218 = tpu.memref_squeeze %dma_wait3A_217 : memref<1x256x1024xf32, #tpu.memory_space<vmem>> -> memref<256x1024xf32, #tpu.memory_space<vmem>>
        tpu.wait_dma2 semaphore(%dma_wait3A_211 : memref<!tpu.dma_semaphore, #tpu.memory_space<semaphore_mem>>) src(%dma_wait3A_218 : memref<256x1024xf32, #tpu.memory_space<vmem>>) dst(%dma_wait3A_214 : memref<256x1024xf32, #tpu.memory_space<hbm>>)
      } else {
      }
      %get3A_202 = arith.constant 1 : index
      %get3A_203 = memref.load %arg9[%get3A_202] : memref<3xi32, #tpu.memory_space<smem>>
      %eq3A_204 = arith.constant 1 : i32
      %eq3A_205 = arith.cmpi eq, %get3A_203, %eq3A_204 : i32
      %convert_element_type3A_206 = arith.extui %eq3A_205 : i1 to i32
      %cond3A_207 = arith.constant 0 : i32
      %cond3A_208 = arith.cmpi ne, %convert_element_type3A_206, %cond3A_207 : i32
      scf.if %cond3A_208 {
        %dma_wait3A = arith.constant 1 : i32
        %dma_wait3A_209 = arith.constant 1 : i32
        %dma_wait3A_210 = tpu.memref_slice %arg11[%dma_wait3A_209] : memref<2x!tpu.dma_semaphore, #tpu.memory_space<semaphore_mem>> -> memref<1x!tpu.dma_semaphore, #tpu.memory_space<semaphore_mem>>
        %dma_wait3A_211 = tpu.memref_squeeze %dma_wait3A_210 : memref<1x!tpu.dma_semaphore, #tpu.memory_space<semaphore_mem>> -> memref<!tpu.dma_semaphore, #tpu.memory_space<semaphore_mem>>
        %dma_wait3A_212 = arith.constant 0 : i32
        %dma_wait3A_213 = arith.constant 0 : i32
        %dma_wait3A_214 = tpu.memref_slice %arg4[%dma_wait3A_212, %dma_wait3A_213] : memref<32776x1024xf32, #tpu.memory_space<hbm>> -> memref<256x1024xf32, #tpu.memory_space<hbm>>
        %dma_wait3A_215 = arith.constant 0 : i32
        %dma_wait3A_216 = arith.constant 0 : i32
        %dma_wait3A_217 = tpu.memref_slice %arg7[%dma_wait3A, %dma_wait3A_215, %dma_wait3A_216] : memref<2x256x1024xf32, #tpu.memory_space<vmem>> -> memref<1x256x1024xf32, #tpu.memory_space<vmem>>
        %dma_wait3A_218 = tpu.memref_squeeze %dma_wait3A_217 : memref<1x256x1024xf32, #tpu.memory_space<vmem>> -> memref<256x1024xf32, #tpu.memory_space<vmem>>
        tpu.wait_dma2 semaphore(%dma_wait3A_211 : memref<!tpu.dma_semaphore, #tpu.memory_space<semaphore_mem>>) src(%dma_wait3A_218 : memref<256x1024xf32, #tpu.memory_space<vmem>>) dst(%dma_wait3A_214 : memref<256x1024xf32, #tpu.memory_space<hbm>>)
      } else {
      }
    } else {
    }
    return
  }
  func.func @transform_0(%arg0: i32) -> (i32, i32, i32) {
    %c0_i32 = arith.constant 0 : i32
    %c0_i32_0 = arith.constant 0 : i32
    %c0_i32_1 = arith.constant 0 : i32
    %c0_i32_2 = arith.constant 0 : i32
    return %c0_i32, %c0_i32_0, %c0_i32_1 : i32, i32, i32
  }
  func.func @transform_1(%arg0: i32) -> i32 {
    %c0_i32 = arith.constant 0 : i32
    %c0_i32_0 = arith.constant 0 : i32
    return %c0_i32 : i32
  }
  func.func @transform_4(%arg0: i32) -> (i32, i32, i32) {
    %c0_i32 = arith.constant 0 : i32
    %c0_i32_0 = arith.constant 0 : i32
    %c0_i32_1 = arith.constant 0 : i32
    return %arg0, %c0_i32, %c0_i32_0 : i32, i32, i32
  }
}

</mosaic_0001>

<sc_bundles>
// kernel: kernel.4.cloned.1.call-start
scs
__scs_entry_jumppad:
0x0: {  	(pc) =	sbr.rel $0x88, $3  }
0x1: {  	(tag) =	ssettag $0x0;
	lr =	simm.s32 $0x1  }
0x2: {  	[smem:$0x3F9E] =	sst lr;
	_ =	strace $0xD0000000  }
0x3: {  	_ = 	snop  }
0x4: {  	_ = 	snop  }
0x5: {  	_ = 	snop  }
0x6: {  	_ = 	snop  }
0x7: {  	_ = 	snop  }
__scs_overlays_trampoline_lowered:
0x8: {  	[smem:$0x3FAD] =	sst s0  }
0x9: {  	[smem:$0x3FAE] =	sst s1  }
0xa: {  	[smem:$0x3FAF] =	sst s2  }
0xb: {  	[smem:$0x3FB0] =	sst s3  }
0xc: {  	[smem:$0x3FB1] =	sst s4  }
0xd: {  	[smem:$0x3FB2] =	sst s5  }
0xe: {  	[smem:$0x3FB3] =	sst s6  }
0xf: {  	[smem:$0x3FB4] =	sst s7  }
0x10: {  	[smem:$0x3FB5] =	sst s8  }
0x11: {  	[smem:$0x3FB6] =	sst s9;
	s0 =	simm.s32 @!p0 $0x0  }
0x12: {  	s1 =	sld [smem:$0x3F9C];
	s0 =	simm.s32 @p0 $0x1  }
0x13: {  	[smem:$0x3FB7] =	sst s0;
	s0 =	simm.s32 @!p1 $0x0  }
0x14: {  	s2 =	sld [smem:$0x3F9B];
	s0 =	simm.s32 @p1 $0x1  }
0x15: {  	[smem:$0x3FB8] =	sst s0;
	s0 =	simm.s32 @!p2 $0x0  }
0x16: {  	s3 =	sld [smem:$0x3FDB];
	s0 =	simm.s32 @p2 $0x1  }
0x17: {  	s4 =	simm.s32 $0x1BF5;
	[smem:$0x3FBA] =	sst s0  }
0x18: {  	s0 =	sld [smem:$0x3F9D];
	_ =	swait.ge [sflag:s4], $0x0  }
0x19: {  	s7 =	sld [smem:$0x3F9E]  }
0x1a: {  	s8 =	sadd.s32 $0xFFFFE003, lr  }
0x1b: {  	s9 =	sadd.s32 $0xFFFFFEF7, lr;
	s5 =	simm.s32 $0xFFFFFFFF;
	p2 =	slt.u32 s8, $0xFFFFF086  }
0x1c: {  	p1 =	slt.u32 s9, $0xF7A;
	s5 =	simm.s32 @!p2 $0x0  }
0x1d: {  	s5 =	simm.s32 @p1 $0x1;
	p0 =	seq.s32 s7, s2  }
0x1e: {  	s7 =	smul.u32 @!p0 $0xF7A, s2;
	p2 =	seq.s32 @!p0 s5, $0x0  }
0x1f: {  	s9 =	smul.u32 $0xF7A, s1;
	s8 =	simm.s32 @!p0 $0x1BF5;
	p2 =	por !p2, p0  }
0x20: {  	[sflag:s8] =	ssyncset.s32 @!p0 $0xFFFFF086;
	s6 =	sadd.s32 @!p0 s3, s7;
	s7 =	simm.s32 @!p0 $0x108  }
0x21: {  	s3 =	sadd.s32 s3, s9;
	s6 =	sadd.s32 @!p0 $0x88, s6;
	s7 =	simm.s32 @p2 $0x1082  }
0x22: {  	[simem:s7], [sflag:s8] =	dma.local @!p0 [hbm:s6], $0xF7A  }
0x23: {  	s9 =	sor.u32 $0xD0000000, s2;
	s6 =	simm.s32 $0x108;
	_ =	swait.ge @!p0 [sflag:s8], $0x0  }
0x24: {  	s3 =	sadd.s32 $0x88, s3;
	s6 =	simm.s32 @!p1 $0x1082;
	[sflag:s4] =	ssyncset.s32 $0xFFFFF086  }
0x25: {  	[simem:s6], [sflag:s4] =	dma.local [hbm:s3], $0xF7A  }
0x26: {  	[smem:$0x3F9E] =	sst s1;
	(tag) =	ssettag s2;
	_ =	strace s9  }
0x27: {  	s1 =	sld [smem:$0x3FAE]  }
0x28: {  	s2 =	sld [smem:$0x3FAF]  }
0x29: {  	s4 =	sld [smem:$0x3FB1]  }
0x2a: {  	p0 =	seq.s32 s5, $0x0;
	s5 =	sld [smem:$0x3FB2]  }
0x2b: {  	s6 =	sld [smem:$0x3FB3]  }
0x2c: {  	s7 =	sld [smem:$0x3FB4]  }
0x2d: {  	s3 =	simm.s32 $0x108;
	s8 =	sld [smem:$0x3FB5]  }
0x2e: {  	s3 =	simm.s32 @!p0 $0x1082;
	s9 =	sld [smem:$0x3FB6]  }
0x2f: {  	lr =	sadd.s32 s0, s3;
	s0 =	sld [smem:$0x3FAD]  }
0x30: {  	s3 =	sld [smem:$0x3FB0]  }
0x31: {  	[smem:$0x3FB9] =	sst s10  }
0x32: {  	s10 =	sld [smem:$0x3FB7];
	_ =	sdelay $0x3  }
0x33: {  	p0 =	seq.s32 s10, $0x1;
	s10 =	sld [smem:$0x3FB9];
	_ =	sdelay $0x3  }
0x34: {  	[smem:$0x3FB9] =	sst s10  }
0x35: {  	s10 =	sld [smem:$0x3FB8];
	_ =	sdelay $0x3  }
0x36: {  	p1 =	seq.s32 s10, $0x1;
	s10 =	sld [smem:$0x3FB9];
	_ =	sdelay $0x3  }
0x37: {  	[smem:$0x3FB9] =	sst s10  }
0x38: {  	s10 =	sld [smem:$0x3FBA]  }
0x39: {  	_ = 	snop;
	(pc) =	sbr.ind lr, $3  }
0x3a: {  	_ = 	snop  }
0x3b: {  	_ = 	snop  }
0x3c: {  	p2 =	seq.s32 s10, $0x1;
	s10 =	sld [smem:$0x3FB9]  }
0x3d: {  	_ =	shalt  }
0x3e: {  	_ =	shalt  }
0x3f: {  	_ =	shalt  }
0x40: {  	_ =	shalt  }
0x41: {  	_ =	shalt  }
0x42: {  	_ =	shalt  }
0x43: {  	_ =	shalt  }
0x44: {  	_ =	shalt  }
0x45: {  	_ =	shalt  }
0x46: {  	_ =	shalt  }
0x47: {  	_ =	shalt  }
0x48: {  	_ =	shalt  }
0x49: {  	_ =	shalt  }
0x4a: {  	_ =	shalt  }
0x4b: {  	_ =	shalt  }
0x4c: {  	_ =	shalt  }
0x4d: {  	_ =	shalt  }
0x4e: {  	_ =	shalt  }
0x4f: {  	_ =	shalt  }
0x50: {  	_ =	shalt  }
0x51: {  	_ =	shalt  }
0x52: {  	_ =	shalt  }
0x53: {  	_ =	shalt  }
0x54: {  	_ =	shalt  }
0x55: {  	_ =	shalt  }
0x56: {  	_ =	shalt  }
0x57: {  	_ =	shalt  }
0x58: {  	_ =	shalt  }
0x59: {  	_ =	shalt  }
0x5a: {  	_ =	shalt  }
0x5b: {  	_ =	shalt  }
0x5c: {  	_ =	shalt  }
0x5d: {  	_ =	shalt  }
0x5e: {  	_ =	shalt  }
0x5f: {  	_ =	shalt  }
0x60: {  	_ =	shalt  }
0x61: {  	_ =	shalt  }
0x62: {  	_ =	shalt  }
0x63: {  	_ =	shalt  }
0x64: {  	_ =	shalt  }
0x65: {  	_ =	shalt  }
0x66: {  	_ =	shalt  }
0x67: {  	_ =	shalt  }
0x68: {  	_ =	shalt  }
0x69: {  	_ =	shalt  }
0x6a: {  	_ =	shalt  }
0x6b: {  	_ =	shalt  }
0x6c: {  	_ =	shalt  }
0x6d: {  	_ =	shalt  }
0x6e: {  	_ =	shalt  }
0x6f: {  	_ =	shalt  }
0x70: {  	_ =	shalt  }
0x71: {  	_ =	shalt  }
0x72: {  	_ =	shalt  }
0x73: {  	_ =	shalt  }
0x74: {  	_ =	shalt  }
0x75: {  	_ =	shalt  }
0x76: {  	_ =	shalt  }
0x77: {  	_ =	shalt  }
0x78: {  	_ =	shalt  }
0x79: {  	_ =	shalt  }
0x7a: {  	_ =	shalt  }
0x7b: {  	_ =	shalt  }
0x7c: {  	_ =	shalt  }
0x7d: {  	_ =	shalt  }
0x7e: {  	_ =	shalt  }
0x7f: {  	_ =	shalt  }
0x80: {  	_ =	shalt  }
0x81: {  	_ =	shalt  }
0x82: {  	_ =	shalt  }
0x83: {  	_ =	shalt  }
0x84: {  	_ =	shalt  }
0x85: {  	_ =	shalt  }
0x86: {  	_ =	shalt  }
0x87: {  	_ =	shalt  }
.Lfunc_end0:
.L_simem_size_0:
called_computation_lowered:
.L_overlay_start_0:
0x88: {  	s2 =	sld [smem:$0x3FD9]  }
0x89: {  	s3 =	sld [smem:$0x3FFE];
	_ =	sdelay $0x1  }
0x8a: {  	s1 =	srdreg.scid  }
0x8b: {  	s0 =	sand.u32 $0x1, s1  }
0x8c: {  	s17 =	sshll.u32 s0, $0xA;
	s2 =	sadd.s32 s3, s2  }
0x8d: {  	s2 =	sadd.s32 s2, s17  }
0x8e: {  	[smem:$0x3FC5] =	sst s2  }
0x8f: {  	_ = 	snop  }
0x90: {  	s2 =	sld [smem:$0x3FD0];
	(tm) =	ssettm $0x1  }
0x91: {  	s18 =	sld [smem:$0x3FFB];
	_ =	sdelay $0x3  }
0x92: {  	_ =	strace s18  }
0x93: {  	s3 =	sld [smem:$0x3FFC];
	_ =	sdelay $0x3  }
0x94: {  	_ =	strace s3  }
0x95: {  	s3 =	sld [smem:$0x3FFD];
	_ =	sdelay $0x3  }
0x96: {  	_ =	strace s3  }
0x97: {  	_ =	strace $0x8FFFFFFF  }
0x98: {  	s19 =	sld [smem:$0x3FDB];
	_ =	sdelay $0x1  }
0x99: {  	s4 =	simm.s32 $_scs_section_size  }
0x9a: {  	s5 =	simm.s32 $_size__tile_overlayer_lowered;
	s6 =	simm.s32 $_tile_overlayer_lowered  }
0x9b: {  	s22 =	simm.s32 $0x1BFF;
	s21 =	sshll.u32 s6, $0x1;
	s3 =	sadd.s32 s4, s19  }
0x9c: {  	s7 =	simm.s32 $0x0;
	s20 =	sshll.u32 s5, $0x1;
	s5 =	sadd.s32 s21, s3  }
0x9d: {  	[timem:s7], [sflag:s22] =	dma.local [hbm:s5], s20  }
0x9e: {  	_ =	swait.ge [sflag:s22], s20  }
0x9f: {  	s4 =	ssub.s32 $0x0, s20;
	[sflag:s22] =	ssyncset.done $0x0  }
0xa0: {  	[sflag:s22] =	ssyncadd.s32 s4;
	_ =	sdelay $0x1  }
0xa1: {  	s23 =	simm.s32 $0x1B8B  }
0xa2: {  	_ =	swait.ge [sflag:s23], $0x1  }
0xa3: {  	[sflag:s23] =	ssyncset.done $0x0  }
0xa4: {  	s25 =	simm.s32 $0x1B8E;
	s24 =	sld [smem:$0x3FFE];
	[sflag:s23] =	ssyncadd.s32 $0xFFFFFFFF  }
0xa5: {  	s26 =	simm.s32 $execute0_lowered;
	[smem:$0x3FD2] =	sst s25  }
0xa6: {  	s5 =	sshll.u32 s26, $0x1;
	_ =	strace $0x80000046;
	[dreg:$0x1] =	wrdreg $0xFFFFFFFF  }
0xa7: {  	s28 =	simm.s32 $_size_execute0_lowered;
	s3 =	sadd.s32 s3, s5;
	[dreg:$0x0] =	wrdreg $0x0  }
0xa8: {  	s5 =	sshll.u32 s28, $0x1;
	[dreg:$0x2] =	wrdreg s3  }
0xa9: {  	[dreg:$0x3] =	wrdreg s5  }
0xaa: {  	[dreg:$0x4] =	wrdreg $0xC0  }
0xab: {  	_ =	task [dreg:s7], $0x5FFFF  }
0xac: {  	[dreg:$0x1] =	wrdreg $0xFFFFFFFF  }
0xad: {  	[dreg:$0x0] =	wrdreg $0x60  }
0xae: {  	[dreg:$0x2] =	wrdreg s24  }
0xaf: {  	[dreg:$0x3] =	wrdreg s2  }
0xb0: {  	[dreg:$0x4] =	wrdreg $0x9  }
0xb1: {  	_ =	task.clear_ibuf [dreg:s7], $0x5FFFF;
	_ =	strace $0x90000046  }
0xb2: {  	s29 =	simm.s32 $0x9;
	_ =	strace $0x80000048  }
0xb3: {  	_ =	swait.ge [sflag:s29], $0x1  }
0xb4: {  	[sflag:s29] =	ssyncadd.s32 $0xFFFFFFFF  }
0xb5: {  	_ =	strace $0x90000048  }
0xb6: {  	_ =	sfence  }
0xb7: {  	s30 =	sld [smem:$0x0];
	_ =	sdelay $0x2  }
0xb8: {  	s31 =	sshll.u32 s1, $0xD;
	s1 =	sshrl.u32 s1, $0x2  }
0xb9: {  	s3 =	sand.u32 $0x4000, s31;
	s1 =	sadd.s32 s1, s30  }
0xba: {  	s0 =	sor.u32 s3, s0;
	s1 =	sshll.u32 s1, $0x11  }
0xbb: {  	s0 =	sor.u32 s1, s0  }
0xbc: {  	s0 =	sadd.s32 $0x8F2B, s0  }
0xbd: {  	[sflag:s0] =	ssyncadd.remote.s32 $0x1  }
0xbe: {  	_ =	sfence.sel $0xFFFF  }
0xbf: {  	[dreg:$0x0] =	wrdreg $0xFFFFFFFF;
	(pc) =	sbr.abs _section_cstart, $3  }
0xc0: {  	[dreg:$0x1] =	wrdreg $0xFFFFFFFF  }
0xc1: {  	_ =	task.clear_ibuf [dreg:s7], $0x2FFFF;
	_ =	strace $0x9FFFFFFF  }
0xc2: {  	(tm) =	ssettm $0x7FFFFFFF  }
0xc3: {  	_ =	shalt  }
tec
execute0_lowered:
.L_overlay_start_1:
0x0: {  	(tag) =	ssettag $0x1  }
0x1: {  	s1 =	srdreg.scid  }
0x2: {  	s0 =	stileid.u32;
	s6 =	rddreg [dreg:$0x0]  }
0x3: {  	s4 =	rddreg [dreg:$0x1];
	s18 =	simm.s32 $0x880;
	s19 =	simm.s32 $0x1080  }
0x4: {  	s20 =	simm.s32 $0x1880;
	s22 =	simm.s32 $0x2080;
	s23 =	simm.s32 $0x2880  }
0x5: {  	s7 =	simm.s32 $0x3080;
	s24 =	simm.s32 $0x3880;
	s8 =	simm.s32 $0x4080  }
0x6: {  	s25 =	simm.s32 $0x4880;
	s26 =	simm.s32 $0x5080;
	s1 =	sand.u32 $0x1, s1  }
0x7: {  	s9 =	simm.s32 $0x80;
	s2 =	sshll.u32 s0, $0x7;
	s3 =	sshll.u32 s1, $0x6  }
0x8: {  	s11 =	simm.s32 $0x6080;
	s3 =	sor.u32 s3, s2;
	s2 =	simm.s32 $0x0  }
0x9: {  	s12 =	simm.s32 $0x6880;
	s13 =	simm.s32 $0x7080;
	[smem:$0x7FF] =	sst s2  }
0xa: {  	s14 =	simm.s32 $0x7880;
	_ =	strace $0x80000047;
	[dreg:$0x5] =	wrdreg s18  }
0xb: {  	s15 =	simm.s32 $0x8080;
	s16 =	simm.s32 $0x8880;
	[dreg:$0x6] =	wrdreg s19  }
0xc: {  	s17 =	simm.s32 $0x9080;
	s28 =	simm.s32 $0xE080;
	[dreg:$0x7] =	wrdreg s20  }
0xd: {  	s29 =	simm.s32 $0xE880;
	s30 =	simm.s32 $0xF080;
	[dreg:$0x8] =	wrdreg s22  }
0xe: {  	s31 =	simm.s32 $0xF880;
	s1 =	ssub.s32 $0x2, s1;
	[dreg:$0x9] =	wrdreg s23  }
0xf: {  	s21 =	sshrl.u32 s1, $0x1;
	s5 =	sshrl.u32 s3, $0x3;
	[dreg:$0xa] =	wrdreg s7  }
0x10: {  	s3 =	sshll.u32 s3, $0x7;
	s1 =	ssub.s32 s1, s21;
	[dreg:$0xb] =	wrdreg s24  }
0x11: {  	s21 =	simm.s32 $0xB080;
	s5 =	sadd.s32 s5, s6;
	[dreg:$0xc] =	wrdreg s8  }
0x12: {  	s3 =	sadd.s32 s4, s3;
	s4 =	sadd.s32 $0xB00, s6;
	[dreg:$0xd] =	wrdreg s25  }
0x13: {  	s7 =	smax.u32 s1, $0x1;
	s8 =	simm.s32 $0x2;
	[dreg:$0xe] =	wrdreg s26  }
0x14: {  	s18 =	simm.s32 $0x9880;
	s19 =	simm.s32 $0xA080;
	s20 =	simm.s32 $0xA880  }
0x15: {  	s22 =	simm.s32 $0xB880;
	s23 =	simm.s32 $0xC080;
	s24 =	simm.s32 $0xC880  }
0x16: {  	v2 =	vlaneseq.u32;
	s25 =	simm.s32 $0xD080;
	s26 =	simm.s32 $0xD880;
	s1 =	simm.s32 $0x1  }
0x17: {  	vm0 =	vmmov $0xffff;
	v1 =	vshrl.u32 v2, $0x3;
	s5 =	sadd.s32 $0x400E00, s5;
	[dreg:$0x4] =	wrdreg s3;
	s3 =	sadd.s32 $0xA00, s6  }
0x18: {  	v0 =	vand.u32 $0x7, v2;
	v2 =	vor.u32 $0x8, v2;
	v1 =	vmul.u32 $0x8, v1;
	[dreg:$0x3] =	wrdreg s5;
	s5 =	sadd.s32 $0xC00, s6;
	s6 =	sadd.s32 $0xD00, s6  }
.LBB2_1:
0x19: {  	s0 =	rddreg [dreg:$0x3]  }
0x1a: {  	[tilespmem:s2], [sflag:$0x2] =	stream.linear.gather [hbm4b:s0+s2], $0x40, $0x38;
	[tilespmem:$0x10080] =	vst v63  }
0x1b: {  	_ =	swait.ge [sflag:s8], $0x40  }
0x1c: {  	[sflag:s8] =	ssyncset.done $0x0  }
0x1d: {  	[sflag:s8] =	ssyncadd.s32 $0xFFFFFFC0  }
0x1e: {  	v3 =	vld [tilespmem:$0x0];
	_ =	sdelay $0x4  }
0x1f: {  	v4 =	vshll.u32 v3, $0x3  }
0x20: {  	v3 =	vand.u32 $0x7, v3;
	v4 =	vand.u32 $0xFFFFFFC0, v4  }
0x21: {  	v3 =	vor.u32 v3, v4  }
0x22: {  	v4 =	vperm.xlane v3, v0;
	_ =	sdelay $0x1  }
0x23: {  	v4 =	vadd.s32 v1, v4;
	_ =	sdelay $0x4  }
0x24: {  	[tilespmem:s9], [sflag:$0x1] =	stream.indirect_vreg.gather [hbm4b:s3+s2], $0x80, v4, vm0, $0xb8;
	[tilespmem:$0x10080] =	vst v63  }
0x25: {  	s0 =	rddreg [dreg:$0x5];
	v3 =	vperm.xlane v3, v2  }
0x26: {  	[tilespmem:s0], [sflag:$0x1] =	stream.indirect_vreg.gather [hbm4b:s4+s2], $0x80, v4, vm0, $0xb8;
	[tilespmem:$0x10080] =	vst v63  }
0x27: {  	s10 =	rddreg [dreg:$0x6];
	v3 =	vadd.s32 v1, v3  }
0x28: {  	[tilespmem:s10], [sflag:$0x1] =	stream.indirect_vreg.gather [hbm4b:s5+s2], $0x80, v4, vm0, $0xb8;
	[tilespmem:$0x10080] =	vst v63  }
0x29: {  	s0 =	rddreg [dreg:$0x7]  }
0x2a: {  	[tilespmem:s0], [sflag:$0x1] =	stream.indirect_vreg.gather [hbm4b:s6+s2], $0x80, v4, vm0, $0xb8;
	[tilespmem:$0x10080] =	vst v63  }
0x2b: {  	s10 =	rddreg [dreg:$0x8]  }
0x2c: {  	[tilespmem:s10], [sflag:$0x1] =	stream.indirect_vreg.gather [hbm4b:s3+s2], $0x80, v3, vm0, $0xb8;
	[tilespmem:$0x10080] =	vst v63  }
0x2d: {  	s0 =	rddreg [dreg:$0x9]  }
0x2e: {  	[tilespmem:s0], [sflag:$0x1] =	stream.indirect_vreg.gather [hbm4b:s4+s2], $0x80, v3, vm0, $0xb8;
	[tilespmem:$0x10080] =	vst v63  }
0x2f: {  	s10 =	rddreg [dreg:$0xa]  }
0x30: {  	[tilespmem:s10], [sflag:$0x1] =	stream.indirect_vreg.gather [hbm4b:s5+s2], $0x80, v3, vm0, $0xb8;
	[tilespmem:$0x10080] =	vst v63  }
0x31: {  	s0 =	rddreg [dreg:$0xb]  }
0x32: {  	[tilespmem:s0], [sflag:$0x1] =	stream.indirect_vreg.gather [hbm4b:s6+s2], $0x80, v3, vm0, $0xb8;
	[tilespmem:$0x10080] =	vst v63  }
0x33: {  	v3 =	vld [tilespmem:$0x10];
	_ =	sdelay $0x4  }
0x34: {  	v61 =	vshll.u32 v3, $0x3  }
0x35: {  	v3 =	vand.u32 $0x7, v3;
	v4 =	vand.u32 $0xFFFFFFC0, v61  }
0x36: {  	v3 =	vor.u32 v3, v4  }
0x37: {  	v4 =	vperm.xlane v3, v0;
	_ =	sdelay $0x1  }
0x38: {  	v4 =	vadd.s32 v1, v4;
	_ =	sdelay $0x3  }
0x39: {  	s0 =	rddreg [dreg:$0xc]  }
0x3a: {  	[tilespmem:s0], [sflag:$0x1] =	stream.indirect_vreg.gather [hbm4b:s3+s2], $0x80, v4, vm0, $0xb8;
	[tilespmem:$0x10080] =	vst v63  }
0x3b: {  	s10 =	rddreg [dreg:$0xd];
	v3 =	vperm.xlane v3, v2  }
0x3c: {  	[tilespmem:s10], [sflag:$0x1] =	stream.indirect_vreg.gather [hbm4b:s4+s2], $0x80, v4, vm0, $0xb8;
	[tilespmem:$0x10080] =	vst v63  }
0x3d: {  	v3 =	vadd.s32 v1, v3;
	s0 =	rddreg [dreg:$0xe]  }
0x3e: {  	[tilespmem:s0], [sflag:$0x1] =	stream.indirect_vreg.gather [hbm4b:s5+s2], $0x80, v4, vm0, $0xb8;
	[tilespmem:$0x10080] =	vst v63  }
0x3f: {  	s10 =	simm.s32 $0x5880  }
0x40: {  	[tilespmem:s10], [sflag:$0x1] =	stream.indirect_vreg.gather [hbm4b:s6+s2], $0x80, v4, vm0, $0xb8;
	[tilespmem:$0x10080] =	vst v63  }
0x41: {  	_ = 	snop  }
0x42: {  	[tilespmem:s11], [sflag:$0x1] =	stream.indirect_vreg.gather [hbm4b:s3+s2], $0x80, v3, vm0, $0xb8;
	[tilespmem:$0x10080] =	vst v63  }
0x43: {  	_ = 	snop  }
0x44: {  	[tilespmem:s12], [sflag:$0x1] =	stream.indirect_vreg.gather [hbm4b:s4+s2], $0x80, v3, vm0, $0xb8;
	[tilespmem:$0x10080] =	vst v63  }
0x45: {  	_ = 	snop  }
0x46: {  	[tilespmem:s13], [sflag:$0x1] =	stream.indirect_vreg.gather [hbm4b:s5+s2], $0x80, v3, vm0, $0xb8;
	[tilespmem:$0x10080] =	vst v63  }
0x47: {  	_ = 	snop  }
0x48: {  	[tilespmem:s14], [sflag:$0x1] =	stream.indirect_vreg.gather [hbm4b:s6+s2], $0x80, v3, vm0, $0xb8;
	[tilespmem:$0x10080] =	vst v63  }
0x49: {  	v3 =	vld [tilespmem:$0x20];
	_ =	sdelay $0x4  }
0x4a: {  	v62 =	vshll.u32 v3, $0x3  }
0x4b: {  	v3 =	vand.u32 $0x7, v3;
	v4 =	vand.u32 $0xFFFFFFC0, v62  }
0x4c: {  	v3 =	vor.u32 v3, v4  }
0x4d: {  	v4 =	vperm.xlane v3, v0;
	_ =	sdelay $0x1  }
0x4e: {  	v4 =	vadd.s32 v1, v4;
	_ =	sdelay $0x4  }
0x4f: {  	[tilespmem:s15], [sflag:$0x1] =	stream.indirect_vreg.gather [hbm4b:s3+s2], $0x80, v4, vm0, $0xb8;
	[tilespmem:$0x10080] =	vst v63  }
0x50: {  	v3 =	vperm.xlane v3, v2  }
0x51: {  	[tilespmem:s16], [sflag:$0x1] =	stream.indirect_vreg.gather [hbm4b:s4+s2], $0x80, v4, vm0, $0xb8;
	[tilespmem:$0x10080] =	vst v63  }
0x52: {  	v3 =	vadd.s32 v1, v3  }
0x53: {  	[tilespmem:s17], [sflag:$0x1] =	stream.indirect_vreg.gather [hbm4b:s5+s2], $0x80, v4, vm0, $0xb8;
	[tilespmem:$0x10080] =	vst v63  }
0x54: {  	_ = 	snop  }
0x55: {  	[tilespmem:s18], [sflag:$0x1] =	stream.indirect_vreg.gather [hbm4b:s6+s2], $0x80, v4, vm0, $0xb8;
	[tilespmem:$0x10080] =	vst v63  }
0x56: {  	_ = 	snop  }
0x57: {  	[tilespmem:s19], [sflag:$0x1] =	stream.indirect_vreg.gather [hbm4b:s3+s2], $0x80, v3, vm0, $0xb8;
	[tilespmem:$0x10080] =	vst v63  }
0x58: {  	_ = 	snop  }
0x59: {  	[tilespmem:s20], [sflag:$0x1] =	stream.indirect_vreg.gather [hbm4b:s4+s2], $0x80, v3, vm0, $0xb8;
	[tilespmem:$0x10080] =	vst v63  }
0x5a: {  	_ = 	snop  }
0x5b: {  	[tilespmem:s21], [sflag:$0x1] =	stream.indirect_vreg.gather [hbm4b:s5+s2], $0x80, v3, vm0, $0xb8;
	[tilespmem:$0x10080] =	vst v63  }
0x5c: {  	_ = 	snop  }
0x5d: {  	[tilespmem:s22], [sflag:$0x1] =	stream.indirect_vreg.gather [hbm4b:s6+s2], $0x80, v3, vm0, $0xb8;
	[tilespmem:$0x10080] =	vst v63  }
0x5e: {  	v3 =	vld [tilespmem:$0x30];
	_ =	sdelay $0x4  }
0x5f: {  	v63 =	vshll.u32 v3, $0x3  }
0x60: {  	v3 =	vand.u32 $0x7, v3;
	v4 =	vand.u32 $0xFFFFFFC0, v63  }
0x61: {  	v3 =	vor.u32 v3, v4  }
0x62: {  	v4 =	vperm.xlane v3, v0;
	_ =	sdelay $0x1  }
0x63: {  	v4 =	vadd.s32 v1, v4;
	_ =	sdelay $0x4  }
0x64: {  	[tilespmem:s23], [sflag:$0x1] =	stream.indirect_vreg.gather [hbm4b:s3+s2], $0x80, v4, vm0, $0xb8;
	[tilespmem:$0x10080] =	vst v63  }
0x65: {  	v3 =	vperm.xlane v3, v2  }
0x66: {  	[tilespmem:s24], [sflag:$0x1] =	stream.indirect_vreg.gather [hbm4b:s4+s2], $0x80, v4, vm0, $0xb8;
	[tilespmem:$0x10080] =	vst v63  }
0x67: {  	v3 =	vadd.s32 v1, v3  }
0x68: {  	[tilespmem:s25], [sflag:$0x1] =	stream.indirect_vreg.gather [hbm4b:s5+s2], $0x80, v4, vm0, $0xb8;
	[tilespmem:$0x10080] =	vst v63  }
0x69: {  	_ = 	snop  }
0x6a: {  	[tilespmem:s26], [sflag:$0x1] =	stream.indirect_vreg.gather [hbm4b:s6+s2], $0x80, v4, vm0, $0xb8;
	[tilespmem:$0x10080] =	vst v63  }
0x6b: {  	_ = 	snop  }
0x6c: {  	[tilespmem:s28], [sflag:$0x1] =	stream.indirect_vreg.gather [hbm4b:s3+s2], $0x80, v3, vm0, $0xb8;
	[tilespmem:$0x10080] =	vst v63  }
0x6d: {  	_ = 	snop  }
0x6e: {  	[tilespmem:s29], [sflag:$0x1] =	stream.indirect_vreg.gather [hbm4b:s4+s2], $0x80, v3, vm0, $0xb8;
	[tilespmem:$0x10080] =	vst v63  }
0x6f: {  	_ = 	snop  }
0x70: {  	[tilespmem:s30], [sflag:$0x1] =	stream.indirect_vreg.gather [hbm4b:s5+s2], $0x80, v3, vm0, $0xb8;
	[tilespmem:$0x10080] =	vst v63  }
0x71: {  	_ = 	snop  }
0x72: {  	[tilespmem:s31], [sflag:$0x1] =	stream.indirect_vreg.gather [hbm4b:s6+s2], $0x80, v3, vm0, $0xb8;
	[tilespmem:$0x10080] =	vst v63  }
0x73: {  	_ =	swait.ge [sflag:s1], $0x10000  }
0x74: {  	p0 =	sne.s32 s7, $0x1;
	[sflag:s1] =	ssyncset.done $0x0  }
.Ltmp0:
0x75: {  	s10 =	rddreg [dreg:$0x4];
	[sflag:s1] =	ssyncadd.s32 $0xFFFF0000;
	(pc) =	sbr.rel @p0 .LBB2_1-.Ltmp0, $4  }
0x76: {  	[hbm4b:s10+s2] =	stream.linear.scatter [tilespmem:s9], [sflag:$0x2], $0x10000, $0x38;
	[tilespmem:$0x10080] =	vst v63  }
0x77: {  	_ =	swait.ge [sflag:s8], $0x10000  }
0x78: {  	[sflag:s8] =	ssyncset.done $0x0  }
0x79: {  	s7 =	sadd.s32 $0xFFFFFFFF, s7;
	[sflag:s8] =	ssyncadd.s32 $0xFFFF0000  }
0x7a: {  	_ =	sfence.sel $0x180000  }
0x7b: {  	[bflag:$0x0] =	sbarrier.arrive $0xFFFF  }
0x7c: {  	_ =	strace $0x90000047  }
0x7d: {  	s0 =	stileid.u32;
	[bflag:$0x2] =	sbarrier.arrive $0xFFFF  }
0x7e: {  	p0 =	sne.s32 s0, $0x0;
	s0 =	rddreg [dreg:$0x2]  }
0x7f: {  	s0 =	sadd.s32 @!p0 $0x100000, s0  }
0x80: {  	[sflag:s0] =	ssyncadd.tile.s32 @!p0 $0x1;
	_ =	shalt  }
.Lfunc_end2:
_tile_overlayer_lowered:
.L_overlay_start_2:
0x81: {  	(tag) =	ssettag $0x2  }
0x82: {  	s0 =	rddreg [dreg:$0x0];
	s2 =	stileid.u32  }
0x83: {  	s1 =	rddreg [dreg:$0x1];
	p0 =	sne.s32 s2, $0x0  }
0x84: {  	s3 =	rddreg [dreg:$0x2];
	[bflag:$0x3] =	sbarrier.arrive $0xFFFF;
	s2 =	simm.s32 @!p0 $0x1C02  }
0x85: {  	[timem:s3], [sflag:s2] =	dma.local @!p0 [hbm:s0], s1  }
0x86: {  	s0 =	simm.s32 @!p0 $0x2  }
0x87: {  	_ =	swait.ge @!p0 [sflag:s0], s1  }
0x88: {  	s1 =	ssub.s32 @!p0 $0x0, s1;
	[sflag:s0] =	ssyncset.done @!p0 $0x0  }
0x89: {  	[sflag:s0] =	ssyncadd.s32 @!p0 s1  }
0x8a: {  	[bflag:$0x3] =	sbarrier.arrive $0xFFFF  }
0x8b: {  	_ =	shalt  }

</sc_bundles>
